<compile_context>
chip_gen: v7x
topology: tpu7x:2x2x1
jax: 0.10.2.dev20260603
libtpu: 0.0.44.dev20260713+nightly
codegen_flags: <defaults>
</compile_context>

<pallas_src>
import functools

import jax
import jax.numpy as jnp
from jax import lax
from jax.experimental import pallas as pl
from jax.experimental.pallas import tpu as pltpu
from jax.experimental.pallas import tpu_sc as plsc

_N = 25000
_T = 50000
_F = 128
_H = 8
_E = 800000
_SLOPE = 0.01

_NC = 2
_NS = 16
_NW = _NC * _NS
_CH = 128
_CPT = -(-_E // (_NW * _CH))
_NB = 7
_EPAD = _NW * _CH * _CPT
_PAD_ROWS = 2048
_RPT_A = 3128
_RPT_L = _T - (_NS - 1) * _RPT_A


def _leaky(x):
    return jnp.where(x >= 0, x, x * _SLOPE)


def _make_seg():
    mesh = plsc.VectorSubcoreMesh(core_axis_name="c", subcore_axis_name="s")

    @functools.partial(
        pl.kernel,
        out_type=jax.ShapeDtypeStruct((_NC, _T, _H), jnp.float32),
        mesh=mesh,
        compiler_params=pltpu.CompilerParams(use_tc_tiling_on_sc=False),
        scratch_types=[
            pltpu.VMEM((_CPT, _CH), jnp.int32),
            pltpu.VMEM((_CPT, _CH), jnp.int32),
            [pltpu.VMEM((_CH, _H), jnp.float32) for _ in range(_NB)],
            pltpu.VMEM_SHARED((_T + _PAD_ROWS, _H), jnp.float32),
            [pltpu.SemaphoreType.DMA for _ in range(_NB)],
            [pltpu.SemaphoreType.DMA for _ in range(_NB)],
        ],
    )
    def seg(p_hbm, src_hbm, dst_hbm, zero_hbm, out_hbm, src_v, dst_v, rows,
            acc, gsems, ssems):
        c = lax.axis_index("c")
        s = lax.axis_index("s")
        wid = s * _NC + c
        rbase = pl.multiple_of(s * _RPT_A, 8)

        pltpu.async_copy(src_hbm.at[wid], src_v, gsems[0])
        pltpu.async_copy(dst_hbm.at[wid], dst_v, gsems[1])

        def init_stripe(n):
            @pl.when(c == 0)
            def _():
                pltpu.sync_copy(p_hbm.at[pl.ds(rbase, n)], acc.at[pl.ds(rbase, n)])

            @pl.when(c != 0)
            def _():
                pltpu.sync_copy(zero_hbm.at[pl.ds(rbase, n)],
                                acc.at[pl.ds(rbase, n)])

        @pl.when(s < _NS - 1)
        def _():
            init_stripe(_RPT_A)

        @pl.when(s == _NS - 1)
        def _():
            init_stripe(_RPT_L)

        pltpu.make_async_copy(src_hbm.at[wid], src_v, gsems[0]).wait()
        pltpu.make_async_copy(dst_hbm.at[wid], dst_v, gsems[1]).wait()
        plsc.subcore_barrier()

        def g_start(j, b):
            pltpu.async_copy(p_hbm.at[src_v.at[j]], rows[b], gsems[b])

        def g_wait(j, b):
            pltpu.make_async_copy(p_hbm.at[src_v.at[j]], rows[b],
                                  gsems[b]).wait()

        def s_start(j, b):
            pltpu.async_copy(rows[b], acc.at[dst_v.at[j]], ssems[b], add=True)

        def s_wait(j, b):
            pltpu.make_async_copy(rows[b], acc.at[dst_v.at[j]],
                                  ssems[b]).wait()

        for b in range(_NB - 1):
            g_start(b, b)

        @pl.loop(0, _CPT // _NB)
        def _(g):
            base = g * _NB
            for b in range(_NB):
                j = base + b
                nj = j + _NB - 1
                bb = (b + _NB - 1) % _NB

                @pl.when(jnp.logical_and(nj < _CPT, j > 0))
                def _():
                    s_wait(j - 1, bb)

                @pl.when(nj < _CPT)
                def _():
                    g_start(nj, bb)

                g_wait(j, b)
                s_start(j, b)

        for b in range(_NB):
            s_wait(_CPT - _NB + b, b)

        plsc.subcore_barrier()

        @pl.when(s < _NS - 1)
        def _():
            pltpu.sync_copy(acc.at[pl.ds(rbase, _RPT_A)],
                            out_hbm.at[c, pl.ds(rbase, _RPT_A)])

        @pl.when(s == _NS - 1)
        def _():
            pltpu.sync_copy(acc.at[pl.ds(rbase, _RPT_L)],
                            out_hbm.at[c, pl.ds(rbase, _RPT_L)])

    return seg


_seg = _make_seg()


_PK = 16
_TP = _T // _PK
_PW = _PK * _H


def _proj_tc(x2, wk):
    kblk = 256
    grid = (_PK * _F) // kblk

    def body(x_ref, w_ref, o_ref):
        @pl.when(pl.program_id(0) == 0)
        def _():
            o_ref[...] = jnp.zeros_like(o_ref)

        o_ref[...] += lax.dot_general(
            x_ref[...], w_ref[...], (((1,), (0,)), ((), ())),
            preferred_element_type=jnp.float32, precision=lax.Precision.HIGHEST)

    return pl.pallas_call(
        body,
        grid=(grid,),
        in_specs=[pl.BlockSpec((_TP, kblk), lambda i: (0, i)),
                  pl.BlockSpec((kblk, _PW), lambda i: (i, 0))],
        out_specs=pl.BlockSpec((_TP, _PW), lambda i: (0, 0)),
        out_shape=jax.ShapeDtypeStruct((_TP, _PW), jnp.float32),
    )(x2, wk)


def _dot(a, b):
    return lax.dot_general(a, b, (((1,), (0,)), ((), ())),
                           preferred_element_type=jnp.float32)


def _l0post_tc(agg, b1t, w2k, b2t):
    def body(a_ref, b1_ref, w2_ref, b2_ref, o_ref):
        m = _leaky(a_ref[0] + a_ref[1] + b1_ref[...])
        o_ref[...] = _leaky(_dot(m, w2_ref[...]) + b2_ref[...])

    return pl.pallas_call(
        body,
        out_shape=jax.ShapeDtypeStruct((_TP, _PW), jnp.float32),
    )(agg, b1t, w2k, b2t)


def _mid_tc(agg, w1k, b1t, w2k, b2t):
    def body(a_ref, w1_ref, b1_ref, w2_ref, b2_ref, o_ref):
        u = a_ref[0] + a_ref[1]
        m = _leaky(_dot(u, w1_ref[...]) + b1_ref[...])
        o_ref[...] = _leaky(_dot(m, w2_ref[...]) + b2_ref[...])

    return pl.pallas_call(
        body,
        out_shape=jax.ShapeDtypeStruct((_TP, _PW), jnp.float32),
    )(agg, w1k, b1t, w2k, b2t)


def _final_tc(agg, w1k, b1t, w2k, b2t, fc1k, fc1b, fc2x, fc2b):
    def body(a_ref, w1_ref, b1_ref, w2_ref, b2_ref, fc1k_ref, fc1b_ref,
             fc2x_ref, fc2b_ref, o_ref):
        u = a_ref[0] + a_ref[1]
        m = _leaky(_dot(u, w1_ref[...]) + b1_ref[...])
        h = _dot(m, w2_ref[...]) + b2_ref[...]
        h = _leaky(h)
        v = _dot(h, fc1k_ref[...]) + fc1b_ref[...]
        v = _leaky(v)
        vb = v.astype(jnp.bfloat16).astype(jnp.float32)
        prod = vb[None, None] * fc2x_ref[...]
        z = jnp.sum(jnp.sum(prod, axis=3), axis=2) + fc2b_ref[...]
        zm = z - jnp.max(z, axis=1, keepdims=True)
        o_ref[...] = zm - jnp.log(jnp.sum(jnp.exp(zm), axis=1, keepdims=True))

    return pl.pallas_call(
        body,
        out_shape=jax.ShapeDtypeStruct((2, 2), jnp.float32),
    )(agg, w1k, b1t, w2k, b2t, fc1k, fc1b.reshape(1, 1), fc2x,
      fc2b.reshape(1, 2))


def _tile_bias(b):
    return jnp.tile(b.reshape(1, _H), (1, _PK))


def kernel(x, params, edge_index):
    src = edge_index[0].astype(jnp.int32)
    dst = edge_index[1].astype(jnp.int32)
    npad = _EPAD - _E
    srcp = jnp.concatenate(
        [src, jnp.zeros((npad,), jnp.int32)]).reshape(_NW, _CPT, _CH)
    dstp = jnp.concatenate(
        [dst, _T + (jnp.arange(npad, dtype=jnp.int32) % _PAD_ROWS)]
    ).reshape(_NW, _CPT, _CH)
    zeros = jnp.zeros((_T, _H), jnp.float32)
    eye = jnp.eye(_PK, dtype=jnp.float32)

    w1b = params["conv0_W1"].astype(jnp.bfloat16).astype(jnp.float32)
    w1k0 = jnp.kron(eye, w1b)
    w1k = [jnp.kron(eye, params[f"conv{i}_W1"]) for i in range(4)]
    w2k = [jnp.kron(eye, params[f"conv{i}_W2"]) for i in range(4)]
    b1t = [_tile_bias(params[f"conv{i}_b1"]) for i in range(4)]
    b2t = [_tile_bias(params[f"conv{i}_b2"]) for i in range(4)]
    fc1k = jnp.kron(eye, params["fc1_W"])
    g0 = jnp.concatenate(
        [params["fc2_W"], jnp.zeros((_N, 2), jnp.float32)], axis=0)
    g1 = jnp.concatenate(
        [jnp.zeros((_N, 2), jnp.float32), params["fc2_W"]], axis=0)
    fc2x = jnp.stack([g0, g1]).transpose(0, 2, 1).reshape(2, 2, _TP, _PK)
    fc2x = fc2x.astype(jnp.bfloat16).astype(jnp.float32)

    p = _proj_tc(x.reshape(_TP, _PK * _F), w1k0)
    agg = _seg(p.reshape(_T, _H), srcp, dstp, zeros)
    h = _l0post_tc(agg.reshape(_NC, _TP, _PW), b1t[0], w2k[0], b2t[0])
    for i in range(1, 3):
        agg = _seg(h.reshape(_T, _H), srcp, dstp, zeros)
        h = _mid_tc(agg.reshape(_NC, _TP, _PW), w1k[i], b1t[i], w2k[i],
                    b2t[i])
    agg = _seg(h.reshape(_T, _H), srcp, dstp, zeros)
    return _final_tc(agg.reshape(_NC, _TP, _PW), w1k[3], b1t[3], w2k[3],
                     b2t[3], fc1k, params["fc1_b"], fc2x, params["fc2_b"])

# --- scband reference (transcript-rebuilt; emitter-appended) ---
"""Pipeline reference for scband-gin-classifier-54322746359999 (READ-ONLY COPY).

The authoritative reference and input builder live on the scoring server;
editing this copy changes nothing except your own understanding.
"""

import jax, jax.numpy as jnp
import numpy as np

N_NODES_PER_GRAPH = 25000
BATCH = 2
TOTAL = N_NODES_PER_GRAPH * BATCH
NUM_FEATURES = 128
HIDDEN = 8
OUT_CH = 8
NUM_LAYERS = 4
N_EDGES = 800000
SLOPE = 0.01


def setup_inputs(seed: int = 0) -> dict:
    key = jax.random.key(seed)
    ks = jax.random.split(key, 24)
    x = jax.random.normal(ks[0], (TOTAL, NUM_FEATURES), dtype=jnp.float32)
    edge_index = jax.random.randint(ks[1], (2, N_EDGES), 0, TOTAL)
    params = {}
    dims = [(NUM_FEATURES, HIDDEN), (HIDDEN, HIDDEN), (HIDDEN, HIDDEN), (HIDDEN, OUT_CH)]
    k = 2
    for i, (din, dout) in enumerate(dims):
        params[f"conv{i}_W1"] = jax.random.normal(ks[k], (din, dout), dtype=jnp.float32) * (1.0 / np.sqrt(din)); k += 1
        params[f"conv{i}_b1"] = jnp.zeros((dout,), dtype=jnp.float32)
        params[f"conv{i}_W2"] = jax.random.normal(ks[k], (dout, dout), dtype=jnp.float32) * (1.0 / np.sqrt(dout)); k += 1
        params[f"conv{i}_b2"] = jnp.zeros((dout,), dtype=jnp.float32)
    params["fc1_W"] = jax.random.normal(ks[k], (OUT_CH, 1), dtype=jnp.float32) * (1.0 / np.sqrt(OUT_CH)); k += 1
    params["fc1_b"] = jnp.zeros((1,), dtype=jnp.float32)
    params["fc2_W"] = jax.random.normal(ks[k], (N_NODES_PER_GRAPH, 2), dtype=jnp.float32) * (1.0 / np.sqrt(N_NODES_PER_GRAPH)); k += 1
    params["fc2_b"] = jnp.zeros((2,), dtype=jnp.float32)
    return {"x": x, "params": params, "edge_index": edge_index}


def _forward(x, params, edge_index):
    src = edge_index[0]
    dst = edge_index[1]
    h = x
    for i in range(NUM_LAYERS):
        # GINConv, eps=0: mlp((1+eps)*x_i + sum_{j->i} x_j)
        agg = jax.ops.segment_sum(h[src], dst, num_segments=TOTAL)
        m = h + agg
        m = m @ params[f"conv{i}_W1"] + params[f"conv{i}_b1"]
        m = jax.nn.leaky_relu(m, 0.01)
        m = m @ params[f"conv{i}_W2"] + params[f"conv{i}_b2"]
        h = m
        if i < NUM_LAYERS - 1:
            h = jax.nn.leaky_relu(h, 0.01)  # BasicGNN inter-layer act; dropout off (eval)
    h = h.reshape(BATCH, N_NODES_PER_GRAPH, OUT_CH)
    h = jax.nn.leaky_relu(h, SLOPE)
    h = h @ params["fc1_W"] + params["fc1_b"]
    h = h.reshape(BATCH, N_NODES_PER_GRAPH)
    h = jax.nn.leaky_relu(h, SLOPE)
    h = h @ params["fc2_W"] + params["fc2_b"]
    out = jax.nn.log_softmax(h, axis=1)
    return jnp.squeeze(out)


def reference(x, params, edge_index):
    return _forward(x, params, edge_index)

if __name__ == "__main__":
    import jax
    _d = setup_inputs()
    print(jax.jit(kernel)(*tuple(_d.values())))

</pallas_src>

<mosaic_0001>
#map = affine_map<(d0, d1) -> (0, 0)>
#map1 = affine_map<(d0, d1) -> (0, 0, 0)>
module attributes {stable_mosaic.version = 14 : i64} {
  func.func @seg(%arg0: i32, %arg1: i32, %arg2: memref<50000x8xf32, #tpu.memory_space<hbm>>, %arg3: memref<32x196x128xi32, #tpu.memory_space<hbm>>, %arg4: memref<32x196x128xi32, #tpu.memory_space<hbm>>, %arg5: memref<50000x8xf32, #tpu.memory_space<hbm>>, %arg6: memref<2x50000x8xf32, #tpu.memory_space<hbm>>, %arg7: memref<196x128xi32, #tpu.memory_space<vmem>>, %arg8: memref<196x128xi32, #tpu.memory_space<vmem>>, %arg9: memref<128x8xf32, #tpu.memory_space<vmem>>, %arg10: memref<128x8xf32, #tpu.memory_space<vmem>>, %arg11: memref<128x8xf32, #tpu.memory_space<vmem>>, %arg12: memref<128x8xf32, #tpu.memory_space<vmem>>, %arg13: memref<128x8xf32, #tpu.memory_space<vmem>>, %arg14: memref<128x8xf32, #tpu.memory_space<vmem>>, %arg15: memref<128x8xf32, #tpu.memory_space<vmem>>, %arg16: memref<52048x8xf32, #tpu.memory_space<vmem_shared>>, %arg17: memref<!tpu.dma_semaphore, #tpu.memory_space<semaphore_mem>>, %arg18: memref<!tpu.dma_semaphore, #tpu.memory_space<semaphore_mem>>, %arg19: memref<!tpu.dma_semaphore, #tpu.memory_space<semaphore_mem>>, %arg20: memref<!tpu.dma_semaphore, #tpu.memory_space<semaphore_mem>>, %arg21: memref<!tpu.dma_semaphore, #tpu.memory_space<semaphore_mem>>, %arg22: memref<!tpu.dma_semaphore, #tpu.memory_space<semaphore_mem>>, %arg23: memref<!tpu.dma_semaphore, #tpu.memory_space<semaphore_mem>>, %arg24: memref<!tpu.dma_semaphore, #tpu.memory_space<semaphore_mem>>, %arg25: memref<!tpu.dma_semaphore, #tpu.memory_space<semaphore_mem>>, %arg26: memref<!tpu.dma_semaphore, #tpu.memory_space<semaphore_mem>>, %arg27: memref<!tpu.dma_semaphore, #tpu.memory_space<semaphore_mem>>, %arg28: memref<!tpu.dma_semaphore, #tpu.memory_space<semaphore_mem>>, %arg29: memref<!tpu.dma_semaphore, #tpu.memory_space<semaphore_mem>>, %arg30: memref<!tpu.dma_semaphore, #tpu.memory_space<semaphore_mem>>) attributes {dimension_semantics = [#tpu.dimension_semantics<core_parallel>, #tpu.dimension_semantics<subcore_parallel>], iteration_bounds = array<i64: 2, 16>, scalar_prefetch = 0 : i64, scratch_operands = 24 : i64, tpu.core_type = #tpu.core_type<sc_vector_subcore>, window_params = [{transform_indices = #map}, {transform_indices = #map1}, {transform_indices = #map1}, {transform_indices = #map}, {transform_indices = #map1}]} {
    %mul3A = arith.constant 2 : i32
    %mul3A_0 = arith.muli %arg1, %mul3A : i32
    %add3A = arith.addi %mul3A_0, %arg0 : i32
    %mul3A_1 = arith.constant 3128 : i32
    %mul3A_2 = arith.muli %arg1, %mul3A_1 : i32
    %multiple_of3A = tpu.assume_multiple %mul3A_2, 8 : i32
    %dma_start3A = arith.constant 0 : i32
    %dma_start3A_3 = arith.constant 0 : i32
    %dma_start3A_4 = tpu.memref_slice %arg3[%add3A, %dma_start3A, %dma_start3A_3] : memref<32x196x128xi32, #tpu.memory_space<hbm>> -> memref<1x196x128xi32, #tpu.memory_space<hbm>>
    %dma_start3A_5 = tpu.memref_squeeze %dma_start3A_4 : memref<1x196x128xi32, #tpu.memory_space<hbm>> -> memref<196x128xi32, #tpu.memory_space<hbm>>
    %dma_start3A_6 = arith.constant 0 : i32
    %dma_start3A_7 = arith.constant 0 : i32
    %dma_start3A_8 = tpu.memref_slice %arg3[%add3A, %dma_start3A_6, %dma_start3A_7] : memref<32x196x128xi32, #tpu.memory_space<hbm>> -> memref<1x196x128xi32, #tpu.memory_space<hbm>>
    %dma_start3A_9 = tpu.memref_squeeze %dma_start3A_8 : memref<1x196x128xi32, #tpu.memory_space<hbm>> -> memref<196x128xi32, #tpu.memory_space<hbm>>
    tpu.enqueue_dma source(%dma_start3A_9 : memref<196x128xi32, #tpu.memory_space<hbm>>) target(%arg7 : memref<196x128xi32, #tpu.memory_space<vmem>>) target_semaphore(%arg17 : memref<!tpu.dma_semaphore, #tpu.memory_space<semaphore_mem>>)
    %dma_start3A_10 = arith.constant 0 : i32
    %dma_start3A_11 = arith.constant 0 : i32
    %dma_start3A_12 = tpu.memref_slice %arg4[%add3A, %dma_start3A_10, %dma_start3A_11] : memref<32x196x128xi32, #tpu.memory_space<hbm>> -> memref<1x196x128xi32, #tpu.memory_space<hbm>>
    %dma_start3A_13 = tpu.memref_squeeze %dma_start3A_12 : memref<1x196x128xi32, #tpu.memory_space<hbm>> -> memref<196x128xi32, #tpu.memory_space<hbm>>
    %dma_start3A_14 = arith.constant 0 : i32
    %dma_start3A_15 = arith.constant 0 : i32
    %dma_start3A_16 = tpu.memref_slice %arg4[%add3A, %dma_start3A_14, %dma_start3A_15] : memref<32x196x128xi32, #tpu.memory_space<hbm>> -> memref<1x196x128xi32, #tpu.memory_space<hbm>>
    %dma_start3A_17 = tpu.memref_squeeze %dma_start3A_16 : memref<1x196x128xi32, #tpu.memory_space<hbm>> -> memref<196x128xi32, #tpu.memory_space<hbm>>
    tpu.enqueue_dma source(%dma_start3A_17 : memref<196x128xi32, #tpu.memory_space<hbm>>) target(%arg8 : memref<196x128xi32, #tpu.memory_space<vmem>>) target_semaphore(%arg18 : memref<!tpu.dma_semaphore, #tpu.memory_space<semaphore_mem>>)
    %lt3A = arith.constant 15 : i32
    %lt3A_18 = arith.cmpi slt, %arg1, %lt3A : i32
    %convert_element_type3A = arith.extui %lt3A_18 : i1 to i32
    %cond3A = arith.constant 0 : i32
    %cond3A_19 = arith.cmpi ne, %convert_element_type3A, %cond3A : i32
    scf.if %cond3A_19 {
      %eq3A_145 = arith.constant 0 : i32
      %eq3A_146 = arith.cmpi eq, %arg0, %eq3A_145 : i32
      %convert_element_type3A_147 = arith.extui %eq3A_146 : i1 to i32
      %cond3A_148 = arith.constant 0 : i32
      %cond3A_149 = arith.cmpi ne, %convert_element_type3A_147, %cond3A_148 : i32
      scf.if %cond3A_149 {
        "tpu.region"() ({
          %run_scoped3A = tpu.sem_alloc : memref<!tpu.dma_semaphore, #tpu.memory_space<semaphore_mem>>
          %dma_start3A_154 = arith.constant 0 : i32
          %dma_start3A_155 = tpu.memref_slice %arg16[%multiple_of3A, %dma_start3A_154] : memref<52048x8xf32, #tpu.memory_space<vmem_shared>> -> memref<3128x8xf32, #tpu.memory_space<vmem_shared>>
          %dma_start3A_156 = arith.constant 0 : i32
          %dma_start3A_157 = tpu.memref_slice %arg2[%multiple_of3A, %dma_start3A_156] : memref<50000x8xf32, #tpu.memory_space<hbm>> -> memref<3128x8xf32, #tpu.memory_space<hbm>>
          tpu.enqueue_dma source(%dma_start3A_157 : memref<3128x8xf32, #tpu.memory_space<hbm>>) target(%dma_start3A_155 : memref<3128x8xf32, #tpu.memory_space<vmem_shared>>) target_semaphore(%run_scoped3A : memref<!tpu.dma_semaphore, #tpu.memory_space<semaphore_mem>>)
          %dma_wait3A_158 = arith.constant 0 : i32
          %dma_wait3A_159 = tpu.memref_slice %arg16[%multiple_of3A, %dma_wait3A_158] : memref<52048x8xf32, #tpu.memory_space<vmem_shared>> -> memref<3128x8xf32, #tpu.memory_space<vmem_shared>>
          %dma_wait3A_160 = arith.constant 0 : i32
          %dma_wait3A_161 = tpu.memref_slice %arg2[%multiple_of3A, %dma_wait3A_160] : memref<50000x8xf32, #tpu.memory_space<hbm>> -> memref<3128x8xf32, #tpu.memory_space<hbm>>
          tpu.wait_dma2 semaphore(%run_scoped3A : memref<!tpu.dma_semaphore, #tpu.memory_space<semaphore_mem>>) src(%dma_wait3A_161 : memref<3128x8xf32, #tpu.memory_space<hbm>>) dst(%dma_wait3A_159 : memref<3128x8xf32, #tpu.memory_space<vmem_shared>>)
          tpu.yield
        }) : () -> ()
      } else {
      }
      %ne3A = arith.constant 0 : i32
      %ne3A_150 = arith.cmpi ne, %arg0, %ne3A : i32
      %convert_element_type3A_151 = arith.extui %ne3A_150 : i1 to i32
      %cond3A_152 = arith.constant 0 : i32
      %cond3A_153 = arith.cmpi ne, %convert_element_type3A_151, %cond3A_152 : i32
      scf.if %cond3A_153 {
        "tpu.region"() ({
          %run_scoped3A = tpu.sem_alloc : memref<!tpu.dma_semaphore, #tpu.memory_space<semaphore_mem>>
          %dma_start3A_154 = arith.constant 0 : i32
          %dma_start3A_155 = tpu.memref_slice %arg16[%multiple_of3A, %dma_start3A_154] : memref<52048x8xf32, #tpu.memory_space<vmem_shared>> -> memref<3128x8xf32, #tpu.memory_space<vmem_shared>>
          %dma_start3A_156 = arith.constant 0 : i32
          %dma_start3A_157 = tpu.memref_slice %arg5[%multiple_of3A, %dma_start3A_156] : memref<50000x8xf32, #tpu.memory_space<hbm>> -> memref<3128x8xf32, #tpu.memory_space<hbm>>
          tpu.enqueue_dma source(%dma_start3A_157 : memref<3128x8xf32, #tpu.memory_space<hbm>>) target(%dma_start3A_155 : memref<3128x8xf32, #tpu.memory_space<vmem_shared>>) target_semaphore(%run_scoped3A : memref<!tpu.dma_semaphore, #tpu.memory_space<semaphore_mem>>)
          %dma_wait3A_158 = arith.constant 0 : i32
          %dma_wait3A_159 = tpu.memref_slice %arg16[%multiple_of3A, %dma_wait3A_158] : memref<52048x8xf32, #tpu.memory_space<vmem_shared>> -> memref<3128x8xf32, #tpu.memory_space<vmem_shared>>
          %dma_wait3A_160 = arith.constant 0 : i32
          %dma_wait3A_161 = tpu.memref_slice %arg5[%multiple_of3A, %dma_wait3A_160] : memref<50000x8xf32, #tpu.memory_space<hbm>> -> memref<3128x8xf32, #tpu.memory_space<hbm>>
          tpu.wait_dma2 semaphore(%run_scoped3A : memref<!tpu.dma_semaphore, #tpu.memory_space<semaphore_mem>>) src(%dma_wait3A_161 : memref<3128x8xf32, #tpu.memory_space<hbm>>) dst(%dma_wait3A_159 : memref<3128x8xf32, #tpu.memory_space<vmem_shared>>)
          tpu.yield
        }) : () -> ()
      } else {
      }
    } else {
    }
    %eq3A = arith.constant 15 : i32
    %eq3A_20 = arith.cmpi eq, %arg1, %eq3A : i32
    %convert_element_type3A_21 = arith.extui %eq3A_20 : i1 to i32
    %cond3A_22 = arith.constant 0 : i32
    %cond3A_23 = arith.cmpi ne, %convert_element_type3A_21, %cond3A_22 : i32
    scf.if %cond3A_23 {
      %eq3A_145 = arith.constant 0 : i32
      %eq3A_146 = arith.cmpi eq, %arg0, %eq3A_145 : i32
      %convert_element_type3A_147 = arith.extui %eq3A_146 : i1 to i32
      %cond3A_148 = arith.constant 0 : i32
      %cond3A_149 = arith.cmpi ne, %convert_element_type3A_147, %cond3A_148 : i32
      scf.if %cond3A_149 {
        "tpu.region"() ({
          %run_scoped3A = tpu.sem_alloc : memref<!tpu.dma_semaphore, #tpu.memory_space<semaphore_mem>>
          %dma_start3A_154 = arith.constant 0 : i32
          %dma_start3A_155 = tpu.memref_slice %arg16[%multiple_of3A, %dma_start3A_154] : memref<52048x8xf32, #tpu.memory_space<vmem_shared>> -> memref<3080x8xf32, #tpu.memory_space<vmem_shared>>
          %dma_start3A_156 = arith.constant 0 : i32
          %dma_start3A_157 = tpu.memref_slice %arg2[%multiple_of3A, %dma_start3A_156] : memref<50000x8xf32, #tpu.memory_space<hbm>> -> memref<3080x8xf32, #tpu.memory_space<hbm>>
          tpu.enqueue_dma source(%dma_start3A_157 : memref<3080x8xf32, #tpu.memory_space<hbm>>) target(%dma_start3A_155 : memref<3080x8xf32, #tpu.memory_space<vmem_shared>>) target_semaphore(%run_scoped3A : memref<!tpu.dma_semaphore, #tpu.memory_space<semaphore_mem>>)
          %dma_wait3A_158 = arith.constant 0 : i32
          %dma_wait3A_159 = tpu.memref_slice %arg16[%multiple_of3A, %dma_wait3A_158] : memref<52048x8xf32, #tpu.memory_space<vmem_shared>> -> memref<3080x8xf32, #tpu.memory_space<vmem_shared>>
          %dma_wait3A_160 = arith.constant 0 : i32
          %dma_wait3A_161 = tpu.memref_slice %arg2[%multiple_of3A, %dma_wait3A_160] : memref<50000x8xf32, #tpu.memory_space<hbm>> -> memref<3080x8xf32, #tpu.memory_space<hbm>>
          tpu.wait_dma2 semaphore(%run_scoped3A : memref<!tpu.dma_semaphore, #tpu.memory_space<semaphore_mem>>) src(%dma_wait3A_161 : memref<3080x8xf32, #tpu.memory_space<hbm>>) dst(%dma_wait3A_159 : memref<3080x8xf32, #tpu.memory_space<vmem_shared>>)
          tpu.yield
        }) : () -> ()
      } else {
      }
      %ne3A = arith.constant 0 : i32
      %ne3A_150 = arith.cmpi ne, %arg0, %ne3A : i32
      %convert_element_type3A_151 = arith.extui %ne3A_150 : i1 to i32
      %cond3A_152 = arith.constant 0 : i32
      %cond3A_153 = arith.cmpi ne, %convert_element_type3A_151, %cond3A_152 : i32
      scf.if %cond3A_153 {
        "tpu.region"() ({
          %run_scoped3A = tpu.sem_alloc : memref<!tpu.dma_semaphore, #tpu.memory_space<semaphore_mem>>
          %dma_start3A_154 = arith.constant 0 : i32
          %dma_start3A_155 = tpu.memref_slice %arg16[%multiple_of3A, %dma_start3A_154] : memref<52048x8xf32, #tpu.memory_space<vmem_shared>> -> memref<3080x8xf32, #tpu.memory_space<vmem_shared>>
          %dma_start3A_156 = arith.constant 0 : i32
          %dma_start3A_157 = tpu.memref_slice %arg5[%multiple_of3A, %dma_start3A_156] : memref<50000x8xf32, #tpu.memory_space<hbm>> -> memref<3080x8xf32, #tpu.memory_space<hbm>>
          tpu.enqueue_dma source(%dma_start3A_157 : memref<3080x8xf32, #tpu.memory_space<hbm>>) target(%dma_start3A_155 : memref<3080x8xf32, #tpu.memory_space<vmem_shared>>) target_semaphore(%run_scoped3A : memref<!tpu.dma_semaphore, #tpu.memory_space<semaphore_mem>>)
          %dma_wait3A_158 = arith.constant 0 : i32
          %dma_wait3A_159 = tpu.memref_slice %arg16[%multiple_of3A, %dma_wait3A_158] : memref<52048x8xf32, #tpu.memory_space<vmem_shared>> -> memref<3080x8xf32, #tpu.memory_space<vmem_shared>>
          %dma_wait3A_160 = arith.constant 0 : i32
          %dma_wait3A_161 = tpu.memref_slice %arg5[%multiple_of3A, %dma_wait3A_160] : memref<50000x8xf32, #tpu.memory_space<hbm>> -> memref<3080x8xf32, #tpu.memory_space<hbm>>
          tpu.wait_dma2 semaphore(%run_scoped3A : memref<!tpu.dma_semaphore, #tpu.memory_space<semaphore_mem>>) src(%dma_wait3A_161 : memref<3080x8xf32, #tpu.memory_space<hbm>>) dst(%dma_wait3A_159 : memref<3080x8xf32, #tpu.memory_space<vmem_shared>>)
          tpu.yield
        }) : () -> ()
      } else {
      }
    } else {
    }
    %dma_wait3A = arith.constant 0 : i32
    %dma_wait3A_24 = arith.constant 0 : i32
    %dma_wait3A_25 = tpu.memref_slice %arg3[%add3A, %dma_wait3A, %dma_wait3A_24] : memref<32x196x128xi32, #tpu.memory_space<hbm>> -> memref<1x196x128xi32, #tpu.memory_space<hbm>>
    %dma_wait3A_26 = tpu.memref_squeeze %dma_wait3A_25 : memref<1x196x128xi32, #tpu.memory_space<hbm>> -> memref<196x128xi32, #tpu.memory_space<hbm>>
    %dma_wait3A_27 = arith.constant 0 : i32
    %dma_wait3A_28 = arith.constant 0 : i32
    %dma_wait3A_29 = tpu.memref_slice %arg3[%add3A, %dma_wait3A_27, %dma_wait3A_28] : memref<32x196x128xi32, #tpu.memory_space<hbm>> -> memref<1x196x128xi32, #tpu.memory_space<hbm>>
    %dma_wait3A_30 = tpu.memref_squeeze %dma_wait3A_29 : memref<1x196x128xi32, #tpu.memory_space<hbm>> -> memref<196x128xi32, #tpu.memory_space<hbm>>
    tpu.wait_dma2 semaphore(%arg17 : memref<!tpu.dma_semaphore, #tpu.memory_space<semaphore_mem>>) src(%dma_wait3A_30 : memref<196x128xi32, #tpu.memory_space<hbm>>) dst(%arg7 : memref<196x128xi32, #tpu.memory_space<vmem>>)
    %dma_wait3A_31 = arith.constant 0 : i32
    %dma_wait3A_32 = arith.constant 0 : i32
    %dma_wait3A_33 = tpu.memref_slice %arg4[%add3A, %dma_wait3A_31, %dma_wait3A_32] : memref<32x196x128xi32, #tpu.memory_space<hbm>> -> memref<1x196x128xi32, #tpu.memory_space<hbm>>
    %dma_wait3A_34 = tpu.memref_squeeze %dma_wait3A_33 : memref<1x196x128xi32, #tpu.memory_space<hbm>> -> memref<196x128xi32, #tpu.memory_space<hbm>>
    %dma_wait3A_35 = arith.constant 0 : i32
    %dma_wait3A_36 = arith.constant 0 : i32
    %dma_wait3A_37 = tpu.memref_slice %arg4[%add3A, %dma_wait3A_35, %dma_wait3A_36] : memref<32x196x128xi32, #tpu.memory_space<hbm>> -> memref<1x196x128xi32, #tpu.memory_space<hbm>>
    %dma_wait3A_38 = tpu.memref_squeeze %dma_wait3A_37 : memref<1x196x128xi32, #tpu.memory_space<hbm>> -> memref<196x128xi32, #tpu.memory_space<hbm>>
    tpu.wait_dma2 semaphore(%arg18 : memref<!tpu.dma_semaphore, #tpu.memory_space<semaphore_mem>>) src(%dma_wait3A_38 : memref<196x128xi32, #tpu.memory_space<hbm>>) dst(%arg8 : memref<196x128xi32, #tpu.memory_space<vmem>>)
    %barrier3A = arith.constant 0 : index
    tpu.barrier barrier_id(%barrier3A)
    %dma_start3A_39 = arith.constant 0 : i32
    %dma_start3A_40 = arith.constant 0 : i32
    %dma_start3A_41 = tpu.memref_slice %arg7[%dma_start3A_39, %dma_start3A_40] : memref<196x128xi32, #tpu.memory_space<vmem>> -> memref<1x128xi32, #tpu.memory_space<vmem>>
    %dma_start3A_42 = tpu.memref_squeeze %dma_start3A_41 : memref<1x128xi32, #tpu.memory_space<vmem>> -> memref<128xi32, #tpu.memory_space<vmem>>
    %dma_start3A_43 = arith.constant 0 : i32
    %dma_start3A_44 = arith.constant 0 : i32
    %dma_start3A_45 = tpu.memref_slice %arg2[%dma_start3A_43, %dma_start3A_44] : memref<50000x8xf32, #tpu.memory_space<hbm>> -> memref<50000x8xf32, #tpu.memory_space<hbm>>
    tpu.enqueue_indirect_dma source(%dma_start3A_45 : memref<50000x8xf32, #tpu.memory_space<hbm>>) target(%arg9 : memref<128x8xf32, #tpu.memory_space<vmem>>) offsets(%dma_start3A_42 : memref<128xi32, #tpu.memory_space<vmem>>) semaphore(%arg17 : memref<!tpu.dma_semaphore, #tpu.memory_space<semaphore_mem>>)
    %dma_start3A_46 = arith.constant 1 : i32
    %dma_start3A_47 = arith.constant 0 : i32
    %dma_start3A_48 = tpu.memref_slice %arg7[%dma_start3A_46, %dma_start3A_47] : memref<196x128xi32, #tpu.memory_space<vmem>> -> memref<1x128xi32, #tpu.memory_space<vmem>>
    %dma_start3A_49 = tpu.memref_squeeze %dma_start3A_48 : memref<1x128xi32, #tpu.memory_space<vmem>> -> memref<128xi32, #tpu.memory_space<vmem>>
    %dma_start3A_50 = arith.constant 0 : i32
    %dma_start3A_51 = arith.constant 0 : i32
    %dma_start3A_52 = tpu.memref_slice %arg2[%dma_start3A_50, %dma_start3A_51] : memref<50000x8xf32, #tpu.memory_space<hbm>> -> memref<50000x8xf32, #tpu.memory_space<hbm>>
    tpu.enqueue_indirect_dma source(%dma_start3A_52 : memref<50000x8xf32, #tpu.memory_space<hbm>>) target(%arg10 : memref<128x8xf32, #tpu.memory_space<vmem>>) offsets(%dma_start3A_49 : memref<128xi32, #tpu.memory_space<vmem>>) semaphore(%arg18 : memref<!tpu.dma_semaphore, #tpu.memory_space<semaphore_mem>>)
    %dma_start3A_53 = arith.constant 2 : i32
    %dma_start3A_54 = arith.constant 0 : i32
    %dma_start3A_55 = tpu.memref_slice %arg7[%dma_start3A_53, %dma_start3A_54] : memref<196x128xi32, #tpu.memory_space<vmem>> -> memref<1x128xi32, #tpu.memory_space<vmem>>
    %dma_start3A_56 = tpu.memref_squeeze %dma_start3A_55 : memref<1x128xi32, #tpu.memory_space<vmem>> -> memref<128xi32, #tpu.memory_space<vmem>>
    %dma_start3A_57 = arith.constant 0 : i32
    %dma_start3A_58 = arith.constant 0 : i32
    %dma_start3A_59 = tpu.memref_slice %arg2[%dma_start3A_57, %dma_start3A_58] : memref<50000x8xf32, #tpu.memory_space<hbm>> -> memref<50000x8xf32, #tpu.memory_space<hbm>>
    tpu.enqueue_indirect_dma source(%dma_start3A_59 : memref<50000x8xf32, #tpu.memory_space<hbm>>) target(%arg11 : memref<128x8xf32, #tpu.memory_space<vmem>>) offsets(%dma_start3A_56 : memref<128xi32, #tpu.memory_space<vmem>>) semaphore(%arg19 : memref<!tpu.dma_semaphore, #tpu.memory_space<semaphore_mem>>)
    %dma_start3A_60 = arith.constant 3 : i32
    %dma_start3A_61 = arith.constant 0 : i32
    %dma_start3A_62 = tpu.memref_slice %arg7[%dma_start3A_60, %dma_start3A_61] : memref<196x128xi32, #tpu.memory_space<vmem>> -> memref<1x128xi32, #tpu.memory_space<vmem>>
    %dma_start3A_63 = tpu.memref_squeeze %dma_start3A_62 : memref<1x128xi32, #tpu.memory_space<vmem>> -> memref<128xi32, #tpu.memory_space<vmem>>
    %dma_start3A_64 = arith.constant 0 : i32
    %dma_start3A_65 = arith.constant 0 : i32
    %dma_start3A_66 = tpu.memref_slice %arg2[%dma_start3A_64, %dma_start3A_65] : memref<50000x8xf32, #tpu.memory_space<hbm>> -> memref<50000x8xf32, #tpu.memory_space<hbm>>
    tpu.enqueue_indirect_dma source(%dma_start3A_66 : memref<50000x8xf32, #tpu.memory_space<hbm>>) target(%arg12 : memref<128x8xf32, #tpu.memory_space<vmem>>) offsets(%dma_start3A_63 : memref<128xi32, #tpu.memory_space<vmem>>) semaphore(%arg20 : memref<!tpu.dma_semaphore, #tpu.memory_space<semaphore_mem>>)
    %dma_start3A_67 = arith.constant 4 : i32
    %dma_start3A_68 = arith.constant 0 : i32
    %dma_start3A_69 = tpu.memref_slice %arg7[%dma_start3A_67, %dma_start3A_68] : memref<196x128xi32, #tpu.memory_space<vmem>> -> memref<1x128xi32, #tpu.memory_space<vmem>>
    %dma_start3A_70 = tpu.memref_squeeze %dma_start3A_69 : memref<1x128xi32, #tpu.memory_space<vmem>> -> memref<128xi32, #tpu.memory_space<vmem>>
    %dma_start3A_71 = arith.constant 0 : i32
    %dma_start3A_72 = arith.constant 0 : i32
    %dma_start3A_73 = tpu.memref_slice %arg2[%dma_start3A_71, %dma_start3A_72] : memref<50000x8xf32, #tpu.memory_space<hbm>> -> memref<50000x8xf32, #tpu.memory_space<hbm>>
    tpu.enqueue_indirect_dma source(%dma_start3A_73 : memref<50000x8xf32, #tpu.memory_space<hbm>>) target(%arg13 : memref<128x8xf32, #tpu.memory_space<vmem>>) offsets(%dma_start3A_70 : memref<128xi32, #tpu.memory_space<vmem>>) semaphore(%arg21 : memref<!tpu.dma_semaphore, #tpu.memory_space<semaphore_mem>>)
    %dma_start3A_74 = arith.constant 5 : i32
    %dma_start3A_75 = arith.constant 0 : i32
    %dma_start3A_76 = tpu.memref_slice %arg7[%dma_start3A_74, %dma_start3A_75] : memref<196x128xi32, #tpu.memory_space<vmem>> -> memref<1x128xi32, #tpu.memory_space<vmem>>
    %dma_start3A_77 = tpu.memref_squeeze %dma_start3A_76 : memref<1x128xi32, #tpu.memory_space<vmem>> -> memref<128xi32, #tpu.memory_space<vmem>>
    %dma_start3A_78 = arith.constant 0 : i32
    %dma_start3A_79 = arith.constant 0 : i32
    %dma_start3A_80 = tpu.memref_slice %arg2[%dma_start3A_78, %dma_start3A_79] : memref<50000x8xf32, #tpu.memory_space<hbm>> -> memref<50000x8xf32, #tpu.memory_space<hbm>>
    tpu.enqueue_indirect_dma source(%dma_start3A_80 : memref<50000x8xf32, #tpu.memory_space<hbm>>) target(%arg14 : memref<128x8xf32, #tpu.memory_space<vmem>>) offsets(%dma_start3A_77 : memref<128xi32, #tpu.memory_space<vmem>>) semaphore(%arg22 : memref<!tpu.dma_semaphore, #tpu.memory_space<semaphore_mem>>)
    %scan3A = arith.constant 0 : i32
    %scan3A_81 = arith.constant 28 : i32
    %scan3A_82 = arith.addi %scan3A, %scan3A_81 : i32
    %scan3A_83 = arith.constant 1 : i32
    scf.for %scan3A_145 = %scan3A to %scan3A_82 step %scan3A_83  : i32 {
      %mul3A_146 = arith.constant 1 : i32
      %mul3A_147 = arith.muli %scan3A_145, %mul3A_146 : i32
      %add3A_148 = arith.constant 0 : i32
      %add3A_149 = arith.addi %add3A_148, %mul3A_147 : i32
      %mul3A_150 = arith.constant 7 : i32
      %mul3A_151 = arith.muli %add3A_149, %mul3A_150 : i32
      %add3A_152 = arith.constant 0 : i32
      %add3A_153 = arith.addi %mul3A_151, %add3A_152 : i32
      %add3A_154 = arith.constant 7 : i32
      %add3A_155 = arith.addi %add3A_153, %add3A_154 : i32
      %sub3A = arith.constant 1 : i32
      %sub3A_156 = arith.subi %add3A_155, %sub3A : i32
      %lt3A_157 = arith.constant 196 : i32
      %lt3A_158 = arith.cmpi slt, %sub3A_156, %lt3A_157 : i32
      %gt3A = arith.constant 0 : i32
      %gt3A_159 = arith.cmpi sgt, %add3A_153, %gt3A : i32
      %and3A = arith.andi %lt3A_158, %gt3A_159 : i1
      %convert_element_type3A_160 = arith.extui %and3A : i1 to i32
      %cond3A_161 = arith.constant 0 : i32
      %cond3A_162 = arith.cmpi ne, %convert_element_type3A_160, %cond3A_161 : i32
      scf.if %cond3A_162 {
        %sub3A_366 = arith.constant 1 : i32
        %sub3A_367 = arith.subi %add3A_153, %sub3A_366 : i32
        %dma_wait3A_368 = arith.constant 0 : i32
        %dma_wait3A_369 = tpu.memref_slice %arg8[%sub3A_367, %dma_wait3A_368] : memref<196x128xi32, #tpu.memory_space<vmem>> -> memref<1x128xi32, #tpu.memory_space<vmem>>
        %dma_wait3A_370 = tpu.memref_squeeze %dma_wait3A_369 : memref<1x128xi32, #tpu.memory_space<vmem>> -> memref<128xi32, #tpu.memory_space<vmem>>
        %dma_wait3A_371 = arith.constant 0 : i32
        %dma_wait3A_372 = arith.constant 0 : i32
        %dma_wait3A_373 = tpu.memref_slice %arg16[%dma_wait3A_371, %dma_wait3A_372] : memref<52048x8xf32, #tpu.memory_space<vmem_shared>> -> memref<52048x8xf32, #tpu.memory_space<vmem_shared>>
        tpu.wait_indirect_dma semaphore(%arg30 : memref<!tpu.dma_semaphore, #tpu.memory_space<semaphore_mem>>) src(%arg15 : memref<128x8xf32, #tpu.memory_space<vmem>>) dst(%dma_wait3A_373 : memref<52048x8xf32, #tpu.memory_space<vmem_shared>>)
      } else {
      }
      %lt3A_163 = arith.constant 196 : i32
      %lt3A_164 = arith.cmpi slt, %sub3A_156, %lt3A_163 : i32
      %convert_element_type3A_165 = arith.extui %lt3A_164 : i1 to i32
      %cond3A_166 = arith.constant 0 : i32
      %cond3A_167 = arith.cmpi ne, %convert_element_type3A_165, %cond3A_166 : i32
      scf.if %cond3A_167 {
        %dma_start3A_366 = arith.constant 0 : i32
        %dma_start3A_367 = tpu.memref_slice %arg7[%sub3A_156, %dma_start3A_366] : memref<196x128xi32, #tpu.memory_space<vmem>> -> memref<1x128xi32, #tpu.memory_space<vmem>>
        %dma_start3A_368 = tpu.memref_squeeze %dma_start3A_367 : memref<1x128xi32, #tpu.memory_space<vmem>> -> memref<128xi32, #tpu.memory_space<vmem>>
        %dma_start3A_369 = arith.constant 0 : i32
        %dma_start3A_370 = arith.constant 0 : i32
        %dma_start3A_371 = tpu.memref_slice %arg2[%dma_start3A_369, %dma_start3A_370] : memref<50000x8xf32, #tpu.memory_space<hbm>> -> memref<50000x8xf32, #tpu.memory_space<hbm>>
        tpu.enqueue_indirect_dma source(%dma_start3A_371 : memref<50000x8xf32, #tpu.memory_space<hbm>>) target(%arg15 : memref<128x8xf32, #tpu.memory_space<vmem>>) offsets(%dma_start3A_368 : memref<128xi32, #tpu.memory_space<vmem>>) semaphore(%arg23 : memref<!tpu.dma_semaphore, #tpu.memory_space<semaphore_mem>>)
      } else {
      }
      %dma_wait3A_168 = arith.constant 0 : i32
      %dma_wait3A_169 = tpu.memref_slice %arg7[%add3A_153, %dma_wait3A_168] : memref<196x128xi32, #tpu.memory_space<vmem>> -> memref<1x128xi32, #tpu.memory_space<vmem>>
      %dma_wait3A_170 = tpu.memref_squeeze %dma_wait3A_169 : memref<1x128xi32, #tpu.memory_space<vmem>> -> memref<128xi32, #tpu.memory_space<vmem>>
      %dma_wait3A_171 = arith.constant 0 : i32
      %dma_wait3A_172 = arith.constant 0 : i32
      %dma_wait3A_173 = tpu.memref_slice %arg2[%dma_wait3A_171, %dma_wait3A_172] : memref<50000x8xf32, #tpu.memory_space<hbm>> -> memref<50000x8xf32, #tpu.memory_space<hbm>>
      tpu.wait_indirect_dma semaphore(%arg17 : memref<!tpu.dma_semaphore, #tpu.memory_space<semaphore_mem>>) src(%dma_wait3A_173 : memref<50000x8xf32, #tpu.memory_space<hbm>>) dst(%arg9 : memref<128x8xf32, #tpu.memory_space<vmem>>)
      %dma_start3A_174 = arith.constant 0 : i32
      %dma_start3A_175 = tpu.memref_slice %arg8[%add3A_153, %dma_start3A_174] : memref<196x128xi32, #tpu.memory_space<vmem>> -> memref<1x128xi32, #tpu.memory_space<vmem>>
      %dma_start3A_176 = tpu.memref_squeeze %dma_start3A_175 : memref<1x128xi32, #tpu.memory_space<vmem>> -> memref<128xi32, #tpu.memory_space<vmem>>
      %dma_start3A_177 = arith.constant 0 : i32
      %dma_start3A_178 = arith.constant 0 : i32
      %dma_start3A_179 = tpu.memref_slice %arg16[%dma_start3A_177, %dma_start3A_178] : memref<52048x8xf32, #tpu.memory_space<vmem_shared>> -> memref<52048x8xf32, #tpu.memory_space<vmem_shared>>
      tpu.enqueue_indirect_dma source(%arg9 : memref<128x8xf32, #tpu.memory_space<vmem>>) target(%dma_start3A_179 : memref<52048x8xf32, #tpu.memory_space<vmem_shared>>) offsets(%dma_start3A_176 : memref<128xi32, #tpu.memory_space<vmem>>) semaphore(%arg24 : memref<!tpu.dma_semaphore, #tpu.memory_space<semaphore_mem>>) {add = true}
      %add3A_180 = arith.constant 1 : i32
      %add3A_181 = arith.addi %mul3A_151, %add3A_180 : i32
      %add3A_182 = arith.constant 7 : i32
      %add3A_183 = arith.addi %add3A_181, %add3A_182 : i32
      %sub3A_184 = arith.constant 1 : i32
      %sub3A_185 = arith.subi %add3A_183, %sub3A_184 : i32
      %lt3A_186 = arith.constant 196 : i32
      %lt3A_187 = arith.cmpi slt, %sub3A_185, %lt3A_186 : i32
      %gt3A_188 = arith.constant 0 : i32
      %gt3A_189 = arith.cmpi sgt, %add3A_181, %gt3A_188 : i32
      %and3A_190 = arith.andi %lt3A_187, %gt3A_189 : i1
      %convert_element_type3A_191 = arith.extui %and3A_190 : i1 to i32
      %cond3A_192 = arith.constant 0 : i32
      %cond3A_193 = arith.cmpi ne, %convert_element_type3A_191, %cond3A_192 : i32
      scf.if %cond3A_193 {
        %sub3A_366 = arith.constant 1 : i32
        %sub3A_367 = arith.subi %add3A_181, %sub3A_366 : i32
        %dma_wait3A_368 = arith.constant 0 : i32
        %dma_wait3A_369 = tpu.memref_slice %arg8[%sub3A_367, %dma_wait3A_368] : memref<196x128xi32, #tpu.memory_space<vmem>> -> memref<1x128xi32, #tpu.memory_space<vmem>>
        %dma_wait3A_370 = tpu.memref_squeeze %dma_wait3A_369 : memref<1x128xi32, #tpu.memory_space<vmem>> -> memref<128xi32, #tpu.memory_space<vmem>>
        %dma_wait3A_371 = arith.constant 0 : i32
        %dma_wait3A_372 = arith.constant 0 : i32
        %dma_wait3A_373 = tpu.memref_slice %arg16[%dma_wait3A_371, %dma_wait3A_372] : memref<52048x8xf32, #tpu.memory_space<vmem_shared>> -> memref<52048x8xf32, #tpu.memory_space<vmem_shared>>
        tpu.wait_indirect_dma semaphore(%arg24 : memref<!tpu.dma_semaphore, #tpu.memory_space<semaphore_mem>>) src(%arg9 : memref<128x8xf32, #tpu.memory_space<vmem>>) dst(%dma_wait3A_373 : memref<52048x8xf32, #tpu.memory_space<vmem_shared>>)
      } else {
      }
      %lt3A_194 = arith.constant 196 : i32
      %lt3A_195 = arith.cmpi slt, %sub3A_185, %lt3A_194 : i32
      %convert_element_type3A_196 = arith.extui %lt3A_195 : i1 to i32
      %cond3A_197 = arith.constant 0 : i32
      %cond3A_198 = arith.cmpi ne, %convert_element_type3A_196, %cond3A_197 : i32
      scf.if %cond3A_198 {
        %dma_start3A_366 = arith.constant 0 : i32
        %dma_start3A_367 = tpu.memref_slice %arg7[%sub3A_185, %dma_start3A_366] : memref<196x128xi32, #tpu.memory_space<vmem>> -> memref<1x128xi32, #tpu.memory_space<vmem>>
        %dma_start3A_368 = tpu.memref_squeeze %dma_start3A_367 : memref<1x128xi32, #tpu.memory_space<vmem>> -> memref<128xi32, #tpu.memory_space<vmem>>
        %dma_start3A_369 = arith.constant 0 : i32
        %dma_start3A_370 = arith.constant 0 : i32
        %dma_start3A_371 = tpu.memref_slice %arg2[%dma_start3A_369, %dma_start3A_370] : memref<50000x8xf32, #tpu.memory_space<hbm>> -> memref<50000x8xf32, #tpu.memory_space<hbm>>
        tpu.enqueue_indirect_dma source(%dma_start3A_371 : memref<50000x8xf32, #tpu.memory_space<hbm>>) target(%arg9 : memref<128x8xf32, #tpu.memory_space<vmem>>) offsets(%dma_start3A_368 : memref<128xi32, #tpu.memory_space<vmem>>) semaphore(%arg17 : memref<!tpu.dma_semaphore, #tpu.memory_space<semaphore_mem>>)
      } else {
      }
      %dma_wait3A_199 = arith.constant 0 : i32
      %dma_wait3A_200 = tpu.memref_slice %arg7[%add3A_181, %dma_wait3A_199] : memref<196x128xi32, #tpu.memory_space<vmem>> -> memref<1x128xi32, #tpu.memory_space<vmem>>
      %dma_wait3A_201 = tpu.memref_squeeze %dma_wait3A_200 : memref<1x128xi32, #tpu.memory_space<vmem>> -> memref<128xi32, #tpu.memory_space<vmem>>
      %dma_wait3A_202 = arith.constant 0 : i32
      %dma_wait3A_203 = arith.constant 0 : i32
      %dma_wait3A_204 = tpu.memref_slice %arg2[%dma_wait3A_202, %dma_wait3A_203] : memref<50000x8xf32, #tpu.memory_space<hbm>> -> memref<50000x8xf32, #tpu.memory_space<hbm>>
      tpu.wait_indirect_dma semaphore(%arg18 : memref<!tpu.dma_semaphore, #tpu.memory_space<semaphore_mem>>) src(%dma_wait3A_204 : memref<50000x8xf32, #tpu.memory_space<hbm>>) dst(%arg10 : memref<128x8xf32, #tpu.memory_space<vmem>>)
      %dma_start3A_205 = arith.constant 0 : i32
      %dma_start3A_206 = tpu.memref_slice %arg8[%add3A_181, %dma_start3A_205] : memref<196x128xi32, #tpu.memory_space<vmem>> -> memref<1x128xi32, #tpu.memory_space<vmem>>
      %dma_start3A_207 = tpu.memref_squeeze %dma_start3A_206 : memref<1x128xi32, #tpu.memory_space<vmem>> -> memref<128xi32, #tpu.memory_space<vmem>>
      %dma_start3A_208 = arith.constant 0 : i32
      %dma_start3A_209 = arith.constant 0 : i32
      %dma_start3A_210 = tpu.memref_slice %arg16[%dma_start3A_208, %dma_start3A_209] : memref<52048x8xf32, #tpu.memory_space<vmem_shared>> -> memref<52048x8xf32, #tpu.memory_space<vmem_shared>>
      tpu.enqueue_indirect_dma source(%arg10 : memref<128x8xf32, #tpu.memory_space<vmem>>) target(%dma_start3A_210 : memref<52048x8xf32, #tpu.memory_space<vmem_shared>>) offsets(%dma_start3A_207 : memref<128xi32, #tpu.memory_space<vmem>>) semaphore(%arg25 : memref<!tpu.dma_semaphore, #tpu.memory_space<semaphore_mem>>) {add = true}
      %add3A_211 = arith.constant 2 : i32
      %add3A_212 = arith.addi %mul3A_151, %add3A_211 : i32
      %add3A_213 = arith.constant 7 : i32
      %add3A_214 = arith.addi %add3A_212, %add3A_213 : i32
      %sub3A_215 = arith.constant 1 : i32
      %sub3A_216 = arith.subi %add3A_214, %sub3A_215 : i32
      %lt3A_217 = arith.constant 196 : i32
      %lt3A_218 = arith.cmpi slt, %sub3A_216, %lt3A_217 : i32
      %gt3A_219 = arith.constant 0 : i32
      %gt3A_220 = arith.cmpi sgt, %add3A_212, %gt3A_219 : i32
      %and3A_221 = arith.andi %lt3A_218, %gt3A_220 : i1
      %convert_element_type3A_222 = arith.extui %and3A_221 : i1 to i32
      %cond3A_223 = arith.constant 0 : i32
      %cond3A_224 = arith.cmpi ne, %convert_element_type3A_222, %cond3A_223 : i32
      scf.if %cond3A_224 {
        %sub3A_366 = arith.constant 1 : i32
        %sub3A_367 = arith.subi %add3A_212, %sub3A_366 : i32
        %dma_wait3A_368 = arith.constant 0 : i32
        %dma_wait3A_369 = tpu.memref_slice %arg8[%sub3A_367, %dma_wait3A_368] : memref<196x128xi32, #tpu.memory_space<vmem>> -> memref<1x128xi32, #tpu.memory_space<vmem>>
        %dma_wait3A_370 = tpu.memref_squeeze %dma_wait3A_369 : memref<1x128xi32, #tpu.memory_space<vmem>> -> memref<128xi32, #tpu.memory_space<vmem>>
        %dma_wait3A_371 = arith.constant 0 : i32
        %dma_wait3A_372 = arith.constant 0 : i32
        %dma_wait3A_373 = tpu.memref_slice %arg16[%dma_wait3A_371, %dma_wait3A_372] : memref<52048x8xf32, #tpu.memory_space<vmem_shared>> -> memref<52048x8xf32, #tpu.memory_space<vmem_shared>>
        tpu.wait_indirect_dma semaphore(%arg25 : memref<!tpu.dma_semaphore, #tpu.memory_space<semaphore_mem>>) src(%arg10 : memref<128x8xf32, #tpu.memory_space<vmem>>) dst(%dma_wait3A_373 : memref<52048x8xf32, #tpu.memory_space<vmem_shared>>)
      } else {
      }
      %lt3A_225 = arith.constant 196 : i32
      %lt3A_226 = arith.cmpi slt, %sub3A_216, %lt3A_225 : i32
      %convert_element_type3A_227 = arith.extui %lt3A_226 : i1 to i32
      %cond3A_228 = arith.constant 0 : i32
      %cond3A_229 = arith.cmpi ne, %convert_element_type3A_227, %cond3A_228 : i32
      scf.if %cond3A_229 {
        %dma_start3A_366 = arith.constant 0 : i32
        %dma_start3A_367 = tpu.memref_slice %arg7[%sub3A_216, %dma_start3A_366] : memref<196x128xi32, #tpu.memory_space<vmem>> -> memref<1x128xi32, #tpu.memory_space<vmem>>
        %dma_start3A_368 = tpu.memref_squeeze %dma_start3A_367 : memref<1x128xi32, #tpu.memory_space<vmem>> -> memref<128xi32, #tpu.memory_space<vmem>>
        %dma_start3A_369 = arith.constant 0 : i32
        %dma_start3A_370 = arith.constant 0 : i32
        %dma_start3A_371 = tpu.memref_slice %arg2[%dma_start3A_369, %dma_start3A_370] : memref<50000x8xf32, #tpu.memory_space<hbm>> -> memref<50000x8xf32, #tpu.memory_space<hbm>>
        tpu.enqueue_indirect_dma source(%dma_start3A_371 : memref<50000x8xf32, #tpu.memory_space<hbm>>) target(%arg10 : memref<128x8xf32, #tpu.memory_space<vmem>>) offsets(%dma_start3A_368 : memref<128xi32, #tpu.memory_space<vmem>>) semaphore(%arg18 : memref<!tpu.dma_semaphore, #tpu.memory_space<semaphore_mem>>)
      } else {
      }
      %dma_wait3A_230 = arith.constant 0 : i32
      %dma_wait3A_231 = tpu.memref_slice %arg7[%add3A_212, %dma_wait3A_230] : memref<196x128xi32, #tpu.memory_space<vmem>> -> memref<1x128xi32, #tpu.memory_space<vmem>>
      %dma_wait3A_232 = tpu.memref_squeeze %dma_wait3A_231 : memref<1x128xi32, #tpu.memory_space<vmem>> -> memref<128xi32, #tpu.memory_space<vmem>>
      %dma_wait3A_233 = arith.constant 0 : i32
      %dma_wait3A_234 = arith.constant 0 : i32
      %dma_wait3A_235 = tpu.memref_slice %arg2[%dma_wait3A_233, %dma_wait3A_234] : memref<50000x8xf32, #tpu.memory_space<hbm>> -> memref<50000x8xf32, #tpu.memory_space<hbm>>
      tpu.wait_indirect_dma semaphore(%arg19 : memref<!tpu.dma_semaphore, #tpu.memory_space<semaphore_mem>>) src(%dma_wait3A_235 : memref<50000x8xf32, #tpu.memory_space<hbm>>) dst(%arg11 : memref<128x8xf32, #tpu.memory_space<vmem>>)
      %dma_start3A_236 = arith.constant 0 : i32
      %dma_start3A_237 = tpu.memref_slice %arg8[%add3A_212, %dma_start3A_236] : memref<196x128xi32, #tpu.memory_space<vmem>> -> memref<1x128xi32, #tpu.memory_space<vmem>>
      %dma_start3A_238 = tpu.memref_squeeze %dma_start3A_237 : memref<1x128xi32, #tpu.memory_space<vmem>> -> memref<128xi32, #tpu.memory_space<vmem>>
      %dma_start3A_239 = arith.constant 0 : i32
      %dma_start3A_240 = arith.constant 0 : i32
      %dma_start3A_241 = tpu.memref_slice %arg16[%dma_start3A_239, %dma_start3A_240] : memref<52048x8xf32, #tpu.memory_space<vmem_shared>> -> memref<52048x8xf32, #tpu.memory_space<vmem_shared>>
      tpu.enqueue_indirect_dma source(%arg11 : memref<128x8xf32, #tpu.memory_space<vmem>>) target(%dma_start3A_241 : memref<52048x8xf32, #tpu.memory_space<vmem_shared>>) offsets(%dma_start3A_238 : memref<128xi32, #tpu.memory_space<vmem>>) semaphore(%arg26 : memref<!tpu.dma_semaphore, #tpu.memory_space<semaphore_mem>>) {add = true}
      %add3A_242 = arith.constant 3 : i32
      %add3A_243 = arith.addi %mul3A_151, %add3A_242 : i32
      %add3A_244 = arith.constant 7 : i32
      %add3A_245 = arith.addi %add3A_243, %add3A_244 : i32
      %sub3A_246 = arith.constant 1 : i32
      %sub3A_247 = arith.subi %add3A_245, %sub3A_246 : i32
      %lt3A_248 = arith.constant 196 : i32
      %lt3A_249 = arith.cmpi slt, %sub3A_247, %lt3A_248 : i32
      %gt3A_250 = arith.constant 0 : i32
      %gt3A_251 = arith.cmpi sgt, %add3A_243, %gt3A_250 : i32
      %and3A_252 = arith.andi %lt3A_249, %gt3A_251 : i1
      %convert_element_type3A_253 = arith.extui %and3A_252 : i1 to i32
      %cond3A_254 = arith.constant 0 : i32
      %cond3A_255 = arith.cmpi ne, %convert_element_type3A_253, %cond3A_254 : i32
      scf.if %cond3A_255 {
        %sub3A_366 = arith.constant 1 : i32
        %sub3A_367 = arith.subi %add3A_243, %sub3A_366 : i32
        %dma_wait3A_368 = arith.constant 0 : i32
        %dma_wait3A_369 = tpu.memref_slice %arg8[%sub3A_367, %dma_wait3A_368] : memref<196x128xi32, #tpu.memory_space<vmem>> -> memref<1x128xi32, #tpu.memory_space<vmem>>
        %dma_wait3A_370 = tpu.memref_squeeze %dma_wait3A_369 : memref<1x128xi32, #tpu.memory_space<vmem>> -> memref<128xi32, #tpu.memory_space<vmem>>
        %dma_wait3A_371 = arith.constant 0 : i32
        %dma_wait3A_372 = arith.constant 0 : i32
        %dma_wait3A_373 = tpu.memref_slice %arg16[%dma_wait3A_371, %dma_wait3A_372] : memref<52048x8xf32, #tpu.memory_space<vmem_shared>> -> memref<52048x8xf32, #tpu.memory_space<vmem_shared>>
        tpu.wait_indirect_dma semaphore(%arg26 : memref<!tpu.dma_semaphore, #tpu.memory_space<semaphore_mem>>) src(%arg11 : memref<128x8xf32, #tpu.memory_space<vmem>>) dst(%dma_wait3A_373 : memref<52048x8xf32, #tpu.memory_space<vmem_shared>>)
      } else {
      }
      %lt3A_256 = arith.constant 196 : i32
      %lt3A_257 = arith.cmpi slt, %sub3A_247, %lt3A_256 : i32
      %convert_element_type3A_258 = arith.extui %lt3A_257 : i1 to i32
      %cond3A_259 = arith.constant 0 : i32
      %cond3A_260 = arith.cmpi ne, %convert_element_type3A_258, %cond3A_259 : i32
      scf.if %cond3A_260 {
        %dma_start3A_366 = arith.constant 0 : i32
        %dma_start3A_367 = tpu.memref_slice %arg7[%sub3A_247, %dma_start3A_366] : memref<196x128xi32, #tpu.memory_space<vmem>> -> memref<1x128xi32, #tpu.memory_space<vmem>>
        %dma_start3A_368 = tpu.memref_squeeze %dma_start3A_367 : memref<1x128xi32, #tpu.memory_space<vmem>> -> memref<128xi32, #tpu.memory_space<vmem>>
        %dma_start3A_369 = arith.constant 0 : i32
        %dma_start3A_370 = arith.constant 0 : i32
        %dma_start3A_371 = tpu.memref_slice %arg2[%dma_start3A_369, %dma_start3A_370] : memref<50000x8xf32, #tpu.memory_space<hbm>> -> memref<50000x8xf32, #tpu.memory_space<hbm>>
        tpu.enqueue_indirect_dma source(%dma_start3A_371 : memref<50000x8xf32, #tpu.memory_space<hbm>>) target(%arg11 : memref<128x8xf32, #tpu.memory_space<vmem>>) offsets(%dma_start3A_368 : memref<128xi32, #tpu.memory_space<vmem>>) semaphore(%arg19 : memref<!tpu.dma_semaphore, #tpu.memory_space<semaphore_mem>>)
      } else {
      }
      %dma_wait3A_261 = arith.constant 0 : i32
      %dma_wait3A_262 = tpu.memref_slice %arg7[%add3A_243, %dma_wait3A_261] : memref<196x128xi32, #tpu.memory_space<vmem>> -> memref<1x128xi32, #tpu.memory_space<vmem>>
      %dma_wait3A_263 = tpu.memref_squeeze %dma_wait3A_262 : memref<1x128xi32, #tpu.memory_space<vmem>> -> memref<128xi32, #tpu.memory_space<vmem>>
      %dma_wait3A_264 = arith.constant 0 : i32
      %dma_wait3A_265 = arith.constant 0 : i32
      %dma_wait3A_266 = tpu.memref_slice %arg2[%dma_wait3A_264, %dma_wait3A_265] : memref<50000x8xf32, #tpu.memory_space<hbm>> -> memref<50000x8xf32, #tpu.memory_space<hbm>>
      tpu.wait_indirect_dma semaphore(%arg20 : memref<!tpu.dma_semaphore, #tpu.memory_space<semaphore_mem>>) src(%dma_wait3A_266 : memref<50000x8xf32, #tpu.memory_space<hbm>>) dst(%arg12 : memref<128x8xf32, #tpu.memory_space<vmem>>)
      %dma_start3A_267 = arith.constant 0 : i32
      %dma_start3A_268 = tpu.memref_slice %arg8[%add3A_243, %dma_start3A_267] : memref<196x128xi32, #tpu.memory_space<vmem>> -> memref<1x128xi32, #tpu.memory_space<vmem>>
      %dma_start3A_269 = tpu.memref_squeeze %dma_start3A_268 : memref<1x128xi32, #tpu.memory_space<vmem>> -> memref<128xi32, #tpu.memory_space<vmem>>
      %dma_start3A_270 = arith.constant 0 : i32
      %dma_start3A_271 = arith.constant 0 : i32
      %dma_start3A_272 = tpu.memref_slice %arg16[%dma_start3A_270, %dma_start3A_271] : memref<52048x8xf32, #tpu.memory_space<vmem_shared>> -> memref<52048x8xf32, #tpu.memory_space<vmem_shared>>
      tpu.enqueue_indirect_dma source(%arg12 : memref<128x8xf32, #tpu.memory_space<vmem>>) target(%dma_start3A_272 : memref<52048x8xf32, #tpu.memory_space<vmem_shared>>) offsets(%dma_start3A_269 : memref<128xi32, #tpu.memory_space<vmem>>) semaphore(%arg27 : memref<!tpu.dma_semaphore, #tpu.memory_space<semaphore_mem>>) {add = true}
      %add3A_273 = arith.constant 4 : i32
      %add3A_274 = arith.addi %mul3A_151, %add3A_273 : i32
      %add3A_275 = arith.constant 7 : i32
      %add3A_276 = arith.addi %add3A_274, %add3A_275 : i32
      %sub3A_277 = arith.constant 1 : i32
      %sub3A_278 = arith.subi %add3A_276, %sub3A_277 : i32
      %lt3A_279 = arith.constant 196 : i32
      %lt3A_280 = arith.cmpi slt, %sub3A_278, %lt3A_279 : i32
      %gt3A_281 = arith.constant 0 : i32
      %gt3A_282 = arith.cmpi sgt, %add3A_274, %gt3A_281 : i32
      %and3A_283 = arith.andi %lt3A_280, %gt3A_282 : i1
      %convert_element_type3A_284 = arith.extui %and3A_283 : i1 to i32
      %cond3A_285 = arith.constant 0 : i32
      %cond3A_286 = arith.cmpi ne, %convert_element_type3A_284, %cond3A_285 : i32
      scf.if %cond3A_286 {
        %sub3A_366 = arith.constant 1 : i32
        %sub3A_367 = arith.subi %add3A_274, %sub3A_366 : i32
        %dma_wait3A_368 = arith.constant 0 : i32
        %dma_wait3A_369 = tpu.memref_slice %arg8[%sub3A_367, %dma_wait3A_368] : memref<196x128xi32, #tpu.memory_space<vmem>> -> memref<1x128xi32, #tpu.memory_space<vmem>>
        %dma_wait3A_370 = tpu.memref_squeeze %dma_wait3A_369 : memref<1x128xi32, #tpu.memory_space<vmem>> -> memref<128xi32, #tpu.memory_space<vmem>>
        %dma_wait3A_371 = arith.constant 0 : i32
        %dma_wait3A_372 = arith.constant 0 : i32
        %dma_wait3A_373 = tpu.memref_slice %arg16[%dma_wait3A_371, %dma_wait3A_372] : memref<52048x8xf32, #tpu.memory_space<vmem_shared>> -> memref<52048x8xf32, #tpu.memory_space<vmem_shared>>
        tpu.wait_indirect_dma semaphore(%arg27 : memref<!tpu.dma_semaphore, #tpu.memory_space<semaphore_mem>>) src(%arg12 : memref<128x8xf32, #tpu.memory_space<vmem>>) dst(%dma_wait3A_373 : memref<52048x8xf32, #tpu.memory_space<vmem_shared>>)
      } else {
      }
      %lt3A_287 = arith.constant 196 : i32
      %lt3A_288 = arith.cmpi slt, %sub3A_278, %lt3A_287 : i32
      %convert_element_type3A_289 = arith.extui %lt3A_288 : i1 to i32
      %cond3A_290 = arith.constant 0 : i32
      %cond3A_291 = arith.cmpi ne, %convert_element_type3A_289, %cond3A_290 : i32
      scf.if %cond3A_291 {
        %dma_start3A_366 = arith.constant 0 : i32
        %dma_start3A_367 = tpu.memref_slice %arg7[%sub3A_278, %dma_start3A_366] : memref<196x128xi32, #tpu.memory_space<vmem>> -> memref<1x128xi32, #tpu.memory_space<vmem>>
        %dma_start3A_368 = tpu.memref_squeeze %dma_start3A_367 : memref<1x128xi32, #tpu.memory_space<vmem>> -> memref<128xi32, #tpu.memory_space<vmem>>
        %dma_start3A_369 = arith.constant 0 : i32
        %dma_start3A_370 = arith.constant 0 : i32
        %dma_start3A_371 = tpu.memref_slice %arg2[%dma_start3A_369, %dma_start3A_370] : memref<50000x8xf32, #tpu.memory_space<hbm>> -> memref<50000x8xf32, #tpu.memory_space<hbm>>
        tpu.enqueue_indirect_dma source(%dma_start3A_371 : memref<50000x8xf32, #tpu.memory_space<hbm>>) target(%arg12 : memref<128x8xf32, #tpu.memory_space<vmem>>) offsets(%dma_start3A_368 : memref<128xi32, #tpu.memory_space<vmem>>) semaphore(%arg20 : memref<!tpu.dma_semaphore, #tpu.memory_space<semaphore_mem>>)
      } else {
      }
      %dma_wait3A_292 = arith.constant 0 : i32
      %dma_wait3A_293 = tpu.memref_slice %arg7[%add3A_274, %dma_wait3A_292] : memref<196x128xi32, #tpu.memory_space<vmem>> -> memref<1x128xi32, #tpu.memory_space<vmem>>
      %dma_wait3A_294 = tpu.memref_squeeze %dma_wait3A_293 : memref<1x128xi32, #tpu.memory_space<vmem>> -> memref<128xi32, #tpu.memory_space<vmem>>
      %dma_wait3A_295 = arith.constant 0 : i32
      %dma_wait3A_296 = arith.constant 0 : i32
      %dma_wait3A_297 = tpu.memref_slice %arg2[%dma_wait3A_295, %dma_wait3A_296] : memref<50000x8xf32, #tpu.memory_space<hbm>> -> memref<50000x8xf32, #tpu.memory_space<hbm>>
      tpu.wait_indirect_dma semaphore(%arg21 : memref<!tpu.dma_semaphore, #tpu.memory_space<semaphore_mem>>) src(%dma_wait3A_297 : memref<50000x8xf32, #tpu.memory_space<hbm>>) dst(%arg13 : memref<128x8xf32, #tpu.memory_space<vmem>>)
      %dma_start3A_298 = arith.constant 0 : i32
      %dma_start3A_299 = tpu.memref_slice %arg8[%add3A_274, %dma_start3A_298] : memref<196x128xi32, #tpu.memory_space<vmem>> -> memref<1x128xi32, #tpu.memory_space<vmem>>
      %dma_start3A_300 = tpu.memref_squeeze %dma_start3A_299 : memref<1x128xi32, #tpu.memory_space<vmem>> -> memref<128xi32, #tpu.memory_space<vmem>>
      %dma_start3A_301 = arith.constant 0 : i32
      %dma_start3A_302 = arith.constant 0 : i32
      %dma_start3A_303 = tpu.memref_slice %arg16[%dma_start3A_301, %dma_start3A_302] : memref<52048x8xf32, #tpu.memory_space<vmem_shared>> -> memref<52048x8xf32, #tpu.memory_space<vmem_shared>>
      tpu.enqueue_indirect_dma source(%arg13 : memref<128x8xf32, #tpu.memory_space<vmem>>) target(%dma_start3A_303 : memref<52048x8xf32, #tpu.memory_space<vmem_shared>>) offsets(%dma_start3A_300 : memref<128xi32, #tpu.memory_space<vmem>>) semaphore(%arg28 : memref<!tpu.dma_semaphore, #tpu.memory_space<semaphore_mem>>) {add = true}
      %add3A_304 = arith.constant 5 : i32
      %add3A_305 = arith.addi %mul3A_151, %add3A_304 : i32
      %add3A_306 = arith.constant 7 : i32
      %add3A_307 = arith.addi %add3A_305, %add3A_306 : i32
      %sub3A_308 = arith.constant 1 : i32
      %sub3A_309 = arith.subi %add3A_307, %sub3A_308 : i32
      %lt3A_310 = arith.constant 196 : i32
      %lt3A_311 = arith.cmpi slt, %sub3A_309, %lt3A_310 : i32
      %gt3A_312 = arith.constant 0 : i32
      %gt3A_313 = arith.cmpi sgt, %add3A_305, %gt3A_312 : i32
      %and3A_314 = arith.andi %lt3A_311, %gt3A_313 : i1
      %convert_element_type3A_315 = arith.extui %and3A_314 : i1 to i32
      %cond3A_316 = arith.constant 0 : i32
      %cond3A_317 = arith.cmpi ne, %convert_element_type3A_315, %cond3A_316 : i32
      scf.if %cond3A_317 {
        %sub3A_366 = arith.constant 1 : i32
        %sub3A_367 = arith.subi %add3A_305, %sub3A_366 : i32
        %dma_wait3A_368 = arith.constant 0 : i32
        %dma_wait3A_369 = tpu.memref_slice %arg8[%sub3A_367, %dma_wait3A_368] : memref<196x128xi32, #tpu.memory_space<vmem>> -> memref<1x128xi32, #tpu.memory_space<vmem>>
        %dma_wait3A_370 = tpu.memref_squeeze %dma_wait3A_369 : memref<1x128xi32, #tpu.memory_space<vmem>> -> memref<128xi32, #tpu.memory_space<vmem>>
        %dma_wait3A_371 = arith.constant 0 : i32
        %dma_wait3A_372 = arith.constant 0 : i32
        %dma_wait3A_373 = tpu.memref_slice %arg16[%dma_wait3A_371, %dma_wait3A_372] : memref<52048x8xf32, #tpu.memory_space<vmem_shared>> -> memref<52048x8xf32, #tpu.memory_space<vmem_shared>>
        tpu.wait_indirect_dma semaphore(%arg28 : memref<!tpu.dma_semaphore, #tpu.memory_space<semaphore_mem>>) src(%arg13 : memref<128x8xf32, #tpu.memory_space<vmem>>) dst(%dma_wait3A_373 : memref<52048x8xf32, #tpu.memory_space<vmem_shared>>)
      } else {
      }
      %lt3A_318 = arith.constant 196 : i32
      %lt3A_319 = arith.cmpi slt, %sub3A_309, %lt3A_318 : i32
      %convert_element_type3A_320 = arith.extui %lt3A_319 : i1 to i32
      %cond3A_321 = arith.constant 0 : i32
      %cond3A_322 = arith.cmpi ne, %convert_element_type3A_320, %cond3A_321 : i32
      scf.if %cond3A_322 {
        %dma_start3A_366 = arith.constant 0 : i32
        %dma_start3A_367 = tpu.memref_slice %arg7[%sub3A_309, %dma_start3A_366] : memref<196x128xi32, #tpu.memory_space<vmem>> -> memref<1x128xi32, #tpu.memory_space<vmem>>
        %dma_start3A_368 = tpu.memref_squeeze %dma_start3A_367 : memref<1x128xi32, #tpu.memory_space<vmem>> -> memref<128xi32, #tpu.memory_space<vmem>>
        %dma_start3A_369 = arith.constant 0 : i32
        %dma_start3A_370 = arith.constant 0 : i32
        %dma_start3A_371 = tpu.memref_slice %arg2[%dma_start3A_369, %dma_start3A_370] : memref<50000x8xf32, #tpu.memory_space<hbm>> -> memref<50000x8xf32, #tpu.memory_space<hbm>>
        tpu.enqueue_indirect_dma source(%dma_start3A_371 : memref<50000x8xf32, #tpu.memory_space<hbm>>) target(%arg13 : memref<128x8xf32, #tpu.memory_space<vmem>>) offsets(%dma_start3A_368 : memref<128xi32, #tpu.memory_space<vmem>>) semaphore(%arg21 : memref<!tpu.dma_semaphore, #tpu.memory_space<semaphore_mem>>)
      } else {
      }
      %dma_wait3A_323 = arith.constant 0 : i32
      %dma_wait3A_324 = tpu.memref_slice %arg7[%add3A_305, %dma_wait3A_323] : memref<196x128xi32, #tpu.memory_space<vmem>> -> memref<1x128xi32, #tpu.memory_space<vmem>>
      %dma_wait3A_325 = tpu.memref_squeeze %dma_wait3A_324 : memref<1x128xi32, #tpu.memory_space<vmem>> -> memref<128xi32, #tpu.memory_space<vmem>>
      %dma_wait3A_326 = arith.constant 0 : i32
      %dma_wait3A_327 = arith.constant 0 : i32
      %dma_wait3A_328 = tpu.memref_slice %arg2[%dma_wait3A_326, %dma_wait3A_327] : memref<50000x8xf32, #tpu.memory_space<hbm>> -> memref<50000x8xf32, #tpu.memory_space<hbm>>
      tpu.wait_indirect_dma semaphore(%arg22 : memref<!tpu.dma_semaphore, #tpu.memory_space<semaphore_mem>>) src(%dma_wait3A_328 : memref<50000x8xf32, #tpu.memory_space<hbm>>) dst(%arg14 : memref<128x8xf32, #tpu.memory_space<vmem>>)
      %dma_start3A_329 = arith.constant 0 : i32
      %dma_start3A_330 = tpu.memref_slice %arg8[%add3A_305, %dma_start3A_329] : memref<196x128xi32, #tpu.memory_space<vmem>> -> memref<1x128xi32, #tpu.memory_space<vmem>>
      %dma_start3A_331 = tpu.memref_squeeze %dma_start3A_330 : memref<1x128xi32, #tpu.memory_space<vmem>> -> memref<128xi32, #tpu.memory_space<vmem>>
      %dma_start3A_332 = arith.constant 0 : i32
      %dma_start3A_333 = arith.constant 0 : i32
      %dma_start3A_334 = tpu.memref_slice %arg16[%dma_start3A_332, %dma_start3A_333] : memref<52048x8xf32, #tpu.memory_space<vmem_shared>> -> memref<52048x8xf32, #tpu.memory_space<vmem_shared>>
      tpu.enqueue_indirect_dma source(%arg14 : memref<128x8xf32, #tpu.memory_space<vmem>>) target(%dma_start3A_334 : memref<52048x8xf32, #tpu.memory_space<vmem_shared>>) offsets(%dma_start3A_331 : memref<128xi32, #tpu.memory_space<vmem>>) semaphore(%arg29 : memref<!tpu.dma_semaphore, #tpu.memory_space<semaphore_mem>>) {add = true}
      %add3A_335 = arith.constant 6 : i32
      %add3A_336 = arith.addi %mul3A_151, %add3A_335 : i32
      %add3A_337 = arith.constant 7 : i32
      %add3A_338 = arith.addi %add3A_336, %add3A_337 : i32
      %sub3A_339 = arith.constant 1 : i32
      %sub3A_340 = arith.subi %add3A_338, %sub3A_339 : i32
      %lt3A_341 = arith.constant 196 : i32
      %lt3A_342 = arith.cmpi slt, %sub3A_340, %lt3A_341 : i32
      %gt3A_343 = arith.constant 0 : i32
      %gt3A_344 = arith.cmpi sgt, %add3A_336, %gt3A_343 : i32
      %and3A_345 = arith.andi %lt3A_342, %gt3A_344 : i1
      %convert_element_type3A_346 = arith.extui %and3A_345 : i1 to i32
      %cond3A_347 = arith.constant 0 : i32
      %cond3A_348 = arith.cmpi ne, %convert_element_type3A_346, %cond3A_347 : i32
      scf.if %cond3A_348 {
        %sub3A_366 = arith.constant 1 : i32
        %sub3A_367 = arith.subi %add3A_336, %sub3A_366 : i32
        %dma_wait3A_368 = arith.constant 0 : i32
        %dma_wait3A_369 = tpu.memref_slice %arg8[%sub3A_367, %dma_wait3A_368] : memref<196x128xi32, #tpu.memory_space<vmem>> -> memref<1x128xi32, #tpu.memory_space<vmem>>
        %dma_wait3A_370 = tpu.memref_squeeze %dma_wait3A_369 : memref<1x128xi32, #tpu.memory_space<vmem>> -> memref<128xi32, #tpu.memory_space<vmem>>
        %dma_wait3A_371 = arith.constant 0 : i32
        %dma_wait3A_372 = arith.constant 0 : i32
        %dma_wait3A_373 = tpu.memref_slice %arg16[%dma_wait3A_371, %dma_wait3A_372] : memref<52048x8xf32, #tpu.memory_space<vmem_shared>> -> memref<52048x8xf32, #tpu.memory_space<vmem_shared>>
        tpu.wait_indirect_dma semaphore(%arg29 : memref<!tpu.dma_semaphore, #tpu.memory_space<semaphore_mem>>) src(%arg14 : memref<128x8xf32, #tpu.memory_space<vmem>>) dst(%dma_wait3A_373 : memref<52048x8xf32, #tpu.memory_space<vmem_shared>>)
      } else {
      }
      %lt3A_349 = arith.constant 196 : i32
      %lt3A_350 = arith.cmpi slt, %sub3A_340, %lt3A_349 : i32
      %convert_element_type3A_351 = arith.extui %lt3A_350 : i1 to i32
      %cond3A_352 = arith.constant 0 : i32
      %cond3A_353 = arith.cmpi ne, %convert_element_type3A_351, %cond3A_352 : i32
      scf.if %cond3A_353 {
        %dma_start3A_366 = arith.constant 0 : i32
        %dma_start3A_367 = tpu.memref_slice %arg7[%sub3A_340, %dma_start3A_366] : memref<196x128xi32, #tpu.memory_space<vmem>> -> memref<1x128xi32, #tpu.memory_space<vmem>>
        %dma_start3A_368 = tpu.memref_squeeze %dma_start3A_367 : memref<1x128xi32, #tpu.memory_space<vmem>> -> memref<128xi32, #tpu.memory_space<vmem>>
        %dma_start3A_369 = arith.constant 0 : i32
        %dma_start3A_370 = arith.constant 0 : i32
        %dma_start3A_371 = tpu.memref_slice %arg2[%dma_start3A_369, %dma_start3A_370] : memref<50000x8xf32, #tpu.memory_space<hbm>> -> memref<50000x8xf32, #tpu.memory_space<hbm>>
        tpu.enqueue_indirect_dma source(%dma_start3A_371 : memref<50000x8xf32, #tpu.memory_space<hbm>>) target(%arg14 : memref<128x8xf32, #tpu.memory_space<vmem>>) offsets(%dma_start3A_368 : memref<128xi32, #tpu.memory_space<vmem>>) semaphore(%arg22 : memref<!tpu.dma_semaphore, #tpu.memory_space<semaphore_mem>>)
      } else {
      }
      %dma_wait3A_354 = arith.constant 0 : i32
      %dma_wait3A_355 = tpu.memref_slice %arg7[%add3A_336, %dma_wait3A_354] : memref<196x128xi32, #tpu.memory_space<vmem>> -> memref<1x128xi32, #tpu.memory_space<vmem>>
      %dma_wait3A_356 = tpu.memref_squeeze %dma_wait3A_355 : memref<1x128xi32, #tpu.memory_space<vmem>> -> memref<128xi32, #tpu.memory_space<vmem>>
      %dma_wait3A_357 = arith.constant 0 : i32
      %dma_wait3A_358 = arith.constant 0 : i32
      %dma_wait3A_359 = tpu.memref_slice %arg2[%dma_wait3A_357, %dma_wait3A_358] : memref<50000x8xf32, #tpu.memory_space<hbm>> -> memref<50000x8xf32, #tpu.memory_space<hbm>>
      tpu.wait_indirect_dma semaphore(%arg23 : memref<!tpu.dma_semaphore, #tpu.memory_space<semaphore_mem>>) src(%dma_wait3A_359 : memref<50000x8xf32, #tpu.memory_space<hbm>>) dst(%arg15 : memref<128x8xf32, #tpu.memory_space<vmem>>)
      %dma_start3A_360 = arith.constant 0 : i32
      %dma_start3A_361 = tpu.memref_slice %arg8[%add3A_336, %dma_start3A_360] : memref<196x128xi32, #tpu.memory_space<vmem>> -> memref<1x128xi32, #tpu.memory_space<vmem>>
      %dma_start3A_362 = tpu.memref_squeeze %dma_start3A_361 : memref<1x128xi32, #tpu.memory_space<vmem>> -> memref<128xi32, #tpu.memory_space<vmem>>
      %dma_start3A_363 = arith.constant 0 : i32
      %dma_start3A_364 = arith.constant 0 : i32
      %dma_start3A_365 = tpu.memref_slice %arg16[%dma_start3A_363, %dma_start3A_364] : memref<52048x8xf32, #tpu.memory_space<vmem_shared>> -> memref<52048x8xf32, #tpu.memory_space<vmem_shared>>
      tpu.enqueue_indirect_dma source(%arg15 : memref<128x8xf32, #tpu.memory_space<vmem>>) target(%dma_start3A_365 : memref<52048x8xf32, #tpu.memory_space<vmem_shared>>) offsets(%dma_start3A_362 : memref<128xi32, #tpu.memory_space<vmem>>) semaphore(%arg30 : memref<!tpu.dma_semaphore, #tpu.memory_space<semaphore_mem>>) {add = true}
    }
    %scan3A_84 = arith.constant 28 : i32
    %dma_wait3A_85 = arith.constant 189 : i32
    %dma_wait3A_86 = arith.constant 0 : i32
    %dma_wait3A_87 = tpu.memref_slice %arg8[%dma_wait3A_85, %dma_wait3A_86] : memref<196x128xi32, #tpu.memory_space<vmem>> -> memref<1x128xi32, #tpu.memory_space<vmem>>
    %dma_wait3A_88 = tpu.memref_squeeze %dma_wait3A_87 : memref<1x128xi32, #tpu.memory_space<vmem>> -> memref<128xi32, #tpu.memory_space<vmem>>
    %dma_wait3A_89 = arith.constant 0 : i32
    %dma_wait3A_90 = arith.constant 0 : i32
    %dma_wait3A_91 = tpu.memref_slice %arg16[%dma_wait3A_89, %dma_wait3A_90] : memref<52048x8xf32, #tpu.memory_space<vmem_shared>> -> memref<52048x8xf32, #tpu.memory_space<vmem_shared>>
    tpu.wait_indirect_dma semaphore(%arg24 : memref<!tpu.dma_semaphore, #tpu.memory_space<semaphore_mem>>) src(%arg9 : memref<128x8xf32, #tpu.memory_space<vmem>>) dst(%dma_wait3A_91 : memref<52048x8xf32, #tpu.memory_space<vmem_shared>>)
    %dma_wait3A_92 = arith.constant 190 : i32
    %dma_wait3A_93 = arith.constant 0 : i32
    %dma_wait3A_94 = tpu.memref_slice %arg8[%dma_wait3A_92, %dma_wait3A_93] : memref<196x128xi32, #tpu.memory_space<vmem>> -> memref<1x128xi32, #tpu.memory_space<vmem>>
    %dma_wait3A_95 = tpu.memref_squeeze %dma_wait3A_94 : memref<1x128xi32, #tpu.memory_space<vmem>> -> memref<128xi32, #tpu.memory_space<vmem>>
    %dma_wait3A_96 = arith.constant 0 : i32
    %dma_wait3A_97 = arith.constant 0 : i32
    %dma_wait3A_98 = tpu.memref_slice %arg16[%dma_wait3A_96, %dma_wait3A_97] : memref<52048x8xf32, #tpu.memory_space<vmem_shared>> -> memref<52048x8xf32, #tpu.memory_space<vmem_shared>>
    tpu.wait_indirect_dma semaphore(%arg25 : memref<!tpu.dma_semaphore, #tpu.memory_space<semaphore_mem>>) src(%arg10 : memref<128x8xf32, #tpu.memory_space<vmem>>) dst(%dma_wait3A_98 : memref<52048x8xf32, #tpu.memory_space<vmem_shared>>)
    %dma_wait3A_99 = arith.constant 191 : i32
    %dma_wait3A_100 = arith.constant 0 : i32
    %dma_wait3A_101 = tpu.memref_slice %arg8[%dma_wait3A_99, %dma_wait3A_100] : memref<196x128xi32, #tpu.memory_space<vmem>> -> memref<1x128xi32, #tpu.memory_space<vmem>>
    %dma_wait3A_102 = tpu.memref_squeeze %dma_wait3A_101 : memref<1x128xi32, #tpu.memory_space<vmem>> -> memref<128xi32, #tpu.memory_space<vmem>>
    %dma_wait3A_103 = arith.constant 0 : i32
    %dma_wait3A_104 = arith.constant 0 : i32
    %dma_wait3A_105 = tpu.memref_slice %arg16[%dma_wait3A_103, %dma_wait3A_104] : memref<52048x8xf32, #tpu.memory_space<vmem_shared>> -> memref<52048x8xf32, #tpu.memory_space<vmem_shared>>
    tpu.wait_indirect_dma semaphore(%arg26 : memref<!tpu.dma_semaphore, #tpu.memory_space<semaphore_mem>>) src(%arg11 : memref<128x8xf32, #tpu.memory_space<vmem>>) dst(%dma_wait3A_105 : memref<52048x8xf32, #tpu.memory_space<vmem_shared>>)
    %dma_wait3A_106 = arith.constant 192 : i32
    %dma_wait3A_107 = arith.constant 0 : i32
    %dma_wait3A_108 = tpu.memref_slice %arg8[%dma_wait3A_106, %dma_wait3A_107] : memref<196x128xi32, #tpu.memory_space<vmem>> -> memref<1x128xi32, #tpu.memory_space<vmem>>
    %dma_wait3A_109 = tpu.memref_squeeze %dma_wait3A_108 : memref<1x128xi32, #tpu.memory_space<vmem>> -> memref<128xi32, #tpu.memory_space<vmem>>
    %dma_wait3A_110 = arith.constant 0 : i32
    %dma_wait3A_111 = arith.constant 0 : i32
    %dma_wait3A_112 = tpu.memref_slice %arg16[%dma_wait3A_110, %dma_wait3A_111] : memref<52048x8xf32, #tpu.memory_space<vmem_shared>> -> memref<52048x8xf32, #tpu.memory_space<vmem_shared>>
    tpu.wait_indirect_dma semaphore(%arg27 : memref<!tpu.dma_semaphore, #tpu.memory_space<semaphore_mem>>) src(%arg12 : memref<128x8xf32, #tpu.memory_space<vmem>>) dst(%dma_wait3A_112 : memref<52048x8xf32, #tpu.memory_space<vmem_shared>>)
    %dma_wait3A_113 = arith.constant 193 : i32
    %dma_wait3A_114 = arith.constant 0 : i32
    %dma_wait3A_115 = tpu.memref_slice %arg8[%dma_wait3A_113, %dma_wait3A_114] : memref<196x128xi32, #tpu.memory_space<vmem>> -> memref<1x128xi32, #tpu.memory_space<vmem>>
    %dma_wait3A_116 = tpu.memref_squeeze %dma_wait3A_115 : memref<1x128xi32, #tpu.memory_space<vmem>> -> memref<128xi32, #tpu.memory_space<vmem>>
    %dma_wait3A_117 = arith.constant 0 : i32
    %dma_wait3A_118 = arith.constant 0 : i32
    %dma_wait3A_119 = tpu.memref_slice %arg16[%dma_wait3A_117, %dma_wait3A_118] : memref<52048x8xf32, #tpu.memory_space<vmem_shared>> -> memref<52048x8xf32, #tpu.memory_space<vmem_shared>>
    tpu.wait_indirect_dma semaphore(%arg28 : memref<!tpu.dma_semaphore, #tpu.memory_space<semaphore_mem>>) src(%arg13 : memref<128x8xf32, #tpu.memory_space<vmem>>) dst(%dma_wait3A_119 : memref<52048x8xf32, #tpu.memory_space<vmem_shared>>)
    %dma_wait3A_120 = arith.constant 194 : i32
    %dma_wait3A_121 = arith.constant 0 : i32
    %dma_wait3A_122 = tpu.memref_slice %arg8[%dma_wait3A_120, %dma_wait3A_121] : memref<196x128xi32, #tpu.memory_space<vmem>> -> memref<1x128xi32, #tpu.memory_space<vmem>>
    %dma_wait3A_123 = tpu.memref_squeeze %dma_wait3A_122 : memref<1x128xi32, #tpu.memory_space<vmem>> -> memref<128xi32, #tpu.memory_space<vmem>>
    %dma_wait3A_124 = arith.constant 0 : i32
    %dma_wait3A_125 = arith.constant 0 : i32
    %dma_wait3A_126 = tpu.memref_slice %arg16[%dma_wait3A_124, %dma_wait3A_125] : memref<52048x8xf32, #tpu.memory_space<vmem_shared>> -> memref<52048x8xf32, #tpu.memory_space<vmem_shared>>
    tpu.wait_indirect_dma semaphore(%arg29 : memref<!tpu.dma_semaphore, #tpu.memory_space<semaphore_mem>>) src(%arg14 : memref<128x8xf32, #tpu.memory_space<vmem>>) dst(%dma_wait3A_126 : memref<52048x8xf32, #tpu.memory_space<vmem_shared>>)
    %dma_wait3A_127 = arith.constant 195 : i32
    %dma_wait3A_128 = arith.constant 0 : i32
    %dma_wait3A_129 = tpu.memref_slice %arg8[%dma_wait3A_127, %dma_wait3A_128] : memref<196x128xi32, #tpu.memory_space<vmem>> -> memref<1x128xi32, #tpu.memory_space<vmem>>
    %dma_wait3A_130 = tpu.memref_squeeze %dma_wait3A_129 : memref<1x128xi32, #tpu.memory_space<vmem>> -> memref<128xi32, #tpu.memory_space<vmem>>
    %dma_wait3A_131 = arith.constant 0 : i32
    %dma_wait3A_132 = arith.constant 0 : i32
    %dma_wait3A_133 = tpu.memref_slice %arg16[%dma_wait3A_131, %dma_wait3A_132] : memref<52048x8xf32, #tpu.memory_space<vmem_shared>> -> memref<52048x8xf32, #tpu.memory_space<vmem_shared>>
    tpu.wait_indirect_dma semaphore(%arg30 : memref<!tpu.dma_semaphore, #tpu.memory_space<semaphore_mem>>) src(%arg15 : memref<128x8xf32, #tpu.memory_space<vmem>>) dst(%dma_wait3A_133 : memref<52048x8xf32, #tpu.memory_space<vmem_shared>>)
    %barrier3A_134 = arith.constant 0 : index
    tpu.barrier barrier_id(%barrier3A_134)
    %lt3A_135 = arith.constant 15 : i32
    %lt3A_136 = arith.cmpi slt, %arg1, %lt3A_135 : i32
    %convert_element_type3A_137 = arith.extui %lt3A_136 : i1 to i32
    %cond3A_138 = arith.constant 0 : i32
    %cond3A_139 = arith.cmpi ne, %convert_element_type3A_137, %cond3A_138 : i32
    scf.if %cond3A_139 {
      "tpu.region"() ({
        %run_scoped3A = tpu.sem_alloc : memref<!tpu.dma_semaphore, #tpu.memory_space<semaphore_mem>>
        %dma_start3A_145 = arith.constant 0 : i32
        %dma_start3A_146 = tpu.memref_slice %arg6[%arg0, %multiple_of3A, %dma_start3A_145] : memref<2x50000x8xf32, #tpu.memory_space<hbm>> -> memref<1x3128x8xf32, #tpu.memory_space<hbm>>
        %dma_start3A_147 = tpu.memref_squeeze %dma_start3A_146 : memref<1x3128x8xf32, #tpu.memory_space<hbm>> -> memref<3128x8xf32, #tpu.memory_space<hbm>>
        %dma_start3A_148 = arith.constant 0 : i32
        %dma_start3A_149 = tpu.memref_slice %arg16[%multiple_of3A, %dma_start3A_148] : memref<52048x8xf32, #tpu.memory_space<vmem_shared>> -> memref<3128x8xf32, #tpu.memory_space<vmem_shared>>
        tpu.enqueue_dma source(%dma_start3A_149 : memref<3128x8xf32, #tpu.memory_space<vmem_shared>>) target(%dma_start3A_147 : memref<3128x8xf32, #tpu.memory_space<hbm>>) target_semaphore(%run_scoped3A : memref<!tpu.dma_semaphore, #tpu.memory_space<semaphore_mem>>)
        %dma_wait3A_150 = arith.constant 0 : i32
        %dma_wait3A_151 = tpu.memref_slice %arg6[%arg0, %multiple_of3A, %dma_wait3A_150] : memref<2x50000x8xf32, #tpu.memory_space<hbm>> -> memref<1x3128x8xf32, #tpu.memory_space<hbm>>
        %dma_wait3A_152 = tpu.memref_squeeze %dma_wait3A_151 : memref<1x3128x8xf32, #tpu.memory_space<hbm>> -> memref<3128x8xf32, #tpu.memory_space<hbm>>
        %dma_wait3A_153 = arith.constant 0 : i32
        %dma_wait3A_154 = tpu.memref_slice %arg16[%multiple_of3A, %dma_wait3A_153] : memref<52048x8xf32, #tpu.memory_space<vmem_shared>> -> memref<3128x8xf32, #tpu.memory_space<vmem_shared>>
        tpu.wait_dma2 semaphore(%run_scoped3A : memref<!tpu.dma_semaphore, #tpu.memory_space<semaphore_mem>>) src(%dma_wait3A_154 : memref<3128x8xf32, #tpu.memory_space<vmem_shared>>) dst(%dma_wait3A_152 : memref<3128x8xf32, #tpu.memory_space<hbm>>)
        tpu.yield
      }) : () -> ()
    } else {
    }
    %eq3A_140 = arith.constant 15 : i32
    %eq3A_141 = arith.cmpi eq, %arg1, %eq3A_140 : i32
    %convert_element_type3A_142 = arith.extui %eq3A_141 : i1 to i32
    %cond3A_143 = arith.constant 0 : i32
    %cond3A_144 = arith.cmpi ne, %convert_element_type3A_142, %cond3A_143 : i32
    scf.if %cond3A_144 {
      "tpu.region"() ({
        %run_scoped3A = tpu.sem_alloc : memref<!tpu.dma_semaphore, #tpu.memory_space<semaphore_mem>>
        %dma_start3A_145 = arith.constant 0 : i32
        %dma_start3A_146 = tpu.memref_slice %arg6[%arg0, %multiple_of3A, %dma_start3A_145] : memref<2x50000x8xf32, #tpu.memory_space<hbm>> -> memref<1x3080x8xf32, #tpu.memory_space<hbm>>
        %dma_start3A_147 = tpu.memref_squeeze %dma_start3A_146 : memref<1x3080x8xf32, #tpu.memory_space<hbm>> -> memref<3080x8xf32, #tpu.memory_space<hbm>>
        %dma_start3A_148 = arith.constant 0 : i32
        %dma_start3A_149 = tpu.memref_slice %arg16[%multiple_of3A, %dma_start3A_148] : memref<52048x8xf32, #tpu.memory_space<vmem_shared>> -> memref<3080x8xf32, #tpu.memory_space<vmem_shared>>
        tpu.enqueue_dma source(%dma_start3A_149 : memref<3080x8xf32, #tpu.memory_space<vmem_shared>>) target(%dma_start3A_147 : memref<3080x8xf32, #tpu.memory_space<hbm>>) target_semaphore(%run_scoped3A : memref<!tpu.dma_semaphore, #tpu.memory_space<semaphore_mem>>)
        %dma_wait3A_150 = arith.constant 0 : i32
        %dma_wait3A_151 = tpu.memref_slice %arg6[%arg0, %multiple_of3A, %dma_wait3A_150] : memref<2x50000x8xf32, #tpu.memory_space<hbm>> -> memref<1x3080x8xf32, #tpu.memory_space<hbm>>
        %dma_wait3A_152 = tpu.memref_squeeze %dma_wait3A_151 : memref<1x3080x8xf32, #tpu.memory_space<hbm>> -> memref<3080x8xf32, #tpu.memory_space<hbm>>
        %dma_wait3A_153 = arith.constant 0 : i32
        %dma_wait3A_154 = tpu.memref_slice %arg16[%multiple_of3A, %dma_wait3A_153] : memref<52048x8xf32, #tpu.memory_space<vmem_shared>> -> memref<3080x8xf32, #tpu.memory_space<vmem_shared>>
        tpu.wait_dma2 semaphore(%run_scoped3A : memref<!tpu.dma_semaphore, #tpu.memory_space<semaphore_mem>>) src(%dma_wait3A_154 : memref<3080x8xf32, #tpu.memory_space<vmem_shared>>) dst(%dma_wait3A_152 : memref<3080x8xf32, #tpu.memory_space<hbm>>)
        tpu.yield
      }) : () -> ()
    } else {
    }
    return
  }
}

#map = affine_map<(d0, d1) -> (0, 0)>
#map1 = affine_map<(d0, d1) -> (0, 0, 0)>
module attributes {stable_mosaic.version = 14 : i64} {
  func.func @seg(%arg0: i32, %arg1: i32, %arg2: memref<50000x8xf32, #tpu.memory_space<hbm>>, %arg3: memref<32x196x128xi32, #tpu.memory_space<hbm>>, %arg4: memref<32x196x128xi32, #tpu.memory_space<hbm>>, %arg5: memref<50000x8xf32, #tpu.memory_space<hbm>>, %arg6: memref<2x50000x8xf32, #tpu.memory_space<hbm>>, %arg7: memref<196x128xi32, #tpu.memory_space<vmem>>, %arg8: memref<196x128xi32, #tpu.memory_space<vmem>>, %arg9: memref<128x8xf32, #tpu.memory_space<vmem>>, %arg10: memref<128x8xf32, #tpu.memory_space<vmem>>, %arg11: memref<128x8xf32, #tpu.memory_space<vmem>>, %arg12: memref<128x8xf32, #tpu.memory_space<vmem>>, %arg13: memref<128x8xf32, #tpu.memory_space<vmem>>, %arg14: memref<128x8xf32, #tpu.memory_space<vmem>>, %arg15: memref<128x8xf32, #tpu.memory_space<vmem>>, %arg16: memref<52048x8xf32, #tpu.memory_space<vmem_shared>>, %arg17: memref<!tpu.dma_semaphore, #tpu.memory_space<semaphore_mem>>, %arg18: memref<!tpu.dma_semaphore, #tpu.memory_space<semaphore_mem>>, %arg19: memref<!tpu.dma_semaphore, #tpu.memory_space<semaphore_mem>>, %arg20: memref<!tpu.dma_semaphore, #tpu.memory_space<semaphore_mem>>, %arg21: memref<!tpu.dma_semaphore, #tpu.memory_space<semaphore_mem>>, %arg22: memref<!tpu.dma_semaphore, #tpu.memory_space<semaphore_mem>>, %arg23: memref<!tpu.dma_semaphore, #tpu.memory_space<semaphore_mem>>, %arg24: memref<!tpu.dma_semaphore, #tpu.memory_space<semaphore_mem>>, %arg25: memref<!tpu.dma_semaphore, #tpu.memory_space<semaphore_mem>>, %arg26: memref<!tpu.dma_semaphore, #tpu.memory_space<semaphore_mem>>, %arg27: memref<!tpu.dma_semaphore, #tpu.memory_space<semaphore_mem>>, %arg28: memref<!tpu.dma_semaphore, #tpu.memory_space<semaphore_mem>>, %arg29: memref<!tpu.dma_semaphore, #tpu.memory_space<semaphore_mem>>, %arg30: memref<!tpu.dma_semaphore, #tpu.memory_space<semaphore_mem>>) attributes {dimension_semantics = [#tpu.dimension_semantics<core_parallel>, #tpu.dimension_semantics<subcore_parallel>], iteration_bounds = array<i64: 2, 16>, scalar_prefetch = 0 : i64, scratch_operands = 24 : i64, tpu.core_type = #tpu.core_type<sc_vector_subcore>, window_params = [{transform_indices = #map}, {transform_indices = #map1}, {transform_indices = #map1}, {transform_indices = #map}, {transform_indices = #map1}]} {
    %mul3A = arith.constant 2 : i32
    %mul3A_0 = arith.muli %arg1, %mul3A : i32
    %add3A = arith.addi %mul3A_0, %arg0 : i32
    %mul3A_1 = arith.constant 3128 : i32
    %mul3A_2 = arith.muli %arg1, %mul3A_1 : i32
    %multiple_of3A = tpu.assume_multiple %mul3A_2, 8 : i32
    %dma_start3A = arith.constant 0 : i32
    %dma_start3A_3 = arith.constant 0 : i32
    %dma_start3A_4 = tpu.memref_slice %arg3[%add3A, %dma_start3A, %dma_start3A_3] : memref<32x196x128xi32, #tpu.memory_space<hbm>> -> memref<1x196x128xi32, #tpu.memory_space<hbm>>
    %dma_start3A_5 = tpu.memref_squeeze %dma_start3A_4 : memref<1x196x128xi32, #tpu.memory_space<hbm>> -> memref<196x128xi32, #tpu.memory_space<hbm>>
    %dma_start3A_6 = arith.constant 0 : i32
    %dma_start3A_7 = arith.constant 0 : i32
    %dma_start3A_8 = tpu.memref_slice %arg3[%add3A, %dma_start3A_6, %dma_start3A_7] : memref<32x196x128xi32, #tpu.memory_space<hbm>> -> memref<1x196x128xi32, #tpu.memory_space<hbm>>
    %dma_start3A_9 = tpu.memref_squeeze %dma_start3A_8 : memref<1x196x128xi32, #tpu.memory_space<hbm>> -> memref<196x128xi32, #tpu.memory_space<hbm>>
    tpu.enqueue_dma source(%dma_start3A_9 : memref<196x128xi32, #tpu.memory_space<hbm>>) target(%arg7 : memref<196x128xi32, #tpu.memory_space<vmem>>) target_semaphore(%arg17 : memref<!tpu.dma_semaphore, #tpu.memory_space<semaphore_mem>>)
    %dma_start3A_10 = arith.constant 0 : i32
    %dma_start3A_11 = arith.constant 0 : i32
    %dma_start3A_12 = tpu.memref_slice %arg4[%add3A, %dma_start3A_10, %dma_start3A_11] : memref<32x196x128xi32, #tpu.memory_space<hbm>> -> memref<1x196x128xi32, #tpu.memory_space<hbm>>
    %dma_start3A_13 = tpu.memref_squeeze %dma_start3A_12 : memref<1x196x128xi32, #tpu.memory_space<hbm>> -> memref<196x128xi32, #tpu.memory_space<hbm>>
    %dma_start3A_14 = arith.constant 0 : i32
    %dma_start3A_15 = arith.constant 0 : i32
    %dma_start3A_16 = tpu.memref_slice %arg4[%add3A, %dma_start3A_14, %dma_start3A_15] : memref<32x196x128xi32, #tpu.memory_space<hbm>> -> memref<1x196x128xi32, #tpu.memory_space<hbm>>
    %dma_start3A_17 = tpu.memref_squeeze %dma_start3A_16 : memref<1x196x128xi32, #tpu.memory_space<hbm>> -> memref<196x128xi32, #tpu.memory_space<hbm>>
    tpu.enqueue_dma source(%dma_start3A_17 : memref<196x128xi32, #tpu.memory_space<hbm>>) target(%arg8 : memref<196x128xi32, #tpu.memory_space<vmem>>) target_semaphore(%arg18 : memref<!tpu.dma_semaphore, #tpu.memory_space<semaphore_mem>>)
    %lt3A = arith.constant 15 : i32
    %lt3A_18 = arith.cmpi slt, %arg1, %lt3A : i32
    %convert_element_type3A = arith.extui %lt3A_18 : i1 to i32
    %cond3A = arith.constant 0 : i32
    %cond3A_19 = arith.cmpi ne, %convert_element_type3A, %cond3A : i32
    scf.if %cond3A_19 {
      %eq3A_145 = arith.constant 0 : i32
      %eq3A_146 = arith.cmpi eq, %arg0, %eq3A_145 : i32
      %convert_element_type3A_147 = arith.extui %eq3A_146 : i1 to i32
      %cond3A_148 = arith.constant 0 : i32
      %cond3A_149 = arith.cmpi ne, %convert_element_type3A_147, %cond3A_148 : i32
      scf.if %cond3A_149 {
        "tpu.region"() ({
          %run_scoped3A = tpu.sem_alloc : memref<!tpu.dma_semaphore, #tpu.memory_space<semaphore_mem>>
          %dma_start3A_154 = arith.constant 0 : i32
          %dma_start3A_155 = tpu.memref_slice %arg16[%multiple_of3A, %dma_start3A_154] : memref<52048x8xf32, #tpu.memory_space<vmem_shared>> -> memref<3128x8xf32, #tpu.memory_space<vmem_shared>>
          %dma_start3A_156 = arith.constant 0 : i32
          %dma_start3A_157 = tpu.memref_slice %arg2[%multiple_of3A, %dma_start3A_156] : memref<50000x8xf32, #tpu.memory_space<hbm>> -> memref<3128x8xf32, #tpu.memory_space<hbm>>
          tpu.enqueue_dma source(%dma_start3A_157 : memref<3128x8xf32, #tpu.memory_space<hbm>>) target(%dma_start3A_155 : memref<3128x8xf32, #tpu.memory_space<vmem_shared>>) target_semaphore(%run_scoped3A : memref<!tpu.dma_semaphore, #tpu.memory_space<semaphore_mem>>)
          %dma_wait3A_158 = arith.constant 0 : i32
          %dma_wait3A_159 = tpu.memref_slice %arg16[%multiple_of3A, %dma_wait3A_158] : memref<52048x8xf32, #tpu.memory_space<vmem_shared>> -> memref<3128x8xf32, #tpu.memory_space<vmem_shared>>
          %dma_wait3A_160 = arith.constant 0 : i32
          %dma_wait3A_161 = tpu.memref_slice %arg2[%multiple_of3A, %dma_wait3A_160] : memref<50000x8xf32, #tpu.memory_space<hbm>> -> memref<3128x8xf32, #tpu.memory_space<hbm>>
          tpu.wait_dma2 semaphore(%run_scoped3A : memref<!tpu.dma_semaphore, #tpu.memory_space<semaphore_mem>>) src(%dma_wait3A_161 : memref<3128x8xf32, #tpu.memory_space<hbm>>) dst(%dma_wait3A_159 : memref<3128x8xf32, #tpu.memory_space<vmem_shared>>)
          tpu.yield
        }) : () -> ()
      } else {
      }
      %ne3A = arith.constant 0 : i32
      %ne3A_150 = arith.cmpi ne, %arg0, %ne3A : i32
      %convert_element_type3A_151 = arith.extui %ne3A_150 : i1 to i32
      %cond3A_152 = arith.constant 0 : i32
      %cond3A_153 = arith.cmpi ne, %convert_element_type3A_151, %cond3A_152 : i32
      scf.if %cond3A_153 {
        "tpu.region"() ({
          %run_scoped3A = tpu.sem_alloc : memref<!tpu.dma_semaphore, #tpu.memory_space<semaphore_mem>>
          %dma_start3A_154 = arith.constant 0 : i32
          %dma_start3A_155 = tpu.memref_slice %arg16[%multiple_of3A, %dma_start3A_154] : memref<52048x8xf32, #tpu.memory_space<vmem_shared>> -> memref<3128x8xf32, #tpu.memory_space<vmem_shared>>
          %dma_start3A_156 = arith.constant 0 : i32
          %dma_start3A_157 = tpu.memref_slice %arg5[%multiple_of3A, %dma_start3A_156] : memref<50000x8xf32, #tpu.memory_space<hbm>> -> memref<3128x8xf32, #tpu.memory_space<hbm>>
          tpu.enqueue_dma source(%dma_start3A_157 : memref<3128x8xf32, #tpu.memory_space<hbm>>) target(%dma_start3A_155 : memref<3128x8xf32, #tpu.memory_space<vmem_shared>>) target_semaphore(%run_scoped3A : memref<!tpu.dma_semaphore, #tpu.memory_space<semaphore_mem>>)
          %dma_wait3A_158 = arith.constant 0 : i32
          %dma_wait3A_159 = tpu.memref_slice %arg16[%multiple_of3A, %dma_wait3A_158] : memref<52048x8xf32, #tpu.memory_space<vmem_shared>> -> memref<3128x8xf32, #tpu.memory_space<vmem_shared>>
          %dma_wait3A_160 = arith.constant 0 : i32
          %dma_wait3A_161 = tpu.memref_slice %arg5[%multiple_of3A, %dma_wait3A_160] : memref<50000x8xf32, #tpu.memory_space<hbm>> -> memref<3128x8xf32, #tpu.memory_space<hbm>>
          tpu.wait_dma2 semaphore(%run_scoped3A : memref<!tpu.dma_semaphore, #tpu.memory_space<semaphore_mem>>) src(%dma_wait3A_161 : memref<3128x8xf32, #tpu.memory_space<hbm>>) dst(%dma_wait3A_159 : memref<3128x8xf32, #tpu.memory_space<vmem_shared>>)
          tpu.yield
        }) : () -> ()
      } else {
      }
    } else {
    }
    %eq3A = arith.constant 15 : i32
    %eq3A_20 = arith.cmpi eq, %arg1, %eq3A : i32
    %convert_element_type3A_21 = arith.extui %eq3A_20 : i1 to i32
    %cond3A_22 = arith.constant 0 : i32
    %cond3A_23 = arith.cmpi ne, %convert_element_type3A_21, %cond3A_22 : i32
    scf.if %cond3A_23 {
      %eq3A_145 = arith.constant 0 : i32
      %eq3A_146 = arith.cmpi eq, %arg0, %eq3A_145 : i32
      %convert_element_type3A_147 = arith.extui %eq3A_146 : i1 to i32
      %cond3A_148 = arith.constant 0 : i32
      %cond3A_149 = arith.cmpi ne, %convert_element_type3A_147, %cond3A_148 : i32
      scf.if %cond3A_149 {
        "tpu.region"() ({
          %run_scoped3A = tpu.sem_alloc : memref<!tpu.dma_semaphore, #tpu.memory_space<semaphore_mem>>
          %dma_start3A_154 = arith.constant 0 : i32
          %dma_start3A_155 = tpu.memref_slice %arg16[%multiple_of3A, %dma_start3A_154] : memref<52048x8xf32, #tpu.memory_space<vmem_shared>> -> memref<3080x8xf32, #tpu.memory_space<vmem_shared>>
          %dma_start3A_156 = arith.constant 0 : i32
          %dma_start3A_157 = tpu.memref_slice %arg2[%multiple_of3A, %dma_start3A_156] : memref<50000x8xf32, #tpu.memory_space<hbm>> -> memref<3080x8xf32, #tpu.memory_space<hbm>>
          tpu.enqueue_dma source(%dma_start3A_157 : memref<3080x8xf32, #tpu.memory_space<hbm>>) target(%dma_start3A_155 : memref<3080x8xf32, #tpu.memory_space<vmem_shared>>) target_semaphore(%run_scoped3A : memref<!tpu.dma_semaphore, #tpu.memory_space<semaphore_mem>>)
          %dma_wait3A_158 = arith.constant 0 : i32
          %dma_wait3A_159 = tpu.memref_slice %arg16[%multiple_of3A, %dma_wait3A_158] : memref<52048x8xf32, #tpu.memory_space<vmem_shared>> -> memref<3080x8xf32, #tpu.memory_space<vmem_shared>>
          %dma_wait3A_160 = arith.constant 0 : i32
          %dma_wait3A_161 = tpu.memref_slice %arg2[%multiple_of3A, %dma_wait3A_160] : memref<50000x8xf32, #tpu.memory_space<hbm>> -> memref<3080x8xf32, #tpu.memory_space<hbm>>
          tpu.wait_dma2 semaphore(%run_scoped3A : memref<!tpu.dma_semaphore, #tpu.memory_space<semaphore_mem>>) src(%dma_wait3A_161 : memref<3080x8xf32, #tpu.memory_space<hbm>>) dst(%dma_wait3A_159 : memref<3080x8xf32, #tpu.memory_space<vmem_shared>>)
          tpu.yield
        }) : () -> ()
      } else {
      }
      %ne3A = arith.constant 0 : i32
      %ne3A_150 = arith.cmpi ne, %arg0, %ne3A : i32
      %convert_element_type3A_151 = arith.extui %ne3A_150 : i1 to i32
      %cond3A_152 = arith.constant 0 : i32
      %cond3A_153 = arith.cmpi ne, %convert_element_type3A_151, %cond3A_152 : i32
      scf.if %cond3A_153 {
        "tpu.region"() ({
          %run_scoped3A = tpu.sem_alloc : memref<!tpu.dma_semaphore, #tpu.memory_space<semaphore_mem>>
          %dma_start3A_154 = arith.constant 0 : i32
          %dma_start3A_155 = tpu.memref_slice %arg16[%multiple_of3A, %dma_start3A_154] : memref<52048x8xf32, #tpu.memory_space<vmem_shared>> -> memref<3080x8xf32, #tpu.memory_space<vmem_shared>>
          %dma_start3A_156 = arith.constant 0 : i32
          %dma_start3A_157 = tpu.memref_slice %arg5[%multiple_of3A, %dma_start3A_156] : memref<50000x8xf32, #tpu.memory_space<hbm>> -> memref<3080x8xf32, #tpu.memory_space<hbm>>
          tpu.enqueue_dma source(%dma_start3A_157 : memref<3080x8xf32, #tpu.memory_space<hbm>>) target(%dma_start3A_155 : memref<3080x8xf32, #tpu.memory_space<vmem_shared>>) target_semaphore(%run_scoped3A : memref<!tpu.dma_semaphore, #tpu.memory_space<semaphore_mem>>)
          %dma_wait3A_158 = arith.constant 0 : i32
          %dma_wait3A_159 = tpu.memref_slice %arg16[%multiple_of3A, %dma_wait3A_158] : memref<52048x8xf32, #tpu.memory_space<vmem_shared>> -> memref<3080x8xf32, #tpu.memory_space<vmem_shared>>
          %dma_wait3A_160 = arith.constant 0 : i32
          %dma_wait3A_161 = tpu.memref_slice %arg5[%multiple_of3A, %dma_wait3A_160] : memref<50000x8xf32, #tpu.memory_space<hbm>> -> memref<3080x8xf32, #tpu.memory_space<hbm>>
          tpu.wait_dma2 semaphore(%run_scoped3A : memref<!tpu.dma_semaphore, #tpu.memory_space<semaphore_mem>>) src(%dma_wait3A_161 : memref<3080x8xf32, #tpu.memory_space<hbm>>) dst(%dma_wait3A_159 : memref<3080x8xf32, #tpu.memory_space<vmem_shared>>)
          tpu.yield
        }) : () -> ()
      } else {
      }
    } else {
    }
    %dma_wait3A = arith.constant 0 : i32
    %dma_wait3A_24 = arith.constant 0 : i32
    %dma_wait3A_25 = tpu.memref_slice %arg3[%add3A, %dma_wait3A, %dma_wait3A_24] : memref<32x196x128xi32, #tpu.memory_space<hbm>> -> memref<1x196x128xi32, #tpu.memory_space<hbm>>
    %dma_wait3A_26 = tpu.memref_squeeze %dma_wait3A_25 : memref<1x196x128xi32, #tpu.memory_space<hbm>> -> memref<196x128xi32, #tpu.memory_space<hbm>>
    %dma_wait3A_27 = arith.constant 0 : i32
    %dma_wait3A_28 = arith.constant 0 : i32
    %dma_wait3A_29 = tpu.memref_slice %arg3[%add3A, %dma_wait3A_27, %dma_wait3A_28] : memref<32x196x128xi32, #tpu.memory_space<hbm>> -> memref<1x196x128xi32, #tpu.memory_space<hbm>>
    %dma_wait3A_30 = tpu.memref_squeeze %dma_wait3A_29 : memref<1x196x128xi32, #tpu.memory_space<hbm>> -> memref<196x128xi32, #tpu.memory_space<hbm>>
    tpu.wait_dma2 semaphore(%arg17 : memref<!tpu.dma_semaphore, #tpu.memory_space<semaphore_mem>>) src(%dma_wait3A_30 : memref<196x128xi32, #tpu.memory_space<hbm>>) dst(%arg7 : memref<196x128xi32, #tpu.memory_space<vmem>>)
    %dma_wait3A_31 = arith.constant 0 : i32
    %dma_wait3A_32 = arith.constant 0 : i32
    %dma_wait3A_33 = tpu.memref_slice %arg4[%add3A, %dma_wait3A_31, %dma_wait3A_32] : memref<32x196x128xi32, #tpu.memory_space<hbm>> -> memref<1x196x128xi32, #tpu.memory_space<hbm>>
    %dma_wait3A_34 = tpu.memref_squeeze %dma_wait3A_33 : memref<1x196x128xi32, #tpu.memory_space<hbm>> -> memref<196x128xi32, #tpu.memory_space<hbm>>
    %dma_wait3A_35 = arith.constant 0 : i32
    %dma_wait3A_36 = arith.constant 0 : i32
    %dma_wait3A_37 = tpu.memref_slice %arg4[%add3A, %dma_wait3A_35, %dma_wait3A_36] : memref<32x196x128xi32, #tpu.memory_space<hbm>> -> memref<1x196x128xi32, #tpu.memory_space<hbm>>
    %dma_wait3A_38 = tpu.memref_squeeze %dma_wait3A_37 : memref<1x196x128xi32, #tpu.memory_space<hbm>> -> memref<196x128xi32, #tpu.memory_space<hbm>>
    tpu.wait_dma2 semaphore(%arg18 : memref<!tpu.dma_semaphore, #tpu.memory_space<semaphore_mem>>) src(%dma_wait3A_38 : memref<196x128xi32, #tpu.memory_space<hbm>>) dst(%arg8 : memref<196x128xi32, #tpu.memory_space<vmem>>)
    %barrier3A = arith.constant 0 : index
    tpu.barrier barrier_id(%barrier3A)
    %dma_start3A_39 = arith.constant 0 : i32
    %dma_start3A_40 = arith.constant 0 : i32
    %dma_start3A_41 = tpu.memref_slice %arg7[%dma_start3A_39, %dma_start3A_40] : memref<196x128xi32, #tpu.memory_space<vmem>> -> memref<1x128xi32, #tpu.memory_space<vmem>>
    %dma_start3A_42 = tpu.memref_squeeze %dma_start3A_41 : memref<1x128xi32, #tpu.memory_space<vmem>> -> memref<128xi32, #tpu.memory_space<vmem>>
    %dma_start3A_43 = arith.constant 0 : i32
    %dma_start3A_44 = arith.constant 0 : i32
    %dma_start3A_45 = tpu.memref_slice %arg2[%dma_start3A_43, %dma_start3A_44] : memref<50000x8xf32, #tpu.memory_space<hbm>> -> memref<50000x8xf32, #tpu.memory_space<hbm>>
    tpu.enqueue_indirect_dma source(%dma_start3A_45 : memref<50000x8xf32, #tpu.memory_space<hbm>>) target(%arg9 : memref<128x8xf32, #tpu.memory_space<vmem>>) offsets(%dma_start3A_42 : memref<128xi32, #tpu.memory_space<vmem>>) semaphore(%arg17 : memref<!tpu.dma_semaphore, #tpu.memory_space<semaphore_mem>>)
    %dma_start3A_46 = arith.constant 1 : i32
    %dma_start3A_47 = arith.constant 0 : i32
    %dma_start3A_48 = tpu.memref_slice %arg7[%dma_start3A_46, %dma_start3A_47] : memref<196x128xi32, #tpu.memory_space<vmem>> -> memref<1x128xi32, #tpu.memory_space<vmem>>
    %dma_start3A_49 = tpu.memref_squeeze %dma_start3A_48 : memref<1x128xi32, #tpu.memory_space<vmem>> -> memref<128xi32, #tpu.memory_space<vmem>>
    %dma_start3A_50 = arith.constant 0 : i32
    %dma_start3A_51 = arith.constant 0 : i32
    %dma_start3A_52 = tpu.memref_slice %arg2[%dma_start3A_50, %dma_start3A_51] : memref<50000x8xf32, #tpu.memory_space<hbm>> -> memref<50000x8xf32, #tpu.memory_space<hbm>>
    tpu.enqueue_indirect_dma source(%dma_start3A_52 : memref<50000x8xf32, #tpu.memory_space<hbm>>) target(%arg10 : memref<128x8xf32, #tpu.memory_space<vmem>>) offsets(%dma_start3A_49 : memref<128xi32, #tpu.memory_space<vmem>>) semaphore(%arg18 : memref<!tpu.dma_semaphore, #tpu.memory_space<semaphore_mem>>)
    %dma_start3A_53 = arith.constant 2 : i32
    %dma_start3A_54 = arith.constant 0 : i32
    %dma_start3A_55 = tpu.memref_slice %arg7[%dma_start3A_53, %dma_start3A_54] : memref<196x128xi32, #tpu.memory_space<vmem>> -> memref<1x128xi32, #tpu.memory_space<vmem>>
    %dma_start3A_56 = tpu.memref_squeeze %dma_start3A_55 : memref<1x128xi32, #tpu.memory_space<vmem>> -> memref<128xi32, #tpu.memory_space<vmem>>
    %dma_start3A_57 = arith.constant 0 : i32
    %dma_start3A_58 = arith.constant 0 : i32
    %dma_start3A_59 = tpu.memref_slice %arg2[%dma_start3A_57, %dma_start3A_58] : memref<50000x8xf32, #tpu.memory_space<hbm>> -> memref<50000x8xf32, #tpu.memory_space<hbm>>
    tpu.enqueue_indirect_dma source(%dma_start3A_59 : memref<50000x8xf32, #tpu.memory_space<hbm>>) target(%arg11 : memref<128x8xf32, #tpu.memory_space<vmem>>) offsets(%dma_start3A_56 : memref<128xi32, #tpu.memory_space<vmem>>) semaphore(%arg19 : memref<!tpu.dma_semaphore, #tpu.memory_space<semaphore_mem>>)
    %dma_start3A_60 = arith.constant 3 : i32
    %dma_start3A_61 = arith.constant 0 : i32
    %dma_start3A_62 = tpu.memref_slice %arg7[%dma_start3A_60, %dma_start3A_61] : memref<196x128xi32, #tpu.memory_space<vmem>> -> memref<1x128xi32, #tpu.memory_space<vmem>>
    %dma_start3A_63 = tpu.memref_squeeze %dma_start3A_62 : memref<1x128xi32, #tpu.memory_space<vmem>> -> memref<128xi32, #tpu.memory_space<vmem>>
    %dma_start3A_64 = arith.constant 0 : i32
    %dma_start3A_65 = arith.constant 0 : i32
    %dma_start3A_66 = tpu.memref_slice %arg2[%dma_start3A_64, %dma_start3A_65] : memref<50000x8xf32, #tpu.memory_space<hbm>> -> memref<50000x8xf32, #tpu.memory_space<hbm>>
    tpu.enqueue_indirect_dma source(%dma_start3A_66 : memref<50000x8xf32, #tpu.memory_space<hbm>>) target(%arg12 : memref<128x8xf32, #tpu.memory_space<vmem>>) offsets(%dma_start3A_63 : memref<128xi32, #tpu.memory_space<vmem>>) semaphore(%arg20 : memref<!tpu.dma_semaphore, #tpu.memory_space<semaphore_mem>>)
    %dma_start3A_67 = arith.constant 4 : i32
    %dma_start3A_68 = arith.constant 0 : i32
    %dma_start3A_69 = tpu.memref_slice %arg7[%dma_start3A_67, %dma_start3A_68] : memref<196x128xi32, #tpu.memory_space<vmem>> -> memref<1x128xi32, #tpu.memory_space<vmem>>
    %dma_start3A_70 = tpu.memref_squeeze %dma_start3A_69 : memref<1x128xi32, #tpu.memory_space<vmem>> -> memref<128xi32, #tpu.memory_space<vmem>>
    %dma_start3A_71 = arith.constant 0 : i32
    %dma_start3A_72 = arith.constant 0 : i32
    %dma_start3A_73 = tpu.memref_slice %arg2[%dma_start3A_71, %dma_start3A_72] : memref<50000x8xf32, #tpu.memory_space<hbm>> -> memref<50000x8xf32, #tpu.memory_space<hbm>>
    tpu.enqueue_indirect_dma source(%dma_start3A_73 : memref<50000x8xf32, #tpu.memory_space<hbm>>) target(%arg13 : memref<128x8xf32, #tpu.memory_space<vmem>>) offsets(%dma_start3A_70 : memref<128xi32, #tpu.memory_space<vmem>>) semaphore(%arg21 : memref<!tpu.dma_semaphore, #tpu.memory_space<semaphore_mem>>)
    %dma_start3A_74 = arith.constant 5 : i32
    %dma_start3A_75 = arith.constant 0 : i32
    %dma_start3A_76 = tpu.memref_slice %arg7[%dma_start3A_74, %dma_start3A_75] : memref<196x128xi32, #tpu.memory_space<vmem>> -> memref<1x128xi32, #tpu.memory_space<vmem>>
    %dma_start3A_77 = tpu.memref_squeeze %dma_start3A_76 : memref<1x128xi32, #tpu.memory_space<vmem>> -> memref<128xi32, #tpu.memory_space<vmem>>
    %dma_start3A_78 = arith.constant 0 : i32
    %dma_start3A_79 = arith.constant 0 : i32
    %dma_start3A_80 = tpu.memref_slice %arg2[%dma_start3A_78, %dma_start3A_79] : memref<50000x8xf32, #tpu.memory_space<hbm>> -> memref<50000x8xf32, #tpu.memory_space<hbm>>
    tpu.enqueue_indirect_dma source(%dma_start3A_80 : memref<50000x8xf32, #tpu.memory_space<hbm>>) target(%arg14 : memref<128x8xf32, #tpu.memory_space<vmem>>) offsets(%dma_start3A_77 : memref<128xi32, #tpu.memory_space<vmem>>) semaphore(%arg22 : memref<!tpu.dma_semaphore, #tpu.memory_space<semaphore_mem>>)
    %scan3A = arith.constant 0 : i32
    %scan3A_81 = arith.constant 28 : i32
    %scan3A_82 = arith.addi %scan3A, %scan3A_81 : i32
    %scan3A_83 = arith.constant 1 : i32
    scf.for %scan3A_145 = %scan3A to %scan3A_82 step %scan3A_83  : i32 {
      %mul3A_146 = arith.constant 1 : i32
      %mul3A_147 = arith.muli %scan3A_145, %mul3A_146 : i32
      %add3A_148 = arith.constant 0 : i32
      %add3A_149 = arith.addi %add3A_148, %mul3A_147 : i32
      %mul3A_150 = arith.constant 7 : i32
      %mul3A_151 = arith.muli %add3A_149, %mul3A_150 : i32
      %add3A_152 = arith.constant 0 : i32
      %add3A_153 = arith.addi %mul3A_151, %add3A_152 : i32
      %add3A_154 = arith.constant 7 : i32
      %add3A_155 = arith.addi %add3A_153, %add3A_154 : i32
      %sub3A = arith.constant 1 : i32
      %sub3A_156 = arith.subi %add3A_155, %sub3A : i32
      %lt3A_157 = arith.constant 196 : i32
      %lt3A_158 = arith.cmpi slt, %sub3A_156, %lt3A_157 : i32
      %gt3A = arith.constant 0 : i32
      %gt3A_159 = arith.cmpi sgt, %add3A_153, %gt3A : i32
      %and3A = arith.andi %lt3A_158, %gt3A_159 : i1
      %convert_element_type3A_160 = arith.extui %and3A : i1 to i32
      %cond3A_161 = arith.constant 0 : i32
      %cond3A_162 = arith.cmpi ne, %convert_element_type3A_160, %cond3A_161 : i32
      scf.if %cond3A_162 {
        %sub3A_366 = arith.constant 1 : i32
        %sub3A_367 = arith.subi %add3A_153, %sub3A_366 : i32
        %dma_wait3A_368 = arith.constant 0 : i32
        %dma_wait3A_369 = tpu.memref_slice %arg8[%sub3A_367, %dma_wait3A_368] : memref<196x128xi32, #tpu.memory_space<vmem>> -> memref<1x128xi32, #tpu.memory_space<vmem>>
        %dma_wait3A_370 = tpu.memref_squeeze %dma_wait3A_369 : memref<1x128xi32, #tpu.memory_space<vmem>> -> memref<128xi32, #tpu.memory_space<vmem>>
        %dma_wait3A_371 = arith.constant 0 : i32
        %dma_wait3A_372 = arith.constant 0 : i32
        %dma_wait3A_373 = tpu.memref_slice %arg16[%dma_wait3A_371, %dma_wait3A_372] : memref<52048x8xf32, #tpu.memory_space<vmem_shared>> -> memref<52048x8xf32, #tpu.memory_space<vmem_shared>>
        tpu.wait_indirect_dma semaphore(%arg30 : memref<!tpu.dma_semaphore, #tpu.memory_space<semaphore_mem>>) src(%arg15 : memref<128x8xf32, #tpu.memory_space<vmem>>) dst(%dma_wait3A_373 : memref<52048x8xf32, #tpu.memory_space<vmem_shared>>)
      } else {
      }
      %lt3A_163 = arith.constant 196 : i32
      %lt3A_164 = arith.cmpi slt, %sub3A_156, %lt3A_163 : i32
      %convert_element_type3A_165 = arith.extui %lt3A_164 : i1 to i32
      %cond3A_166 = arith.constant 0 : i32
      %cond3A_167 = arith.cmpi ne, %convert_element_type3A_165, %cond3A_166 : i32
      scf.if %cond3A_167 {
        %dma_start3A_366 = arith.constant 0 : i32
        %dma_start3A_367 = tpu.memref_slice %arg7[%sub3A_156, %dma_start3A_366] : memref<196x128xi32, #tpu.memory_space<vmem>> -> memref<1x128xi32, #tpu.memory_space<vmem>>
        %dma_start3A_368 = tpu.memref_squeeze %dma_start3A_367 : memref<1x128xi32, #tpu.memory_space<vmem>> -> memref<128xi32, #tpu.memory_space<vmem>>
        %dma_start3A_369 = arith.constant 0 : i32
        %dma_start3A_370 = arith.constant 0 : i32
        %dma_start3A_371 = tpu.memref_slice %arg2[%dma_start3A_369, %dma_start3A_370] : memref<50000x8xf32, #tpu.memory_space<hbm>> -> memref<50000x8xf32, #tpu.memory_space<hbm>>
        tpu.enqueue_indirect_dma source(%dma_start3A_371 : memref<50000x8xf32, #tpu.memory_space<hbm>>) target(%arg15 : memref<128x8xf32, #tpu.memory_space<vmem>>) offsets(%dma_start3A_368 : memref<128xi32, #tpu.memory_space<vmem>>) semaphore(%arg23 : memref<!tpu.dma_semaphore, #tpu.memory_space<semaphore_mem>>)
      } else {
      }
      %dma_wait3A_168 = arith.constant 0 : i32
      %dma_wait3A_169 = tpu.memref_slice %arg7[%add3A_153, %dma_wait3A_168] : memref<196x128xi32, #tpu.memory_space<vmem>> -> memref<1x128xi32, #tpu.memory_space<vmem>>
      %dma_wait3A_170 = tpu.memref_squeeze %dma_wait3A_169 : memref<1x128xi32, #tpu.memory_space<vmem>> -> memref<128xi32, #tpu.memory_space<vmem>>
      %dma_wait3A_171 = arith.constant 0 : i32
      %dma_wait3A_172 = arith.constant 0 : i32
      %dma_wait3A_173 = tpu.memref_slice %arg2[%dma_wait3A_171, %dma_wait3A_172] : memref<50000x8xf32, #tpu.memory_space<hbm>> -> memref<50000x8xf32, #tpu.memory_space<hbm>>
      tpu.wait_indirect_dma semaphore(%arg17 : memref<!tpu.dma_semaphore, #tpu.memory_space<semaphore_mem>>) src(%dma_wait3A_173 : memref<50000x8xf32, #tpu.memory_space<hbm>>) dst(%arg9 : memref<128x8xf32, #tpu.memory_space<vmem>>)
      %dma_start3A_174 = arith.constant 0 : i32
      %dma_start3A_175 = tpu.memref_slice %arg8[%add3A_153, %dma_start3A_174] : memref<196x128xi32, #tpu.memory_space<vmem>> -> memref<1x128xi32, #tpu.memory_space<vmem>>
      %dma_start3A_176 = tpu.memref_squeeze %dma_start3A_175 : memref<1x128xi32, #tpu.memory_space<vmem>> -> memref<128xi32, #tpu.memory_space<vmem>>
      %dma_start3A_177 = arith.constant 0 : i32
      %dma_start3A_178 = arith.constant 0 : i32
      %dma_start3A_179 = tpu.memref_slice %arg16[%dma_start3A_177, %dma_start3A_178] : memref<52048x8xf32, #tpu.memory_space<vmem_shared>> -> memref<52048x8xf32, #tpu.memory_space<vmem_shared>>
      tpu.enqueue_indirect_dma source(%arg9 : memref<128x8xf32, #tpu.memory_space<vmem>>) target(%dma_start3A_179 : memref<52048x8xf32, #tpu.memory_space<vmem_shared>>) offsets(%dma_start3A_176 : memref<128xi32, #tpu.memory_space<vmem>>) semaphore(%arg24 : memref<!tpu.dma_semaphore, #tpu.memory_space<semaphore_mem>>) {add = true}
      %add3A_180 = arith.constant 1 : i32
      %add3A_181 = arith.addi %mul3A_151, %add3A_180 : i32
      %add3A_182 = arith.constant 7 : i32
      %add3A_183 = arith.addi %add3A_181, %add3A_182 : i32
      %sub3A_184 = arith.constant 1 : i32
      %sub3A_185 = arith.subi %add3A_183, %sub3A_184 : i32
      %lt3A_186 = arith.constant 196 : i32
      %lt3A_187 = arith.cmpi slt, %sub3A_185, %lt3A_186 : i32
      %gt3A_188 = arith.constant 0 : i32
      %gt3A_189 = arith.cmpi sgt, %add3A_181, %gt3A_188 : i32
      %and3A_190 = arith.andi %lt3A_187, %gt3A_189 : i1
      %convert_element_type3A_191 = arith.extui %and3A_190 : i1 to i32
      %cond3A_192 = arith.constant 0 : i32
      %cond3A_193 = arith.cmpi ne, %convert_element_type3A_191, %cond3A_192 : i32
      scf.if %cond3A_193 {
        %sub3A_366 = arith.constant 1 : i32
        %sub3A_367 = arith.subi %add3A_181, %sub3A_366 : i32
        %dma_wait3A_368 = arith.constant 0 : i32
        %dma_wait3A_369 = tpu.memref_slice %arg8[%sub3A_367, %dma_wait3A_368] : memref<196x128xi32, #tpu.memory_space<vmem>> -> memref<1x128xi32, #tpu.memory_space<vmem>>
        %dma_wait3A_370 = tpu.memref_squeeze %dma_wait3A_369 : memref<1x128xi32, #tpu.memory_space<vmem>> -> memref<128xi32, #tpu.memory_space<vmem>>
        %dma_wait3A_371 = arith.constant 0 : i32
        %dma_wait3A_372 = arith.constant 0 : i32
        %dma_wait3A_373 = tpu.memref_slice %arg16[%dma_wait3A_371, %dma_wait3A_372] : memref<52048x8xf32, #tpu.memory_space<vmem_shared>> -> memref<52048x8xf32, #tpu.memory_space<vmem_shared>>
        tpu.wait_indirect_dma semaphore(%arg24 : memref<!tpu.dma_semaphore, #tpu.memory_space<semaphore_mem>>) src(%arg9 : memref<128x8xf32, #tpu.memory_space<vmem>>) dst(%dma_wait3A_373 : memref<52048x8xf32, #tpu.memory_space<vmem_shared>>)
      } else {
      }
      %lt3A_194 = arith.constant 196 : i32
      %lt3A_195 = arith.cmpi slt, %sub3A_185, %lt3A_194 : i32
      %convert_element_type3A_196 = arith.extui %lt3A_195 : i1 to i32
      %cond3A_197 = arith.constant 0 : i32
      %cond3A_198 = arith.cmpi ne, %convert_element_type3A_196, %cond3A_197 : i32
      scf.if %cond3A_198 {
        %dma_start3A_366 = arith.constant 0 : i32
        %dma_start3A_367 = tpu.memref_slice %arg7[%sub3A_185, %dma_start3A_366] : memref<196x128xi32, #tpu.memory_space<vmem>> -> memref<1x128xi32, #tpu.memory_space<vmem>>
        %dma_start3A_368 = tpu.memref_squeeze %dma_start3A_367 : memref<1x128xi32, #tpu.memory_space<vmem>> -> memref<128xi32, #tpu.memory_space<vmem>>
        %dma_start3A_369 = arith.constant 0 : i32
        %dma_start3A_370 = arith.constant 0 : i32
        %dma_start3A_371 = tpu.memref_slice %arg2[%dma_start3A_369, %dma_start3A_370] : memref<50000x8xf32, #tpu.memory_space<hbm>> -> memref<50000x8xf32, #tpu.memory_space<hbm>>
        tpu.enqueue_indirect_dma source(%dma_start3A_371 : memref<50000x8xf32, #tpu.memory_space<hbm>>) target(%arg9 : memref<128x8xf32, #tpu.memory_space<vmem>>) offsets(%dma_start3A_368 : memref<128xi32, #tpu.memory_space<vmem>>) semaphore(%arg17 : memref<!tpu.dma_semaphore, #tpu.memory_space<semaphore_mem>>)
      } else {
      }
      %dma_wait3A_199 = arith.constant 0 : i32
      %dma_wait3A_200 = tpu.memref_slice %arg7[%add3A_181, %dma_wait3A_199] : memref<196x128xi32, #tpu.memory_space<vmem>> -> memref<1x128xi32, #tpu.memory_space<vmem>>
      %dma_wait3A_201 = tpu.memref_squeeze %dma_wait3A_200 : memref<1x128xi32, #tpu.memory_space<vmem>> -> memref<128xi32, #tpu.memory_space<vmem>>
      %dma_wait3A_202 = arith.constant 0 : i32
      %dma_wait3A_203 = arith.constant 0 : i32
      %dma_wait3A_204 = tpu.memref_slice %arg2[%dma_wait3A_202, %dma_wait3A_203] : memref<50000x8xf32, #tpu.memory_space<hbm>> -> memref<50000x8xf32, #tpu.memory_space<hbm>>
      tpu.wait_indirect_dma semaphore(%arg18 : memref<!tpu.dma_semaphore, #tpu.memory_space<semaphore_mem>>) src(%dma_wait3A_204 : memref<50000x8xf32, #tpu.memory_space<hbm>>) dst(%arg10 : memref<128x8xf32, #tpu.memory_space<vmem>>)
      %dma_start3A_205 = arith.constant 0 : i32
      %dma_start3A_206 = tpu.memref_slice %arg8[%add3A_181, %dma_start3A_205] : memref<196x128xi32, #tpu.memory_space<vmem>> -> memref<1x128xi32, #tpu.memory_space<vmem>>
      %dma_start3A_207 = tpu.memref_squeeze %dma_start3A_206 : memref<1x128xi32, #tpu.memory_space<vmem>> -> memref<128xi32, #tpu.memory_space<vmem>>
      %dma_start3A_208 = arith.constant 0 : i32
      %dma_start3A_209 = arith.constant 0 : i32
      %dma_start3A_210 = tpu.memref_slice %arg16[%dma_start3A_208, %dma_start3A_209] : memref<52048x8xf32, #tpu.memory_space<vmem_shared>> -> memref<52048x8xf32, #tpu.memory_space<vmem_shared>>
      tpu.enqueue_indirect_dma source(%arg10 : memref<128x8xf32, #tpu.memory_space<vmem>>) target(%dma_start3A_210 : memref<52048x8xf32, #tpu.memory_space<vmem_shared>>) offsets(%dma_start3A_207 : memref<128xi32, #tpu.memory_space<vmem>>) semaphore(%arg25 : memref<!tpu.dma_semaphore, #tpu.memory_space<semaphore_mem>>) {add = true}
      %add3A_211 = arith.constant 2 : i32
      %add3A_212 = arith.addi %mul3A_151, %add3A_211 : i32
      %add3A_213 = arith.constant 7 : i32
      %add3A_214 = arith.addi %add3A_212, %add3A_213 : i32
      %sub3A_215 = arith.constant 1 : i32
      %sub3A_216 = arith.subi %add3A_214, %sub3A_215 : i32
      %lt3A_217 = arith.constant 196 : i32
      %lt3A_218 = arith.cmpi slt, %sub3A_216, %lt3A_217 : i32
      %gt3A_219 = arith.constant 0 : i32
      %gt3A_220 = arith.cmpi sgt, %add3A_212, %gt3A_219 : i32
      %and3A_221 = arith.andi %lt3A_218, %gt3A_220 : i1
      %convert_element_type3A_222 = arith.extui %and3A_221 : i1 to i32
      %cond3A_223 = arith.constant 0 : i32
      %cond3A_224 = arith.cmpi ne, %convert_element_type3A_222, %cond3A_223 : i32
      scf.if %cond3A_224 {
        %sub3A_366 = arith.constant 1 : i32
        %sub3A_367 = arith.subi %add3A_212, %sub3A_366 : i32
        %dma_wait3A_368 = arith.constant 0 : i32
        %dma_wait3A_369 = tpu.memref_slice %arg8[%sub3A_367, %dma_wait3A_368] : memref<196x128xi32, #tpu.memory_space<vmem>> -> memref<1x128xi32, #tpu.memory_space<vmem>>
        %dma_wait3A_370 = tpu.memref_squeeze %dma_wait3A_369 : memref<1x128xi32, #tpu.memory_space<vmem>> -> memref<128xi32, #tpu.memory_space<vmem>>
        %dma_wait3A_371 = arith.constant 0 : i32
        %dma_wait3A_372 = arith.constant 0 : i32
        %dma_wait3A_373 = tpu.memref_slice %arg16[%dma_wait3A_371, %dma_wait3A_372] : memref<52048x8xf32, #tpu.memory_space<vmem_shared>> -> memref<52048x8xf32, #tpu.memory_space<vmem_shared>>
        tpu.wait_indirect_dma semaphore(%arg25 : memref<!tpu.dma_semaphore, #tpu.memory_space<semaphore_mem>>) src(%arg10 : memref<128x8xf32, #tpu.memory_space<vmem>>) dst(%dma_wait3A_373 : memref<52048x8xf32, #tpu.memory_space<vmem_shared>>)
      } else {
      }
      %lt3A_225 = arith.constant 196 : i32
      %lt3A_226 = arith.cmpi slt, %sub3A_216, %lt3A_225 : i32
      %convert_element_type3A_227 = arith.extui %lt3A_226 : i1 to i32
      %cond3A_228 = arith.constant 0 : i32
      %cond3A_229 = arith.cmpi ne, %convert_element_type3A_227, %cond3A_228 : i32
      scf.if %cond3A_229 {
        %dma_start3A_366 = arith.constant 0 : i32
        %dma_start3A_367 = tpu.memref_slice %arg7[%sub3A_216, %dma_start3A_366] : memref<196x128xi32, #tpu.memory_space<vmem>> -> memref<1x128xi32, #tpu.memory_space<vmem>>
        %dma_start3A_368 = tpu.memref_squeeze %dma_start3A_367 : memref<1x128xi32, #tpu.memory_space<vmem>> -> memref<128xi32, #tpu.memory_space<vmem>>
        %dma_start3A_369 = arith.constant 0 : i32
        %dma_start3A_370 = arith.constant 0 : i32
        %dma_start3A_371 = tpu.memref_slice %arg2[%dma_start3A_369, %dma_start3A_370] : memref<50000x8xf32, #tpu.memory_space<hbm>> -> memref<50000x8xf32, #tpu.memory_space<hbm>>
        tpu.enqueue_indirect_dma source(%dma_start3A_371 : memref<50000x8xf32, #tpu.memory_space<hbm>>) target(%arg10 : memref<128x8xf32, #tpu.memory_space<vmem>>) offsets(%dma_start3A_368 : memref<128xi32, #tpu.memory_space<vmem>>) semaphore(%arg18 : memref<!tpu.dma_semaphore, #tpu.memory_space<semaphore_mem>>)
      } else {
      }
      %dma_wait3A_230 = arith.constant 0 : i32
      %dma_wait3A_231 = tpu.memref_slice %arg7[%add3A_212, %dma_wait3A_230] : memref<196x128xi32, #tpu.memory_space<vmem>> -> memref<1x128xi32, #tpu.memory_space<vmem>>
      %dma_wait3A_232 = tpu.memref_squeeze %dma_wait3A_231 : memref<1x128xi32, #tpu.memory_space<vmem>> -> memref<128xi32, #tpu.memory_space<vmem>>
      %dma_wait3A_233 = arith.constant 0 : i32
      %dma_wait3A_234 = arith.constant 0 : i32
      %dma_wait3A_235 = tpu.memref_slice %arg2[%dma_wait3A_233, %dma_wait3A_234] : memref<50000x8xf32, #tpu.memory_space<hbm>> -> memref<50000x8xf32, #tpu.memory_space<hbm>>
      tpu.wait_indirect_dma semaphore(%arg19 : memref<!tpu.dma_semaphore, #tpu.memory_space<semaphore_mem>>) src(%dma_wait3A_235 : memref<50000x8xf32, #tpu.memory_space<hbm>>) dst(%arg11 : memref<128x8xf32, #tpu.memory_space<vmem>>)
      %dma_start3A_236 = arith.constant 0 : i32
      %dma_start3A_237 = tpu.memref_slice %arg8[%add3A_212, %dma_start3A_236] : memref<196x128xi32, #tpu.memory_space<vmem>> -> memref<1x128xi32, #tpu.memory_space<vmem>>
      %dma_start3A_238 = tpu.memref_squeeze %dma_start3A_237 : memref<1x128xi32, #tpu.memory_space<vmem>> -> memref<128xi32, #tpu.memory_space<vmem>>
      %dma_start3A_239 = arith.constant 0 : i32
      %dma_start3A_240 = arith.constant 0 : i32
      %dma_start3A_241 = tpu.memref_slice %arg16[%dma_start3A_239, %dma_start3A_240] : memref<52048x8xf32, #tpu.memory_space<vmem_shared>> -> memref<52048x8xf32, #tpu.memory_space<vmem_shared>>
      tpu.enqueue_indirect_dma source(%arg11 : memref<128x8xf32, #tpu.memory_space<vmem>>) target(%dma_start3A_241 : memref<52048x8xf32, #tpu.memory_space<vmem_shared>>) offsets(%dma_start3A_238 : memref<128xi32, #tpu.memory_space<vmem>>) semaphore(%arg26 : memref<!tpu.dma_semaphore, #tpu.memory_space<semaphore_mem>>) {add = true}
      %add3A_242 = arith.constant 3 : i32
      %add3A_243 = arith.addi %mul3A_151, %add3A_242 : i32
      %add3A_244 = arith.constant 7 : i32
      %add3A_245 = arith.addi %add3A_243, %add3A_244 : i32
      %sub3A_246 = arith.constant 1 : i32
      %sub3A_247 = arith.subi %add3A_245, %sub3A_246 : i32
      %lt3A_248 = arith.constant 196 : i32
      %lt3A_249 = arith.cmpi slt, %sub3A_247, %lt3A_248 : i32
      %gt3A_250 = arith.constant 0 : i32
      %gt3A_251 = arith.cmpi sgt, %add3A_243, %gt3A_250 : i32
      %and3A_252 = arith.andi %lt3A_249, %gt3A_251 : i1
      %convert_element_type3A_253 = arith.extui %and3A_252 : i1 to i32
      %cond3A_254 = arith.constant 0 : i32
      %cond3A_255 = arith.cmpi ne, %convert_element_type3A_253, %cond3A_254 : i32
      scf.if %cond3A_255 {
        %sub3A_366 = arith.constant 1 : i32
        %sub3A_367 = arith.subi %add3A_243, %sub3A_366 : i32
        %dma_wait3A_368 = arith.constant 0 : i32
        %dma_wait3A_369 = tpu.memref_slice %arg8[%sub3A_367, %dma_wait3A_368] : memref<196x128xi32, #tpu.memory_space<vmem>> -> memref<1x128xi32, #tpu.memory_space<vmem>>
        %dma_wait3A_370 = tpu.memref_squeeze %dma_wait3A_369 : memref<1x128xi32, #tpu.memory_space<vmem>> -> memref<128xi32, #tpu.memory_space<vmem>>
        %dma_wait3A_371 = arith.constant 0 : i32
        %dma_wait3A_372 = arith.constant 0 : i32
        %dma_wait3A_373 = tpu.memref_slice %arg16[%dma_wait3A_371, %dma_wait3A_372] : memref<52048x8xf32, #tpu.memory_space<vmem_shared>> -> memref<52048x8xf32, #tpu.memory_space<vmem_shared>>
        tpu.wait_indirect_dma semaphore(%arg26 : memref<!tpu.dma_semaphore, #tpu.memory_space<semaphore_mem>>) src(%arg11 : memref<128x8xf32, #tpu.memory_space<vmem>>) dst(%dma_wait3A_373 : memref<52048x8xf32, #tpu.memory_space<vmem_shared>>)
      } else {
      }
      %lt3A_256 = arith.constant 196 : i32
      %lt3A_257 = arith.cmpi slt, %sub3A_247, %lt3A_256 : i32
      %convert_element_type3A_258 = arith.extui %lt3A_257 : i1 to i32
      %cond3A_259 = arith.constant 0 : i32
      %cond3A_260 = arith.cmpi ne, %convert_element_type3A_258, %cond3A_259 : i32
      scf.if %cond3A_260 {
        %dma_start3A_366 = arith.constant 0 : i32
        %dma_start3A_367 = tpu.memref_slice %arg7[%sub3A_247, %dma_start3A_366] : memref<196x128xi32, #tpu.memory_space<vmem>> -> memref<1x128xi32, #tpu.memory_space<vmem>>
        %dma_start3A_368 = tpu.memref_squeeze %dma_start3A_367 : memref<1x128xi32, #tpu.memory_space<vmem>> -> memref<128xi32, #tpu.memory_space<vmem>>
        %dma_start3A_369 = arith.constant 0 : i32
        %dma_start3A_370 = arith.constant 0 : i32
        %dma_start3A_371 = tpu.memref_slice %arg2[%dma_start3A_369, %dma_start3A_370] : memref<50000x8xf32, #tpu.memory_space<hbm>> -> memref<50000x8xf32, #tpu.memory_space<hbm>>
        tpu.enqueue_indirect_dma source(%dma_start3A_371 : memref<50000x8xf32, #tpu.memory_space<hbm>>) target(%arg11 : memref<128x8xf32, #tpu.memory_space<vmem>>) offsets(%dma_start3A_368 : memref<128xi32, #tpu.memory_space<vmem>>) semaphore(%arg19 : memref<!tpu.dma_semaphore, #tpu.memory_space<semaphore_mem>>)
      } else {
      }
      %dma_wait3A_261 = arith.constant 0 : i32
      %dma_wait3A_262 = tpu.memref_slice %arg7[%add3A_243, %dma_wait3A_261] : memref<196x128xi32, #tpu.memory_space<vmem>> -> memref<1x128xi32, #tpu.memory_space<vmem>>
      %dma_wait3A_263 = tpu.memref_squeeze %dma_wait3A_262 : memref<1x128xi32, #tpu.memory_space<vmem>> -> memref<128xi32, #tpu.memory_space<vmem>>
      %dma_wait3A_264 = arith.constant 0 : i32
      %dma_wait3A_265 = arith.constant 0 : i32
      %dma_wait3A_266 = tpu.memref_slice %arg2[%dma_wait3A_264, %dma_wait3A_265] : memref<50000x8xf32, #tpu.memory_space<hbm>> -> memref<50000x8xf32, #tpu.memory_space<hbm>>
      tpu.wait_indirect_dma semaphore(%arg20 : memref<!tpu.dma_semaphore, #tpu.memory_space<semaphore_mem>>) src(%dma_wait3A_266 : memref<50000x8xf32, #tpu.memory_space<hbm>>) dst(%arg12 : memref<128x8xf32, #tpu.memory_space<vmem>>)
      %dma_start3A_267 = arith.constant 0 : i32
      %dma_start3A_268 = tpu.memref_slice %arg8[%add3A_243, %dma_start3A_267] : memref<196x128xi32, #tpu.memory_space<vmem>> -> memref<1x128xi32, #tpu.memory_space<vmem>>
      %dma_start3A_269 = tpu.memref_squeeze %dma_start3A_268 : memref<1x128xi32, #tpu.memory_space<vmem>> -> memref<128xi32, #tpu.memory_space<vmem>>
      %dma_start3A_270 = arith.constant 0 : i32
      %dma_start3A_271 = arith.constant 0 : i32
      %dma_start3A_272 = tpu.memref_slice %arg16[%dma_start3A_270, %dma_start3A_271] : memref<52048x8xf32, #tpu.memory_space<vmem_shared>> -> memref<52048x8xf32, #tpu.memory_space<vmem_shared>>
      tpu.enqueue_indirect_dma source(%arg12 : memref<128x8xf32, #tpu.memory_space<vmem>>) target(%dma_start3A_272 : memref<52048x8xf32, #tpu.memory_space<vmem_shared>>) offsets(%dma_start3A_269 : memref<128xi32, #tpu.memory_space<vmem>>) semaphore(%arg27 : memref<!tpu.dma_semaphore, #tpu.memory_space<semaphore_mem>>) {add = true}
      %add3A_273 = arith.constant 4 : i32
      %add3A_274 = arith.addi %mul3A_151, %add3A_273 : i32
      %add3A_275 = arith.constant 7 : i32
      %add3A_276 = arith.addi %add3A_274, %add3A_275 : i32
      %sub3A_277 = arith.constant 1 : i32
      %sub3A_278 = arith.subi %add3A_276, %sub3A_277 : i32
      %lt3A_279 = arith.constant 196 : i32
      %lt3A_280 = arith.cmpi slt, %sub3A_278, %lt3A_279 : i32
      %gt3A_281 = arith.constant 0 : i32
      %gt3A_282 = arith.cmpi sgt, %add3A_274, %gt3A_281 : i32
      %and3A_283 = arith.andi %lt3A_280, %gt3A_282 : i1
      %convert_element_type3A_284 = arith.extui %and3A_283 : i1 to i32
      %cond3A_285 = arith.constant 0 : i32
      %cond3A_286 = arith.cmpi ne, %convert_element_type3A_284, %cond3A_285 : i32
      scf.if %cond3A_286 {
        %sub3A_366 = arith.constant 1 : i32
        %sub3A_367 = arith.subi %add3A_274, %sub3A_366 : i32
        %dma_wait3A_368 = arith.constant 0 : i32
        %dma_wait3A_369 = tpu.memref_slice %arg8[%sub3A_367, %dma_wait3A_368] : memref<196x128xi32, #tpu.memory_space<vmem>> -> memref<1x128xi32, #tpu.memory_space<vmem>>
        %dma_wait3A_370 = tpu.memref_squeeze %dma_wait3A_369 : memref<1x128xi32, #tpu.memory_space<vmem>> -> memref<128xi32, #tpu.memory_space<vmem>>
        %dma_wait3A_371 = arith.constant 0 : i32
        %dma_wait3A_372 = arith.constant 0 : i32
        %dma_wait3A_373 = tpu.memref_slice %arg16[%dma_wait3A_371, %dma_wait3A_372] : memref<52048x8xf32, #tpu.memory_space<vmem_shared>> -> memref<52048x8xf32, #tpu.memory_space<vmem_shared>>
        tpu.wait_indirect_dma semaphore(%arg27 : memref<!tpu.dma_semaphore, #tpu.memory_space<semaphore_mem>>) src(%arg12 : memref<128x8xf32, #tpu.memory_space<vmem>>) dst(%dma_wait3A_373 : memref<52048x8xf32, #tpu.memory_space<vmem_shared>>)
      } else {
      }
      %lt3A_287 = arith.constant 196 : i32
      %lt3A_288 = arith.cmpi slt, %sub3A_278, %lt3A_287 : i32
      %convert_element_type3A_289 = arith.extui %lt3A_288 : i1 to i32
      %cond3A_290 = arith.constant 0 : i32
      %cond3A_291 = arith.cmpi ne, %convert_element_type3A_289, %cond3A_290 : i32
      scf.if %cond3A_291 {
        %dma_start3A_366 = arith.constant 0 : i32
        %dma_start3A_367 = tpu.memref_slice %arg7[%sub3A_278, %dma_start3A_366] : memref<196x128xi32, #tpu.memory_space<vmem>> -> memref<1x128xi32, #tpu.memory_space<vmem>>
        %dma_start3A_368 = tpu.memref_squeeze %dma_start3A_367 : memref<1x128xi32, #tpu.memory_space<vmem>> -> memref<128xi32, #tpu.memory_space<vmem>>
        %dma_start3A_369 = arith.constant 0 : i32
        %dma_start3A_370 = arith.constant 0 : i32
        %dma_start3A_371 = tpu.memref_slice %arg2[%dma_start3A_369, %dma_start3A_370] : memref<50000x8xf32, #tpu.memory_space<hbm>> -> memref<50000x8xf32, #tpu.memory_space<hbm>>
        tpu.enqueue_indirect_dma source(%dma_start3A_371 : memref<50000x8xf32, #tpu.memory_space<hbm>>) target(%arg12 : memref<128x8xf32, #tpu.memory_space<vmem>>) offsets(%dma_start3A_368 : memref<128xi32, #tpu.memory_space<vmem>>) semaphore(%arg20 : memref<!tpu.dma_semaphore, #tpu.memory_space<semaphore_mem>>)
      } else {
      }
      %dma_wait3A_292 = arith.constant 0 : i32
      %dma_wait3A_293 = tpu.memref_slice %arg7[%add3A_274, %dma_wait3A_292] : memref<196x128xi32, #tpu.memory_space<vmem>> -> memref<1x128xi32, #tpu.memory_space<vmem>>
      %dma_wait3A_294 = tpu.memref_squeeze %dma_wait3A_293 : memref<1x128xi32, #tpu.memory_space<vmem>> -> memref<128xi32, #tpu.memory_space<vmem>>
      %dma_wait3A_295 = arith.constant 0 : i32
      %dma_wait3A_296 = arith.constant 0 : i32
      %dma_wait3A_297 = tpu.memref_slice %arg2[%dma_wait3A_295, %dma_wait3A_296] : memref<50000x8xf32, #tpu.memory_space<hbm>> -> memref<50000x8xf32, #tpu.memory_space<hbm>>
      tpu.wait_indirect_dma semaphore(%arg21 : memref<!tpu.dma_semaphore, #tpu.memory_space<semaphore_mem>>) src(%dma_wait3A_297 : memref<50000x8xf32, #tpu.memory_space<hbm>>) dst(%arg13 : memref<128x8xf32, #tpu.memory_space<vmem>>)
      %dma_start3A_298 = arith.constant 0 : i32
      %dma_start3A_299 = tpu.memref_slice %arg8[%add3A_274, %dma_start3A_298] : memref<196x128xi32, #tpu.memory_space<vmem>> -> memref<1x128xi32, #tpu.memory_space<vmem>>
      %dma_start3A_300 = tpu.memref_squeeze %dma_start3A_299 : memref<1x128xi32, #tpu.memory_space<vmem>> -> memref<128xi32, #tpu.memory_space<vmem>>
      %dma_start3A_301 = arith.constant 0 : i32
      %dma_start3A_302 = arith.constant 0 : i32
      %dma_start3A_303 = tpu.memref_slice %arg16[%dma_start3A_301, %dma_start3A_302] : memref<52048x8xf32, #tpu.memory_space<vmem_shared>> -> memref<52048x8xf32, #tpu.memory_space<vmem_shared>>
      tpu.enqueue_indirect_dma source(%arg13 : memref<128x8xf32, #tpu.memory_space<vmem>>) target(%dma_start3A_303 : memref<52048x8xf32, #tpu.memory_space<vmem_shared>>) offsets(%dma_start3A_300 : memref<128xi32, #tpu.memory_space<vmem>>) semaphore(%arg28 : memref<!tpu.dma_semaphore, #tpu.memory_space<semaphore_mem>>) {add = true}
      %add3A_304 = arith.constant 5 : i32
      %add3A_305 = arith.addi %mul3A_151, %add3A_304 : i32
      %add3A_306 = arith.constant 7 : i32
      %add3A_307 = arith.addi %add3A_305, %add3A_306 : i32
      %sub3A_308 = arith.constant 1 : i32
      %sub3A_309 = arith.subi %add3A_307, %sub3A_308 : i32
      %lt3A_310 = arith.constant 196 : i32
      %lt3A_311 = arith.cmpi slt, %sub3A_309, %lt3A_310 : i32
      %gt3A_312 = arith.constant 0 : i32
      %gt3A_313 = arith.cmpi sgt, %add3A_305, %gt3A_312 : i32
      %and3A_314 = arith.andi %lt3A_311, %gt3A_313 : i1
      %convert_element_type3A_315 = arith.extui %and3A_314 : i1 to i32
      %cond3A_316 = arith.constant 0 : i32
      %cond3A_317 = arith.cmpi ne, %convert_element_type3A_315, %cond3A_316 : i32
      scf.if %cond3A_317 {
        %sub3A_366 = arith.constant 1 : i32
        %sub3A_367 = arith.subi %add3A_305, %sub3A_366 : i32
        %dma_wait3A_368 = arith.constant 0 : i32
        %dma_wait3A_369 = tpu.memref_slice %arg8[%sub3A_367, %dma_wait3A_368] : memref<196x128xi32, #tpu.memory_space<vmem>> -> memref<1x128xi32, #tpu.memory_space<vmem>>
        %dma_wait3A_370 = tpu.memref_squeeze %dma_wait3A_369 : memref<1x128xi32, #tpu.memory_space<vmem>> -> memref<128xi32, #tpu.memory_space<vmem>>
        %dma_wait3A_371 = arith.constant 0 : i32
        %dma_wait3A_372 = arith.constant 0 : i32
        %dma_wait3A_373 = tpu.memref_slice %arg16[%dma_wait3A_371, %dma_wait3A_372] : memref<52048x8xf32, #tpu.memory_space<vmem_shared>> -> memref<52048x8xf32, #tpu.memory_space<vmem_shared>>
        tpu.wait_indirect_dma semaphore(%arg28 : memref<!tpu.dma_semaphore, #tpu.memory_space<semaphore_mem>>) src(%arg13 : memref<128x8xf32, #tpu.memory_space<vmem>>) dst(%dma_wait3A_373 : memref<52048x8xf32, #tpu.memory_space<vmem_shared>>)
      } else {
      }
      %lt3A_318 = arith.constant 196 : i32
      %lt3A_319 = arith.cmpi slt, %sub3A_309, %lt3A_318 : i32
      %convert_element_type3A_320 = arith.extui %lt3A_319 : i1 to i32
      %cond3A_321 = arith.constant 0 : i32
      %cond3A_322 = arith.cmpi ne, %convert_element_type3A_320, %cond3A_321 : i32
      scf.if %cond3A_322 {
        %dma_start3A_366 = arith.constant 0 : i32
        %dma_start3A_367 = tpu.memref_slice %arg7[%sub3A_309, %dma_start3A_366] : memref<196x128xi32, #tpu.memory_space<vmem>> -> memref<1x128xi32, #tpu.memory_space<vmem>>
        %dma_start3A_368 = tpu.memref_squeeze %dma_start3A_367 : memref<1x128xi32, #tpu.memory_space<vmem>> -> memref<128xi32, #tpu.memory_space<vmem>>
        %dma_start3A_369 = arith.constant 0 : i32
        %dma_start3A_370 = arith.constant 0 : i32
        %dma_start3A_371 = tpu.memref_slice %arg2[%dma_start3A_369, %dma_start3A_370] : memref<50000x8xf32, #tpu.memory_space<hbm>> -> memref<50000x8xf32, #tpu.memory_space<hbm>>
        tpu.enqueue_indirect_dma source(%dma_start3A_371 : memref<50000x8xf32, #tpu.memory_space<hbm>>) target(%arg13 : memref<128x8xf32, #tpu.memory_space<vmem>>) offsets(%dma_start3A_368 : memref<128xi32, #tpu.memory_space<vmem>>) semaphore(%arg21 : memref<!tpu.dma_semaphore, #tpu.memory_space<semaphore_mem>>)
      } else {
      }
      %dma_wait3A_323 = arith.constant 0 : i32
      %dma_wait3A_324 = tpu.memref_slice %arg7[%add3A_305, %dma_wait3A_323] : memref<196x128xi32, #tpu.memory_space<vmem>> -> memref<1x128xi32, #tpu.memory_space<vmem>>
      %dma_wait3A_325 = tpu.memref_squeeze %dma_wait3A_324 : memref<1x128xi32, #tpu.memory_space<vmem>> -> memref<128xi32, #tpu.memory_space<vmem>>
      %dma_wait3A_326 = arith.constant 0 : i32
      %dma_wait3A_327 = arith.constant 0 : i32
      %dma_wait3A_328 = tpu.memref_slice %arg2[%dma_wait3A_326, %dma_wait3A_327] : memref<50000x8xf32, #tpu.memory_space<hbm>> -> memref<50000x8xf32, #tpu.memory_space<hbm>>
      tpu.wait_indirect_dma semaphore(%arg22 : memref<!tpu.dma_semaphore, #tpu.memory_space<semaphore_mem>>) src(%dma_wait3A_328 : memref<50000x8xf32, #tpu.memory_space<hbm>>) dst(%arg14 : memref<128x8xf32, #tpu.memory_space<vmem>>)
      %dma_start3A_329 = arith.constant 0 : i32
      %dma_start3A_330 = tpu.memref_slice %arg8[%add3A_305, %dma_start3A_329] : memref<196x128xi32, #tpu.memory_space<vmem>> -> memref<1x128xi32, #tpu.memory_space<vmem>>
      %dma_start3A_331 = tpu.memref_squeeze %dma_start3A_330 : memref<1x128xi32, #tpu.memory_space<vmem>> -> memref<128xi32, #tpu.memory_space<vmem>>
      %dma_start3A_332 = arith.constant 0 : i32
      %dma_start3A_333 = arith.constant 0 : i32
      %dma_start3A_334 = tpu.memref_slice %arg16[%dma_start3A_332, %dma_start3A_333] : memref<52048x8xf32, #tpu.memory_space<vmem_shared>> -> memref<52048x8xf32, #tpu.memory_space<vmem_shared>>
      tpu.enqueue_indirect_dma source(%arg14 : memref<128x8xf32, #tpu.memory_space<vmem>>) target(%dma_start3A_334 : memref<52048x8xf32, #tpu.memory_space<vmem_shared>>) offsets(%dma_start3A_331 : memref<128xi32, #tpu.memory_space<vmem>>) semaphore(%arg29 : memref<!tpu.dma_semaphore, #tpu.memory_space<semaphore_mem>>) {add = true}
      %add3A_335 = arith.constant 6 : i32
      %add3A_336 = arith.addi %mul3A_151, %add3A_335 : i32
      %add3A_337 = arith.constant 7 : i32
      %add3A_338 = arith.addi %add3A_336, %add3A_337 : i32
      %sub3A_339 = arith.constant 1 : i32
      %sub3A_340 = arith.subi %add3A_338, %sub3A_339 : i32
      %lt3A_341 = arith.constant 196 : i32
      %lt3A_342 = arith.cmpi slt, %sub3A_340, %lt3A_341 : i32
      %gt3A_343 = arith.constant 0 : i32
      %gt3A_344 = arith.cmpi sgt, %add3A_336, %gt3A_343 : i32
      %and3A_345 = arith.andi %lt3A_342, %gt3A_344 : i1
      %convert_element_type3A_346 = arith.extui %and3A_345 : i1 to i32
      %cond3A_347 = arith.constant 0 : i32
      %cond3A_348 = arith.cmpi ne, %convert_element_type3A_346, %cond3A_347 : i32
      scf.if %cond3A_348 {
        %sub3A_366 = arith.constant 1 : i32
        %sub3A_367 = arith.subi %add3A_336, %sub3A_366 : i32
        %dma_wait3A_368 = arith.constant 0 : i32
        %dma_wait3A_369 = tpu.memref_slice %arg8[%sub3A_367, %dma_wait3A_368] : memref<196x128xi32, #tpu.memory_space<vmem>> -> memref<1x128xi32, #tpu.memory_space<vmem>>
        %dma_wait3A_370 = tpu.memref_squeeze %dma_wait3A_369 : memref<1x128xi32, #tpu.memory_space<vmem>> -> memref<128xi32, #tpu.memory_space<vmem>>
        %dma_wait3A_371 = arith.constant 0 : i32
        %dma_wait3A_372 = arith.constant 0 : i32
        %dma_wait3A_373 = tpu.memref_slice %arg16[%dma_wait3A_371, %dma_wait3A_372] : memref<52048x8xf32, #tpu.memory_space<vmem_shared>> -> memref<52048x8xf32, #tpu.memory_space<vmem_shared>>
        tpu.wait_indirect_dma semaphore(%arg29 : memref<!tpu.dma_semaphore, #tpu.memory_space<semaphore_mem>>) src(%arg14 : memref<128x8xf32, #tpu.memory_space<vmem>>) dst(%dma_wait3A_373 : memref<52048x8xf32, #tpu.memory_space<vmem_shared>>)
      } else {
      }
      %lt3A_349 = arith.constant 196 : i32
      %lt3A_350 = arith.cmpi slt, %sub3A_340, %lt3A_349 : i32
      %convert_element_type3A_351 = arith.extui %lt3A_350 : i1 to i32
      %cond3A_352 = arith.constant 0 : i32
      %cond3A_353 = arith.cmpi ne, %convert_element_type3A_351, %cond3A_352 : i32
      scf.if %cond3A_353 {
        %dma_start3A_366 = arith.constant 0 : i32
        %dma_start3A_367 = tpu.memref_slice %arg7[%sub3A_340, %dma_start3A_366] : memref<196x128xi32, #tpu.memory_space<vmem>> -> memref<1x128xi32, #tpu.memory_space<vmem>>
        %dma_start3A_368 = tpu.memref_squeeze %dma_start3A_367 : memref<1x128xi32, #tpu.memory_space<vmem>> -> memref<128xi32, #tpu.memory_space<vmem>>
        %dma_start3A_369 = arith.constant 0 : i32
        %dma_start3A_370 = arith.constant 0 : i32
        %dma_start3A_371 = tpu.memref_slice %arg2[%dma_start3A_369, %dma_start3A_370] : memref<50000x8xf32, #tpu.memory_space<hbm>> -> memref<50000x8xf32, #tpu.memory_space<hbm>>
        tpu.enqueue_indirect_dma source(%dma_start3A_371 : memref<50000x8xf32, #tpu.memory_space<hbm>>) target(%arg14 : memref<128x8xf32, #tpu.memory_space<vmem>>) offsets(%dma_start3A_368 : memref<128xi32, #tpu.memory_space<vmem>>) semaphore(%arg22 : memref<!tpu.dma_semaphore, #tpu.memory_space<semaphore_mem>>)
      } else {
      }
      %dma_wait3A_354 = arith.constant 0 : i32
      %dma_wait3A_355 = tpu.memref_slice %arg7[%add3A_336, %dma_wait3A_354] : memref<196x128xi32, #tpu.memory_space<vmem>> -> memref<1x128xi32, #tpu.memory_space<vmem>>
      %dma_wait3A_356 = tpu.memref_squeeze %dma_wait3A_355 : memref<1x128xi32, #tpu.memory_space<vmem>> -> memref<128xi32, #tpu.memory_space<vmem>>
      %dma_wait3A_357 = arith.constant 0 : i32
      %dma_wait3A_358 = arith.constant 0 : i32
      %dma_wait3A_359 = tpu.memref_slice %arg2[%dma_wait3A_357, %dma_wait3A_358] : memref<50000x8xf32, #tpu.memory_space<hbm>> -> memref<50000x8xf32, #tpu.memory_space<hbm>>
      tpu.wait_indirect_dma semaphore(%arg23 : memref<!tpu.dma_semaphore, #tpu.memory_space<semaphore_mem>>) src(%dma_wait3A_359 : memref<50000x8xf32, #tpu.memory_space<hbm>>) dst(%arg15 : memref<128x8xf32, #tpu.memory_space<vmem>>)
      %dma_start3A_360 = arith.constant 0 : i32
      %dma_start3A_361 = tpu.memref_slice %arg8[%add3A_336, %dma_start3A_360] : memref<196x128xi32, #tpu.memory_space<vmem>> -> memref<1x128xi32, #tpu.memory_space<vmem>>
      %dma_start3A_362 = tpu.memref_squeeze %dma_start3A_361 : memref<1x128xi32, #tpu.memory_space<vmem>> -> memref<128xi32, #tpu.memory_space<vmem>>
      %dma_start3A_363 = arith.constant 0 : i32
      %dma_start3A_364 = arith.constant 0 : i32
      %dma_start3A_365 = tpu.memref_slice %arg16[%dma_start3A_363, %dma_start3A_364] : memref<52048x8xf32, #tpu.memory_space<vmem_shared>> -> memref<52048x8xf32, #tpu.memory_space<vmem_shared>>
      tpu.enqueue_indirect_dma source(%arg15 : memref<128x8xf32, #tpu.memory_space<vmem>>) target(%dma_start3A_365 : memref<52048x8xf32, #tpu.memory_space<vmem_shared>>) offsets(%dma_start3A_362 : memref<128xi32, #tpu.memory_space<vmem>>) semaphore(%arg30 : memref<!tpu.dma_semaphore, #tpu.memory_space<semaphore_mem>>) {add = true}
    }
    %scan3A_84 = arith.constant 28 : i32
    %dma_wait3A_85 = arith.constant 189 : i32
    %dma_wait3A_86 = arith.constant 0 : i32
    %dma_wait3A_87 = tpu.memref_slice %arg8[%dma_wait3A_85, %dma_wait3A_86] : memref<196x128xi32, #tpu.memory_space<vmem>> -> memref<1x128xi32, #tpu.memory_space<vmem>>
    %dma_wait3A_88 = tpu.memref_squeeze %dma_wait3A_87 : memref<1x128xi32, #tpu.memory_space<vmem>> -> memref<128xi32, #tpu.memory_space<vmem>>
    %dma_wait3A_89 = arith.constant 0 : i32
    %dma_wait3A_90 = arith.constant 0 : i32
    %dma_wait3A_91 = tpu.memref_slice %arg16[%dma_wait3A_89, %dma_wait3A_90] : memref<52048x8xf32, #tpu.memory_space<vmem_shared>> -> memref<52048x8xf32, #tpu.memory_space<vmem_shared>>
    tpu.wait_indirect_dma semaphore(%arg24 : memref<!tpu.dma_semaphore, #tpu.memory_space<semaphore_mem>>) src(%arg9 : memref<128x8xf32, #tpu.memory_space<vmem>>) dst(%dma_wait3A_91 : memref<52048x8xf32, #tpu.memory_space<vmem_shared>>)
    %dma_wait3A_92 = arith.constant 190 : i32
    %dma_wait3A_93 = arith.constant 0 : i32
    %dma_wait3A_94 = tpu.memref_slice %arg8[%dma_wait3A_92, %dma_wait3A_93] : memref<196x128xi32, #tpu.memory_space<vmem>> -> memref<1x128xi32, #tpu.memory_space<vmem>>
    %dma_wait3A_95 = tpu.memref_squeeze %dma_wait3A_94 : memref<1x128xi32, #tpu.memory_space<vmem>> -> memref<128xi32, #tpu.memory_space<vmem>>
    %dma_wait3A_96 = arith.constant 0 : i32
    %dma_wait3A_97 = arith.constant 0 : i32
    %dma_wait3A_98 = tpu.memref_slice %arg16[%dma_wait3A_96, %dma_wait3A_97] : memref<52048x8xf32, #tpu.memory_space<vmem_shared>> -> memref<52048x8xf32, #tpu.memory_space<vmem_shared>>
    tpu.wait_indirect_dma semaphore(%arg25 : memref<!tpu.dma_semaphore, #tpu.memory_space<semaphore_mem>>) src(%arg10 : memref<128x8xf32, #tpu.memory_space<vmem>>) dst(%dma_wait3A_98 : memref<52048x8xf32, #tpu.memory_space<vmem_shared>>)
    %dma_wait3A_99 = arith.constant 191 : i32
    %dma_wait3A_100 = arith.constant 0 : i32
    %dma_wait3A_101 = tpu.memref_slice %arg8[%dma_wait3A_99, %dma_wait3A_100] : memref<196x128xi32, #tpu.memory_space<vmem>> -> memref<1x128xi32, #tpu.memory_space<vmem>>
    %dma_wait3A_102 = tpu.memref_squeeze %dma_wait3A_101 : memref<1x128xi32, #tpu.memory_space<vmem>> -> memref<128xi32, #tpu.memory_space<vmem>>
    %dma_wait3A_103 = arith.constant 0 : i32
    %dma_wait3A_104 = arith.constant 0 : i32
    %dma_wait3A_105 = tpu.memref_slice %arg16[%dma_wait3A_103, %dma_wait3A_104] : memref<52048x8xf32, #tpu.memory_space<vmem_shared>> -> memref<52048x8xf32, #tpu.memory_space<vmem_shared>>
    tpu.wait_indirect_dma semaphore(%arg26 : memref<!tpu.dma_semaphore, #tpu.memory_space<semaphore_mem>>) src(%arg11 : memref<128x8xf32, #tpu.memory_space<vmem>>) dst(%dma_wait3A_105 : memref<52048x8xf32, #tpu.memory_space<vmem_shared>>)
    %dma_wait3A_106 = arith.constant 192 : i32
    %dma_wait3A_107 = arith.constant 0 : i32
    %dma_wait3A_108 = tpu.memref_slice %arg8[%dma_wait3A_106, %dma_wait3A_107] : memref<196x128xi32, #tpu.memory_space<vmem>> -> memref<1x128xi32, #tpu.memory_space<vmem>>
    %dma_wait3A_109 = tpu.memref_squeeze %dma_wait3A_108 : memref<1x128xi32, #tpu.memory_space<vmem>> -> memref<128xi32, #tpu.memory_space<vmem>>
    %dma_wait3A_110 = arith.constant 0 : i32
    %dma_wait3A_111 = arith.constant 0 : i32
    %dma_wait3A_112 = tpu.memref_slice %arg16[%dma_wait3A_110, %dma_wait3A_111] : memref<52048x8xf32, #tpu.memory_space<vmem_shared>> -> memref<52048x8xf32, #tpu.memory_space<vmem_shared>>
    tpu.wait_indirect_dma semaphore(%arg27 : memref<!tpu.dma_semaphore, #tpu.memory_space<semaphore_mem>>) src(%arg12 : memref<128x8xf32, #tpu.memory_space<vmem>>) dst(%dma_wait3A_112 : memref<52048x8xf32, #tpu.memory_space<vmem_shared>>)
    %dma_wait3A_113 = arith.constant 193 : i32
    %dma_wait3A_114 = arith.constant 0 : i32
    %dma_wait3A_115 = tpu.memref_slice %arg8[%dma_wait3A_113, %dma_wait3A_114] : memref<196x128xi32, #tpu.memory_space<vmem>> -> memref<1x128xi32, #tpu.memory_space<vmem>>
    %dma_wait3A_116 = tpu.memref_squeeze %dma_wait3A_115 : memref<1x128xi32, #tpu.memory_space<vmem>> -> memref<128xi32, #tpu.memory_space<vmem>>
    %dma_wait3A_117 = arith.constant 0 : i32
    %dma_wait3A_118 = arith.constant 0 : i32
    %dma_wait3A_119 = tpu.memref_slice %arg16[%dma_wait3A_117, %dma_wait3A_118] : memref<52048x8xf32, #tpu.memory_space<vmem_shared>> -> memref<52048x8xf32, #tpu.memory_space<vmem_shared>>
    tpu.wait_indirect_dma semaphore(%arg28 : memref<!tpu.dma_semaphore, #tpu.memory_space<semaphore_mem>>) src(%arg13 : memref<128x8xf32, #tpu.memory_space<vmem>>) dst(%dma_wait3A_119 : memref<52048x8xf32, #tpu.memory_space<vmem_shared>>)
    %dma_wait3A_120 = arith.constant 194 : i32
    %dma_wait3A_121 = arith.constant 0 : i32
    %dma_wait3A_122 = tpu.memref_slice %arg8[%dma_wait3A_120, %dma_wait3A_121] : memref<196x128xi32, #tpu.memory_space<vmem>> -> memref<1x128xi32, #tpu.memory_space<vmem>>
    %dma_wait3A_123 = tpu.memref_squeeze %dma_wait3A_122 : memref<1x128xi32, #tpu.memory_space<vmem>> -> memref<128xi32, #tpu.memory_space<vmem>>
    %dma_wait3A_124 = arith.constant 0 : i32
    %dma_wait3A_125 = arith.constant 0 : i32
    %dma_wait3A_126 = tpu.memref_slice %arg16[%dma_wait3A_124, %dma_wait3A_125] : memref<52048x8xf32, #tpu.memory_space<vmem_shared>> -> memref<52048x8xf32, #tpu.memory_space<vmem_shared>>
    tpu.wait_indirect_dma semaphore(%arg29 : memref<!tpu.dma_semaphore, #tpu.memory_space<semaphore_mem>>) src(%arg14 : memref<128x8xf32, #tpu.memory_space<vmem>>) dst(%dma_wait3A_126 : memref<52048x8xf32, #tpu.memory_space<vmem_shared>>)
    %dma_wait3A_127 = arith.constant 195 : i32
    %dma_wait3A_128 = arith.constant 0 : i32
    %dma_wait3A_129 = tpu.memref_slice %arg8[%dma_wait3A_127, %dma_wait3A_128] : memref<196x128xi32, #tpu.memory_space<vmem>> -> memref<1x128xi32, #tpu.memory_space<vmem>>
    %dma_wait3A_130 = tpu.memref_squeeze %dma_wait3A_129 : memref<1x128xi32, #tpu.memory_space<vmem>> -> memref<128xi32, #tpu.memory_space<vmem>>
    %dma_wait3A_131 = arith.constant 0 : i32
    %dma_wait3A_132 = arith.constant 0 : i32
    %dma_wait3A_133 = tpu.memref_slice %arg16[%dma_wait3A_131, %dma_wait3A_132] : memref<52048x8xf32, #tpu.memory_space<vmem_shared>> -> memref<52048x8xf32, #tpu.memory_space<vmem_shared>>
    tpu.wait_indirect_dma semaphore(%arg30 : memref<!tpu.dma_semaphore, #tpu.memory_space<semaphore_mem>>) src(%arg15 : memref<128x8xf32, #tpu.memory_space<vmem>>) dst(%dma_wait3A_133 : memref<52048x8xf32, #tpu.memory_space<vmem_shared>>)
    %barrier3A_134 = arith.constant 0 : index
    tpu.barrier barrier_id(%barrier3A_134)
    %lt3A_135 = arith.constant 15 : i32
    %lt3A_136 = arith.cmpi slt, %arg1, %lt3A_135 : i32
    %convert_element_type3A_137 = arith.extui %lt3A_136 : i1 to i32
    %cond3A_138 = arith.constant 0 : i32
    %cond3A_139 = arith.cmpi ne, %convert_element_type3A_137, %cond3A_138 : i32
    scf.if %cond3A_139 {
      "tpu.region"() ({
        %run_scoped3A = tpu.sem_alloc : memref<!tpu.dma_semaphore, #tpu.memory_space<semaphore_mem>>
        %dma_start3A_145 = arith.constant 0 : i32
        %dma_start3A_146 = tpu.memref_slice %arg6[%arg0, %multiple_of3A, %dma_start3A_145] : memref<2x50000x8xf32, #tpu.memory_space<hbm>> -> memref<1x3128x8xf32, #tpu.memory_space<hbm>>
        %dma_start3A_147 = tpu.memref_squeeze %dma_start3A_146 : memref<1x3128x8xf32, #tpu.memory_space<hbm>> -> memref<3128x8xf32, #tpu.memory_space<hbm>>
        %dma_start3A_148 = arith.constant 0 : i32
        %dma_start3A_149 = tpu.memref_slice %arg16[%multiple_of3A, %dma_start3A_148] : memref<52048x8xf32, #tpu.memory_space<vmem_shared>> -> memref<3128x8xf32, #tpu.memory_space<vmem_shared>>
        tpu.enqueue_dma source(%dma_start3A_149 : memref<3128x8xf32, #tpu.memory_space<vmem_shared>>) target(%dma_start3A_147 : memref<3128x8xf32, #tpu.memory_space<hbm>>) target_semaphore(%run_scoped3A : memref<!tpu.dma_semaphore, #tpu.memory_space<semaphore_mem>>)
        %dma_wait3A_150 = arith.constant 0 : i32
        %dma_wait3A_151 = tpu.memref_slice %arg6[%arg0, %multiple_of3A, %dma_wait3A_150] : memref<2x50000x8xf32, #tpu.memory_space<hbm>> -> memref<1x3128x8xf32, #tpu.memory_space<hbm>>
        %dma_wait3A_152 = tpu.memref_squeeze %dma_wait3A_151 : memref<1x3128x8xf32, #tpu.memory_space<hbm>> -> memref<3128x8xf32, #tpu.memory_space<hbm>>
        %dma_wait3A_153 = arith.constant 0 : i32
        %dma_wait3A_154 = tpu.memref_slice %arg16[%multiple_of3A, %dma_wait3A_153] : memref<52048x8xf32, #tpu.memory_space<vmem_shared>> -> memref<3128x8xf32, #tpu.memory_space<vmem_shared>>
        tpu.wait_dma2 semaphore(%run_scoped3A : memref<!tpu.dma_semaphore, #tpu.memory_space<semaphore_mem>>) src(%dma_wait3A_154 : memref<3128x8xf32, #tpu.memory_space<vmem_shared>>) dst(%dma_wait3A_152 : memref<3128x8xf32, #tpu.memory_space<hbm>>)
        tpu.yield
      }) : () -> ()
    } else {
    }
    %eq3A_140 = arith.constant 15 : i32
    %eq3A_141 = arith.cmpi eq, %arg1, %eq3A_140 : i32
    %convert_element_type3A_142 = arith.extui %eq3A_141 : i1 to i32
    %cond3A_143 = arith.constant 0 : i32
    %cond3A_144 = arith.cmpi ne, %convert_element_type3A_142, %cond3A_143 : i32
    scf.if %cond3A_144 {
      "tpu.region"() ({
        %run_scoped3A = tpu.sem_alloc : memref<!tpu.dma_semaphore, #tpu.memory_space<semaphore_mem>>
        %dma_start3A_145 = arith.constant 0 : i32
        %dma_start3A_146 = tpu.memref_slice %arg6[%arg0, %multiple_of3A, %dma_start3A_145] : memref<2x50000x8xf32, #tpu.memory_space<hbm>> -> memref<1x3080x8xf32, #tpu.memory_space<hbm>>
        %dma_start3A_147 = tpu.memref_squeeze %dma_start3A_146 : memref<1x3080x8xf32, #tpu.memory_space<hbm>> -> memref<3080x8xf32, #tpu.memory_space<hbm>>
        %dma_start3A_148 = arith.constant 0 : i32
        %dma_start3A_149 = tpu.memref_slice %arg16[%multiple_of3A, %dma_start3A_148] : memref<52048x8xf32, #tpu.memory_space<vmem_shared>> -> memref<3080x8xf32, #tpu.memory_space<vmem_shared>>
        tpu.enqueue_dma source(%dma_start3A_149 : memref<3080x8xf32, #tpu.memory_space<vmem_shared>>) target(%dma_start3A_147 : memref<3080x8xf32, #tpu.memory_space<hbm>>) target_semaphore(%run_scoped3A : memref<!tpu.dma_semaphore, #tpu.memory_space<semaphore_mem>>)
        %dma_wait3A_150 = arith.constant 0 : i32
        %dma_wait3A_151 = tpu.memref_slice %arg6[%arg0, %multiple_of3A, %dma_wait3A_150] : memref<2x50000x8xf32, #tpu.memory_space<hbm>> -> memref<1x3080x8xf32, #tpu.memory_space<hbm>>
        %dma_wait3A_152 = tpu.memref_squeeze %dma_wait3A_151 : memref<1x3080x8xf32, #tpu.memory_space<hbm>> -> memref<3080x8xf32, #tpu.memory_space<hbm>>
        %dma_wait3A_153 = arith.constant 0 : i32
        %dma_wait3A_154 = tpu.memref_slice %arg16[%multiple_of3A, %dma_wait3A_153] : memref<52048x8xf32, #tpu.memory_space<vmem_shared>> -> memref<3080x8xf32, #tpu.memory_space<vmem_shared>>
        tpu.wait_dma2 semaphore(%run_scoped3A : memref<!tpu.dma_semaphore, #tpu.memory_space<semaphore_mem>>) src(%dma_wait3A_154 : memref<3080x8xf32, #tpu.memory_space<vmem_shared>>) dst(%dma_wait3A_152 : memref<3080x8xf32, #tpu.memory_space<hbm>>)
        tpu.yield
      }) : () -> ()
    } else {
    }
    return
  }
}

#map = affine_map<(d0, d1) -> (0, 0)>
#map1 = affine_map<(d0, d1) -> (0, 0, 0)>
module attributes {stable_mosaic.version = 14 : i64} {
  func.func @seg(%arg0: i32, %arg1: i32, %arg2: memref<50000x8xf32, #tpu.memory_space<hbm>>, %arg3: memref<32x196x128xi32, #tpu.memory_space<hbm>>, %arg4: memref<32x196x128xi32, #tpu.memory_space<hbm>>, %arg5: memref<50000x8xf32, #tpu.memory_space<hbm>>, %arg6: memref<2x50000x8xf32, #tpu.memory_space<hbm>>, %arg7: memref<196x128xi32, #tpu.memory_space<vmem>>, %arg8: memref<196x128xi32, #tpu.memory_space<vmem>>, %arg9: memref<128x8xf32, #tpu.memory_space<vmem>>, %arg10: memref<128x8xf32, #tpu.memory_space<vmem>>, %arg11: memref<128x8xf32, #tpu.memory_space<vmem>>, %arg12: memref<128x8xf32, #tpu.memory_space<vmem>>, %arg13: memref<128x8xf32, #tpu.memory_space<vmem>>, %arg14: memref<128x8xf32, #tpu.memory_space<vmem>>, %arg15: memref<128x8xf32, #tpu.memory_space<vmem>>, %arg16: memref<52048x8xf32, #tpu.memory_space<vmem_shared>>, %arg17: memref<!tpu.dma_semaphore, #tpu.memory_space<semaphore_mem>>, %arg18: memref<!tpu.dma_semaphore, #tpu.memory_space<semaphore_mem>>, %arg19: memref<!tpu.dma_semaphore, #tpu.memory_space<semaphore_mem>>, %arg20: memref<!tpu.dma_semaphore, #tpu.memory_space<semaphore_mem>>, %arg21: memref<!tpu.dma_semaphore, #tpu.memory_space<semaphore_mem>>, %arg22: memref<!tpu.dma_semaphore, #tpu.memory_space<semaphore_mem>>, %arg23: memref<!tpu.dma_semaphore, #tpu.memory_space<semaphore_mem>>, %arg24: memref<!tpu.dma_semaphore, #tpu.memory_space<semaphore_mem>>, %arg25: memref<!tpu.dma_semaphore, #tpu.memory_space<semaphore_mem>>, %arg26: memref<!tpu.dma_semaphore, #tpu.memory_space<semaphore_mem>>, %arg27: memref<!tpu.dma_semaphore, #tpu.memory_space<semaphore_mem>>, %arg28: memref<!tpu.dma_semaphore, #tpu.memory_space<semaphore_mem>>, %arg29: memref<!tpu.dma_semaphore, #tpu.memory_space<semaphore_mem>>, %arg30: memref<!tpu.dma_semaphore, #tpu.memory_space<semaphore_mem>>) attributes {dimension_semantics = [#tpu.dimension_semantics<core_parallel>, #tpu.dimension_semantics<subcore_parallel>], iteration_bounds = array<i64: 2, 16>, scalar_prefetch = 0 : i64, scratch_operands = 24 : i64, tpu.core_type = #tpu.core_type<sc_vector_subcore>, window_params = [{transform_indices = #map}, {transform_indices = #map1}, {transform_indices = #map1}, {transform_indices = #map}, {transform_indices = #map1}]} {
    %mul3A = arith.constant 2 : i32
    %mul3A_0 = arith.muli %arg1, %mul3A : i32
    %add3A = arith.addi %mul3A_0, %arg0 : i32
    %mul3A_1 = arith.constant 3128 : i32
    %mul3A_2 = arith.muli %arg1, %mul3A_1 : i32
    %multiple_of3A = tpu.assume_multiple %mul3A_2, 8 : i32
    %dma_start3A = arith.constant 0 : i32
    %dma_start3A_3 = arith.constant 0 : i32
    %dma_start3A_4 = tpu.memref_slice %arg3[%add3A, %dma_start3A, %dma_start3A_3] : memref<32x196x128xi32, #tpu.memory_space<hbm>> -> memref<1x196x128xi32, #tpu.memory_space<hbm>>
    %dma_start3A_5 = tpu.memref_squeeze %dma_start3A_4 : memref<1x196x128xi32, #tpu.memory_space<hbm>> -> memref<196x128xi32, #tpu.memory_space<hbm>>
    %dma_start3A_6 = arith.constant 0 : i32
    %dma_start3A_7 = arith.constant 0 : i32
    %dma_start3A_8 = tpu.memref_slice %arg3[%add3A, %dma_start3A_6, %dma_start3A_7] : memref<32x196x128xi32, #tpu.memory_space<hbm>> -> memref<1x196x128xi32, #tpu.memory_space<hbm>>
    %dma_start3A_9 = tpu.memref_squeeze %dma_start3A_8 : memref<1x196x128xi32, #tpu.memory_space<hbm>> -> memref<196x128xi32, #tpu.memory_space<hbm>>
    tpu.enqueue_dma source(%dma_start3A_9 : memref<196x128xi32, #tpu.memory_space<hbm>>) target(%arg7 : memref<196x128xi32, #tpu.memory_space<vmem>>) target_semaphore(%arg17 : memref<!tpu.dma_semaphore, #tpu.memory_space<semaphore_mem>>)
    %dma_start3A_10 = arith.constant 0 : i32
    %dma_start3A_11 = arith.constant 0 : i32
    %dma_start3A_12 = tpu.memref_slice %arg4[%add3A, %dma_start3A_10, %dma_start3A_11] : memref<32x196x128xi32, #tpu.memory_space<hbm>> -> memref<1x196x128xi32, #tpu.memory_space<hbm>>
    %dma_start3A_13 = tpu.memref_squeeze %dma_start3A_12 : memref<1x196x128xi32, #tpu.memory_space<hbm>> -> memref<196x128xi32, #tpu.memory_space<hbm>>
    %dma_start3A_14 = arith.constant 0 : i32
    %dma_start3A_15 = arith.constant 0 : i32
    %dma_start3A_16 = tpu.memref_slice %arg4[%add3A, %dma_start3A_14, %dma_start3A_15] : memref<32x196x128xi32, #tpu.memory_space<hbm>> -> memref<1x196x128xi32, #tpu.memory_space<hbm>>
    %dma_start3A_17 = tpu.memref_squeeze %dma_start3A_16 : memref<1x196x128xi32, #tpu.memory_space<hbm>> -> memref<196x128xi32, #tpu.memory_space<hbm>>
    tpu.enqueue_dma source(%dma_start3A_17 : memref<196x128xi32, #tpu.memory_space<hbm>>) target(%arg8 : memref<196x128xi32, #tpu.memory_space<vmem>>) target_semaphore(%arg18 : memref<!tpu.dma_semaphore, #tpu.memory_space<semaphore_mem>>)
    %lt3A = arith.constant 15 : i32
    %lt3A_18 = arith.cmpi slt, %arg1, %lt3A : i32
    %convert_element_type3A = arith.extui %lt3A_18 : i1 to i32
    %cond3A = arith.constant 0 : i32
    %cond3A_19 = arith.cmpi ne, %convert_element_type3A, %cond3A : i32
    scf.if %cond3A_19 {
      %eq3A_145 = arith.constant 0 : i32
      %eq3A_146 = arith.cmpi eq, %arg0, %eq3A_145 : i32
      %convert_element_type3A_147 = arith.extui %eq3A_146 : i1 to i32
      %cond3A_148 = arith.constant 0 : i32
      %cond3A_149 = arith.cmpi ne, %convert_element_type3A_147, %cond3A_148 : i32
      scf.if %cond3A_149 {
        "tpu.region"() ({
          %run_scoped3A = tpu.sem_alloc : memref<!tpu.dma_semaphore, #tpu.memory_space<semaphore_mem>>
          %dma_start3A_154 = arith.constant 0 : i32
          %dma_start3A_155 = tpu.memref_slice %arg16[%multiple_of3A, %dma_start3A_154] : memref<52048x8xf32, #tpu.memory_space<vmem_shared>> -> memref<3128x8xf32, #tpu.memory_space<vmem_shared>>
          %dma_start3A_156 = arith.constant 0 : i32
          %dma_start3A_157 = tpu.memref_slice %arg2[%multiple_of3A, %dma_start3A_156] : memref<50000x8xf32, #tpu.memory_space<hbm>> -> memref<3128x8xf32, #tpu.memory_space<hbm>>
          tpu.enqueue_dma source(%dma_start3A_157 : memref<3128x8xf32, #tpu.memory_space<hbm>>) target(%dma_start3A_155 : memref<3128x8xf32, #tpu.memory_space<vmem_shared>>) target_semaphore(%run_scoped3A : memref<!tpu.dma_semaphore, #tpu.memory_space<semaphore_mem>>)
          %dma_wait3A_158 = arith.constant 0 : i32
          %dma_wait3A_159 = tpu.memref_slice %arg16[%multiple_of3A, %dma_wait3A_158] : memref<52048x8xf32, #tpu.memory_space<vmem_shared>> -> memref<3128x8xf32, #tpu.memory_space<vmem_shared>>
          %dma_wait3A_160 = arith.constant 0 : i32
          %dma_wait3A_161 = tpu.memref_slice %arg2[%multiple_of3A, %dma_wait3A_160] : memref<50000x8xf32, #tpu.memory_space<hbm>> -> memref<3128x8xf32, #tpu.memory_space<hbm>>
          tpu.wait_dma2 semaphore(%run_scoped3A : memref<!tpu.dma_semaphore, #tpu.memory_space<semaphore_mem>>) src(%dma_wait3A_161 : memref<3128x8xf32, #tpu.memory_space<hbm>>) dst(%dma_wait3A_159 : memref<3128x8xf32, #tpu.memory_space<vmem_shared>>)
          tpu.yield
        }) : () -> ()
      } else {
      }
      %ne3A = arith.constant 0 : i32
      %ne3A_150 = arith.cmpi ne, %arg0, %ne3A : i32
      %convert_element_type3A_151 = arith.extui %ne3A_150 : i1 to i32
      %cond3A_152 = arith.constant 0 : i32
      %cond3A_153 = arith.cmpi ne, %convert_element_type3A_151, %cond3A_152 : i32
      scf.if %cond3A_153 {
        "tpu.region"() ({
          %run_scoped3A = tpu.sem_alloc : memref<!tpu.dma_semaphore, #tpu.memory_space<semaphore_mem>>
          %dma_start3A_154 = arith.constant 0 : i32
          %dma_start3A_155 = tpu.memref_slice %arg16[%multiple_of3A, %dma_start3A_154] : memref<52048x8xf32, #tpu.memory_space<vmem_shared>> -> memref<3128x8xf32, #tpu.memory_space<vmem_shared>>
          %dma_start3A_156 = arith.constant 0 : i32
          %dma_start3A_157 = tpu.memref_slice %arg5[%multiple_of3A, %dma_start3A_156] : memref<50000x8xf32, #tpu.memory_space<hbm>> -> memref<3128x8xf32, #tpu.memory_space<hbm>>
          tpu.enqueue_dma source(%dma_start3A_157 : memref<3128x8xf32, #tpu.memory_space<hbm>>) target(%dma_start3A_155 : memref<3128x8xf32, #tpu.memory_space<vmem_shared>>) target_semaphore(%run_scoped3A : memref<!tpu.dma_semaphore, #tpu.memory_space<semaphore_mem>>)
          %dma_wait3A_158 = arith.constant 0 : i32
          %dma_wait3A_159 = tpu.memref_slice %arg16[%multiple_of3A, %dma_wait3A_158] : memref<52048x8xf32, #tpu.memory_space<vmem_shared>> -> memref<3128x8xf32, #tpu.memory_space<vmem_shared>>
          %dma_wait3A_160 = arith.constant 0 : i32
          %dma_wait3A_161 = tpu.memref_slice %arg5[%multiple_of3A, %dma_wait3A_160] : memref<50000x8xf32, #tpu.memory_space<hbm>> -> memref<3128x8xf32, #tpu.memory_space<hbm>>
          tpu.wait_dma2 semaphore(%run_scoped3A : memref<!tpu.dma_semaphore, #tpu.memory_space<semaphore_mem>>) src(%dma_wait3A_161 : memref<3128x8xf32, #tpu.memory_space<hbm>>) dst(%dma_wait3A_159 : memref<3128x8xf32, #tpu.memory_space<vmem_shared>>)
          tpu.yield
        }) : () -> ()
      } else {
      }
    } else {
    }
    %eq3A = arith.constant 15 : i32
    %eq3A_20 = arith.cmpi eq, %arg1, %eq3A : i32
    %convert_element_type3A_21 = arith.extui %eq3A_20 : i1 to i32
    %cond3A_22 = arith.constant 0 : i32
    %cond3A_23 = arith.cmpi ne, %convert_element_type3A_21, %cond3A_22 : i32
    scf.if %cond3A_23 {
      %eq3A_145 = arith.constant 0 : i32
      %eq3A_146 = arith.cmpi eq, %arg0, %eq3A_145 : i32
      %convert_element_type3A_147 = arith.extui %eq3A_146 : i1 to i32
      %cond3A_148 = arith.constant 0 : i32
      %cond3A_149 = arith.cmpi ne, %convert_element_type3A_147, %cond3A_148 : i32
      scf.if %cond3A_149 {
        "tpu.region"() ({
          %run_scoped3A = tpu.sem_alloc : memref<!tpu.dma_semaphore, #tpu.memory_space<semaphore_mem>>
          %dma_start3A_154 = arith.constant 0 : i32
          %dma_start3A_155 = tpu.memref_slice %arg16[%multiple_of3A, %dma_start3A_154] : memref<52048x8xf32, #tpu.memory_space<vmem_shared>> -> memref<3080x8xf32, #tpu.memory_space<vmem_shared>>
          %dma_start3A_156 = arith.constant 0 : i32
          %dma_start3A_157 = tpu.memref_slice %arg2[%multiple_of3A, %dma_start3A_156] : memref<50000x8xf32, #tpu.memory_space<hbm>> -> memref<3080x8xf32, #tpu.memory_space<hbm>>
          tpu.enqueue_dma source(%dma_start3A_157 : memref<3080x8xf32, #tpu.memory_space<hbm>>) target(%dma_start3A_155 : memref<3080x8xf32, #tpu.memory_space<vmem_shared>>) target_semaphore(%run_scoped3A : memref<!tpu.dma_semaphore, #tpu.memory_space<semaphore_mem>>)
          %dma_wait3A_158 = arith.constant 0 : i32
          %dma_wait3A_159 = tpu.memref_slice %arg16[%multiple_of3A, %dma_wait3A_158] : memref<52048x8xf32, #tpu.memory_space<vmem_shared>> -> memref<3080x8xf32, #tpu.memory_space<vmem_shared>>
          %dma_wait3A_160 = arith.constant 0 : i32
          %dma_wait3A_161 = tpu.memref_slice %arg2[%multiple_of3A, %dma_wait3A_160] : memref<50000x8xf32, #tpu.memory_space<hbm>> -> memref<3080x8xf32, #tpu.memory_space<hbm>>
          tpu.wait_dma2 semaphore(%run_scoped3A : memref<!tpu.dma_semaphore, #tpu.memory_space<semaphore_mem>>) src(%dma_wait3A_161 : memref<3080x8xf32, #tpu.memory_space<hbm>>) dst(%dma_wait3A_159 : memref<3080x8xf32, #tpu.memory_space<vmem_shared>>)
          tpu.yield
        }) : () -> ()
      } else {
      }
      %ne3A = arith.constant 0 : i32
      %ne3A_150 = arith.cmpi ne, %arg0, %ne3A : i32
      %convert_element_type3A_151 = arith.extui %ne3A_150 : i1 to i32
      %cond3A_152 = arith.constant 0 : i32
      %cond3A_153 = arith.cmpi ne, %convert_element_type3A_151, %cond3A_152 : i32
      scf.if %cond3A_153 {
        "tpu.region"() ({
          %run_scoped3A = tpu.sem_alloc : memref<!tpu.dma_semaphore, #tpu.memory_space<semaphore_mem>>
          %dma_start3A_154 = arith.constant 0 : i32
          %dma_start3A_155 = tpu.memref_slice %arg16[%multiple_of3A, %dma_start3A_154] : memref<52048x8xf32, #tpu.memory_space<vmem_shared>> -> memref<3080x8xf32, #tpu.memory_space<vmem_shared>>
          %dma_start3A_156 = arith.constant 0 : i32
          %dma_start3A_157 = tpu.memref_slice %arg5[%multiple_of3A, %dma_start3A_156] : memref<50000x8xf32, #tpu.memory_space<hbm>> -> memref<3080x8xf32, #tpu.memory_space<hbm>>
          tpu.enqueue_dma source(%dma_start3A_157 : memref<3080x8xf32, #tpu.memory_space<hbm>>) target(%dma_start3A_155 : memref<3080x8xf32, #tpu.memory_space<vmem_shared>>) target_semaphore(%run_scoped3A : memref<!tpu.dma_semaphore, #tpu.memory_space<semaphore_mem>>)
          %dma_wait3A_158 = arith.constant 0 : i32
          %dma_wait3A_159 = tpu.memref_slice %arg16[%multiple_of3A, %dma_wait3A_158] : memref<52048x8xf32, #tpu.memory_space<vmem_shared>> -> memref<3080x8xf32, #tpu.memory_space<vmem_shared>>
          %dma_wait3A_160 = arith.constant 0 : i32
          %dma_wait3A_161 = tpu.memref_slice %arg5[%multiple_of3A, %dma_wait3A_160] : memref<50000x8xf32, #tpu.memory_space<hbm>> -> memref<3080x8xf32, #tpu.memory_space<hbm>>
          tpu.wait_dma2 semaphore(%run_scoped3A : memref<!tpu.dma_semaphore, #tpu.memory_space<semaphore_mem>>) src(%dma_wait3A_161 : memref<3080x8xf32, #tpu.memory_space<hbm>>) dst(%dma_wait3A_159 : memref<3080x8xf32, #tpu.memory_space<vmem_shared>>)
          tpu.yield
        }) : () -> ()
      } else {
      }
    } else {
    }
    %dma_wait3A = arith.constant 0 : i32
    %dma_wait3A_24 = arith.constant 0 : i32
    %dma_wait3A_25 = tpu.memref_slice %arg3[%add3A, %dma_wait3A, %dma_wait3A_24] : memref<32x196x128xi32, #tpu.memory_space<hbm>> -> memref<1x196x128xi32, #tpu.memory_space<hbm>>
    %dma_wait3A_26 = tpu.memref_squeeze %dma_wait3A_25 : memref<1x196x128xi32, #tpu.memory_space<hbm>> -> memref<196x128xi32, #tpu.memory_space<hbm>>
    %dma_wait3A_27 = arith.constant 0 : i32
    %dma_wait3A_28 = arith.constant 0 : i32
    %dma_wait3A_29 = tpu.memref_slice %arg3[%add3A, %dma_wait3A_27, %dma_wait3A_28] : memref<32x196x128xi32, #tpu.memory_space<hbm>> -> memref<1x196x128xi32, #tpu.memory_space<hbm>>
    %dma_wait3A_30 = tpu.memref_squeeze %dma_wait3A_29 : memref<1x196x128xi32, #tpu.memory_space<hbm>> -> memref<196x128xi32, #tpu.memory_space<hbm>>
    tpu.wait_dma2 semaphore(%arg17 : memref<!tpu.dma_semaphore, #tpu.memory_space<semaphore_mem>>) src(%dma_wait3A_30 : memref<196x128xi32, #tpu.memory_space<hbm>>) dst(%arg7 : memref<196x128xi32, #tpu.memory_space<vmem>>)
    %dma_wait3A_31 = arith.constant 0 : i32
    %dma_wait3A_32 = arith.constant 0 : i32
    %dma_wait3A_33 = tpu.memref_slice %arg4[%add3A, %dma_wait3A_31, %dma_wait3A_32] : memref<32x196x128xi32, #tpu.memory_space<hbm>> -> memref<1x196x128xi32, #tpu.memory_space<hbm>>
    %dma_wait3A_34 = tpu.memref_squeeze %dma_wait3A_33 : memref<1x196x128xi32, #tpu.memory_space<hbm>> -> memref<196x128xi32, #tpu.memory_space<hbm>>
    %dma_wait3A_35 = arith.constant 0 : i32
    %dma_wait3A_36 = arith.constant 0 : i32
    %dma_wait3A_37 = tpu.memref_slice %arg4[%add3A, %dma_wait3A_35, %dma_wait3A_36] : memref<32x196x128xi32, #tpu.memory_space<hbm>> -> memref<1x196x128xi32, #tpu.memory_space<hbm>>
    %dma_wait3A_38 = tpu.memref_squeeze %dma_wait3A_37 : memref<1x196x128xi32, #tpu.memory_space<hbm>> -> memref<196x128xi32, #tpu.memory_space<hbm>>
    tpu.wait_dma2 semaphore(%arg18 : memref<!tpu.dma_semaphore, #tpu.memory_space<semaphore_mem>>) src(%dma_wait3A_38 : memref<196x128xi32, #tpu.memory_space<hbm>>) dst(%arg8 : memref<196x128xi32, #tpu.memory_space<vmem>>)
    %barrier3A = arith.constant 0 : index
    tpu.barrier barrier_id(%barrier3A)
    %dma_start3A_39 = arith.constant 0 : i32
    %dma_start3A_40 = arith.constant 0 : i32
    %dma_start3A_41 = tpu.memref_slice %arg7[%dma_start3A_39, %dma_start3A_40] : memref<196x128xi32, #tpu.memory_space<vmem>> -> memref<1x128xi32, #tpu.memory_space<vmem>>
    %dma_start3A_42 = tpu.memref_squeeze %dma_start3A_41 : memref<1x128xi32, #tpu.memory_space<vmem>> -> memref<128xi32, #tpu.memory_space<vmem>>
    %dma_start3A_43 = arith.constant 0 : i32
    %dma_start3A_44 = arith.constant 0 : i32
    %dma_start3A_45 = tpu.memref_slice %arg2[%dma_start3A_43, %dma_start3A_44] : memref<50000x8xf32, #tpu.memory_space<hbm>> -> memref<50000x8xf32, #tpu.memory_space<hbm>>
    tpu.enqueue_indirect_dma source(%dma_start3A_45 : memref<50000x8xf32, #tpu.memory_space<hbm>>) target(%arg9 : memref<128x8xf32, #tpu.memory_space<vmem>>) offsets(%dma_start3A_42 : memref<128xi32, #tpu.memory_space<vmem>>) semaphore(%arg17 : memref<!tpu.dma_semaphore, #tpu.memory_space<semaphore_mem>>)
    %dma_start3A_46 = arith.constant 1 : i32
    %dma_start3A_47 = arith.constant 0 : i32
    %dma_start3A_48 = tpu.memref_slice %arg7[%dma_start3A_46, %dma_start3A_47] : memref<196x128xi32, #tpu.memory_space<vmem>> -> memref<1x128xi32, #tpu.memory_space<vmem>>
    %dma_start3A_49 = tpu.memref_squeeze %dma_start3A_48 : memref<1x128xi32, #tpu.memory_space<vmem>> -> memref<128xi32, #tpu.memory_space<vmem>>
    %dma_start3A_50 = arith.constant 0 : i32
    %dma_start3A_51 = arith.constant 0 : i32
    %dma_start3A_52 = tpu.memref_slice %arg2[%dma_start3A_50, %dma_start3A_51] : memref<50000x8xf32, #tpu.memory_space<hbm>> -> memref<50000x8xf32, #tpu.memory_space<hbm>>
    tpu.enqueue_indirect_dma source(%dma_start3A_52 : memref<50000x8xf32, #tpu.memory_space<hbm>>) target(%arg10 : memref<128x8xf32, #tpu.memory_space<vmem>>) offsets(%dma_start3A_49 : memref<128xi32, #tpu.memory_space<vmem>>) semaphore(%arg18 : memref<!tpu.dma_semaphore, #tpu.memory_space<semaphore_mem>>)
    %dma_start3A_53 = arith.constant 2 : i32
    %dma_start3A_54 = arith.constant 0 : i32
    %dma_start3A_55 = tpu.memref_slice %arg7[%dma_start3A_53, %dma_start3A_54] : memref<196x128xi32, #tpu.memory_space<vmem>> -> memref<1x128xi32, #tpu.memory_space<vmem>>
    %dma_start3A_56 = tpu.memref_squeeze %dma_start3A_55 : memref<1x128xi32, #tpu.memory_space<vmem>> -> memref<128xi32, #tpu.memory_space<vmem>>
    %dma_start3A_57 = arith.constant 0 : i32
    %dma_start3A_58 = arith.constant 0 : i32
    %dma_start3A_59 = tpu.memref_slice %arg2[%dma_start3A_57, %dma_start3A_58] : memref<50000x8xf32, #tpu.memory_space<hbm>> -> memref<50000x8xf32, #tpu.memory_space<hbm>>
    tpu.enqueue_indirect_dma source(%dma_start3A_59 : memref<50000x8xf32, #tpu.memory_space<hbm>>) target(%arg11 : memref<128x8xf32, #tpu.memory_space<vmem>>) offsets(%dma_start3A_56 : memref<128xi32, #tpu.memory_space<vmem>>) semaphore(%arg19 : memref<!tpu.dma_semaphore, #tpu.memory_space<semaphore_mem>>)
    %dma_start3A_60 = arith.constant 3 : i32
    %dma_start3A_61 = arith.constant 0 : i32
    %dma_start3A_62 = tpu.memref_slice %arg7[%dma_start3A_60, %dma_start3A_61] : memref<196x128xi32, #tpu.memory_space<vmem>> -> memref<1x128xi32, #tpu.memory_space<vmem>>
    %dma_start3A_63 = tpu.memref_squeeze %dma_start3A_62 : memref<1x128xi32, #tpu.memory_space<vmem>> -> memref<128xi32, #tpu.memory_space<vmem>>
    %dma_start3A_64 = arith.constant 0 : i32
    %dma_start3A_65 = arith.constant 0 : i32
    %dma_start3A_66 = tpu.memref_slice %arg2[%dma_start3A_64, %dma_start3A_65] : memref<50000x8xf32, #tpu.memory_space<hbm>> -> memref<50000x8xf32, #tpu.memory_space<hbm>>
    tpu.enqueue_indirect_dma source(%dma_start3A_66 : memref<50000x8xf32, #tpu.memory_space<hbm>>) target(%arg12 : memref<128x8xf32, #tpu.memory_space<vmem>>) offsets(%dma_start3A_63 : memref<128xi32, #tpu.memory_space<vmem>>) semaphore(%arg20 : memref<!tpu.dma_semaphore, #tpu.memory_space<semaphore_mem>>)
    %dma_start3A_67 = arith.constant 4 : i32
    %dma_start3A_68 = arith.constant 0 : i32
    %dma_start3A_69 = tpu.memref_slice %arg7[%dma_start3A_67, %dma_start3A_68] : memref<196x128xi32, #tpu.memory_space<vmem>> -> memref<1x128xi32, #tpu.memory_space<vmem>>
    %dma_start3A_70 = tpu.memref_squeeze %dma_start3A_69 : memref<1x128xi32, #tpu.memory_space<vmem>> -> memref<128xi32, #tpu.memory_space<vmem>>
    %dma_start3A_71 = arith.constant 0 : i32
    %dma_start3A_72 = arith.constant 0 : i32
    %dma_start3A_73 = tpu.memref_slice %arg2[%dma_start3A_71, %dma_start3A_72] : memref<50000x8xf32, #tpu.memory_space<hbm>> -> memref<50000x8xf32, #tpu.memory_space<hbm>>
    tpu.enqueue_indirect_dma source(%dma_start3A_73 : memref<50000x8xf32, #tpu.memory_space<hbm>>) target(%arg13 : memref<128x8xf32, #tpu.memory_space<vmem>>) offsets(%dma_start3A_70 : memref<128xi32, #tpu.memory_space<vmem>>) semaphore(%arg21 : memref<!tpu.dma_semaphore, #tpu.memory_space<semaphore_mem>>)
    %dma_start3A_74 = arith.constant 5 : i32
    %dma_start3A_75 = arith.constant 0 : i32
    %dma_start3A_76 = tpu.memref_slice %arg7[%dma_start3A_74, %dma_start3A_75] : memref<196x128xi32, #tpu.memory_space<vmem>> -> memref<1x128xi32, #tpu.memory_space<vmem>>
    %dma_start3A_77 = tpu.memref_squeeze %dma_start3A_76 : memref<1x128xi32, #tpu.memory_space<vmem>> -> memref<128xi32, #tpu.memory_space<vmem>>
    %dma_start3A_78 = arith.constant 0 : i32
    %dma_start3A_79 = arith.constant 0 : i32
    %dma_start3A_80 = tpu.memref_slice %arg2[%dma_start3A_78, %dma_start3A_79] : memref<50000x8xf32, #tpu.memory_space<hbm>> -> memref<50000x8xf32, #tpu.memory_space<hbm>>
    tpu.enqueue_indirect_dma source(%dma_start3A_80 : memref<50000x8xf32, #tpu.memory_space<hbm>>) target(%arg14 : memref<128x8xf32, #tpu.memory_space<vmem>>) offsets(%dma_start3A_77 : memref<128xi32, #tpu.memory_space<vmem>>) semaphore(%arg22 : memref<!tpu.dma_semaphore, #tpu.memory_space<semaphore_mem>>)
    %scan3A = arith.constant 0 : i32
    %scan3A_81 = arith.constant 28 : i32
    %scan3A_82 = arith.addi %scan3A, %scan3A_81 : i32
    %scan3A_83 = arith.constant 1 : i32
    scf.for %scan3A_145 = %scan3A to %scan3A_82 step %scan3A_83  : i32 {
      %mul3A_146 = arith.constant 1 : i32
      %mul3A_147 = arith.muli %scan3A_145, %mul3A_146 : i32
      %add3A_148 = arith.constant 0 : i32
      %add3A_149 = arith.addi %add3A_148, %mul3A_147 : i32
      %mul3A_150 = arith.constant 7 : i32
      %mul3A_151 = arith.muli %add3A_149, %mul3A_150 : i32
      %add3A_152 = arith.constant 0 : i32
      %add3A_153 = arith.addi %mul3A_151, %add3A_152 : i32
      %add3A_154 = arith.constant 7 : i32
      %add3A_155 = arith.addi %add3A_153, %add3A_154 : i32
      %sub3A = arith.constant 1 : i32
      %sub3A_156 = arith.subi %add3A_155, %sub3A : i32
      %lt3A_157 = arith.constant 196 : i32
      %lt3A_158 = arith.cmpi slt, %sub3A_156, %lt3A_157 : i32
      %gt3A = arith.constant 0 : i32
      %gt3A_159 = arith.cmpi sgt, %add3A_153, %gt3A : i32
      %and3A = arith.andi %lt3A_158, %gt3A_159 : i1
      %convert_element_type3A_160 = arith.extui %and3A : i1 to i32
      %cond3A_161 = arith.constant 0 : i32
      %cond3A_162 = arith.cmpi ne, %convert_element_type3A_160, %cond3A_161 : i32
      scf.if %cond3A_162 {
        %sub3A_366 = arith.constant 1 : i32
        %sub3A_367 = arith.subi %add3A_153, %sub3A_366 : i32
        %dma_wait3A_368 = arith.constant 0 : i32
        %dma_wait3A_369 = tpu.memref_slice %arg8[%sub3A_367, %dma_wait3A_368] : memref<196x128xi32, #tpu.memory_space<vmem>> -> memref<1x128xi32, #tpu.memory_space<vmem>>
        %dma_wait3A_370 = tpu.memref_squeeze %dma_wait3A_369 : memref<1x128xi32, #tpu.memory_space<vmem>> -> memref<128xi32, #tpu.memory_space<vmem>>
        %dma_wait3A_371 = arith.constant 0 : i32
        %dma_wait3A_372 = arith.constant 0 : i32
        %dma_wait3A_373 = tpu.memref_slice %arg16[%dma_wait3A_371, %dma_wait3A_372] : memref<52048x8xf32, #tpu.memory_space<vmem_shared>> -> memref<52048x8xf32, #tpu.memory_space<vmem_shared>>
        tpu.wait_indirect_dma semaphore(%arg30 : memref<!tpu.dma_semaphore, #tpu.memory_space<semaphore_mem>>) src(%arg15 : memref<128x8xf32, #tpu.memory_space<vmem>>) dst(%dma_wait3A_373 : memref<52048x8xf32, #tpu.memory_space<vmem_shared>>)
      } else {
      }
      %lt3A_163 = arith.constant 196 : i32
      %lt3A_164 = arith.cmpi slt, %sub3A_156, %lt3A_163 : i32
      %convert_element_type3A_165 = arith.extui %lt3A_164 : i1 to i32
      %cond3A_166 = arith.constant 0 : i32
      %cond3A_167 = arith.cmpi ne, %convert_element_type3A_165, %cond3A_166 : i32
      scf.if %cond3A_167 {
        %dma_start3A_366 = arith.constant 0 : i32
        %dma_start3A_367 = tpu.memref_slice %arg7[%sub3A_156, %dma_start3A_366] : memref<196x128xi32, #tpu.memory_space<vmem>> -> memref<1x128xi32, #tpu.memory_space<vmem>>
        %dma_start3A_368 = tpu.memref_squeeze %dma_start3A_367 : memref<1x128xi32, #tpu.memory_space<vmem>> -> memref<128xi32, #tpu.memory_space<vmem>>
        %dma_start3A_369 = arith.constant 0 : i32
        %dma_start3A_370 = arith.constant 0 : i32
        %dma_start3A_371 = tpu.memref_slice %arg2[%dma_start3A_369, %dma_start3A_370] : memref<50000x8xf32, #tpu.memory_space<hbm>> -> memref<50000x8xf32, #tpu.memory_space<hbm>>
        tpu.enqueue_indirect_dma source(%dma_start3A_371 : memref<50000x8xf32, #tpu.memory_space<hbm>>) target(%arg15 : memref<128x8xf32, #tpu.memory_space<vmem>>) offsets(%dma_start3A_368 : memref<128xi32, #tpu.memory_space<vmem>>) semaphore(%arg23 : memref<!tpu.dma_semaphore, #tpu.memory_space<semaphore_mem>>)
      } else {
      }
      %dma_wait3A_168 = arith.constant 0 : i32
      %dma_wait3A_169 = tpu.memref_slice %arg7[%add3A_153, %dma_wait3A_168] : memref<196x128xi32, #tpu.memory_space<vmem>> -> memref<1x128xi32, #tpu.memory_space<vmem>>
      %dma_wait3A_170 = tpu.memref_squeeze %dma_wait3A_169 : memref<1x128xi32, #tpu.memory_space<vmem>> -> memref<128xi32, #tpu.memory_space<vmem>>
      %dma_wait3A_171 = arith.constant 0 : i32
      %dma_wait3A_172 = arith.constant 0 : i32
      %dma_wait3A_173 = tpu.memref_slice %arg2[%dma_wait3A_171, %dma_wait3A_172] : memref<50000x8xf32, #tpu.memory_space<hbm>> -> memref<50000x8xf32, #tpu.memory_space<hbm>>
      tpu.wait_indirect_dma semaphore(%arg17 : memref<!tpu.dma_semaphore, #tpu.memory_space<semaphore_mem>>) src(%dma_wait3A_173 : memref<50000x8xf32, #tpu.memory_space<hbm>>) dst(%arg9 : memref<128x8xf32, #tpu.memory_space<vmem>>)
      %dma_start3A_174 = arith.constant 0 : i32
      %dma_start3A_175 = tpu.memref_slice %arg8[%add3A_153, %dma_start3A_174] : memref<196x128xi32, #tpu.memory_space<vmem>> -> memref<1x128xi32, #tpu.memory_space<vmem>>
      %dma_start3A_176 = tpu.memref_squeeze %dma_start3A_175 : memref<1x128xi32, #tpu.memory_space<vmem>> -> memref<128xi32, #tpu.memory_space<vmem>>
      %dma_start3A_177 = arith.constant 0 : i32
      %dma_start3A_178 = arith.constant 0 : i32
      %dma_start3A_179 = tpu.memref_slice %arg16[%dma_start3A_177, %dma_start3A_178] : memref<52048x8xf32, #tpu.memory_space<vmem_shared>> -> memref<52048x8xf32, #tpu.memory_space<vmem_shared>>
      tpu.enqueue_indirect_dma source(%arg9 : memref<128x8xf32, #tpu.memory_space<vmem>>) target(%dma_start3A_179 : memref<52048x8xf32, #tpu.memory_space<vmem_shared>>) offsets(%dma_start3A_176 : memref<128xi32, #tpu.memory_space<vmem>>) semaphore(%arg24 : memref<!tpu.dma_semaphore, #tpu.memory_space<semaphore_mem>>) {add = true}
      %add3A_180 = arith.constant 1 : i32
      %add3A_181 = arith.addi %mul3A_151, %add3A_180 : i32
      %add3A_182 = arith.constant 7 : i32
      %add3A_183 = arith.addi %add3A_181, %add3A_182 : i32
      %sub3A_184 = arith.constant 1 : i32
      %sub3A_185 = arith.subi %add3A_183, %sub3A_184 : i32
      %lt3A_186 = arith.constant 196 : i32
      %lt3A_187 = arith.cmpi slt, %sub3A_185, %lt3A_186 : i32
      %gt3A_188 = arith.constant 0 : i32
      %gt3A_189 = arith.cmpi sgt, %add3A_181, %gt3A_188 : i32
      %and3A_190 = arith.andi %lt3A_187, %gt3A_189 : i1
      %convert_element_type3A_191 = arith.extui %and3A_190 : i1 to i32
      %cond3A_192 = arith.constant 0 : i32
      %cond3A_193 = arith.cmpi ne, %convert_element_type3A_191, %cond3A_192 : i32
      scf.if %cond3A_193 {
        %sub3A_366 = arith.constant 1 : i32
        %sub3A_367 = arith.subi %add3A_181, %sub3A_366 : i32
        %dma_wait3A_368 = arith.constant 0 : i32
        %dma_wait3A_369 = tpu.memref_slice %arg8[%sub3A_367, %dma_wait3A_368] : memref<196x128xi32, #tpu.memory_space<vmem>> -> memref<1x128xi32, #tpu.memory_space<vmem>>
        %dma_wait3A_370 = tpu.memref_squeeze %dma_wait3A_369 : memref<1x128xi32, #tpu.memory_space<vmem>> -> memref<128xi32, #tpu.memory_space<vmem>>
        %dma_wait3A_371 = arith.constant 0 : i32
        %dma_wait3A_372 = arith.constant 0 : i32
        %dma_wait3A_373 = tpu.memref_slice %arg16[%dma_wait3A_371, %dma_wait3A_372] : memref<52048x8xf32, #tpu.memory_space<vmem_shared>> -> memref<52048x8xf32, #tpu.memory_space<vmem_shared>>
        tpu.wait_indirect_dma semaphore(%arg24 : memref<!tpu.dma_semaphore, #tpu.memory_space<semaphore_mem>>) src(%arg9 : memref<128x8xf32, #tpu.memory_space<vmem>>) dst(%dma_wait3A_373 : memref<52048x8xf32, #tpu.memory_space<vmem_shared>>)
      } else {
      }
      %lt3A_194 = arith.constant 196 : i32
      %lt3A_195 = arith.cmpi slt, %sub3A_185, %lt3A_194 : i32
      %convert_element_type3A_196 = arith.extui %lt3A_195 : i1 to i32
      %cond3A_197 = arith.constant 0 : i32
      %cond3A_198 = arith.cmpi ne, %convert_element_type3A_196, %cond3A_197 : i32
      scf.if %cond3A_198 {
        %dma_start3A_366 = arith.constant 0 : i32
        %dma_start3A_367 = tpu.memref_slice %arg7[%sub3A_185, %dma_start3A_366] : memref<196x128xi32, #tpu.memory_space<vmem>> -> memref<1x128xi32, #tpu.memory_space<vmem>>
        %dma_start3A_368 = tpu.memref_squeeze %dma_start3A_367 : memref<1x128xi32, #tpu.memory_space<vmem>> -> memref<128xi32, #tpu.memory_space<vmem>>
        %dma_start3A_369 = arith.constant 0 : i32
        %dma_start3A_370 = arith.constant 0 : i32
        %dma_start3A_371 = tpu.memref_slice %arg2[%dma_start3A_369, %dma_start3A_370] : memref<50000x8xf32, #tpu.memory_space<hbm>> -> memref<50000x8xf32, #tpu.memory_space<hbm>>
        tpu.enqueue_indirect_dma source(%dma_start3A_371 : memref<50000x8xf32, #tpu.memory_space<hbm>>) target(%arg9 : memref<128x8xf32, #tpu.memory_space<vmem>>) offsets(%dma_start3A_368 : memref<128xi32, #tpu.memory_space<vmem>>) semaphore(%arg17 : memref<!tpu.dma_semaphore, #tpu.memory_space<semaphore_mem>>)
      } else {
      }
      %dma_wait3A_199 = arith.constant 0 : i32
      %dma_wait3A_200 = tpu.memref_slice %arg7[%add3A_181, %dma_wait3A_199] : memref<196x128xi32, #tpu.memory_space<vmem>> -> memref<1x128xi32, #tpu.memory_space<vmem>>
      %dma_wait3A_201 = tpu.memref_squeeze %dma_wait3A_200 : memref<1x128xi32, #tpu.memory_space<vmem>> -> memref<128xi32, #tpu.memory_space<vmem>>
      %dma_wait3A_202 = arith.constant 0 : i32
      %dma_wait3A_203 = arith.constant 0 : i32
      %dma_wait3A_204 = tpu.memref_slice %arg2[%dma_wait3A_202, %dma_wait3A_203] : memref<50000x8xf32, #tpu.memory_space<hbm>> -> memref<50000x8xf32, #tpu.memory_space<hbm>>
      tpu.wait_indirect_dma semaphore(%arg18 : memref<!tpu.dma_semaphore, #tpu.memory_space<semaphore_mem>>) src(%dma_wait3A_204 : memref<50000x8xf32, #tpu.memory_space<hbm>>) dst(%arg10 : memref<128x8xf32, #tpu.memory_space<vmem>>)
      %dma_start3A_205 = arith.constant 0 : i32
      %dma_start3A_206 = tpu.memref_slice %arg8[%add3A_181, %dma_start3A_205] : memref<196x128xi32, #tpu.memory_space<vmem>> -> memref<1x128xi32, #tpu.memory_space<vmem>>
      %dma_start3A_207 = tpu.memref_squeeze %dma_start3A_206 : memref<1x128xi32, #tpu.memory_space<vmem>> -> memref<128xi32, #tpu.memory_space<vmem>>
      %dma_start3A_208 = arith.constant 0 : i32
      %dma_start3A_209 = arith.constant 0 : i32
      %dma_start3A_210 = tpu.memref_slice %arg16[%dma_start3A_208, %dma_start3A_209] : memref<52048x8xf32, #tpu.memory_space<vmem_shared>> -> memref<52048x8xf32, #tpu.memory_space<vmem_shared>>
      tpu.enqueue_indirect_dma source(%arg10 : memref<128x8xf32, #tpu.memory_space<vmem>>) target(%dma_start3A_210 : memref<52048x8xf32, #tpu.memory_space<vmem_shared>>) offsets(%dma_start3A_207 : memref<128xi32, #tpu.memory_space<vmem>>) semaphore(%arg25 : memref<!tpu.dma_semaphore, #tpu.memory_space<semaphore_mem>>) {add = true}
      %add3A_211 = arith.constant 2 : i32
      %add3A_212 = arith.addi %mul3A_151, %add3A_211 : i32
      %add3A_213 = arith.constant 7 : i32
      %add3A_214 = arith.addi %add3A_212, %add3A_213 : i32
      %sub3A_215 = arith.constant 1 : i32
      %sub3A_216 = arith.subi %add3A_214, %sub3A_215 : i32
      %lt3A_217 = arith.constant 196 : i32
      %lt3A_218 = arith.cmpi slt, %sub3A_216, %lt3A_217 : i32
      %gt3A_219 = arith.constant 0 : i32
      %gt3A_220 = arith.cmpi sgt, %add3A_212, %gt3A_219 : i32
      %and3A_221 = arith.andi %lt3A_218, %gt3A_220 : i1
      %convert_element_type3A_222 = arith.extui %and3A_221 : i1 to i32
      %cond3A_223 = arith.constant 0 : i32
      %cond3A_224 = arith.cmpi ne, %convert_element_type3A_222, %cond3A_223 : i32
      scf.if %cond3A_224 {
        %sub3A_366 = arith.constant 1 : i32
        %sub3A_367 = arith.subi %add3A_212, %sub3A_366 : i32
        %dma_wait3A_368 = arith.constant 0 : i32
        %dma_wait3A_369 = tpu.memref_slice %arg8[%sub3A_367, %dma_wait3A_368] : memref<196x128xi32, #tpu.memory_space<vmem>> -> memref<1x128xi32, #tpu.memory_space<vmem>>
        %dma_wait3A_370 = tpu.memref_squeeze %dma_wait3A_369 : memref<1x128xi32, #tpu.memory_space<vmem>> -> memref<128xi32, #tpu.memory_space<vmem>>
        %dma_wait3A_371 = arith.constant 0 : i32
        %dma_wait3A_372 = arith.constant 0 : i32
        %dma_wait3A_373 = tpu.memref_slice %arg16[%dma_wait3A_371, %dma_wait3A_372] : memref<52048x8xf32, #tpu.memory_space<vmem_shared>> -> memref<52048x8xf32, #tpu.memory_space<vmem_shared>>
        tpu.wait_indirect_dma semaphore(%arg25 : memref<!tpu.dma_semaphore, #tpu.memory_space<semaphore_mem>>) src(%arg10 : memref<128x8xf32, #tpu.memory_space<vmem>>) dst(%dma_wait3A_373 : memref<52048x8xf32, #tpu.memory_space<vmem_shared>>)
      } else {
      }
      %lt3A_225 = arith.constant 196 : i32
      %lt3A_226 = arith.cmpi slt, %sub3A_216, %lt3A_225 : i32
      %convert_element_type3A_227 = arith.extui %lt3A_226 : i1 to i32
      %cond3A_228 = arith.constant 0 : i32
      %cond3A_229 = arith.cmpi ne, %convert_element_type3A_227, %cond3A_228 : i32
      scf.if %cond3A_229 {
        %dma_start3A_366 = arith.constant 0 : i32
        %dma_start3A_367 = tpu.memref_slice %arg7[%sub3A_216, %dma_start3A_366] : memref<196x128xi32, #tpu.memory_space<vmem>> -> memref<1x128xi32, #tpu.memory_space<vmem>>
        %dma_start3A_368 = tpu.memref_squeeze %dma_start3A_367 : memref<1x128xi32, #tpu.memory_space<vmem>> -> memref<128xi32, #tpu.memory_space<vmem>>
        %dma_start3A_369 = arith.constant 0 : i32
        %dma_start3A_370 = arith.constant 0 : i32
        %dma_start3A_371 = tpu.memref_slice %arg2[%dma_start3A_369, %dma_start3A_370] : memref<50000x8xf32, #tpu.memory_space<hbm>> -> memref<50000x8xf32, #tpu.memory_space<hbm>>
        tpu.enqueue_indirect_dma source(%dma_start3A_371 : memref<50000x8xf32, #tpu.memory_space<hbm>>) target(%arg10 : memref<128x8xf32, #tpu.memory_space<vmem>>) offsets(%dma_start3A_368 : memref<128xi32, #tpu.memory_space<vmem>>) semaphore(%arg18 : memref<!tpu.dma_semaphore, #tpu.memory_space<semaphore_mem>>)
      } else {
      }
      %dma_wait3A_230 = arith.constant 0 : i32
      %dma_wait3A_231 = tpu.memref_slice %arg7[%add3A_212, %dma_wait3A_230] : memref<196x128xi32, #tpu.memory_space<vmem>> -> memref<1x128xi32, #tpu.memory_space<vmem>>
      %dma_wait3A_232 = tpu.memref_squeeze %dma_wait3A_231 : memref<1x128xi32, #tpu.memory_space<vmem>> -> memref<128xi32, #tpu.memory_space<vmem>>
      %dma_wait3A_233 = arith.constant 0 : i32
      %dma_wait3A_234 = arith.constant 0 : i32
      %dma_wait3A_235 = tpu.memref_slice %arg2[%dma_wait3A_233, %dma_wait3A_234] : memref<50000x8xf32, #tpu.memory_space<hbm>> -> memref<50000x8xf32, #tpu.memory_space<hbm>>
      tpu.wait_indirect_dma semaphore(%arg19 : memref<!tpu.dma_semaphore, #tpu.memory_space<semaphore_mem>>) src(%dma_wait3A_235 : memref<50000x8xf32, #tpu.memory_space<hbm>>) dst(%arg11 : memref<128x8xf32, #tpu.memory_space<vmem>>)
      %dma_start3A_236 = arith.constant 0 : i32
      %dma_start3A_237 = tpu.memref_slice %arg8[%add3A_212, %dma_start3A_236] : memref<196x128xi32, #tpu.memory_space<vmem>> -> memref<1x128xi32, #tpu.memory_space<vmem>>
      %dma_start3A_238 = tpu.memref_squeeze %dma_start3A_237 : memref<1x128xi32, #tpu.memory_space<vmem>> -> memref<128xi32, #tpu.memory_space<vmem>>
      %dma_start3A_239 = arith.constant 0 : i32
      %dma_start3A_240 = arith.constant 0 : i32
      %dma_start3A_241 = tpu.memref_slice %arg16[%dma_start3A_239, %dma_start3A_240] : memref<52048x8xf32, #tpu.memory_space<vmem_shared>> -> memref<52048x8xf32, #tpu.memory_space<vmem_shared>>
      tpu.enqueue_indirect_dma source(%arg11 : memref<128x8xf32, #tpu.memory_space<vmem>>) target(%dma_start3A_241 : memref<52048x8xf32, #tpu.memory_space<vmem_shared>>) offsets(%dma_start3A_238 : memref<128xi32, #tpu.memory_space<vmem>>) semaphore(%arg26 : memref<!tpu.dma_semaphore, #tpu.memory_space<semaphore_mem>>) {add = true}
      %add3A_242 = arith.constant 3 : i32
      %add3A_243 = arith.addi %mul3A_151, %add3A_242 : i32
      %add3A_244 = arith.constant 7 : i32
      %add3A_245 = arith.addi %add3A_243, %add3A_244 : i32
      %sub3A_246 = arith.constant 1 : i32
      %sub3A_247 = arith.subi %add3A_245, %sub3A_246 : i32
      %lt3A_248 = arith.constant 196 : i32
      %lt3A_249 = arith.cmpi slt, %sub3A_247, %lt3A_248 : i32
      %gt3A_250 = arith.constant 0 : i32
      %gt3A_251 = arith.cmpi sgt, %add3A_243, %gt3A_250 : i32
      %and3A_252 = arith.andi %lt3A_249, %gt3A_251 : i1
      %convert_element_type3A_253 = arith.extui %and3A_252 : i1 to i32
      %cond3A_254 = arith.constant 0 : i32
      %cond3A_255 = arith.cmpi ne, %convert_element_type3A_253, %cond3A_254 : i32
      scf.if %cond3A_255 {
        %sub3A_366 = arith.constant 1 : i32
        %sub3A_367 = arith.subi %add3A_243, %sub3A_366 : i32
        %dma_wait3A_368 = arith.constant 0 : i32
        %dma_wait3A_369 = tpu.memref_slice %arg8[%sub3A_367, %dma_wait3A_368] : memref<196x128xi32, #tpu.memory_space<vmem>> -> memref<1x128xi32, #tpu.memory_space<vmem>>
        %dma_wait3A_370 = tpu.memref_squeeze %dma_wait3A_369 : memref<1x128xi32, #tpu.memory_space<vmem>> -> memref<128xi32, #tpu.memory_space<vmem>>
        %dma_wait3A_371 = arith.constant 0 : i32
        %dma_wait3A_372 = arith.constant 0 : i32
        %dma_wait3A_373 = tpu.memref_slice %arg16[%dma_wait3A_371, %dma_wait3A_372] : memref<52048x8xf32, #tpu.memory_space<vmem_shared>> -> memref<52048x8xf32, #tpu.memory_space<vmem_shared>>
        tpu.wait_indirect_dma semaphore(%arg26 : memref<!tpu.dma_semaphore, #tpu.memory_space<semaphore_mem>>) src(%arg11 : memref<128x8xf32, #tpu.memory_space<vmem>>) dst(%dma_wait3A_373 : memref<52048x8xf32, #tpu.memory_space<vmem_shared>>)
      } else {
      }
      %lt3A_256 = arith.constant 196 : i32
      %lt3A_257 = arith.cmpi slt, %sub3A_247, %lt3A_256 : i32
      %convert_element_type3A_258 = arith.extui %lt3A_257 : i1 to i32
      %cond3A_259 = arith.constant 0 : i32
      %cond3A_260 = arith.cmpi ne, %convert_element_type3A_258, %cond3A_259 : i32
      scf.if %cond3A_260 {
        %dma_start3A_366 = arith.constant 0 : i32
        %dma_start3A_367 = tpu.memref_slice %arg7[%sub3A_247, %dma_start3A_366] : memref<196x128xi32, #tpu.memory_space<vmem>> -> memref<1x128xi32, #tpu.memory_space<vmem>>
        %dma_start3A_368 = tpu.memref_squeeze %dma_start3A_367 : memref<1x128xi32, #tpu.memory_space<vmem>> -> memref<128xi32, #tpu.memory_space<vmem>>
        %dma_start3A_369 = arith.constant 0 : i32
        %dma_start3A_370 = arith.constant 0 : i32
        %dma_start3A_371 = tpu.memref_slice %arg2[%dma_start3A_369, %dma_start3A_370] : memref<50000x8xf32, #tpu.memory_space<hbm>> -> memref<50000x8xf32, #tpu.memory_space<hbm>>
        tpu.enqueue_indirect_dma source(%dma_start3A_371 : memref<50000x8xf32, #tpu.memory_space<hbm>>) target(%arg11 : memref<128x8xf32, #tpu.memory_space<vmem>>) offsets(%dma_start3A_368 : memref<128xi32, #tpu.memory_space<vmem>>) semaphore(%arg19 : memref<!tpu.dma_semaphore, #tpu.memory_space<semaphore_mem>>)
      } else {
      }
      %dma_wait3A_261 = arith.constant 0 : i32
      %dma_wait3A_262 = tpu.memref_slice %arg7[%add3A_243, %dma_wait3A_261] : memref<196x128xi32, #tpu.memory_space<vmem>> -> memref<1x128xi32, #tpu.memory_space<vmem>>
      %dma_wait3A_263 = tpu.memref_squeeze %dma_wait3A_262 : memref<1x128xi32, #tpu.memory_space<vmem>> -> memref<128xi32, #tpu.memory_space<vmem>>
      %dma_wait3A_264 = arith.constant 0 : i32
      %dma_wait3A_265 = arith.constant 0 : i32
      %dma_wait3A_266 = tpu.memref_slice %arg2[%dma_wait3A_264, %dma_wait3A_265] : memref<50000x8xf32, #tpu.memory_space<hbm>> -> memref<50000x8xf32, #tpu.memory_space<hbm>>
      tpu.wait_indirect_dma semaphore(%arg20 : memref<!tpu.dma_semaphore, #tpu.memory_space<semaphore_mem>>) src(%dma_wait3A_266 : memref<50000x8xf32, #tpu.memory_space<hbm>>) dst(%arg12 : memref<128x8xf32, #tpu.memory_space<vmem>>)
      %dma_start3A_267 = arith.constant 0 : i32
      %dma_start3A_268 = tpu.memref_slice %arg8[%add3A_243, %dma_start3A_267] : memref<196x128xi32, #tpu.memory_space<vmem>> -> memref<1x128xi32, #tpu.memory_space<vmem>>
      %dma_start3A_269 = tpu.memref_squeeze %dma_start3A_268 : memref<1x128xi32, #tpu.memory_space<vmem>> -> memref<128xi32, #tpu.memory_space<vmem>>
      %dma_start3A_270 = arith.constant 0 : i32
      %dma_start3A_271 = arith.constant 0 : i32
      %dma_start3A_272 = tpu.memref_slice %arg16[%dma_start3A_270, %dma_start3A_271] : memref<52048x8xf32, #tpu.memory_space<vmem_shared>> -> memref<52048x8xf32, #tpu.memory_space<vmem_shared>>
      tpu.enqueue_indirect_dma source(%arg12 : memref<128x8xf32, #tpu.memory_space<vmem>>) target(%dma_start3A_272 : memref<52048x8xf32, #tpu.memory_space<vmem_shared>>) offsets(%dma_start3A_269 : memref<128xi32, #tpu.memory_space<vmem>>) semaphore(%arg27 : memref<!tpu.dma_semaphore, #tpu.memory_space<semaphore_mem>>) {add = true}
      %add3A_273 = arith.constant 4 : i32
      %add3A_274 = arith.addi %mul3A_151, %add3A_273 : i32
      %add3A_275 = arith.constant 7 : i32
      %add3A_276 = arith.addi %add3A_274, %add3A_275 : i32
      %sub3A_277 = arith.constant 1 : i32
      %sub3A_278 = arith.subi %add3A_276, %sub3A_277 : i32
      %lt3A_279 = arith.constant 196 : i32
      %lt3A_280 = arith.cmpi slt, %sub3A_278, %lt3A_279 : i32
      %gt3A_281 = arith.constant 0 : i32
      %gt3A_282 = arith.cmpi sgt, %add3A_274, %gt3A_281 : i32
      %and3A_283 = arith.andi %lt3A_280, %gt3A_282 : i1
      %convert_element_type3A_284 = arith.extui %and3A_283 : i1 to i32
      %cond3A_285 = arith.constant 0 : i32
      %cond3A_286 = arith.cmpi ne, %convert_element_type3A_284, %cond3A_285 : i32
      scf.if %cond3A_286 {
        %sub3A_366 = arith.constant 1 : i32
        %sub3A_367 = arith.subi %add3A_274, %sub3A_366 : i32
        %dma_wait3A_368 = arith.constant 0 : i32
        %dma_wait3A_369 = tpu.memref_slice %arg8[%sub3A_367, %dma_wait3A_368] : memref<196x128xi32, #tpu.memory_space<vmem>> -> memref<1x128xi32, #tpu.memory_space<vmem>>
        %dma_wait3A_370 = tpu.memref_squeeze %dma_wait3A_369 : memref<1x128xi32, #tpu.memory_space<vmem>> -> memref<128xi32, #tpu.memory_space<vmem>>
        %dma_wait3A_371 = arith.constant 0 : i32
        %dma_wait3A_372 = arith.constant 0 : i32
        %dma_wait3A_373 = tpu.memref_slice %arg16[%dma_wait3A_371, %dma_wait3A_372] : memref<52048x8xf32, #tpu.memory_space<vmem_shared>> -> memref<52048x8xf32, #tpu.memory_space<vmem_shared>>
        tpu.wait_indirect_dma semaphore(%arg27 : memref<!tpu.dma_semaphore, #tpu.memory_space<semaphore_mem>>) src(%arg12 : memref<128x8xf32, #tpu.memory_space<vmem>>) dst(%dma_wait3A_373 : memref<52048x8xf32, #tpu.memory_space<vmem_shared>>)
      } else {
      }
      %lt3A_287 = arith.constant 196 : i32
      %lt3A_288 = arith.cmpi slt, %sub3A_278, %lt3A_287 : i32
      %convert_element_type3A_289 = arith.extui %lt3A_288 : i1 to i32
      %cond3A_290 = arith.constant 0 : i32
      %cond3A_291 = arith.cmpi ne, %convert_element_type3A_289, %cond3A_290 : i32
      scf.if %cond3A_291 {
        %dma_start3A_366 = arith.constant 0 : i32
        %dma_start3A_367 = tpu.memref_slice %arg7[%sub3A_278, %dma_start3A_366] : memref<196x128xi32, #tpu.memory_space<vmem>> -> memref<1x128xi32, #tpu.memory_space<vmem>>
        %dma_start3A_368 = tpu.memref_squeeze %dma_start3A_367 : memref<1x128xi32, #tpu.memory_space<vmem>> -> memref<128xi32, #tpu.memory_space<vmem>>
        %dma_start3A_369 = arith.constant 0 : i32
        %dma_start3A_370 = arith.constant 0 : i32
        %dma_start3A_371 = tpu.memref_slice %arg2[%dma_start3A_369, %dma_start3A_370] : memref<50000x8xf32, #tpu.memory_space<hbm>> -> memref<50000x8xf32, #tpu.memory_space<hbm>>
        tpu.enqueue_indirect_dma source(%dma_start3A_371 : memref<50000x8xf32, #tpu.memory_space<hbm>>) target(%arg12 : memref<128x8xf32, #tpu.memory_space<vmem>>) offsets(%dma_start3A_368 : memref<128xi32, #tpu.memory_space<vmem>>) semaphore(%arg20 : memref<!tpu.dma_semaphore, #tpu.memory_space<semaphore_mem>>)
      } else {
      }
      %dma_wait3A_292 = arith.constant 0 : i32
      %dma_wait3A_293 = tpu.memref_slice %arg7[%add3A_274, %dma_wait3A_292] : memref<196x128xi32, #tpu.memory_space<vmem>> -> memref<1x128xi32, #tpu.memory_space<vmem>>
      %dma_wait3A_294 = tpu.memref_squeeze %dma_wait3A_293 : memref<1x128xi32, #tpu.memory_space<vmem>> -> memref<128xi32, #tpu.memory_space<vmem>>
      %dma_wait3A_295 = arith.constant 0 : i32
      %dma_wait3A_296 = arith.constant 0 : i32
      %dma_wait3A_297 = tpu.memref_slice %arg2[%dma_wait3A_295, %dma_wait3A_296] : memref<50000x8xf32, #tpu.memory_space<hbm>> -> memref<50000x8xf32, #tpu.memory_space<hbm>>
      tpu.wait_indirect_dma semaphore(%arg21 : memref<!tpu.dma_semaphore, #tpu.memory_space<semaphore_mem>>) src(%dma_wait3A_297 : memref<50000x8xf32, #tpu.memory_space<hbm>>) dst(%arg13 : memref<128x8xf32, #tpu.memory_space<vmem>>)
      %dma_start3A_298 = arith.constant 0 : i32
      %dma_start3A_299 = tpu.memref_slice %arg8[%add3A_274, %dma_start3A_298] : memref<196x128xi32, #tpu.memory_space<vmem>> -> memref<1x128xi32, #tpu.memory_space<vmem>>
      %dma_start3A_300 = tpu.memref_squeeze %dma_start3A_299 : memref<1x128xi32, #tpu.memory_space<vmem>> -> memref<128xi32, #tpu.memory_space<vmem>>
      %dma_start3A_301 = arith.constant 0 : i32
      %dma_start3A_302 = arith.constant 0 : i32
      %dma_start3A_303 = tpu.memref_slice %arg16[%dma_start3A_301, %dma_start3A_302] : memref<52048x8xf32, #tpu.memory_space<vmem_shared>> -> memref<52048x8xf32, #tpu.memory_space<vmem_shared>>
      tpu.enqueue_indirect_dma source(%arg13 : memref<128x8xf32, #tpu.memory_space<vmem>>) target(%dma_start3A_303 : memref<52048x8xf32, #tpu.memory_space<vmem_shared>>) offsets(%dma_start3A_300 : memref<128xi32, #tpu.memory_space<vmem>>) semaphore(%arg28 : memref<!tpu.dma_semaphore, #tpu.memory_space<semaphore_mem>>) {add = true}
      %add3A_304 = arith.constant 5 : i32
      %add3A_305 = arith.addi %mul3A_151, %add3A_304 : i32
      %add3A_306 = arith.constant 7 : i32
      %add3A_307 = arith.addi %add3A_305, %add3A_306 : i32
      %sub3A_308 = arith.constant 1 : i32
      %sub3A_309 = arith.subi %add3A_307, %sub3A_308 : i32
      %lt3A_310 = arith.constant 196 : i32
      %lt3A_311 = arith.cmpi slt, %sub3A_309, %lt3A_310 : i32
      %gt3A_312 = arith.constant 0 : i32
      %gt3A_313 = arith.cmpi sgt, %add3A_305, %gt3A_312 : i32
      %and3A_314 = arith.andi %lt3A_311, %gt3A_313 : i1
      %convert_element_type3A_315 = arith.extui %and3A_314 : i1 to i32
      %cond3A_316 = arith.constant 0 : i32
      %cond3A_317 = arith.cmpi ne, %convert_element_type3A_315, %cond3A_316 : i32
      scf.if %cond3A_317 {
        %sub3A_366 = arith.constant 1 : i32
        %sub3A_367 = arith.subi %add3A_305, %sub3A_366 : i32
        %dma_wait3A_368 = arith.constant 0 : i32
        %dma_wait3A_369 = tpu.memref_slice %arg8[%sub3A_367, %dma_wait3A_368] : memref<196x128xi32, #tpu.memory_space<vmem>> -> memref<1x128xi32, #tpu.memory_space<vmem>>
        %dma_wait3A_370 = tpu.memref_squeeze %dma_wait3A_369 : memref<1x128xi32, #tpu.memory_space<vmem>> -> memref<128xi32, #tpu.memory_space<vmem>>
        %dma_wait3A_371 = arith.constant 0 : i32
        %dma_wait3A_372 = arith.constant 0 : i32
        %dma_wait3A_373 = tpu.memref_slice %arg16[%dma_wait3A_371, %dma_wait3A_372] : memref<52048x8xf32, #tpu.memory_space<vmem_shared>> -> memref<52048x8xf32, #tpu.memory_space<vmem_shared>>
        tpu.wait_indirect_dma semaphore(%arg28 : memref<!tpu.dma_semaphore, #tpu.memory_space<semaphore_mem>>) src(%arg13 : memref<128x8xf32, #tpu.memory_space<vmem>>) dst(%dma_wait3A_373 : memref<52048x8xf32, #tpu.memory_space<vmem_shared>>)
      } else {
      }
      %lt3A_318 = arith.constant 196 : i32
      %lt3A_319 = arith.cmpi slt, %sub3A_309, %lt3A_318 : i32
      %convert_element_type3A_320 = arith.extui %lt3A_319 : i1 to i32
      %cond3A_321 = arith.constant 0 : i32
      %cond3A_322 = arith.cmpi ne, %convert_element_type3A_320, %cond3A_321 : i32
      scf.if %cond3A_322 {
        %dma_start3A_366 = arith.constant 0 : i32
        %dma_start3A_367 = tpu.memref_slice %arg7[%sub3A_309, %dma_start3A_366] : memref<196x128xi32, #tpu.memory_space<vmem>> -> memref<1x128xi32, #tpu.memory_space<vmem>>
        %dma_start3A_368 = tpu.memref_squeeze %dma_start3A_367 : memref<1x128xi32, #tpu.memory_space<vmem>> -> memref<128xi32, #tpu.memory_space<vmem>>
        %dma_start3A_369 = arith.constant 0 : i32
        %dma_start3A_370 = arith.constant 0 : i32
        %dma_start3A_371 = tpu.memref_slice %arg2[%dma_start3A_369, %dma_start3A_370] : memref<50000x8xf32, #tpu.memory_space<hbm>> -> memref<50000x8xf32, #tpu.memory_space<hbm>>
        tpu.enqueue_indirect_dma source(%dma_start3A_371 : memref<50000x8xf32, #tpu.memory_space<hbm>>) target(%arg13 : memref<128x8xf32, #tpu.memory_space<vmem>>) offsets(%dma_start3A_368 : memref<128xi32, #tpu.memory_space<vmem>>) semaphore(%arg21 : memref<!tpu.dma_semaphore, #tpu.memory_space<semaphore_mem>>)
      } else {
      }
      %dma_wait3A_323 = arith.constant 0 : i32
      %dma_wait3A_324 = tpu.memref_slice %arg7[%add3A_305, %dma_wait3A_323] : memref<196x128xi32, #tpu.memory_space<vmem>> -> memref<1x128xi32, #tpu.memory_space<vmem>>
      %dma_wait3A_325 = tpu.memref_squeeze %dma_wait3A_324 : memref<1x128xi32, #tpu.memory_space<vmem>> -> memref<128xi32, #tpu.memory_space<vmem>>
      %dma_wait3A_326 = arith.constant 0 : i32
      %dma_wait3A_327 = arith.constant 0 : i32
      %dma_wait3A_328 = tpu.memref_slice %arg2[%dma_wait3A_326, %dma_wait3A_327] : memref<50000x8xf32, #tpu.memory_space<hbm>> -> memref<50000x8xf32, #tpu.memory_space<hbm>>
      tpu.wait_indirect_dma semaphore(%arg22 : memref<!tpu.dma_semaphore, #tpu.memory_space<semaphore_mem>>) src(%dma_wait3A_328 : memref<50000x8xf32, #tpu.memory_space<hbm>>) dst(%arg14 : memref<128x8xf32, #tpu.memory_space<vmem>>)
      %dma_start3A_329 = arith.constant 0 : i32
      %dma_start3A_330 = tpu.memref_slice %arg8[%add3A_305, %dma_start3A_329] : memref<196x128xi32, #tpu.memory_space<vmem>> -> memref<1x128xi32, #tpu.memory_space<vmem>>
      %dma_start3A_331 = tpu.memref_squeeze %dma_start3A_330 : memref<1x128xi32, #tpu.memory_space<vmem>> -> memref<128xi32, #tpu.memory_space<vmem>>
      %dma_start3A_332 = arith.constant 0 : i32
      %dma_start3A_333 = arith.constant 0 : i32
      %dma_start3A_334 = tpu.memref_slice %arg16[%dma_start3A_332, %dma_start3A_333] : memref<52048x8xf32, #tpu.memory_space<vmem_shared>> -> memref<52048x8xf32, #tpu.memory_space<vmem_shared>>
      tpu.enqueue_indirect_dma source(%arg14 : memref<128x8xf32, #tpu.memory_space<vmem>>) target(%dma_start3A_334 : memref<52048x8xf32, #tpu.memory_space<vmem_shared>>) offsets(%dma_start3A_331 : memref<128xi32, #tpu.memory_space<vmem>>) semaphore(%arg29 : memref<!tpu.dma_semaphore, #tpu.memory_space<semaphore_mem>>) {add = true}
      %add3A_335 = arith.constant 6 : i32
      %add3A_336 = arith.addi %mul3A_151, %add3A_335 : i32
      %add3A_337 = arith.constant 7 : i32
      %add3A_338 = arith.addi %add3A_336, %add3A_337 : i32
      %sub3A_339 = arith.constant 1 : i32
      %sub3A_340 = arith.subi %add3A_338, %sub3A_339 : i32
      %lt3A_341 = arith.constant 196 : i32
      %lt3A_342 = arith.cmpi slt, %sub3A_340, %lt3A_341 : i32
      %gt3A_343 = arith.constant 0 : i32
      %gt3A_344 = arith.cmpi sgt, %add3A_336, %gt3A_343 : i32
      %and3A_345 = arith.andi %lt3A_342, %gt3A_344 : i1
      %convert_element_type3A_346 = arith.extui %and3A_345 : i1 to i32
      %cond3A_347 = arith.constant 0 : i32
      %cond3A_348 = arith.cmpi ne, %convert_element_type3A_346, %cond3A_347 : i32
      scf.if %cond3A_348 {
        %sub3A_366 = arith.constant 1 : i32
        %sub3A_367 = arith.subi %add3A_336, %sub3A_366 : i32
        %dma_wait3A_368 = arith.constant 0 : i32
        %dma_wait3A_369 = tpu.memref_slice %arg8[%sub3A_367, %dma_wait3A_368] : memref<196x128xi32, #tpu.memory_space<vmem>> -> memref<1x128xi32, #tpu.memory_space<vmem>>
        %dma_wait3A_370 = tpu.memref_squeeze %dma_wait3A_369 : memref<1x128xi32, #tpu.memory_space<vmem>> -> memref<128xi32, #tpu.memory_space<vmem>>
        %dma_wait3A_371 = arith.constant 0 : i32
        %dma_wait3A_372 = arith.constant 0 : i32
        %dma_wait3A_373 = tpu.memref_slice %arg16[%dma_wait3A_371, %dma_wait3A_372] : memref<52048x8xf32, #tpu.memory_space<vmem_shared>> -> memref<52048x8xf32, #tpu.memory_space<vmem_shared>>
        tpu.wait_indirect_dma semaphore(%arg29 : memref<!tpu.dma_semaphore, #tpu.memory_space<semaphore_mem>>) src(%arg14 : memref<128x8xf32, #tpu.memory_space<vmem>>) dst(%dma_wait3A_373 : memref<52048x8xf32, #tpu.memory_space<vmem_shared>>)
      } else {
      }
      %lt3A_349 = arith.constant 196 : i32
      %lt3A_350 = arith.cmpi slt, %sub3A_340, %lt3A_349 : i32
      %convert_element_type3A_351 = arith.extui %lt3A_350 : i1 to i32
      %cond3A_352 = arith.constant 0 : i32
      %cond3A_353 = arith.cmpi ne, %convert_element_type3A_351, %cond3A_352 : i32
      scf.if %cond3A_353 {
        %dma_start3A_366 = arith.constant 0 : i32
        %dma_start3A_367 = tpu.memref_slice %arg7[%sub3A_340, %dma_start3A_366] : memref<196x128xi32, #tpu.memory_space<vmem>> -> memref<1x128xi32, #tpu.memory_space<vmem>>
        %dma_start3A_368 = tpu.memref_squeeze %dma_start3A_367 : memref<1x128xi32, #tpu.memory_space<vmem>> -> memref<128xi32, #tpu.memory_space<vmem>>
        %dma_start3A_369 = arith.constant 0 : i32
        %dma_start3A_370 = arith.constant 0 : i32
        %dma_start3A_371 = tpu.memref_slice %arg2[%dma_start3A_369, %dma_start3A_370] : memref<50000x8xf32, #tpu.memory_space<hbm>> -> memref<50000x8xf32, #tpu.memory_space<hbm>>
        tpu.enqueue_indirect_dma source(%dma_start3A_371 : memref<50000x8xf32, #tpu.memory_space<hbm>>) target(%arg14 : memref<128x8xf32, #tpu.memory_space<vmem>>) offsets(%dma_start3A_368 : memref<128xi32, #tpu.memory_space<vmem>>) semaphore(%arg22 : memref<!tpu.dma_semaphore, #tpu.memory_space<semaphore_mem>>)
      } else {
      }
      %dma_wait3A_354 = arith.constant 0 : i32
      %dma_wait3A_355 = tpu.memref_slice %arg7[%add3A_336, %dma_wait3A_354] : memref<196x128xi32, #tpu.memory_space<vmem>> -> memref<1x128xi32, #tpu.memory_space<vmem>>
      %dma_wait3A_356 = tpu.memref_squeeze %dma_wait3A_355 : memref<1x128xi32, #tpu.memory_space<vmem>> -> memref<128xi32, #tpu.memory_space<vmem>>
      %dma_wait3A_357 = arith.constant 0 : i32
      %dma_wait3A_358 = arith.constant 0 : i32
      %dma_wait3A_359 = tpu.memref_slice %arg2[%dma_wait3A_357, %dma_wait3A_358] : memref<50000x8xf32, #tpu.memory_space<hbm>> -> memref<50000x8xf32, #tpu.memory_space<hbm>>
      tpu.wait_indirect_dma semaphore(%arg23 : memref<!tpu.dma_semaphore, #tpu.memory_space<semaphore_mem>>) src(%dma_wait3A_359 : memref<50000x8xf32, #tpu.memory_space<hbm>>) dst(%arg15 : memref<128x8xf32, #tpu.memory_space<vmem>>)
      %dma_start3A_360 = arith.constant 0 : i32
      %dma_start3A_361 = tpu.memref_slice %arg8[%add3A_336, %dma_start3A_360] : memref<196x128xi32, #tpu.memory_space<vmem>> -> memref<1x128xi32, #tpu.memory_space<vmem>>
      %dma_start3A_362 = tpu.memref_squeeze %dma_start3A_361 : memref<1x128xi32, #tpu.memory_space<vmem>> -> memref<128xi32, #tpu.memory_space<vmem>>
      %dma_start3A_363 = arith.constant 0 : i32
      %dma_start3A_364 = arith.constant 0 : i32
      %dma_start3A_365 = tpu.memref_slice %arg16[%dma_start3A_363, %dma_start3A_364] : memref<52048x8xf32, #tpu.memory_space<vmem_shared>> -> memref<52048x8xf32, #tpu.memory_space<vmem_shared>>
      tpu.enqueue_indirect_dma source(%arg15 : memref<128x8xf32, #tpu.memory_space<vmem>>) target(%dma_start3A_365 : memref<52048x8xf32, #tpu.memory_space<vmem_shared>>) offsets(%dma_start3A_362 : memref<128xi32, #tpu.memory_space<vmem>>) semaphore(%arg30 : memref<!tpu.dma_semaphore, #tpu.memory_space<semaphore_mem>>) {add = true}
    }
    %scan3A_84 = arith.constant 28 : i32
    %dma_wait3A_85 = arith.constant 189 : i32
    %dma_wait3A_86 = arith.constant 0 : i32
    %dma_wait3A_87 = tpu.memref_slice %arg8[%dma_wait3A_85, %dma_wait3A_86] : memref<196x128xi32, #tpu.memory_space<vmem>> -> memref<1x128xi32, #tpu.memory_space<vmem>>
    %dma_wait3A_88 = tpu.memref_squeeze %dma_wait3A_87 : memref<1x128xi32, #tpu.memory_space<vmem>> -> memref<128xi32, #tpu.memory_space<vmem>>
    %dma_wait3A_89 = arith.constant 0 : i32
    %dma_wait3A_90 = arith.constant 0 : i32
    %dma_wait3A_91 = tpu.memref_slice %arg16[%dma_wait3A_89, %dma_wait3A_90] : memref<52048x8xf32, #tpu.memory_space<vmem_shared>> -> memref<52048x8xf32, #tpu.memory_space<vmem_shared>>
    tpu.wait_indirect_dma semaphore(%arg24 : memref<!tpu.dma_semaphore, #tpu.memory_space<semaphore_mem>>) src(%arg9 : memref<128x8xf32, #tpu.memory_space<vmem>>) dst(%dma_wait3A_91 : memref<52048x8xf32, #tpu.memory_space<vmem_shared>>)
    %dma_wait3A_92 = arith.constant 190 : i32
    %dma_wait3A_93 = arith.constant 0 : i32
    %dma_wait3A_94 = tpu.memref_slice %arg8[%dma_wait3A_92, %dma_wait3A_93] : memref<196x128xi32, #tpu.memory_space<vmem>> -> memref<1x128xi32, #tpu.memory_space<vmem>>
    %dma_wait3A_95 = tpu.memref_squeeze %dma_wait3A_94 : memref<1x128xi32, #tpu.memory_space<vmem>> -> memref<128xi32, #tpu.memory_space<vmem>>
    %dma_wait3A_96 = arith.constant 0 : i32
    %dma_wait3A_97 = arith.constant 0 : i32
    %dma_wait3A_98 = tpu.memref_slice %arg16[%dma_wait3A_96, %dma_wait3A_97] : memref<52048x8xf32, #tpu.memory_space<vmem_shared>> -> memref<52048x8xf32, #tpu.memory_space<vmem_shared>>
    tpu.wait_indirect_dma semaphore(%arg25 : memref<!tpu.dma_semaphore, #tpu.memory_space<semaphore_mem>>) src(%arg10 : memref<128x8xf32, #tpu.memory_space<vmem>>) dst(%dma_wait3A_98 : memref<52048x8xf32, #tpu.memory_space<vmem_shared>>)
    %dma_wait3A_99 = arith.constant 191 : i32
    %dma_wait3A_100 = arith.constant 0 : i32
    %dma_wait3A_101 = tpu.memref_slice %arg8[%dma_wait3A_99, %dma_wait3A_100] : memref<196x128xi32, #tpu.memory_space<vmem>> -> memref<1x128xi32, #tpu.memory_space<vmem>>
    %dma_wait3A_102 = tpu.memref_squeeze %dma_wait3A_101 : memref<1x128xi32, #tpu.memory_space<vmem>> -> memref<128xi32, #tpu.memory_space<vmem>>
    %dma_wait3A_103 = arith.constant 0 : i32
    %dma_wait3A_104 = arith.constant 0 : i32
    %dma_wait3A_105 = tpu.memref_slice %arg16[%dma_wait3A_103, %dma_wait3A_104] : memref<52048x8xf32, #tpu.memory_space<vmem_shared>> -> memref<52048x8xf32, #tpu.memory_space<vmem_shared>>
    tpu.wait_indirect_dma semaphore(%arg26 : memref<!tpu.dma_semaphore, #tpu.memory_space<semaphore_mem>>) src(%arg11 : memref<128x8xf32, #tpu.memory_space<vmem>>) dst(%dma_wait3A_105 : memref<52048x8xf32, #tpu.memory_space<vmem_shared>>)
    %dma_wait3A_106 = arith.constant 192 : i32
    %dma_wait3A_107 = arith.constant 0 : i32
    %dma_wait3A_108 = tpu.memref_slice %arg8[%dma_wait3A_106, %dma_wait3A_107] : memref<196x128xi32, #tpu.memory_space<vmem>> -> memref<1x128xi32, #tpu.memory_space<vmem>>
    %dma_wait3A_109 = tpu.memref_squeeze %dma_wait3A_108 : memref<1x128xi32, #tpu.memory_space<vmem>> -> memref<128xi32, #tpu.memory_space<vmem>>
    %dma_wait3A_110 = arith.constant 0 : i32
    %dma_wait3A_111 = arith.constant 0 : i32
    %dma_wait3A_112 = tpu.memref_slice %arg16[%dma_wait3A_110, %dma_wait3A_111] : memref<52048x8xf32, #tpu.memory_space<vmem_shared>> -> memref<52048x8xf32, #tpu.memory_space<vmem_shared>>
    tpu.wait_indirect_dma semaphore(%arg27 : memref<!tpu.dma_semaphore, #tpu.memory_space<semaphore_mem>>) src(%arg12 : memref<128x8xf32, #tpu.memory_space<vmem>>) dst(%dma_wait3A_112 : memref<52048x8xf32, #tpu.memory_space<vmem_shared>>)
    %dma_wait3A_113 = arith.constant 193 : i32
    %dma_wait3A_114 = arith.constant 0 : i32
    %dma_wait3A_115 = tpu.memref_slice %arg8[%dma_wait3A_113, %dma_wait3A_114] : memref<196x128xi32, #tpu.memory_space<vmem>> -> memref<1x128xi32, #tpu.memory_space<vmem>>
    %dma_wait3A_116 = tpu.memref_squeeze %dma_wait3A_115 : memref<1x128xi32, #tpu.memory_space<vmem>> -> memref<128xi32, #tpu.memory_space<vmem>>
    %dma_wait3A_117 = arith.constant 0 : i32
    %dma_wait3A_118 = arith.constant 0 : i32
    %dma_wait3A_119 = tpu.memref_slice %arg16[%dma_wait3A_117, %dma_wait3A_118] : memref<52048x8xf32, #tpu.memory_space<vmem_shared>> -> memref<52048x8xf32, #tpu.memory_space<vmem_shared>>
    tpu.wait_indirect_dma semaphore(%arg28 : memref<!tpu.dma_semaphore, #tpu.memory_space<semaphore_mem>>) src(%arg13 : memref<128x8xf32, #tpu.memory_space<vmem>>) dst(%dma_wait3A_119 : memref<52048x8xf32, #tpu.memory_space<vmem_shared>>)
    %dma_wait3A_120 = arith.constant 194 : i32
    %dma_wait3A_121 = arith.constant 0 : i32
    %dma_wait3A_122 = tpu.memref_slice %arg8[%dma_wait3A_120, %dma_wait3A_121] : memref<196x128xi32, #tpu.memory_space<vmem>> -> memref<1x128xi32, #tpu.memory_space<vmem>>
    %dma_wait3A_123 = tpu.memref_squeeze %dma_wait3A_122 : memref<1x128xi32, #tpu.memory_space<vmem>> -> memref<128xi32, #tpu.memory_space<vmem>>
    %dma_wait3A_124 = arith.constant 0 : i32
    %dma_wait3A_125 = arith.constant 0 : i32
    %dma_wait3A_126 = tpu.memref_slice %arg16[%dma_wait3A_124, %dma_wait3A_125] : memref<52048x8xf32, #tpu.memory_space<vmem_shared>> -> memref<52048x8xf32, #tpu.memory_space<vmem_shared>>
    tpu.wait_indirect_dma semaphore(%arg29 : memref<!tpu.dma_semaphore, #tpu.memory_space<semaphore_mem>>) src(%arg14 : memref<128x8xf32, #tpu.memory_space<vmem>>) dst(%dma_wait3A_126 : memref<52048x8xf32, #tpu.memory_space<vmem_shared>>)
    %dma_wait3A_127 = arith.constant 195 : i32
    %dma_wait3A_128 = arith.constant 0 : i32
    %dma_wait3A_129 = tpu.memref_slice %arg8[%dma_wait3A_127, %dma_wait3A_128] : memref<196x128xi32, #tpu.memory_space<vmem>> -> memref<1x128xi32, #tpu.memory_space<vmem>>
    %dma_wait3A_130 = tpu.memref_squeeze %dma_wait3A_129 : memref<1x128xi32, #tpu.memory_space<vmem>> -> memref<128xi32, #tpu.memory_space<vmem>>
    %dma_wait3A_131 = arith.constant 0 : i32
    %dma_wait3A_132 = arith.constant 0 : i32
    %dma_wait3A_133 = tpu.memref_slice %arg16[%dma_wait3A_131, %dma_wait3A_132] : memref<52048x8xf32, #tpu.memory_space<vmem_shared>> -> memref<52048x8xf32, #tpu.memory_space<vmem_shared>>
    tpu.wait_indirect_dma semaphore(%arg30 : memref<!tpu.dma_semaphore, #tpu.memory_space<semaphore_mem>>) src(%arg15 : memref<128x8xf32, #tpu.memory_space<vmem>>) dst(%dma_wait3A_133 : memref<52048x8xf32, #tpu.memory_space<vmem_shared>>)
    %barrier3A_134 = arith.constant 0 : index
    tpu.barrier barrier_id(%barrier3A_134)
    %lt3A_135 = arith.constant 15 : i32
    %lt3A_136 = arith.cmpi slt, %arg1, %lt3A_135 : i32
    %convert_element_type3A_137 = arith.extui %lt3A_136 : i1 to i32
    %cond3A_138 = arith.constant 0 : i32
    %cond3A_139 = arith.cmpi ne, %convert_element_type3A_137, %cond3A_138 : i32
    scf.if %cond3A_139 {
      "tpu.region"() ({
        %run_scoped3A = tpu.sem_alloc : memref<!tpu.dma_semaphore, #tpu.memory_space<semaphore_mem>>
        %dma_start3A_145 = arith.constant 0 : i32
        %dma_start3A_146 = tpu.memref_slice %arg6[%arg0, %multiple_of3A, %dma_start3A_145] : memref<2x50000x8xf32, #tpu.memory_space<hbm>> -> memref<1x3128x8xf32, #tpu.memory_space<hbm>>
        %dma_start3A_147 = tpu.memref_squeeze %dma_start3A_146 : memref<1x3128x8xf32, #tpu.memory_space<hbm>> -> memref<3128x8xf32, #tpu.memory_space<hbm>>
        %dma_start3A_148 = arith.constant 0 : i32
        %dma_start3A_149 = tpu.memref_slice %arg16[%multiple_of3A, %dma_start3A_148] : memref<52048x8xf32, #tpu.memory_space<vmem_shared>> -> memref<3128x8xf32, #tpu.memory_space<vmem_shared>>
        tpu.enqueue_dma source(%dma_start3A_149 : memref<3128x8xf32, #tpu.memory_space<vmem_shared>>) target(%dma_start3A_147 : memref<3128x8xf32, #tpu.memory_space<hbm>>) target_semaphore(%run_scoped3A : memref<!tpu.dma_semaphore, #tpu.memory_space<semaphore_mem>>)
        %dma_wait3A_150 = arith.constant 0 : i32
        %dma_wait3A_151 = tpu.memref_slice %arg6[%arg0, %multiple_of3A, %dma_wait3A_150] : memref<2x50000x8xf32, #tpu.memory_space<hbm>> -> memref<1x3128x8xf32, #tpu.memory_space<hbm>>
        %dma_wait3A_152 = tpu.memref_squeeze %dma_wait3A_151 : memref<1x3128x8xf32, #tpu.memory_space<hbm>> -> memref<3128x8xf32, #tpu.memory_space<hbm>>
        %dma_wait3A_153 = arith.constant 0 : i32
        %dma_wait3A_154 = tpu.memref_slice %arg16[%multiple_of3A, %dma_wait3A_153] : memref<52048x8xf32, #tpu.memory_space<vmem_shared>> -> memref<3128x8xf32, #tpu.memory_space<vmem_shared>>
        tpu.wait_dma2 semaphore(%run_scoped3A : memref<!tpu.dma_semaphore, #tpu.memory_space<semaphore_mem>>) src(%dma_wait3A_154 : memref<3128x8xf32, #tpu.memory_space<vmem_shared>>) dst(%dma_wait3A_152 : memref<3128x8xf32, #tpu.memory_space<hbm>>)
        tpu.yield
      }) : () -> ()
    } else {
    }
    %eq3A_140 = arith.constant 15 : i32
    %eq3A_141 = arith.cmpi eq, %arg1, %eq3A_140 : i32
    %convert_element_type3A_142 = arith.extui %eq3A_141 : i1 to i32
    %cond3A_143 = arith.constant 0 : i32
    %cond3A_144 = arith.cmpi ne, %convert_element_type3A_142, %cond3A_143 : i32
    scf.if %cond3A_144 {
      "tpu.region"() ({
        %run_scoped3A = tpu.sem_alloc : memref<!tpu.dma_semaphore, #tpu.memory_space<semaphore_mem>>
        %dma_start3A_145 = arith.constant 0 : i32
        %dma_start3A_146 = tpu.memref_slice %arg6[%arg0, %multiple_of3A, %dma_start3A_145] : memref<2x50000x8xf32, #tpu.memory_space<hbm>> -> memref<1x3080x8xf32, #tpu.memory_space<hbm>>
        %dma_start3A_147 = tpu.memref_squeeze %dma_start3A_146 : memref<1x3080x8xf32, #tpu.memory_space<hbm>> -> memref<3080x8xf32, #tpu.memory_space<hbm>>
        %dma_start3A_148 = arith.constant 0 : i32
        %dma_start3A_149 = tpu.memref_slice %arg16[%multiple_of3A, %dma_start3A_148] : memref<52048x8xf32, #tpu.memory_space<vmem_shared>> -> memref<3080x8xf32, #tpu.memory_space<vmem_shared>>
        tpu.enqueue_dma source(%dma_start3A_149 : memref<3080x8xf32, #tpu.memory_space<vmem_shared>>) target(%dma_start3A_147 : memref<3080x8xf32, #tpu.memory_space<hbm>>) target_semaphore(%run_scoped3A : memref<!tpu.dma_semaphore, #tpu.memory_space<semaphore_mem>>)
        %dma_wait3A_150 = arith.constant 0 : i32
        %dma_wait3A_151 = tpu.memref_slice %arg6[%arg0, %multiple_of3A, %dma_wait3A_150] : memref<2x50000x8xf32, #tpu.memory_space<hbm>> -> memref<1x3080x8xf32, #tpu.memory_space<hbm>>
        %dma_wait3A_152 = tpu.memref_squeeze %dma_wait3A_151 : memref<1x3080x8xf32, #tpu.memory_space<hbm>> -> memref<3080x8xf32, #tpu.memory_space<hbm>>
        %dma_wait3A_153 = arith.constant 0 : i32
        %dma_wait3A_154 = tpu.memref_slice %arg16[%multiple_of3A, %dma_wait3A_153] : memref<52048x8xf32, #tpu.memory_space<vmem_shared>> -> memref<3080x8xf32, #tpu.memory_space<vmem_shared>>
        tpu.wait_dma2 semaphore(%run_scoped3A : memref<!tpu.dma_semaphore, #tpu.memory_space<semaphore_mem>>) src(%dma_wait3A_154 : memref<3080x8xf32, #tpu.memory_space<vmem_shared>>) dst(%dma_wait3A_152 : memref<3080x8xf32, #tpu.memory_space<hbm>>)
        tpu.yield
      }) : () -> ()
    } else {
    }
    return
  }
}

#map = affine_map<(d0, d1) -> (0, 0)>
#map1 = affine_map<(d0, d1) -> (0, 0, 0)>
module attributes {stable_mosaic.version = 14 : i64} {
  func.func @seg(%arg0: i32, %arg1: i32, %arg2: memref<50000x8xf32, #tpu.memory_space<hbm>>, %arg3: memref<32x196x128xi32, #tpu.memory_space<hbm>>, %arg4: memref<32x196x128xi32, #tpu.memory_space<hbm>>, %arg5: memref<50000x8xf32, #tpu.memory_space<hbm>>, %arg6: memref<2x50000x8xf32, #tpu.memory_space<hbm>>, %arg7: memref<196x128xi32, #tpu.memory_space<vmem>>, %arg8: memref<196x128xi32, #tpu.memory_space<vmem>>, %arg9: memref<128x8xf32, #tpu.memory_space<vmem>>, %arg10: memref<128x8xf32, #tpu.memory_space<vmem>>, %arg11: memref<128x8xf32, #tpu.memory_space<vmem>>, %arg12: memref<128x8xf32, #tpu.memory_space<vmem>>, %arg13: memref<128x8xf32, #tpu.memory_space<vmem>>, %arg14: memref<128x8xf32, #tpu.memory_space<vmem>>, %arg15: memref<128x8xf32, #tpu.memory_space<vmem>>, %arg16: memref<52048x8xf32, #tpu.memory_space<vmem_shared>>, %arg17: memref<!tpu.dma_semaphore, #tpu.memory_space<semaphore_mem>>, %arg18: memref<!tpu.dma_semaphore, #tpu.memory_space<semaphore_mem>>, %arg19: memref<!tpu.dma_semaphore, #tpu.memory_space<semaphore_mem>>, %arg20: memref<!tpu.dma_semaphore, #tpu.memory_space<semaphore_mem>>, %arg21: memref<!tpu.dma_semaphore, #tpu.memory_space<semaphore_mem>>, %arg22: memref<!tpu.dma_semaphore, #tpu.memory_space<semaphore_mem>>, %arg23: memref<!tpu.dma_semaphore, #tpu.memory_space<semaphore_mem>>, %arg24: memref<!tpu.dma_semaphore, #tpu.memory_space<semaphore_mem>>, %arg25: memref<!tpu.dma_semaphore, #tpu.memory_space<semaphore_mem>>, %arg26: memref<!tpu.dma_semaphore, #tpu.memory_space<semaphore_mem>>, %arg27: memref<!tpu.dma_semaphore, #tpu.memory_space<semaphore_mem>>, %arg28: memref<!tpu.dma_semaphore, #tpu.memory_space<semaphore_mem>>, %arg29: memref<!tpu.dma_semaphore, #tpu.memory_space<semaphore_mem>>, %arg30: memref<!tpu.dma_semaphore, #tpu.memory_space<semaphore_mem>>) attributes {dimension_semantics = [#tpu.dimension_semantics<core_parallel>, #tpu.dimension_semantics<subcore_parallel>], iteration_bounds = array<i64: 2, 16>, scalar_prefetch = 0 : i64, scratch_operands = 24 : i64, tpu.core_type = #tpu.core_type<sc_vector_subcore>, window_params = [{transform_indices = #map}, {transform_indices = #map1}, {transform_indices = #map1}, {transform_indices = #map}, {transform_indices = #map1}]} {
    %mul3A = arith.constant 2 : i32
    %mul3A_0 = arith.muli %arg1, %mul3A : i32
    %add3A = arith.addi %mul3A_0, %arg0 : i32
    %mul3A_1 = arith.constant 3128 : i32
    %mul3A_2 = arith.muli %arg1, %mul3A_1 : i32
    %multiple_of3A = tpu.assume_multiple %mul3A_2, 8 : i32
    %dma_start3A = arith.constant 0 : i32
    %dma_start3A_3 = arith.constant 0 : i32
    %dma_start3A_4 = tpu.memref_slice %arg3[%add3A, %dma_start3A, %dma_start3A_3] : memref<32x196x128xi32, #tpu.memory_space<hbm>> -> memref<1x196x128xi32, #tpu.memory_space<hbm>>
    %dma_start3A_5 = tpu.memref_squeeze %dma_start3A_4 : memref<1x196x128xi32, #tpu.memory_space<hbm>> -> memref<196x128xi32, #tpu.memory_space<hbm>>
    %dma_start3A_6 = arith.constant 0 : i32
    %dma_start3A_7 = arith.constant 0 : i32
    %dma_start3A_8 = tpu.memref_slice %arg3[%add3A, %dma_start3A_6, %dma_start3A_7] : memref<32x196x128xi32, #tpu.memory_space<hbm>> -> memref<1x196x128xi32, #tpu.memory_space<hbm>>
    %dma_start3A_9 = tpu.memref_squeeze %dma_start3A_8 : memref<1x196x128xi32, #tpu.memory_space<hbm>> -> memref<196x128xi32, #tpu.memory_space<hbm>>
    tpu.enqueue_dma source(%dma_start3A_9 : memref<196x128xi32, #tpu.memory_space<hbm>>) target(%arg7 : memref<196x128xi32, #tpu.memory_space<vmem>>) target_semaphore(%arg17 : memref<!tpu.dma_semaphore, #tpu.memory_space<semaphore_mem>>)
    %dma_start3A_10 = arith.constant 0 : i32
    %dma_start3A_11 = arith.constant 0 : i32
    %dma_start3A_12 = tpu.memref_slice %arg4[%add3A, %dma_start3A_10, %dma_start3A_11] : memref<32x196x128xi32, #tpu.memory_space<hbm>> -> memref<1x196x128xi32, #tpu.memory_space<hbm>>
    %dma_start3A_13 = tpu.memref_squeeze %dma_start3A_12 : memref<1x196x128xi32, #tpu.memory_space<hbm>> -> memref<196x128xi32, #tpu.memory_space<hbm>>
    %dma_start3A_14 = arith.constant 0 : i32
    %dma_start3A_15 = arith.constant 0 : i32
    %dma_start3A_16 = tpu.memref_slice %arg4[%add3A, %dma_start3A_14, %dma_start3A_15] : memref<32x196x128xi32, #tpu.memory_space<hbm>> -> memref<1x196x128xi32, #tpu.memory_space<hbm>>
    %dma_start3A_17 = tpu.memref_squeeze %dma_start3A_16 : memref<1x196x128xi32, #tpu.memory_space<hbm>> -> memref<196x128xi32, #tpu.memory_space<hbm>>
    tpu.enqueue_dma source(%dma_start3A_17 : memref<196x128xi32, #tpu.memory_space<hbm>>) target(%arg8 : memref<196x128xi32, #tpu.memory_space<vmem>>) target_semaphore(%arg18 : memref<!tpu.dma_semaphore, #tpu.memory_space<semaphore_mem>>)
    %lt3A = arith.constant 15 : i32
    %lt3A_18 = arith.cmpi slt, %arg1, %lt3A : i32
    %convert_element_type3A = arith.extui %lt3A_18 : i1 to i32
    %cond3A = arith.constant 0 : i32
    %cond3A_19 = arith.cmpi ne, %convert_element_type3A, %cond3A : i32
    scf.if %cond3A_19 {
      %eq3A_145 = arith.constant 0 : i32
      %eq3A_146 = arith.cmpi eq, %arg0, %eq3A_145 : i32
      %convert_element_type3A_147 = arith.extui %eq3A_146 : i1 to i32
      %cond3A_148 = arith.constant 0 : i32
      %cond3A_149 = arith.cmpi ne, %convert_element_type3A_147, %cond3A_148 : i32
      scf.if %cond3A_149 {
        "tpu.region"() ({
          %run_scoped3A = tpu.sem_alloc : memref<!tpu.dma_semaphore, #tpu.memory_space<semaphore_mem>>
          %dma_start3A_154 = arith.constant 0 : i32
          %dma_start3A_155 = tpu.memref_slice %arg16[%multiple_of3A, %dma_start3A_154] : memref<52048x8xf32, #tpu.memory_space<vmem_shared>> -> memref<3128x8xf32, #tpu.memory_space<vmem_shared>>
          %dma_start3A_156 = arith.constant 0 : i32
          %dma_start3A_157 = tpu.memref_slice %arg2[%multiple_of3A, %dma_start3A_156] : memref<50000x8xf32, #tpu.memory_space<hbm>> -> memref<3128x8xf32, #tpu.memory_space<hbm>>
          tpu.enqueue_dma source(%dma_start3A_157 : memref<3128x8xf32, #tpu.memory_space<hbm>>) target(%dma_start3A_155 : memref<3128x8xf32, #tpu.memory_space<vmem_shared>>) target_semaphore(%run_scoped3A : memref<!tpu.dma_semaphore, #tpu.memory_space<semaphore_mem>>)
          %dma_wait3A_158 = arith.constant 0 : i32
          %dma_wait3A_159 = tpu.memref_slice %arg16[%multiple_of3A, %dma_wait3A_158] : memref<52048x8xf32, #tpu.memory_space<vmem_shared>> -> memref<3128x8xf32, #tpu.memory_space<vmem_shared>>
          %dma_wait3A_160 = arith.constant 0 : i32
          %dma_wait3A_161 = tpu.memref_slice %arg2[%multiple_of3A, %dma_wait3A_160] : memref<50000x8xf32, #tpu.memory_space<hbm>> -> memref<3128x8xf32, #tpu.memory_space<hbm>>
          tpu.wait_dma2 semaphore(%run_scoped3A : memref<!tpu.dma_semaphore, #tpu.memory_space<semaphore_mem>>) src(%dma_wait3A_161 : memref<3128x8xf32, #tpu.memory_space<hbm>>) dst(%dma_wait3A_159 : memref<3128x8xf32, #tpu.memory_space<vmem_shared>>)
          tpu.yield
        }) : () -> ()
      } else {
      }
      %ne3A = arith.constant 0 : i32
      %ne3A_150 = arith.cmpi ne, %arg0, %ne3A : i32
      %convert_element_type3A_151 = arith.extui %ne3A_150 : i1 to i32
      %cond3A_152 = arith.constant 0 : i32
      %cond3A_153 = arith.cmpi ne, %convert_element_type3A_151, %cond3A_152 : i32
      scf.if %cond3A_153 {
        "tpu.region"() ({
          %run_scoped3A = tpu.sem_alloc : memref<!tpu.dma_semaphore, #tpu.memory_space<semaphore_mem>>
          %dma_start3A_154 = arith.constant 0 : i32
          %dma_start3A_155 = tpu.memref_slice %arg16[%multiple_of3A, %dma_start3A_154] : memref<52048x8xf32, #tpu.memory_space<vmem_shared>> -> memref<3128x8xf32, #tpu.memory_space<vmem_shared>>
          %dma_start3A_156 = arith.constant 0 : i32
          %dma_start3A_157 = tpu.memref_slice %arg5[%multiple_of3A, %dma_start3A_156] : memref<50000x8xf32, #tpu.memory_space<hbm>> -> memref<3128x8xf32, #tpu.memory_space<hbm>>
          tpu.enqueue_dma source(%dma_start3A_157 : memref<3128x8xf32, #tpu.memory_space<hbm>>) target(%dma_start3A_155 : memref<3128x8xf32, #tpu.memory_space<vmem_shared>>) target_semaphore(%run_scoped3A : memref<!tpu.dma_semaphore, #tpu.memory_space<semaphore_mem>>)
          %dma_wait3A_158 = arith.constant 0 : i32
          %dma_wait3A_159 = tpu.memref_slice %arg16[%multiple_of3A, %dma_wait3A_158] : memref<52048x8xf32, #tpu.memory_space<vmem_shared>> -> memref<3128x8xf32, #tpu.memory_space<vmem_shared>>
          %dma_wait3A_160 = arith.constant 0 : i32
          %dma_wait3A_161 = tpu.memref_slice %arg5[%multiple_of3A, %dma_wait3A_160] : memref<50000x8xf32, #tpu.memory_space<hbm>> -> memref<3128x8xf32, #tpu.memory_space<hbm>>
          tpu.wait_dma2 semaphore(%run_scoped3A : memref<!tpu.dma_semaphore, #tpu.memory_space<semaphore_mem>>) src(%dma_wait3A_161 : memref<3128x8xf32, #tpu.memory_space<hbm>>) dst(%dma_wait3A_159 : memref<3128x8xf32, #tpu.memory_space<vmem_shared>>)
          tpu.yield
        }) : () -> ()
      } else {
      }
    } else {
    }
    %eq3A = arith.constant 15 : i32
    %eq3A_20 = arith.cmpi eq, %arg1, %eq3A : i32
    %convert_element_type3A_21 = arith.extui %eq3A_20 : i1 to i32
    %cond3A_22 = arith.constant 0 : i32
    %cond3A_23 = arith.cmpi ne, %convert_element_type3A_21, %cond3A_22 : i32
    scf.if %cond3A_23 {
      %eq3A_145 = arith.constant 0 : i32
      %eq3A_146 = arith.cmpi eq, %arg0, %eq3A_145 : i32
      %convert_element_type3A_147 = arith.extui %eq3A_146 : i1 to i32
      %cond3A_148 = arith.constant 0 : i32
      %cond3A_149 = arith.cmpi ne, %convert_element_type3A_147, %cond3A_148 : i32
      scf.if %cond3A_149 {
        "tpu.region"() ({
          %run_scoped3A = tpu.sem_alloc : memref<!tpu.dma_semaphore, #tpu.memory_space<semaphore_mem>>
          %dma_start3A_154 = arith.constant 0 : i32
          %dma_start3A_155 = tpu.memref_slice %arg16[%multiple_of3A, %dma_start3A_154] : memref<52048x8xf32, #tpu.memory_space<vmem_shared>> -> memref<3080x8xf32, #tpu.memory_space<vmem_shared>>
          %dma_start3A_156 = arith.constant 0 : i32
          %dma_start3A_157 = tpu.memref_slice %arg2[%multiple_of3A, %dma_start3A_156] : memref<50000x8xf32, #tpu.memory_space<hbm>> -> memref<3080x8xf32, #tpu.memory_space<hbm>>
          tpu.enqueue_dma source(%dma_start3A_157 : memref<3080x8xf32, #tpu.memory_space<hbm>>) target(%dma_start3A_155 : memref<3080x8xf32, #tpu.memory_space<vmem_shared>>) target_semaphore(%run_scoped3A : memref<!tpu.dma_semaphore, #tpu.memory_space<semaphore_mem>>)
          %dma_wait3A_158 = arith.constant 0 : i32
          %dma_wait3A_159 = tpu.memref_slice %arg16[%multiple_of3A, %dma_wait3A_158] : memref<52048x8xf32, #tpu.memory_space<vmem_shared>> -> memref<3080x8xf32, #tpu.memory_space<vmem_shared>>
          %dma_wait3A_160 = arith.constant 0 : i32
          %dma_wait3A_161 = tpu.memref_slice %arg2[%multiple_of3A, %dma_wait3A_160] : memref<50000x8xf32, #tpu.memory_space<hbm>> -> memref<3080x8xf32, #tpu.memory_space<hbm>>
          tpu.wait_dma2 semaphore(%run_scoped3A : memref<!tpu.dma_semaphore, #tpu.memory_space<semaphore_mem>>) src(%dma_wait3A_161 : memref<3080x8xf32, #tpu.memory_space<hbm>>) dst(%dma_wait3A_159 : memref<3080x8xf32, #tpu.memory_space<vmem_shared>>)
          tpu.yield
        }) : () -> ()
      } else {
      }
      %ne3A = arith.constant 0 : i32
      %ne3A_150 = arith.cmpi ne, %arg0, %ne3A : i32
      %convert_element_type3A_151 = arith.extui %ne3A_150 : i1 to i32
      %cond3A_152 = arith.constant 0 : i32
      %cond3A_153 = arith.cmpi ne, %convert_element_type3A_151, %cond3A_152 : i32
      scf.if %cond3A_153 {
        "tpu.region"() ({
          %run_scoped3A = tpu.sem_alloc : memref<!tpu.dma_semaphore, #tpu.memory_space<semaphore_mem>>
          %dma_start3A_154 = arith.constant 0 : i32
          %dma_start3A_155 = tpu.memref_slice %arg16[%multiple_of3A, %dma_start3A_154] : memref<52048x8xf32, #tpu.memory_space<vmem_shared>> -> memref<3080x8xf32, #tpu.memory_space<vmem_shared>>
          %dma_start3A_156 = arith.constant 0 : i32
          %dma_start3A_157 = tpu.memref_slice %arg5[%multiple_of3A, %dma_start3A_156] : memref<50000x8xf32, #tpu.memory_space<hbm>> -> memref<3080x8xf32, #tpu.memory_space<hbm>>
          tpu.enqueue_dma source(%dma_start3A_157 : memref<3080x8xf32, #tpu.memory_space<hbm>>) target(%dma_start3A_155 : memref<3080x8xf32, #tpu.memory_space<vmem_shared>>) target_semaphore(%run_scoped3A : memref<!tpu.dma_semaphore, #tpu.memory_space<semaphore_mem>>)
          %dma_wait3A_158 = arith.constant 0 : i32
          %dma_wait3A_159 = tpu.memref_slice %arg16[%multiple_of3A, %dma_wait3A_158] : memref<52048x8xf32, #tpu.memory_space<vmem_shared>> -> memref<3080x8xf32, #tpu.memory_space<vmem_shared>>
          %dma_wait3A_160 = arith.constant 0 : i32
          %dma_wait3A_161 = tpu.memref_slice %arg5[%multiple_of3A, %dma_wait3A_160] : memref<50000x8xf32, #tpu.memory_space<hbm>> -> memref<3080x8xf32, #tpu.memory_space<hbm>>
          tpu.wait_dma2 semaphore(%run_scoped3A : memref<!tpu.dma_semaphore, #tpu.memory_space<semaphore_mem>>) src(%dma_wait3A_161 : memref<3080x8xf32, #tpu.memory_space<hbm>>) dst(%dma_wait3A_159 : memref<3080x8xf32, #tpu.memory_space<vmem_shared>>)
          tpu.yield
        }) : () -> ()
      } else {
      }
    } else {
    }
    %dma_wait3A = arith.constant 0 : i32
    %dma_wait3A_24 = arith.constant 0 : i32
    %dma_wait3A_25 = tpu.memref_slice %arg3[%add3A, %dma_wait3A, %dma_wait3A_24] : memref<32x196x128xi32, #tpu.memory_space<hbm>> -> memref<1x196x128xi32, #tpu.memory_space<hbm>>
    %dma_wait3A_26 = tpu.memref_squeeze %dma_wait3A_25 : memref<1x196x128xi32, #tpu.memory_space<hbm>> -> memref<196x128xi32, #tpu.memory_space<hbm>>
    %dma_wait3A_27 = arith.constant 0 : i32
    %dma_wait3A_28 = arith.constant 0 : i32
    %dma_wait3A_29 = tpu.memref_slice %arg3[%add3A, %dma_wait3A_27, %dma_wait3A_28] : memref<32x196x128xi32, #tpu.memory_space<hbm>> -> memref<1x196x128xi32, #tpu.memory_space<hbm>>
    %dma_wait3A_30 = tpu.memref_squeeze %dma_wait3A_29 : memref<1x196x128xi32, #tpu.memory_space<hbm>> -> memref<196x128xi32, #tpu.memory_space<hbm>>
    tpu.wait_dma2 semaphore(%arg17 : memref<!tpu.dma_semaphore, #tpu.memory_space<semaphore_mem>>) src(%dma_wait3A_30 : memref<196x128xi32, #tpu.memory_space<hbm>>) dst(%arg7 : memref<196x128xi32, #tpu.memory_space<vmem>>)
    %dma_wait3A_31 = arith.constant 0 : i32
    %dma_wait3A_32 = arith.constant 0 : i32
    %dma_wait3A_33 = tpu.memref_slice %arg4[%add3A, %dma_wait3A_31, %dma_wait3A_32] : memref<32x196x128xi32, #tpu.memory_space<hbm>> -> memref<1x196x128xi32, #tpu.memory_space<hbm>>
    %dma_wait3A_34 = tpu.memref_squeeze %dma_wait3A_33 : memref<1x196x128xi32, #tpu.memory_space<hbm>> -> memref<196x128xi32, #tpu.memory_space<hbm>>
    %dma_wait3A_35 = arith.constant 0 : i32
    %dma_wait3A_36 = arith.constant 0 : i32
    %dma_wait3A_37 = tpu.memref_slice %arg4[%add3A, %dma_wait3A_35, %dma_wait3A_36] : memref<32x196x128xi32, #tpu.memory_space<hbm>> -> memref<1x196x128xi32, #tpu.memory_space<hbm>>
    %dma_wait3A_38 = tpu.memref_squeeze %dma_wait3A_37 : memref<1x196x128xi32, #tpu.memory_space<hbm>> -> memref<196x128xi32, #tpu.memory_space<hbm>>
    tpu.wait_dma2 semaphore(%arg18 : memref<!tpu.dma_semaphore, #tpu.memory_space<semaphore_mem>>) src(%dma_wait3A_38 : memref<196x128xi32, #tpu.memory_space<hbm>>) dst(%arg8 : memref<196x128xi32, #tpu.memory_space<vmem>>)
    %barrier3A = arith.constant 0 : index
    tpu.barrier barrier_id(%barrier3A)
    %dma_start3A_39 = arith.constant 0 : i32
    %dma_start3A_40 = arith.constant 0 : i32
    %dma_start3A_41 = tpu.memref_slice %arg7[%dma_start3A_39, %dma_start3A_40] : memref<196x128xi32, #tpu.memory_space<vmem>> -> memref<1x128xi32, #tpu.memory_space<vmem>>
    %dma_start3A_42 = tpu.memref_squeeze %dma_start3A_41 : memref<1x128xi32, #tpu.memory_space<vmem>> -> memref<128xi32, #tpu.memory_space<vmem>>
    %dma_start3A_43 = arith.constant 0 : i32
    %dma_start3A_44 = arith.constant 0 : i32
    %dma_start3A_45 = tpu.memref_slice %arg2[%dma_start3A_43, %dma_start3A_44] : memref<50000x8xf32, #tpu.memory_space<hbm>> -> memref<50000x8xf32, #tpu.memory_space<hbm>>
    tpu.enqueue_indirect_dma source(%dma_start3A_45 : memref<50000x8xf32, #tpu.memory_space<hbm>>) target(%arg9 : memref<128x8xf32, #tpu.memory_space<vmem>>) offsets(%dma_start3A_42 : memref<128xi32, #tpu.memory_space<vmem>>) semaphore(%arg17 : memref<!tpu.dma_semaphore, #tpu.memory_space<semaphore_mem>>)
    %dma_start3A_46 = arith.constant 1 : i32
    %dma_start3A_47 = arith.constant 0 : i32
    %dma_start3A_48 = tpu.memref_slice %arg7[%dma_start3A_46, %dma_start3A_47] : memref<196x128xi32, #tpu.memory_space<vmem>> -> memref<1x128xi32, #tpu.memory_space<vmem>>
    %dma_start3A_49 = tpu.memref_squeeze %dma_start3A_48 : memref<1x128xi32, #tpu.memory_space<vmem>> -> memref<128xi32, #tpu.memory_space<vmem>>
    %dma_start3A_50 = arith.constant 0 : i32
    %dma_start3A_51 = arith.constant 0 : i32
    %dma_start3A_52 = tpu.memref_slice %arg2[%dma_start3A_50, %dma_start3A_51] : memref<50000x8xf32, #tpu.memory_space<hbm>> -> memref<50000x8xf32, #tpu.memory_space<hbm>>
    tpu.enqueue_indirect_dma source(%dma_start3A_52 : memref<50000x8xf32, #tpu.memory_space<hbm>>) target(%arg10 : memref<128x8xf32, #tpu.memory_space<vmem>>) offsets(%dma_start3A_49 : memref<128xi32, #tpu.memory_space<vmem>>) semaphore(%arg18 : memref<!tpu.dma_semaphore, #tpu.memory_space<semaphore_mem>>)
    %dma_start3A_53 = arith.constant 2 : i32
    %dma_start3A_54 = arith.constant 0 : i32
    %dma_start3A_55 = tpu.memref_slice %arg7[%dma_start3A_53, %dma_start3A_54] : memref<196x128xi32, #tpu.memory_space<vmem>> -> memref<1x128xi32, #tpu.memory_space<vmem>>
    %dma_start3A_56 = tpu.memref_squeeze %dma_start3A_55 : memref<1x128xi32, #tpu.memory_space<vmem>> -> memref<128xi32, #tpu.memory_space<vmem>>
    %dma_start3A_57 = arith.constant 0 : i32
    %dma_start3A_58 = arith.constant 0 : i32
    %dma_start3A_59 = tpu.memref_slice %arg2[%dma_start3A_57, %dma_start3A_58] : memref<50000x8xf32, #tpu.memory_space<hbm>> -> memref<50000x8xf32, #tpu.memory_space<hbm>>
    tpu.enqueue_indirect_dma source(%dma_start3A_59 : memref<50000x8xf32, #tpu.memory_space<hbm>>) target(%arg11 : memref<128x8xf32, #tpu.memory_space<vmem>>) offsets(%dma_start3A_56 : memref<128xi32, #tpu.memory_space<vmem>>) semaphore(%arg19 : memref<!tpu.dma_semaphore, #tpu.memory_space<semaphore_mem>>)
    %dma_start3A_60 = arith.constant 3 : i32
    %dma_start3A_61 = arith.constant 0 : i32
    %dma_start3A_62 = tpu.memref_slice %arg7[%dma_start3A_60, %dma_start3A_61] : memref<196x128xi32, #tpu.memory_space<vmem>> -> memref<1x128xi32, #tpu.memory_space<vmem>>
    %dma_start3A_63 = tpu.memref_squeeze %dma_start3A_62 : memref<1x128xi32, #tpu.memory_space<vmem>> -> memref<128xi32, #tpu.memory_space<vmem>>
    %dma_start3A_64 = arith.constant 0 : i32
    %dma_start3A_65 = arith.constant 0 : i32
    %dma_start3A_66 = tpu.memref_slice %arg2[%dma_start3A_64, %dma_start3A_65] : memref<50000x8xf32, #tpu.memory_space<hbm>> -> memref<50000x8xf32, #tpu.memory_space<hbm>>
    tpu.enqueue_indirect_dma source(%dma_start3A_66 : memref<50000x8xf32, #tpu.memory_space<hbm>>) target(%arg12 : memref<128x8xf32, #tpu.memory_space<vmem>>) offsets(%dma_start3A_63 : memref<128xi32, #tpu.memory_space<vmem>>) semaphore(%arg20 : memref<!tpu.dma_semaphore, #tpu.memory_space<semaphore_mem>>)
    %dma_start3A_67 = arith.constant 4 : i32
    %dma_start3A_68 = arith.constant 0 : i32
    %dma_start3A_69 = tpu.memref_slice %arg7[%dma_start3A_67, %dma_start3A_68] : memref<196x128xi32, #tpu.memory_space<vmem>> -> memref<1x128xi32, #tpu.memory_space<vmem>>
    %dma_start3A_70 = tpu.memref_squeeze %dma_start3A_69 : memref<1x128xi32, #tpu.memory_space<vmem>> -> memref<128xi32, #tpu.memory_space<vmem>>
    %dma_start3A_71 = arith.constant 0 : i32
    %dma_start3A_72 = arith.constant 0 : i32
    %dma_start3A_73 = tpu.memref_slice %arg2[%dma_start3A_71, %dma_start3A_72] : memref<50000x8xf32, #tpu.memory_space<hbm>> -> memref<50000x8xf32, #tpu.memory_space<hbm>>
    tpu.enqueue_indirect_dma source(%dma_start3A_73 : memref<50000x8xf32, #tpu.memory_space<hbm>>) target(%arg13 : memref<128x8xf32, #tpu.memory_space<vmem>>) offsets(%dma_start3A_70 : memref<128xi32, #tpu.memory_space<vmem>>) semaphore(%arg21 : memref<!tpu.dma_semaphore, #tpu.memory_space<semaphore_mem>>)
    %dma_start3A_74 = arith.constant 5 : i32
    %dma_start3A_75 = arith.constant 0 : i32
    %dma_start3A_76 = tpu.memref_slice %arg7[%dma_start3A_74, %dma_start3A_75] : memref<196x128xi32, #tpu.memory_space<vmem>> -> memref<1x128xi32, #tpu.memory_space<vmem>>
    %dma_start3A_77 = tpu.memref_squeeze %dma_start3A_76 : memref<1x128xi32, #tpu.memory_space<vmem>> -> memref<128xi32, #tpu.memory_space<vmem>>
    %dma_start3A_78 = arith.constant 0 : i32
    %dma_start3A_79 = arith.constant 0 : i32
    %dma_start3A_80 = tpu.memref_slice %arg2[%dma_start3A_78, %dma_start3A_79] : memref<50000x8xf32, #tpu.memory_space<hbm>> -> memref<50000x8xf32, #tpu.memory_space<hbm>>
    tpu.enqueue_indirect_dma source(%dma_start3A_80 : memref<50000x8xf32, #tpu.memory_space<hbm>>) target(%arg14 : memref<128x8xf32, #tpu.memory_space<vmem>>) offsets(%dma_start3A_77 : memref<128xi32, #tpu.memory_space<vmem>>) semaphore(%arg22 : memref<!tpu.dma_semaphore, #tpu.memory_space<semaphore_mem>>)
    %scan3A = arith.constant 0 : i32
    %scan3A_81 = arith.constant 28 : i32
    %scan3A_82 = arith.addi %scan3A, %scan3A_81 : i32
    %scan3A_83 = arith.constant 1 : i32
    scf.for %scan3A_145 = %scan3A to %scan3A_82 step %scan3A_83  : i32 {
      %mul3A_146 = arith.constant 1 : i32
      %mul3A_147 = arith.muli %scan3A_145, %mul3A_146 : i32
      %add3A_148 = arith.constant 0 : i32
      %add3A_149 = arith.addi %add3A_148, %mul3A_147 : i32
      %mul3A_150 = arith.constant 7 : i32
      %mul3A_151 = arith.muli %add3A_149, %mul3A_150 : i32
      %add3A_152 = arith.constant 0 : i32
      %add3A_153 = arith.addi %mul3A_151, %add3A_152 : i32
      %add3A_154 = arith.constant 7 : i32
      %add3A_155 = arith.addi %add3A_153, %add3A_154 : i32
      %sub3A = arith.constant 1 : i32
      %sub3A_156 = arith.subi %add3A_155, %sub3A : i32
      %lt3A_157 = arith.constant 196 : i32
      %lt3A_158 = arith.cmpi slt, %sub3A_156, %lt3A_157 : i32
      %gt3A = arith.constant 0 : i32
      %gt3A_159 = arith.cmpi sgt, %add3A_153, %gt3A : i32
      %and3A = arith.andi %lt3A_158, %gt3A_159 : i1
      %convert_element_type3A_160 = arith.extui %and3A : i1 to i32
      %cond3A_161 = arith.constant 0 : i32
      %cond3A_162 = arith.cmpi ne, %convert_element_type3A_160, %cond3A_161 : i32
      scf.if %cond3A_162 {
        %sub3A_366 = arith.constant 1 : i32
        %sub3A_367 = arith.subi %add3A_153, %sub3A_366 : i32
        %dma_wait3A_368 = arith.constant 0 : i32
        %dma_wait3A_369 = tpu.memref_slice %arg8[%sub3A_367, %dma_wait3A_368] : memref<196x128xi32, #tpu.memory_space<vmem>> -> memref<1x128xi32, #tpu.memory_space<vmem>>
        %dma_wait3A_370 = tpu.memref_squeeze %dma_wait3A_369 : memref<1x128xi32, #tpu.memory_space<vmem>> -> memref<128xi32, #tpu.memory_space<vmem>>
        %dma_wait3A_371 = arith.constant 0 : i32
        %dma_wait3A_372 = arith.constant 0 : i32
        %dma_wait3A_373 = tpu.memref_slice %arg16[%dma_wait3A_371, %dma_wait3A_372] : memref<52048x8xf32, #tpu.memory_space<vmem_shared>> -> memref<52048x8xf32, #tpu.memory_space<vmem_shared>>
        tpu.wait_indirect_dma semaphore(%arg30 : memref<!tpu.dma_semaphore, #tpu.memory_space<semaphore_mem>>) src(%arg15 : memref<128x8xf32, #tpu.memory_space<vmem>>) dst(%dma_wait3A_373 : memref<52048x8xf32, #tpu.memory_space<vmem_shared>>)
      } else {
      }
      %lt3A_163 = arith.constant 196 : i32
      %lt3A_164 = arith.cmpi slt, %sub3A_156, %lt3A_163 : i32
      %convert_element_type3A_165 = arith.extui %lt3A_164 : i1 to i32
      %cond3A_166 = arith.constant 0 : i32
      %cond3A_167 = arith.cmpi ne, %convert_element_type3A_165, %cond3A_166 : i32
      scf.if %cond3A_167 {
        %dma_start3A_366 = arith.constant 0 : i32
        %dma_start3A_367 = tpu.memref_slice %arg7[%sub3A_156, %dma_start3A_366] : memref<196x128xi32, #tpu.memory_space<vmem>> -> memref<1x128xi32, #tpu.memory_space<vmem>>
        %dma_start3A_368 = tpu.memref_squeeze %dma_start3A_367 : memref<1x128xi32, #tpu.memory_space<vmem>> -> memref<128xi32, #tpu.memory_space<vmem>>
        %dma_start3A_369 = arith.constant 0 : i32
        %dma_start3A_370 = arith.constant 0 : i32
        %dma_start3A_371 = tpu.memref_slice %arg2[%dma_start3A_369, %dma_start3A_370] : memref<50000x8xf32, #tpu.memory_space<hbm>> -> memref<50000x8xf32, #tpu.memory_space<hbm>>
        tpu.enqueue_indirect_dma source(%dma_start3A_371 : memref<50000x8xf32, #tpu.memory_space<hbm>>) target(%arg15 : memref<128x8xf32, #tpu.memory_space<vmem>>) offsets(%dma_start3A_368 : memref<128xi32, #tpu.memory_space<vmem>>) semaphore(%arg23 : memref<!tpu.dma_semaphore, #tpu.memory_space<semaphore_mem>>)
      } else {
      }
      %dma_wait3A_168 = arith.constant 0 : i32
      %dma_wait3A_169 = tpu.memref_slice %arg7[%add3A_153, %dma_wait3A_168] : memref<196x128xi32, #tpu.memory_space<vmem>> -> memref<1x128xi32, #tpu.memory_space<vmem>>
      %dma_wait3A_170 = tpu.memref_squeeze %dma_wait3A_169 : memref<1x128xi32, #tpu.memory_space<vmem>> -> memref<128xi32, #tpu.memory_space<vmem>>
      %dma_wait3A_171 = arith.constant 0 : i32
      %dma_wait3A_172 = arith.constant 0 : i32
      %dma_wait3A_173 = tpu.memref_slice %arg2[%dma_wait3A_171, %dma_wait3A_172] : memref<50000x8xf32, #tpu.memory_space<hbm>> -> memref<50000x8xf32, #tpu.memory_space<hbm>>
      tpu.wait_indirect_dma semaphore(%arg17 : memref<!tpu.dma_semaphore, #tpu.memory_space<semaphore_mem>>) src(%dma_wait3A_173 : memref<50000x8xf32, #tpu.memory_space<hbm>>) dst(%arg9 : memref<128x8xf32, #tpu.memory_space<vmem>>)
      %dma_start3A_174 = arith.constant 0 : i32
      %dma_start3A_175 = tpu.memref_slice %arg8[%add3A_153, %dma_start3A_174] : memref<196x128xi32, #tpu.memory_space<vmem>> -> memref<1x128xi32, #tpu.memory_space<vmem>>
      %dma_start3A_176 = tpu.memref_squeeze %dma_start3A_175 : memref<1x128xi32, #tpu.memory_space<vmem>> -> memref<128xi32, #tpu.memory_space<vmem>>
      %dma_start3A_177 = arith.constant 0 : i32
      %dma_start3A_178 = arith.constant 0 : i32
      %dma_start3A_179 = tpu.memref_slice %arg16[%dma_start3A_177, %dma_start3A_178] : memref<52048x8xf32, #tpu.memory_space<vmem_shared>> -> memref<52048x8xf32, #tpu.memory_space<vmem_shared>>
      tpu.enqueue_indirect_dma source(%arg9 : memref<128x8xf32, #tpu.memory_space<vmem>>) target(%dma_start3A_179 : memref<52048x8xf32, #tpu.memory_space<vmem_shared>>) offsets(%dma_start3A_176 : memref<128xi32, #tpu.memory_space<vmem>>) semaphore(%arg24 : memref<!tpu.dma_semaphore, #tpu.memory_space<semaphore_mem>>) {add = true}
      %add3A_180 = arith.constant 1 : i32
      %add3A_181 = arith.addi %mul3A_151, %add3A_180 : i32
      %add3A_182 = arith.constant 7 : i32
      %add3A_183 = arith.addi %add3A_181, %add3A_182 : i32
      %sub3A_184 = arith.constant 1 : i32
      %sub3A_185 = arith.subi %add3A_183, %sub3A_184 : i32
      %lt3A_186 = arith.constant 196 : i32
      %lt3A_187 = arith.cmpi slt, %sub3A_185, %lt3A_186 : i32
      %gt3A_188 = arith.constant 0 : i32
      %gt3A_189 = arith.cmpi sgt, %add3A_181, %gt3A_188 : i32
      %and3A_190 = arith.andi %lt3A_187, %gt3A_189 : i1
      %convert_element_type3A_191 = arith.extui %and3A_190 : i1 to i32
      %cond3A_192 = arith.constant 0 : i32
      %cond3A_193 = arith.cmpi ne, %convert_element_type3A_191, %cond3A_192 : i32
      scf.if %cond3A_193 {
        %sub3A_366 = arith.constant 1 : i32
        %sub3A_367 = arith.subi %add3A_181, %sub3A_366 : i32
        %dma_wait3A_368 = arith.constant 0 : i32
        %dma_wait3A_369 = tpu.memref_slice %arg8[%sub3A_367, %dma_wait3A_368] : memref<196x128xi32, #tpu.memory_space<vmem>> -> memref<1x128xi32, #tpu.memory_space<vmem>>
        %dma_wait3A_370 = tpu.memref_squeeze %dma_wait3A_369 : memref<1x128xi32, #tpu.memory_space<vmem>> -> memref<128xi32, #tpu.memory_space<vmem>>
        %dma_wait3A_371 = arith.constant 0 : i32
        %dma_wait3A_372 = arith.constant 0 : i32
        %dma_wait3A_373 = tpu.memref_slice %arg16[%dma_wait3A_371, %dma_wait3A_372] : memref<52048x8xf32, #tpu.memory_space<vmem_shared>> -> memref<52048x8xf32, #tpu.memory_space<vmem_shared>>
        tpu.wait_indirect_dma semaphore(%arg24 : memref<!tpu.dma_semaphore, #tpu.memory_space<semaphore_mem>>) src(%arg9 : memref<128x8xf32, #tpu.memory_space<vmem>>) dst(%dma_wait3A_373 : memref<52048x8xf32, #tpu.memory_space<vmem_shared>>)
      } else {
      }
      %lt3A_194 = arith.constant 196 : i32
      %lt3A_195 = arith.cmpi slt, %sub3A_185, %lt3A_194 : i32
      %convert_element_type3A_196 = arith.extui %lt3A_195 : i1 to i32
      %cond3A_197 = arith.constant 0 : i32
      %cond3A_198 = arith.cmpi ne, %convert_element_type3A_196, %cond3A_197 : i32
      scf.if %cond3A_198 {
        %dma_start3A_366 = arith.constant 0 : i32
        %dma_start3A_367 = tpu.memref_slice %arg7[%sub3A_185, %dma_start3A_366] : memref<196x128xi32, #tpu.memory_space<vmem>> -> memref<1x128xi32, #tpu.memory_space<vmem>>
        %dma_start3A_368 = tpu.memref_squeeze %dma_start3A_367 : memref<1x128xi32, #tpu.memory_space<vmem>> -> memref<128xi32, #tpu.memory_space<vmem>>
        %dma_start3A_369 = arith.constant 0 : i32
        %dma_start3A_370 = arith.constant 0 : i32
        %dma_start3A_371 = tpu.memref_slice %arg2[%dma_start3A_369, %dma_start3A_370] : memref<50000x8xf32, #tpu.memory_space<hbm>> -> memref<50000x8xf32, #tpu.memory_space<hbm>>
        tpu.enqueue_indirect_dma source(%dma_start3A_371 : memref<50000x8xf32, #tpu.memory_space<hbm>>) target(%arg9 : memref<128x8xf32, #tpu.memory_space<vmem>>) offsets(%dma_start3A_368 : memref<128xi32, #tpu.memory_space<vmem>>) semaphore(%arg17 : memref<!tpu.dma_semaphore, #tpu.memory_space<semaphore_mem>>)
      } else {
      }
      %dma_wait3A_199 = arith.constant 0 : i32
      %dma_wait3A_200 = tpu.memref_slice %arg7[%add3A_181, %dma_wait3A_199] : memref<196x128xi32, #tpu.memory_space<vmem>> -> memref<1x128xi32, #tpu.memory_space<vmem>>
      %dma_wait3A_201 = tpu.memref_squeeze %dma_wait3A_200 : memref<1x128xi32, #tpu.memory_space<vmem>> -> memref<128xi32, #tpu.memory_space<vmem>>
      %dma_wait3A_202 = arith.constant 0 : i32
      %dma_wait3A_203 = arith.constant 0 : i32
      %dma_wait3A_204 = tpu.memref_slice %arg2[%dma_wait3A_202, %dma_wait3A_203] : memref<50000x8xf32, #tpu.memory_space<hbm>> -> memref<50000x8xf32, #tpu.memory_space<hbm>>
      tpu.wait_indirect_dma semaphore(%arg18 : memref<!tpu.dma_semaphore, #tpu.memory_space<semaphore_mem>>) src(%dma_wait3A_204 : memref<50000x8xf32, #tpu.memory_space<hbm>>) dst(%arg10 : memref<128x8xf32, #tpu.memory_space<vmem>>)
      %dma_start3A_205 = arith.constant 0 : i32
      %dma_start3A_206 = tpu.memref_slice %arg8[%add3A_181, %dma_start3A_205] : memref<196x128xi32, #tpu.memory_space<vmem>> -> memref<1x128xi32, #tpu.memory_space<vmem>>
      %dma_start3A_207 = tpu.memref_squeeze %dma_start3A_206 : memref<1x128xi32, #tpu.memory_space<vmem>> -> memref<128xi32, #tpu.memory_space<vmem>>
      %dma_start3A_208 = arith.constant 0 : i32
      %dma_start3A_209 = arith.constant 0 : i32
      %dma_start3A_210 = tpu.memref_slice %arg16[%dma_start3A_208, %dma_start3A_209] : memref<52048x8xf32, #tpu.memory_space<vmem_shared>> -> memref<52048x8xf32, #tpu.memory_space<vmem_shared>>
      tpu.enqueue_indirect_dma source(%arg10 : memref<128x8xf32, #tpu.memory_space<vmem>>) target(%dma_start3A_210 : memref<52048x8xf32, #tpu.memory_space<vmem_shared>>) offsets(%dma_start3A_207 : memref<128xi32, #tpu.memory_space<vmem>>) semaphore(%arg25 : memref<!tpu.dma_semaphore, #tpu.memory_space<semaphore_mem>>) {add = true}
      %add3A_211 = arith.constant 2 : i32
      %add3A_212 = arith.addi %mul3A_151, %add3A_211 : i32
      %add3A_213 = arith.constant 7 : i32
      %add3A_214 = arith.addi %add3A_212, %add3A_213 : i32
      %sub3A_215 = arith.constant 1 : i32
      %sub3A_216 = arith.subi %add3A_214, %sub3A_215 : i32
      %lt3A_217 = arith.constant 196 : i32
      %lt3A_218 = arith.cmpi slt, %sub3A_216, %lt3A_217 : i32
      %gt3A_219 = arith.constant 0 : i32
      %gt3A_220 = arith.cmpi sgt, %add3A_212, %gt3A_219 : i32
      %and3A_221 = arith.andi %lt3A_218, %gt3A_220 : i1
      %convert_element_type3A_222 = arith.extui %and3A_221 : i1 to i32
      %cond3A_223 = arith.constant 0 : i32
      %cond3A_224 = arith.cmpi ne, %convert_element_type3A_222, %cond3A_223 : i32
      scf.if %cond3A_224 {
        %sub3A_366 = arith.constant 1 : i32
        %sub3A_367 = arith.subi %add3A_212, %sub3A_366 : i32
        %dma_wait3A_368 = arith.constant 0 : i32
        %dma_wait3A_369 = tpu.memref_slice %arg8[%sub3A_367, %dma_wait3A_368] : memref<196x128xi32, #tpu.memory_space<vmem>> -> memref<1x128xi32, #tpu.memory_space<vmem>>
        %dma_wait3A_370 = tpu.memref_squeeze %dma_wait3A_369 : memref<1x128xi32, #tpu.memory_space<vmem>> -> memref<128xi32, #tpu.memory_space<vmem>>
        %dma_wait3A_371 = arith.constant 0 : i32
        %dma_wait3A_372 = arith.constant 0 : i32
        %dma_wait3A_373 = tpu.memref_slice %arg16[%dma_wait3A_371, %dma_wait3A_372] : memref<52048x8xf32, #tpu.memory_space<vmem_shared>> -> memref<52048x8xf32, #tpu.memory_space<vmem_shared>>
        tpu.wait_indirect_dma semaphore(%arg25 : memref<!tpu.dma_semaphore, #tpu.memory_space<semaphore_mem>>) src(%arg10 : memref<128x8xf32, #tpu.memory_space<vmem>>) dst(%dma_wait3A_373 : memref<52048x8xf32, #tpu.memory_space<vmem_shared>>)
      } else {
      }
      %lt3A_225 = arith.constant 196 : i32
      %lt3A_226 = arith.cmpi slt, %sub3A_216, %lt3A_225 : i32
      %convert_element_type3A_227 = arith.extui %lt3A_226 : i1 to i32
      %cond3A_228 = arith.constant 0 : i32
      %cond3A_229 = arith.cmpi ne, %convert_element_type3A_227, %cond3A_228 : i32
      scf.if %cond3A_229 {
        %dma_start3A_366 = arith.constant 0 : i32
        %dma_start3A_367 = tpu.memref_slice %arg7[%sub3A_216, %dma_start3A_366] : memref<196x128xi32, #tpu.memory_space<vmem>> -> memref<1x128xi32, #tpu.memory_space<vmem>>
        %dma_start3A_368 = tpu.memref_squeeze %dma_start3A_367 : memref<1x128xi32, #tpu.memory_space<vmem>> -> memref<128xi32, #tpu.memory_space<vmem>>
        %dma_start3A_369 = arith.constant 0 : i32
        %dma_start3A_370 = arith.constant 0 : i32
        %dma_start3A_371 = tpu.memref_slice %arg2[%dma_start3A_369, %dma_start3A_370] : memref<50000x8xf32, #tpu.memory_space<hbm>> -> memref<50000x8xf32, #tpu.memory_space<hbm>>
        tpu.enqueue_indirect_dma source(%dma_start3A_371 : memref<50000x8xf32, #tpu.memory_space<hbm>>) target(%arg10 : memref<128x8xf32, #tpu.memory_space<vmem>>) offsets(%dma_start3A_368 : memref<128xi32, #tpu.memory_space<vmem>>) semaphore(%arg18 : memref<!tpu.dma_semaphore, #tpu.memory_space<semaphore_mem>>)
      } else {
      }
      %dma_wait3A_230 = arith.constant 0 : i32
      %dma_wait3A_231 = tpu.memref_slice %arg7[%add3A_212, %dma_wait3A_230] : memref<196x128xi32, #tpu.memory_space<vmem>> -> memref<1x128xi32, #tpu.memory_space<vmem>>
      %dma_wait3A_232 = tpu.memref_squeeze %dma_wait3A_231 : memref<1x128xi32, #tpu.memory_space<vmem>> -> memref<128xi32, #tpu.memory_space<vmem>>
      %dma_wait3A_233 = arith.constant 0 : i32
      %dma_wait3A_234 = arith.constant 0 : i32
      %dma_wait3A_235 = tpu.memref_slice %arg2[%dma_wait3A_233, %dma_wait3A_234] : memref<50000x8xf32, #tpu.memory_space<hbm>> -> memref<50000x8xf32, #tpu.memory_space<hbm>>
      tpu.wait_indirect_dma semaphore(%arg19 : memref<!tpu.dma_semaphore, #tpu.memory_space<semaphore_mem>>) src(%dma_wait3A_235 : memref<50000x8xf32, #tpu.memory_space<hbm>>) dst(%arg11 : memref<128x8xf32, #tpu.memory_space<vmem>>)
      %dma_start3A_236 = arith.constant 0 : i32
      %dma_start3A_237 = tpu.memref_slice %arg8[%add3A_212, %dma_start3A_236] : memref<196x128xi32, #tpu.memory_space<vmem>> -> memref<1x128xi32, #tpu.memory_space<vmem>>
      %dma_start3A_238 = tpu.memref_squeeze %dma_start3A_237 : memref<1x128xi32, #tpu.memory_space<vmem>> -> memref<128xi32, #tpu.memory_space<vmem>>
      %dma_start3A_239 = arith.constant 0 : i32
      %dma_start3A_240 = arith.constant 0 : i32
      %dma_start3A_241 = tpu.memref_slice %arg16[%dma_start3A_239, %dma_start3A_240] : memref<52048x8xf32, #tpu.memory_space<vmem_shared>> -> memref<52048x8xf32, #tpu.memory_space<vmem_shared>>
      tpu.enqueue_indirect_dma source(%arg11 : memref<128x8xf32, #tpu.memory_space<vmem>>) target(%dma_start3A_241 : memref<52048x8xf32, #tpu.memory_space<vmem_shared>>) offsets(%dma_start3A_238 : memref<128xi32, #tpu.memory_space<vmem>>) semaphore(%arg26 : memref<!tpu.dma_semaphore, #tpu.memory_space<semaphore_mem>>) {add = true}
      %add3A_242 = arith.constant 3 : i32
      %add3A_243 = arith.addi %mul3A_151, %add3A_242 : i32
      %add3A_244 = arith.constant 7 : i32
      %add3A_245 = arith.addi %add3A_243, %add3A_244 : i32
      %sub3A_246 = arith.constant 1 : i32
      %sub3A_247 = arith.subi %add3A_245, %sub3A_246 : i32
      %lt3A_248 = arith.constant 196 : i32
      %lt3A_249 = arith.cmpi slt, %sub3A_247, %lt3A_248 : i32
      %gt3A_250 = arith.constant 0 : i32
      %gt3A_251 = arith.cmpi sgt, %add3A_243, %gt3A_250 : i32
      %and3A_252 = arith.andi %lt3A_249, %gt3A_251 : i1
      %convert_element_type3A_253 = arith.extui %and3A_252 : i1 to i32
      %cond3A_254 = arith.constant 0 : i32
      %cond3A_255 = arith.cmpi ne, %convert_element_type3A_253, %cond3A_254 : i32
      scf.if %cond3A_255 {
        %sub3A_366 = arith.constant 1 : i32
        %sub3A_367 = arith.subi %add3A_243, %sub3A_366 : i32
        %dma_wait3A_368 = arith.constant 0 : i32
        %dma_wait3A_369 = tpu.memref_slice %arg8[%sub3A_367, %dma_wait3A_368] : memref<196x128xi32, #tpu.memory_space<vmem>> -> memref<1x128xi32, #tpu.memory_space<vmem>>
        %dma_wait3A_370 = tpu.memref_squeeze %dma_wait3A_369 : memref<1x128xi32, #tpu.memory_space<vmem>> -> memref<128xi32, #tpu.memory_space<vmem>>
        %dma_wait3A_371 = arith.constant 0 : i32
        %dma_wait3A_372 = arith.constant 0 : i32
        %dma_wait3A_373 = tpu.memref_slice %arg16[%dma_wait3A_371, %dma_wait3A_372] : memref<52048x8xf32, #tpu.memory_space<vmem_shared>> -> memref<52048x8xf32, #tpu.memory_space<vmem_shared>>
        tpu.wait_indirect_dma semaphore(%arg26 : memref<!tpu.dma_semaphore, #tpu.memory_space<semaphore_mem>>) src(%arg11 : memref<128x8xf32, #tpu.memory_space<vmem>>) dst(%dma_wait3A_373 : memref<52048x8xf32, #tpu.memory_space<vmem_shared>>)
      } else {
      }
      %lt3A_256 = arith.constant 196 : i32
      %lt3A_257 = arith.cmpi slt, %sub3A_247, %lt3A_256 : i32
      %convert_element_type3A_258 = arith.extui %lt3A_257 : i1 to i32
      %cond3A_259 = arith.constant 0 : i32
      %cond3A_260 = arith.cmpi ne, %convert_element_type3A_258, %cond3A_259 : i32
      scf.if %cond3A_260 {
        %dma_start3A_366 = arith.constant 0 : i32
        %dma_start3A_367 = tpu.memref_slice %arg7[%sub3A_247, %dma_start3A_366] : memref<196x128xi32, #tpu.memory_space<vmem>> -> memref<1x128xi32, #tpu.memory_space<vmem>>
        %dma_start3A_368 = tpu.memref_squeeze %dma_start3A_367 : memref<1x128xi32, #tpu.memory_space<vmem>> -> memref<128xi32, #tpu.memory_space<vmem>>
        %dma_start3A_369 = arith.constant 0 : i32
        %dma_start3A_370 = arith.constant 0 : i32
        %dma_start3A_371 = tpu.memref_slice %arg2[%dma_start3A_369, %dma_start3A_370] : memref<50000x8xf32, #tpu.memory_space<hbm>> -> memref<50000x8xf32, #tpu.memory_space<hbm>>
        tpu.enqueue_indirect_dma source(%dma_start3A_371 : memref<50000x8xf32, #tpu.memory_space<hbm>>) target(%arg11 : memref<128x8xf32, #tpu.memory_space<vmem>>) offsets(%dma_start3A_368 : memref<128xi32, #tpu.memory_space<vmem>>) semaphore(%arg19 : memref<!tpu.dma_semaphore, #tpu.memory_space<semaphore_mem>>)
      } else {
      }
      %dma_wait3A_261 = arith.constant 0 : i32
      %dma_wait3A_262 = tpu.memref_slice %arg7[%add3A_243, %dma_wait3A_261] : memref<196x128xi32, #tpu.memory_space<vmem>> -> memref<1x128xi32, #tpu.memory_space<vmem>>
      %dma_wait3A_263 = tpu.memref_squeeze %dma_wait3A_262 : memref<1x128xi32, #tpu.memory_space<vmem>> -> memref<128xi32, #tpu.memory_space<vmem>>
      %dma_wait3A_264 = arith.constant 0 : i32
      %dma_wait3A_265 = arith.constant 0 : i32
      %dma_wait3A_266 = tpu.memref_slice %arg2[%dma_wait3A_264, %dma_wait3A_265] : memref<50000x8xf32, #tpu.memory_space<hbm>> -> memref<50000x8xf32, #tpu.memory_space<hbm>>
      tpu.wait_indirect_dma semaphore(%arg20 : memref<!tpu.dma_semaphore, #tpu.memory_space<semaphore_mem>>) src(%dma_wait3A_266 : memref<50000x8xf32, #tpu.memory_space<hbm>>) dst(%arg12 : memref<128x8xf32, #tpu.memory_space<vmem>>)
      %dma_start3A_267 = arith.constant 0 : i32
      %dma_start3A_268 = tpu.memref_slice %arg8[%add3A_243, %dma_start3A_267] : memref<196x128xi32, #tpu.memory_space<vmem>> -> memref<1x128xi32, #tpu.memory_space<vmem>>
      %dma_start3A_269 = tpu.memref_squeeze %dma_start3A_268 : memref<1x128xi32, #tpu.memory_space<vmem>> -> memref<128xi32, #tpu.memory_space<vmem>>
      %dma_start3A_270 = arith.constant 0 : i32
      %dma_start3A_271 = arith.constant 0 : i32
      %dma_start3A_272 = tpu.memref_slice %arg16[%dma_start3A_270, %dma_start3A_271] : memref<52048x8xf32, #tpu.memory_space<vmem_shared>> -> memref<52048x8xf32, #tpu.memory_space<vmem_shared>>
      tpu.enqueue_indirect_dma source(%arg12 : memref<128x8xf32, #tpu.memory_space<vmem>>) target(%dma_start3A_272 : memref<52048x8xf32, #tpu.memory_space<vmem_shared>>) offsets(%dma_start3A_269 : memref<128xi32, #tpu.memory_space<vmem>>) semaphore(%arg27 : memref<!tpu.dma_semaphore, #tpu.memory_space<semaphore_mem>>) {add = true}
      %add3A_273 = arith.constant 4 : i32
      %add3A_274 = arith.addi %mul3A_151, %add3A_273 : i32
      %add3A_275 = arith.constant 7 : i32
      %add3A_276 = arith.addi %add3A_274, %add3A_275 : i32
      %sub3A_277 = arith.constant 1 : i32
      %sub3A_278 = arith.subi %add3A_276, %sub3A_277 : i32
      %lt3A_279 = arith.constant 196 : i32
      %lt3A_280 = arith.cmpi slt, %sub3A_278, %lt3A_279 : i32
      %gt3A_281 = arith.constant 0 : i32
      %gt3A_282 = arith.cmpi sgt, %add3A_274, %gt3A_281 : i32
      %and3A_283 = arith.andi %lt3A_280, %gt3A_282 : i1
      %convert_element_type3A_284 = arith.extui %and3A_283 : i1 to i32
      %cond3A_285 = arith.constant 0 : i32
      %cond3A_286 = arith.cmpi ne, %convert_element_type3A_284, %cond3A_285 : i32
      scf.if %cond3A_286 {
        %sub3A_366 = arith.constant 1 : i32
        %sub3A_367 = arith.subi %add3A_274, %sub3A_366 : i32
        %dma_wait3A_368 = arith.constant 0 : i32
        %dma_wait3A_369 = tpu.memref_slice %arg8[%sub3A_367, %dma_wait3A_368] : memref<196x128xi32, #tpu.memory_space<vmem>> -> memref<1x128xi32, #tpu.memory_space<vmem>>
        %dma_wait3A_370 = tpu.memref_squeeze %dma_wait3A_369 : memref<1x128xi32, #tpu.memory_space<vmem>> -> memref<128xi32, #tpu.memory_space<vmem>>
        %dma_wait3A_371 = arith.constant 0 : i32
        %dma_wait3A_372 = arith.constant 0 : i32
        %dma_wait3A_373 = tpu.memref_slice %arg16[%dma_wait3A_371, %dma_wait3A_372] : memref<52048x8xf32, #tpu.memory_space<vmem_shared>> -> memref<52048x8xf32, #tpu.memory_space<vmem_shared>>
        tpu.wait_indirect_dma semaphore(%arg27 : memref<!tpu.dma_semaphore, #tpu.memory_space<semaphore_mem>>) src(%arg12 : memref<128x8xf32, #tpu.memory_space<vmem>>) dst(%dma_wait3A_373 : memref<52048x8xf32, #tpu.memory_space<vmem_shared>>)
      } else {
      }
      %lt3A_287 = arith.constant 196 : i32
      %lt3A_288 = arith.cmpi slt, %sub3A_278, %lt3A_287 : i32
      %convert_element_type3A_289 = arith.extui %lt3A_288 : i1 to i32
      %cond3A_290 = arith.constant 0 : i32
      %cond3A_291 = arith.cmpi ne, %convert_element_type3A_289, %cond3A_290 : i32
      scf.if %cond3A_291 {
        %dma_start3A_366 = arith.constant 0 : i32
        %dma_start3A_367 = tpu.memref_slice %arg7[%sub3A_278, %dma_start3A_366] : memref<196x128xi32, #tpu.memory_space<vmem>> -> memref<1x128xi32, #tpu.memory_space<vmem>>
        %dma_start3A_368 = tpu.memref_squeeze %dma_start3A_367 : memref<1x128xi32, #tpu.memory_space<vmem>> -> memref<128xi32, #tpu.memory_space<vmem>>
        %dma_start3A_369 = arith.constant 0 : i32
        %dma_start3A_370 = arith.constant 0 : i32
        %dma_start3A_371 = tpu.memref_slice %arg2[%dma_start3A_369, %dma_start3A_370] : memref<50000x8xf32, #tpu.memory_space<hbm>> -> memref<50000x8xf32, #tpu.memory_space<hbm>>
        tpu.enqueue_indirect_dma source(%dma_start3A_371 : memref<50000x8xf32, #tpu.memory_space<hbm>>) target(%arg12 : memref<128x8xf32, #tpu.memory_space<vmem>>) offsets(%dma_start3A_368 : memref<128xi32, #tpu.memory_space<vmem>>) semaphore(%arg20 : memref<!tpu.dma_semaphore, #tpu.memory_space<semaphore_mem>>)
      } else {
      }
      %dma_wait3A_292 = arith.constant 0 : i32
      %dma_wait3A_293 = tpu.memref_slice %arg7[%add3A_274, %dma_wait3A_292] : memref<196x128xi32, #tpu.memory_space<vmem>> -> memref<1x128xi32, #tpu.memory_space<vmem>>
      %dma_wait3A_294 = tpu.memref_squeeze %dma_wait3A_293 : memref<1x128xi32, #tpu.memory_space<vmem>> -> memref<128xi32, #tpu.memory_space<vmem>>
      %dma_wait3A_295 = arith.constant 0 : i32
      %dma_wait3A_296 = arith.constant 0 : i32
      %dma_wait3A_297 = tpu.memref_slice %arg2[%dma_wait3A_295, %dma_wait3A_296] : memref<50000x8xf32, #tpu.memory_space<hbm>> -> memref<50000x8xf32, #tpu.memory_space<hbm>>
      tpu.wait_indirect_dma semaphore(%arg21 : memref<!tpu.dma_semaphore, #tpu.memory_space<semaphore_mem>>) src(%dma_wait3A_297 : memref<50000x8xf32, #tpu.memory_space<hbm>>) dst(%arg13 : memref<128x8xf32, #tpu.memory_space<vmem>>)
      %dma_start3A_298 = arith.constant 0 : i32
      %dma_start3A_299 = tpu.memref_slice %arg8[%add3A_274, %dma_start3A_298] : memref<196x128xi32, #tpu.memory_space<vmem>> -> memref<1x128xi32, #tpu.memory_space<vmem>>
      %dma_start3A_300 = tpu.memref_squeeze %dma_start3A_299 : memref<1x128xi32, #tpu.memory_space<vmem>> -> memref<128xi32, #tpu.memory_space<vmem>>
      %dma_start3A_301 = arith.constant 0 : i32
      %dma_start3A_302 = arith.constant 0 : i32
      %dma_start3A_303 = tpu.memref_slice %arg16[%dma_start3A_301, %dma_start3A_302] : memref<52048x8xf32, #tpu.memory_space<vmem_shared>> -> memref<52048x8xf32, #tpu.memory_space<vmem_shared>>
      tpu.enqueue_indirect_dma source(%arg13 : memref<128x8xf32, #tpu.memory_space<vmem>>) target(%dma_start3A_303 : memref<52048x8xf32, #tpu.memory_space<vmem_shared>>) offsets(%dma_start3A_300 : memref<128xi32, #tpu.memory_space<vmem>>) semaphore(%arg28 : memref<!tpu.dma_semaphore, #tpu.memory_space<semaphore_mem>>) {add = true}
      %add3A_304 = arith.constant 5 : i32
      %add3A_305 = arith.addi %mul3A_151, %add3A_304 : i32
      %add3A_306 = arith.constant 7 : i32
      %add3A_307 = arith.addi %add3A_305, %add3A_306 : i32
      %sub3A_308 = arith.constant 1 : i32
      %sub3A_309 = arith.subi %add3A_307, %sub3A_308 : i32
      %lt3A_310 = arith.constant 196 : i32
      %lt3A_311 = arith.cmpi slt, %sub3A_309, %lt3A_310 : i32
      %gt3A_312 = arith.constant 0 : i32
      %gt3A_313 = arith.cmpi sgt, %add3A_305, %gt3A_312 : i32
      %and3A_314 = arith.andi %lt3A_311, %gt3A_313 : i1
      %convert_element_type3A_315 = arith.extui %and3A_314 : i1 to i32
      %cond3A_316 = arith.constant 0 : i32
      %cond3A_317 = arith.cmpi ne, %convert_element_type3A_315, %cond3A_316 : i32
      scf.if %cond3A_317 {
        %sub3A_366 = arith.constant 1 : i32
        %sub3A_367 = arith.subi %add3A_305, %sub3A_366 : i32
        %dma_wait3A_368 = arith.constant 0 : i32
        %dma_wait3A_369 = tpu.memref_slice %arg8[%sub3A_367, %dma_wait3A_368] : memref<196x128xi32, #tpu.memory_space<vmem>> -> memref<1x128xi32, #tpu.memory_space<vmem>>
        %dma_wait3A_370 = tpu.memref_squeeze %dma_wait3A_369 : memref<1x128xi32, #tpu.memory_space<vmem>> -> memref<128xi32, #tpu.memory_space<vmem>>
        %dma_wait3A_371 = arith.constant 0 : i32
        %dma_wait3A_372 = arith.constant 0 : i32
        %dma_wait3A_373 = tpu.memref_slice %arg16[%dma_wait3A_371, %dma_wait3A_372] : memref<52048x8xf32, #tpu.memory_space<vmem_shared>> -> memref<52048x8xf32, #tpu.memory_space<vmem_shared>>
        tpu.wait_indirect_dma semaphore(%arg28 : memref<!tpu.dma_semaphore, #tpu.memory_space<semaphore_mem>>) src(%arg13 : memref<128x8xf32, #tpu.memory_space<vmem>>) dst(%dma_wait3A_373 : memref<52048x8xf32, #tpu.memory_space<vmem_shared>>)
      } else {
      }
      %lt3A_318 = arith.constant 196 : i32
      %lt3A_319 = arith.cmpi slt, %sub3A_309, %lt3A_318 : i32
      %convert_element_type3A_320 = arith.extui %lt3A_319 : i1 to i32
      %cond3A_321 = arith.constant 0 : i32
      %cond3A_322 = arith.cmpi ne, %convert_element_type3A_320, %cond3A_321 : i32
      scf.if %cond3A_322 {
        %dma_start3A_366 = arith.constant 0 : i32
        %dma_start3A_367 = tpu.memref_slice %arg7[%sub3A_309, %dma_start3A_366] : memref<196x128xi32, #tpu.memory_space<vmem>> -> memref<1x128xi32, #tpu.memory_space<vmem>>
        %dma_start3A_368 = tpu.memref_squeeze %dma_start3A_367 : memref<1x128xi32, #tpu.memory_space<vmem>> -> memref<128xi32, #tpu.memory_space<vmem>>
        %dma_start3A_369 = arith.constant 0 : i32
        %dma_start3A_370 = arith.constant 0 : i32
        %dma_start3A_371 = tpu.memref_slice %arg2[%dma_start3A_369, %dma_start3A_370] : memref<50000x8xf32, #tpu.memory_space<hbm>> -> memref<50000x8xf32, #tpu.memory_space<hbm>>
        tpu.enqueue_indirect_dma source(%dma_start3A_371 : memref<50000x8xf32, #tpu.memory_space<hbm>>) target(%arg13 : memref<128x8xf32, #tpu.memory_space<vmem>>) offsets(%dma_start3A_368 : memref<128xi32, #tpu.memory_space<vmem>>) semaphore(%arg21 : memref<!tpu.dma_semaphore, #tpu.memory_space<semaphore_mem>>)
      } else {
      }
      %dma_wait3A_323 = arith.constant 0 : i32
      %dma_wait3A_324 = tpu.memref_slice %arg7[%add3A_305, %dma_wait3A_323] : memref<196x128xi32, #tpu.memory_space<vmem>> -> memref<1x128xi32, #tpu.memory_space<vmem>>
      %dma_wait3A_325 = tpu.memref_squeeze %dma_wait3A_324 : memref<1x128xi32, #tpu.memory_space<vmem>> -> memref<128xi32, #tpu.memory_space<vmem>>
      %dma_wait3A_326 = arith.constant 0 : i32
      %dma_wait3A_327 = arith.constant 0 : i32
      %dma_wait3A_328 = tpu.memref_slice %arg2[%dma_wait3A_326, %dma_wait3A_327] : memref<50000x8xf32, #tpu.memory_space<hbm>> -> memref<50000x8xf32, #tpu.memory_space<hbm>>
      tpu.wait_indirect_dma semaphore(%arg22 : memref<!tpu.dma_semaphore, #tpu.memory_space<semaphore_mem>>) src(%dma_wait3A_328 : memref<50000x8xf32, #tpu.memory_space<hbm>>) dst(%arg14 : memref<128x8xf32, #tpu.memory_space<vmem>>)
      %dma_start3A_329 = arith.constant 0 : i32
      %dma_start3A_330 = tpu.memref_slice %arg8[%add3A_305, %dma_start3A_329] : memref<196x128xi32, #tpu.memory_space<vmem>> -> memref<1x128xi32, #tpu.memory_space<vmem>>
      %dma_start3A_331 = tpu.memref_squeeze %dma_start3A_330 : memref<1x128xi32, #tpu.memory_space<vmem>> -> memref<128xi32, #tpu.memory_space<vmem>>
      %dma_start3A_332 = arith.constant 0 : i32
      %dma_start3A_333 = arith.constant 0 : i32
      %dma_start3A_334 = tpu.memref_slice %arg16[%dma_start3A_332, %dma_start3A_333] : memref<52048x8xf32, #tpu.memory_space<vmem_shared>> -> memref<52048x8xf32, #tpu.memory_space<vmem_shared>>
      tpu.enqueue_indirect_dma source(%arg14 : memref<128x8xf32, #tpu.memory_space<vmem>>) target(%dma_start3A_334 : memref<52048x8xf32, #tpu.memory_space<vmem_shared>>) offsets(%dma_start3A_331 : memref<128xi32, #tpu.memory_space<vmem>>) semaphore(%arg29 : memref<!tpu.dma_semaphore, #tpu.memory_space<semaphore_mem>>) {add = true}
      %add3A_335 = arith.constant 6 : i32
      %add3A_336 = arith.addi %mul3A_151, %add3A_335 : i32
      %add3A_337 = arith.constant 7 : i32
      %add3A_338 = arith.addi %add3A_336, %add3A_337 : i32
      %sub3A_339 = arith.constant 1 : i32
      %sub3A_340 = arith.subi %add3A_338, %sub3A_339 : i32
      %lt3A_341 = arith.constant 196 : i32
      %lt3A_342 = arith.cmpi slt, %sub3A_340, %lt3A_341 : i32
      %gt3A_343 = arith.constant 0 : i32
      %gt3A_344 = arith.cmpi sgt, %add3A_336, %gt3A_343 : i32
      %and3A_345 = arith.andi %lt3A_342, %gt3A_344 : i1
      %convert_element_type3A_346 = arith.extui %and3A_345 : i1 to i32
      %cond3A_347 = arith.constant 0 : i32
      %cond3A_348 = arith.cmpi ne, %convert_element_type3A_346, %cond3A_347 : i32
      scf.if %cond3A_348 {
        %sub3A_366 = arith.constant 1 : i32
        %sub3A_367 = arith.subi %add3A_336, %sub3A_366 : i32
        %dma_wait3A_368 = arith.constant 0 : i32
        %dma_wait3A_369 = tpu.memref_slice %arg8[%sub3A_367, %dma_wait3A_368] : memref<196x128xi32, #tpu.memory_space<vmem>> -> memref<1x128xi32, #tpu.memory_space<vmem>>
        %dma_wait3A_370 = tpu.memref_squeeze %dma_wait3A_369 : memref<1x128xi32, #tpu.memory_space<vmem>> -> memref<128xi32, #tpu.memory_space<vmem>>
        %dma_wait3A_371 = arith.constant 0 : i32
        %dma_wait3A_372 = arith.constant 0 : i32
        %dma_wait3A_373 = tpu.memref_slice %arg16[%dma_wait3A_371, %dma_wait3A_372] : memref<52048x8xf32, #tpu.memory_space<vmem_shared>> -> memref<52048x8xf32, #tpu.memory_space<vmem_shared>>
        tpu.wait_indirect_dma semaphore(%arg29 : memref<!tpu.dma_semaphore, #tpu.memory_space<semaphore_mem>>) src(%arg14 : memref<128x8xf32, #tpu.memory_space<vmem>>) dst(%dma_wait3A_373 : memref<52048x8xf32, #tpu.memory_space<vmem_shared>>)
      } else {
      }
      %lt3A_349 = arith.constant 196 : i32
      %lt3A_350 = arith.cmpi slt, %sub3A_340, %lt3A_349 : i32
      %convert_element_type3A_351 = arith.extui %lt3A_350 : i1 to i32
      %cond3A_352 = arith.constant 0 : i32
      %cond3A_353 = arith.cmpi ne, %convert_element_type3A_351, %cond3A_352 : i32
      scf.if %cond3A_353 {
        %dma_start3A_366 = arith.constant 0 : i32
        %dma_start3A_367 = tpu.memref_slice %arg7[%sub3A_340, %dma_start3A_366] : memref<196x128xi32, #tpu.memory_space<vmem>> -> memref<1x128xi32, #tpu.memory_space<vmem>>
        %dma_start3A_368 = tpu.memref_squeeze %dma_start3A_367 : memref<1x128xi32, #tpu.memory_space<vmem>> -> memref<128xi32, #tpu.memory_space<vmem>>
        %dma_start3A_369 = arith.constant 0 : i32
        %dma_start3A_370 = arith.constant 0 : i32
        %dma_start3A_371 = tpu.memref_slice %arg2[%dma_start3A_369, %dma_start3A_370] : memref<50000x8xf32, #tpu.memory_space<hbm>> -> memref<50000x8xf32, #tpu.memory_space<hbm>>
        tpu.enqueue_indirect_dma source(%dma_start3A_371 : memref<50000x8xf32, #tpu.memory_space<hbm>>) target(%arg14 : memref<128x8xf32, #tpu.memory_space<vmem>>) offsets(%dma_start3A_368 : memref<128xi32, #tpu.memory_space<vmem>>) semaphore(%arg22 : memref<!tpu.dma_semaphore, #tpu.memory_space<semaphore_mem>>)
      } else {
      }
      %dma_wait3A_354 = arith.constant 0 : i32
      %dma_wait3A_355 = tpu.memref_slice %arg7[%add3A_336, %dma_wait3A_354] : memref<196x128xi32, #tpu.memory_space<vmem>> -> memref<1x128xi32, #tpu.memory_space<vmem>>
      %dma_wait3A_356 = tpu.memref_squeeze %dma_wait3A_355 : memref<1x128xi32, #tpu.memory_space<vmem>> -> memref<128xi32, #tpu.memory_space<vmem>>
      %dma_wait3A_357 = arith.constant 0 : i32
      %dma_wait3A_358 = arith.constant 0 : i32
      %dma_wait3A_359 = tpu.memref_slice %arg2[%dma_wait3A_357, %dma_wait3A_358] : memref<50000x8xf32, #tpu.memory_space<hbm>> -> memref<50000x8xf32, #tpu.memory_space<hbm>>
      tpu.wait_indirect_dma semaphore(%arg23 : memref<!tpu.dma_semaphore, #tpu.memory_space<semaphore_mem>>) src(%dma_wait3A_359 : memref<50000x8xf32, #tpu.memory_space<hbm>>) dst(%arg15 : memref<128x8xf32, #tpu.memory_space<vmem>>)
      %dma_start3A_360 = arith.constant 0 : i32
      %dma_start3A_361 = tpu.memref_slice %arg8[%add3A_336, %dma_start3A_360] : memref<196x128xi32, #tpu.memory_space<vmem>> -> memref<1x128xi32, #tpu.memory_space<vmem>>
      %dma_start3A_362 = tpu.memref_squeeze %dma_start3A_361 : memref<1x128xi32, #tpu.memory_space<vmem>> -> memref<128xi32, #tpu.memory_space<vmem>>
      %dma_start3A_363 = arith.constant 0 : i32
      %dma_start3A_364 = arith.constant 0 : i32
      %dma_start3A_365 = tpu.memref_slice %arg16[%dma_start3A_363, %dma_start3A_364] : memref<52048x8xf32, #tpu.memory_space<vmem_shared>> -> memref<52048x8xf32, #tpu.memory_space<vmem_shared>>
      tpu.enqueue_indirect_dma source(%arg15 : memref<128x8xf32, #tpu.memory_space<vmem>>) target(%dma_start3A_365 : memref<52048x8xf32, #tpu.memory_space<vmem_shared>>) offsets(%dma_start3A_362 : memref<128xi32, #tpu.memory_space<vmem>>) semaphore(%arg30 : memref<!tpu.dma_semaphore, #tpu.memory_space<semaphore_mem>>) {add = true}
    }
    %scan3A_84 = arith.constant 28 : i32
    %dma_wait3A_85 = arith.constant 189 : i32
    %dma_wait3A_86 = arith.constant 0 : i32
    %dma_wait3A_87 = tpu.memref_slice %arg8[%dma_wait3A_85, %dma_wait3A_86] : memref<196x128xi32, #tpu.memory_space<vmem>> -> memref<1x128xi32, #tpu.memory_space<vmem>>
    %dma_wait3A_88 = tpu.memref_squeeze %dma_wait3A_87 : memref<1x128xi32, #tpu.memory_space<vmem>> -> memref<128xi32, #tpu.memory_space<vmem>>
    %dma_wait3A_89 = arith.constant 0 : i32
    %dma_wait3A_90 = arith.constant 0 : i32
    %dma_wait3A_91 = tpu.memref_slice %arg16[%dma_wait3A_89, %dma_wait3A_90] : memref<52048x8xf32, #tpu.memory_space<vmem_shared>> -> memref<52048x8xf32, #tpu.memory_space<vmem_shared>>
    tpu.wait_indirect_dma semaphore(%arg24 : memref<!tpu.dma_semaphore, #tpu.memory_space<semaphore_mem>>) src(%arg9 : memref<128x8xf32, #tpu.memory_space<vmem>>) dst(%dma_wait3A_91 : memref<52048x8xf32, #tpu.memory_space<vmem_shared>>)
    %dma_wait3A_92 = arith.constant 190 : i32
    %dma_wait3A_93 = arith.constant 0 : i32
    %dma_wait3A_94 = tpu.memref_slice %arg8[%dma_wait3A_92, %dma_wait3A_93] : memref<196x128xi32, #tpu.memory_space<vmem>> -> memref<1x128xi32, #tpu.memory_space<vmem>>
    %dma_wait3A_95 = tpu.memref_squeeze %dma_wait3A_94 : memref<1x128xi32, #tpu.memory_space<vmem>> -> memref<128xi32, #tpu.memory_space<vmem>>
    %dma_wait3A_96 = arith.constant 0 : i32
    %dma_wait3A_97 = arith.constant 0 : i32
    %dma_wait3A_98 = tpu.memref_slice %arg16[%dma_wait3A_96, %dma_wait3A_97] : memref<52048x8xf32, #tpu.memory_space<vmem_shared>> -> memref<52048x8xf32, #tpu.memory_space<vmem_shared>>
    tpu.wait_indirect_dma semaphore(%arg25 : memref<!tpu.dma_semaphore, #tpu.memory_space<semaphore_mem>>) src(%arg10 : memref<128x8xf32, #tpu.memory_space<vmem>>) dst(%dma_wait3A_98 : memref<52048x8xf32, #tpu.memory_space<vmem_shared>>)
    %dma_wait3A_99 = arith.constant 191 : i32
    %dma_wait3A_100 = arith.constant 0 : i32
    %dma_wait3A_101 = tpu.memref_slice %arg8[%dma_wait3A_99, %dma_wait3A_100] : memref<196x128xi32, #tpu.memory_space<vmem>> -> memref<1x128xi32, #tpu.memory_space<vmem>>
    %dma_wait3A_102 = tpu.memref_squeeze %dma_wait3A_101 : memref<1x128xi32, #tpu.memory_space<vmem>> -> memref<128xi32, #tpu.memory_space<vmem>>
    %dma_wait3A_103 = arith.constant 0 : i32
    %dma_wait3A_104 = arith.constant 0 : i32
    %dma_wait3A_105 = tpu.memref_slice %arg16[%dma_wait3A_103, %dma_wait3A_104] : memref<52048x8xf32, #tpu.memory_space<vmem_shared>> -> memref<52048x8xf32, #tpu.memory_space<vmem_shared>>
    tpu.wait_indirect_dma semaphore(%arg26 : memref<!tpu.dma_semaphore, #tpu.memory_space<semaphore_mem>>) src(%arg11 : memref<128x8xf32, #tpu.memory_space<vmem>>) dst(%dma_wait3A_105 : memref<52048x8xf32, #tpu.memory_space<vmem_shared>>)
    %dma_wait3A_106 = arith.constant 192 : i32
    %dma_wait3A_107 = arith.constant 0 : i32
    %dma_wait3A_108 = tpu.memref_slice %arg8[%dma_wait3A_106, %dma_wait3A_107] : memref<196x128xi32, #tpu.memory_space<vmem>> -> memref<1x128xi32, #tpu.memory_space<vmem>>
    %dma_wait3A_109 = tpu.memref_squeeze %dma_wait3A_108 : memref<1x128xi32, #tpu.memory_space<vmem>> -> memref<128xi32, #tpu.memory_space<vmem>>
    %dma_wait3A_110 = arith.constant 0 : i32
    %dma_wait3A_111 = arith.constant 0 : i32
    %dma_wait3A_112 = tpu.memref_slice %arg16[%dma_wait3A_110, %dma_wait3A_111] : memref<52048x8xf32, #tpu.memory_space<vmem_shared>> -> memref<52048x8xf32, #tpu.memory_space<vmem_shared>>
    tpu.wait_indirect_dma semaphore(%arg27 : memref<!tpu.dma_semaphore, #tpu.memory_space<semaphore_mem>>) src(%arg12 : memref<128x8xf32, #tpu.memory_space<vmem>>) dst(%dma_wait3A_112 : memref<52048x8xf32, #tpu.memory_space<vmem_shared>>)
    %dma_wait3A_113 = arith.constant 193 : i32
    %dma_wait3A_114 = arith.constant 0 : i32
    %dma_wait3A_115 = tpu.memref_slice %arg8[%dma_wait3A_113, %dma_wait3A_114] : memref<196x128xi32, #tpu.memory_space<vmem>> -> memref<1x128xi32, #tpu.memory_space<vmem>>
    %dma_wait3A_116 = tpu.memref_squeeze %dma_wait3A_115 : memref<1x128xi32, #tpu.memory_space<vmem>> -> memref<128xi32, #tpu.memory_space<vmem>>
    %dma_wait3A_117 = arith.constant 0 : i32
    %dma_wait3A_118 = arith.constant 0 : i32
    %dma_wait3A_119 = tpu.memref_slice %arg16[%dma_wait3A_117, %dma_wait3A_118] : memref<52048x8xf32, #tpu.memory_space<vmem_shared>> -> memref<52048x8xf32, #tpu.memory_space<vmem_shared>>
    tpu.wait_indirect_dma semaphore(%arg28 : memref<!tpu.dma_semaphore, #tpu.memory_space<semaphore_mem>>) src(%arg13 : memref<128x8xf32, #tpu.memory_space<vmem>>) dst(%dma_wait3A_119 : memref<52048x8xf32, #tpu.memory_space<vmem_shared>>)
    %dma_wait3A_120 = arith.constant 194 : i32
    %dma_wait3A_121 = arith.constant 0 : i32
    %dma_wait3A_122 = tpu.memref_slice %arg8[%dma_wait3A_120, %dma_wait3A_121] : memref<196x128xi32, #tpu.memory_space<vmem>> -> memref<1x128xi32, #tpu.memory_space<vmem>>
    %dma_wait3A_123 = tpu.memref_squeeze %dma_wait3A_122 : memref<1x128xi32, #tpu.memory_space<vmem>> -> memref<128xi32, #tpu.memory_space<vmem>>
    %dma_wait3A_124 = arith.constant 0 : i32
    %dma_wait3A_125 = arith.constant 0 : i32
    %dma_wait3A_126 = tpu.memref_slice %arg16[%dma_wait3A_124, %dma_wait3A_125] : memref<52048x8xf32, #tpu.memory_space<vmem_shared>> -> memref<52048x8xf32, #tpu.memory_space<vmem_shared>>
    tpu.wait_indirect_dma semaphore(%arg29 : memref<!tpu.dma_semaphore, #tpu.memory_space<semaphore_mem>>) src(%arg14 : memref<128x8xf32, #tpu.memory_space<vmem>>) dst(%dma_wait3A_126 : memref<52048x8xf32, #tpu.memory_space<vmem_shared>>)
    %dma_wait3A_127 = arith.constant 195 : i32
    %dma_wait3A_128 = arith.constant 0 : i32
    %dma_wait3A_129 = tpu.memref_slice %arg8[%dma_wait3A_127, %dma_wait3A_128] : memref<196x128xi32, #tpu.memory_space<vmem>> -> memref<1x128xi32, #tpu.memory_space<vmem>>
    %dma_wait3A_130 = tpu.memref_squeeze %dma_wait3A_129 : memref<1x128xi32, #tpu.memory_space<vmem>> -> memref<128xi32, #tpu.memory_space<vmem>>
    %dma_wait3A_131 = arith.constant 0 : i32
    %dma_wait3A_132 = arith.constant 0 : i32
    %dma_wait3A_133 = tpu.memref_slice %arg16[%dma_wait3A_131, %dma_wait3A_132] : memref<52048x8xf32, #tpu.memory_space<vmem_shared>> -> memref<52048x8xf32, #tpu.memory_space<vmem_shared>>
    tpu.wait_indirect_dma semaphore(%arg30 : memref<!tpu.dma_semaphore, #tpu.memory_space<semaphore_mem>>) src(%arg15 : memref<128x8xf32, #tpu.memory_space<vmem>>) dst(%dma_wait3A_133 : memref<52048x8xf32, #tpu.memory_space<vmem_shared>>)
    %barrier3A_134 = arith.constant 0 : index
    tpu.barrier barrier_id(%barrier3A_134)
    %lt3A_135 = arith.constant 15 : i32
    %lt3A_136 = arith.cmpi slt, %arg1, %lt3A_135 : i32
    %convert_element_type3A_137 = arith.extui %lt3A_136 : i1 to i32
    %cond3A_138 = arith.constant 0 : i32
    %cond3A_139 = arith.cmpi ne, %convert_element_type3A_137, %cond3A_138 : i32
    scf.if %cond3A_139 {
      "tpu.region"() ({
        %run_scoped3A = tpu.sem_alloc : memref<!tpu.dma_semaphore, #tpu.memory_space<semaphore_mem>>
        %dma_start3A_145 = arith.constant 0 : i32
        %dma_start3A_146 = tpu.memref_slice %arg6[%arg0, %multiple_of3A, %dma_start3A_145] : memref<2x50000x8xf32, #tpu.memory_space<hbm>> -> memref<1x3128x8xf32, #tpu.memory_space<hbm>>
        %dma_start3A_147 = tpu.memref_squeeze %dma_start3A_146 : memref<1x3128x8xf32, #tpu.memory_space<hbm>> -> memref<3128x8xf32, #tpu.memory_space<hbm>>
        %dma_start3A_148 = arith.constant 0 : i32
        %dma_start3A_149 = tpu.memref_slice %arg16[%multiple_of3A, %dma_start3A_148] : memref<52048x8xf32, #tpu.memory_space<vmem_shared>> -> memref<3128x8xf32, #tpu.memory_space<vmem_shared>>
        tpu.enqueue_dma source(%dma_start3A_149 : memref<3128x8xf32, #tpu.memory_space<vmem_shared>>) target(%dma_start3A_147 : memref<3128x8xf32, #tpu.memory_space<hbm>>) target_semaphore(%run_scoped3A : memref<!tpu.dma_semaphore, #tpu.memory_space<semaphore_mem>>)
        %dma_wait3A_150 = arith.constant 0 : i32
        %dma_wait3A_151 = tpu.memref_slice %arg6[%arg0, %multiple_of3A, %dma_wait3A_150] : memref<2x50000x8xf32, #tpu.memory_space<hbm>> -> memref<1x3128x8xf32, #tpu.memory_space<hbm>>
        %dma_wait3A_152 = tpu.memref_squeeze %dma_wait3A_151 : memref<1x3128x8xf32, #tpu.memory_space<hbm>> -> memref<3128x8xf32, #tpu.memory_space<hbm>>
        %dma_wait3A_153 = arith.constant 0 : i32
        %dma_wait3A_154 = tpu.memref_slice %arg16[%multiple_of3A, %dma_wait3A_153] : memref<52048x8xf32, #tpu.memory_space<vmem_shared>> -> memref<3128x8xf32, #tpu.memory_space<vmem_shared>>
        tpu.wait_dma2 semaphore(%run_scoped3A : memref<!tpu.dma_semaphore, #tpu.memory_space<semaphore_mem>>) src(%dma_wait3A_154 : memref<3128x8xf32, #tpu.memory_space<vmem_shared>>) dst(%dma_wait3A_152 : memref<3128x8xf32, #tpu.memory_space<hbm>>)
        tpu.yield
      }) : () -> ()
    } else {
    }
    %eq3A_140 = arith.constant 15 : i32
    %eq3A_141 = arith.cmpi eq, %arg1, %eq3A_140 : i32
    %convert_element_type3A_142 = arith.extui %eq3A_141 : i1 to i32
    %cond3A_143 = arith.constant 0 : i32
    %cond3A_144 = arith.cmpi ne, %convert_element_type3A_142, %cond3A_143 : i32
    scf.if %cond3A_144 {
      "tpu.region"() ({
        %run_scoped3A = tpu.sem_alloc : memref<!tpu.dma_semaphore, #tpu.memory_space<semaphore_mem>>
        %dma_start3A_145 = arith.constant 0 : i32
        %dma_start3A_146 = tpu.memref_slice %arg6[%arg0, %multiple_of3A, %dma_start3A_145] : memref<2x50000x8xf32, #tpu.memory_space<hbm>> -> memref<1x3080x8xf32, #tpu.memory_space<hbm>>
        %dma_start3A_147 = tpu.memref_squeeze %dma_start3A_146 : memref<1x3080x8xf32, #tpu.memory_space<hbm>> -> memref<3080x8xf32, #tpu.memory_space<hbm>>
        %dma_start3A_148 = arith.constant 0 : i32
        %dma_start3A_149 = tpu.memref_slice %arg16[%multiple_of3A, %dma_start3A_148] : memref<52048x8xf32, #tpu.memory_space<vmem_shared>> -> memref<3080x8xf32, #tpu.memory_space<vmem_shared>>
        tpu.enqueue_dma source(%dma_start3A_149 : memref<3080x8xf32, #tpu.memory_space<vmem_shared>>) target(%dma_start3A_147 : memref<3080x8xf32, #tpu.memory_space<hbm>>) target_semaphore(%run_scoped3A : memref<!tpu.dma_semaphore, #tpu.memory_space<semaphore_mem>>)
        %dma_wait3A_150 = arith.constant 0 : i32
        %dma_wait3A_151 = tpu.memref_slice %arg6[%arg0, %multiple_of3A, %dma_wait3A_150] : memref<2x50000x8xf32, #tpu.memory_space<hbm>> -> memref<1x3080x8xf32, #tpu.memory_space<hbm>>
        %dma_wait3A_152 = tpu.memref_squeeze %dma_wait3A_151 : memref<1x3080x8xf32, #tpu.memory_space<hbm>> -> memref<3080x8xf32, #tpu.memory_space<hbm>>
        %dma_wait3A_153 = arith.constant 0 : i32
        %dma_wait3A_154 = tpu.memref_slice %arg16[%multiple_of3A, %dma_wait3A_153] : memref<52048x8xf32, #tpu.memory_space<vmem_shared>> -> memref<3080x8xf32, #tpu.memory_space<vmem_shared>>
        tpu.wait_dma2 semaphore(%run_scoped3A : memref<!tpu.dma_semaphore, #tpu.memory_space<semaphore_mem>>) src(%dma_wait3A_154 : memref<3080x8xf32, #tpu.memory_space<vmem_shared>>) dst(%dma_wait3A_152 : memref<3080x8xf32, #tpu.memory_space<hbm>>)
        tpu.yield
      }) : () -> ()
    } else {
    }
    return
  }
}

module attributes {stable_mosaic.version = 14 : i64} {
  func.func @body(%arg0: i32, %arg1: memref<3125x256xf32, #tpu.memory_space<vmem>>, %arg2: memref<256x128xf32, #tpu.memory_space<vmem>>, %arg3: memref<3125x128xf32, #tpu.memory_space<vmem>>) attributes {dimension_semantics = [#tpu.dimension_semantics<arbitrary>], iteration_bounds = array<i64: 8>, scalar_prefetch = 0 : i64, scratch_operands = 0 : i64, tpu.core_type = #tpu.core_type<tc>, window_params = [{transform_indices = @transform_0, window_bounds = array<i64: 3125, 256>}, {transform_indices = @transform_1, window_bounds = array<i64: 256, 128>}, {pipeline_mode = #tpu.pipeline_mode<synchronous>, transform_indices = @transform_2, window_bounds = array<i64: 3125, 128>}]} {
    %eq3A = arith.constant 0 : i32
    %eq3A_0 = arith.cmpi eq, %arg0, %eq3A : i32
    %convert_element_type3A = arith.extui %eq3A_0 : i1 to i32
    %cond3A = arith.constant 0 : i32
    %cond3A_1 = arith.cmpi ne, %convert_element_type3A, %cond3A : i32
    scf.if %cond3A_1 {
      %broadcast_in_dim3A = arith.constant 0.000000e+00 : f32
      %broadcast_in_dim3A_13 = vector.broadcast %broadcast_in_dim3A : f32 to vector<3125x128xf32>
      %swap3A_14 = arith.constant 0 : index
      %swap3A_15 = arith.constant 0 : index
      %swap3A_16 = vector.load %arg3[%swap3A_14, %swap3A_15] : memref<3125x128xf32, #tpu.memory_space<vmem>>, vector<3125x128xf32>
      tpu.vector_store %arg3[%swap3A_14, %swap3A_15], %broadcast_in_dim3A_13 {strides = array<i32>} : memref<3125x128xf32, #tpu.memory_space<vmem>>, vector<3125x128xf32>,
    } else {
    }
    %get3A = arith.constant 0 : index
    %get3A_2 = arith.constant 0 : index
    %get3A_3 = vector.load %arg3[%get3A, %get3A_2] : memref<3125x128xf32, #tpu.memory_space<vmem>>, vector<3125x128xf32>
    %get3A_4 = arith.constant 0 : index
    %get3A_5 = arith.constant 0 : index
    %get3A_6 = vector.load %arg1[%get3A_4, %get3A_5] : memref<3125x256xf32, #tpu.memory_space<vmem>>, vector<3125x256xf32>
    %get3A_7 = arith.constant 0 : index
    %get3A_8 = arith.constant 0 : index
    %get3A_9 = vector.load %arg2[%get3A_7, %get3A_8] : memref<256x128xf32, #tpu.memory_space<vmem>>, vector<256x128xf32>
    %dot_general3A = arith.constant dense<0.000000e+00> : vector<3125x128xf32>
    %dot_general3A_10 = tpu.matmul %get3A_6, %get3A_9, %dot_general3A {dimension_numbers = #tpu.dot_dimension_numbers<[1], [0], [0], [1], [0, 0, 1, 1], [], []>, precision = #tpu.contract_precision<fp32>, transpose_lhs_hint = false} : vector<3125x256xf32>, vector<256x128xf32>, vector<3125x128xf32> -> vector<3125x128xf32>
    %add3A = arith.addf %get3A_3, %dot_general3A_10 : vector<3125x128xf32>
    %swap3A = arith.constant 0 : index
    %swap3A_11 = arith.constant 0 : index
    %swap3A_12 = vector.load %arg3[%swap3A, %swap3A_11] : memref<3125x128xf32, #tpu.memory_space<vmem>>, vector<3125x128xf32>
    tpu.vector_store %arg3[%swap3A, %swap3A_11], %add3A {strides = array<i32>} : memref<3125x128xf32, #tpu.memory_space<vmem>>, vector<3125x128xf32>,
    return
  }
  func.func @transform_0(%arg0: i32) -> (i32, i32) {
    %c0_i32 = arith.constant 0 : i32
    %c0_i32_0 = arith.constant 0 : i32
    return %c0_i32, %arg0 : i32, i32
  }
  func.func @transform_1(%arg0: i32) -> (i32, i32) {
    %c0_i32 = arith.constant 0 : i32
    %c0_i32_0 = arith.constant 0 : i32
    return %arg0, %c0_i32 : i32, i32
  }
  func.func @transform_2(%arg0: i32) -> (i32, i32) {
    %c0_i32 = arith.constant 0 : i32
    %c0_i32_0 = arith.constant 0 : i32
    %c0_i32_1 = arith.constant 0 : i32
    return %c0_i32, %c0_i32_0 : i32, i32
  }
}

module attributes {stable_mosaic.version = 14 : i64} {
  func.func @body(%arg0: memref<2x3125x128xf32, #tpu.memory_space<vmem>>, %arg1: memref<1x128xf32, #tpu.memory_space<vmem>>, %arg2: memref<128x128xf32, #tpu.memory_space<vmem>>, %arg3: memref<1x128xf32, #tpu.memory_space<vmem>>, %arg4: memref<3125x128xf32, #tpu.memory_space<vmem>>) attributes {dimension_semantics = [], scalar_prefetch = 0 : i64, scratch_operands = 0 : i64, tpu.core_type = #tpu.core_type<tc>} {
    %get3A = arith.constant 0 : index
    %get3A_0 = arith.constant 0 : index
    %get3A_1 = arith.constant 0 : index
    %get3A_2 = vector.load %arg0[%get3A, %get3A_0, %get3A_1] : memref<2x3125x128xf32, #tpu.memory_space<vmem>>, vector<1x3125x128xf32>
    %get3A_3 = vector.shape_cast %get3A_2 : vector<1x3125x128xf32> to vector<3125x128xf32>
    %get3A_4 = arith.constant 1 : index
    %get3A_5 = arith.constant 0 : index
    %get3A_6 = arith.constant 0 : index
    %get3A_7 = vector.load %arg0[%get3A_4, %get3A_5, %get3A_6] : memref<2x3125x128xf32, #tpu.memory_space<vmem>>, vector<1x3125x128xf32>
    %get3A_8 = vector.shape_cast %get3A_7 : vector<1x3125x128xf32> to vector<3125x128xf32>
    %add3A = arith.addf %get3A_3, %get3A_8 : vector<3125x128xf32>
    %get3A_9 = arith.constant 0 : index
    %get3A_10 = arith.constant 0 : index
    %get3A_11 = vector.load %arg1[%get3A_9, %get3A_10] : memref<1x128xf32, #tpu.memory_space<vmem>>, vector<1x128xf32>
    %add3A_12 = vector.broadcast %get3A_11 : vector<1x128xf32> to vector<3125x128xf32>
    %add3A_13 = arith.addf %add3A, %add3A_12 : vector<3125x128xf32>
    %ge3A = arith.constant 0.000000e+00 : f32
    %ge3A_14 = vector.broadcast %ge3A : f32 to vector<3125x128xf32>
    %ge3A_15 = arith.cmpf oge, %add3A_13, %ge3A_14 : vector<3125x128xf32>
    %mul3A = arith.constant 0.00999999977 : f32
    %mul3A_16 = vector.broadcast %mul3A : f32 to vector<3125x128xf32>
    %mul3A_17 = arith.mulf %add3A_13, %mul3A_16 : vector<3125x128xf32>
    %select_n3A = arith.select %ge3A_15, %add3A_13, %mul3A_17 : vector<3125x128xi1>, vector<3125x128xf32>
    %get3A_18 = arith.constant 0 : index
    %get3A_19 = arith.constant 0 : index
    %get3A_20 = vector.load %arg2[%get3A_18, %get3A_19] : memref<128x128xf32, #tpu.memory_space<vmem>>, vector<128x128xf32>
    %dot_general3A = arith.constant dense<0.000000e+00> : vector<3125x128xf32>
    %dot_general3A_21 = tpu.matmul %select_n3A, %get3A_20, %dot_general3A {dimension_numbers = #tpu.dot_dimension_numbers<[1], [0], [0], [1], [0, 0, 1, 1], [], []>, transpose_lhs_hint = false} : vector<3125x128xf32>, vector<128x128xf32>, vector<3125x128xf32> -> vector<3125x128xf32>
    %get3A_22 = arith.constant 0 : index
    %get3A_23 = arith.constant 0 : index
    %get3A_24 = vector.load %arg3[%get3A_22, %get3A_23] : memref<1x128xf32, #tpu.memory_space<vmem>>, vector<1x128xf32>
    %add3A_25 = vector.broadcast %get3A_24 : vector<1x128xf32> to vector<3125x128xf32>
    %add3A_26 = arith.addf %dot_general3A_21, %add3A_25 : vector<3125x128xf32>
    %ge3A_27 = arith.constant 0.000000e+00 : f32
    %ge3A_28 = vector.broadcast %ge3A_27 : f32 to vector<3125x128xf32>
    %ge3A_29 = arith.cmpf oge, %add3A_26, %ge3A_28 : vector<3125x128xf32>
    %mul3A_30 = arith.constant 0.00999999977 : f32
    %mul3A_31 = vector.broadcast %mul3A_30 : f32 to vector<3125x128xf32>
    %mul3A_32 = arith.mulf %add3A_26, %mul3A_31 : vector<3125x128xf32>
    %select_n3A_33 = arith.select %ge3A_29, %add3A_26, %mul3A_32 : vector<3125x128xi1>, vector<3125x128xf32>
    %swap3A = arith.constant 0 : index
    %swap3A_34 = arith.constant 0 : index
    %swap3A_35 = vector.load %arg4[%swap3A, %swap3A_34] : memref<3125x128xf32, #tpu.memory_space<vmem>>, vector<3125x128xf32>
    tpu.vector_store %arg4[%swap3A, %swap3A_34], %select_n3A_33 {strides = array<i32>} : memref<3125x128xf32, #tpu.memory_space<vmem>>, vector<3125x128xf32>,
    return
  }
}

module attributes {stable_mosaic.version = 14 : i64} {
  func.func @body(%arg0: memref<2x3125x128xf32, #tpu.memory_space<vmem>>, %arg1: memref<128x128xf32, #tpu.memory_space<vmem>>, %arg2: memref<1x128xf32, #tpu.memory_space<vmem>>, %arg3: memref<128x128xf32, #tpu.memory_space<vmem>>, %arg4: memref<1x128xf32, #tpu.memory_space<vmem>>, %arg5: memref<3125x128xf32, #tpu.memory_space<vmem>>) attributes {dimension_semantics = [], scalar_prefetch = 0 : i64, scratch_operands = 0 : i64, tpu.core_type = #tpu.core_type<tc>} {
    %get3A = arith.constant 0 : index
    %get3A_0 = arith.constant 0 : index
    %get3A_1 = arith.constant 0 : index
    %get3A_2 = vector.load %arg0[%get3A, %get3A_0, %get3A_1] : memref<2x3125x128xf32, #tpu.memory_space<vmem>>, vector<1x3125x128xf32>
    %get3A_3 = vector.shape_cast %get3A_2 : vector<1x3125x128xf32> to vector<3125x128xf32>
    %get3A_4 = arith.constant 1 : index
    %get3A_5 = arith.constant 0 : index
    %get3A_6 = arith.constant 0 : index
    %get3A_7 = vector.load %arg0[%get3A_4, %get3A_5, %get3A_6] : memref<2x3125x128xf32, #tpu.memory_space<vmem>>, vector<1x3125x128xf32>
    %get3A_8 = vector.shape_cast %get3A_7 : vector<1x3125x128xf32> to vector<3125x128xf32>
    %add3A = arith.addf %get3A_3, %get3A_8 : vector<3125x128xf32>
    %get3A_9 = arith.constant 0 : index
    %get3A_10 = arith.constant 0 : index
    %get3A_11 = vector.load %arg1[%get3A_9, %get3A_10] : memref<128x128xf32, #tpu.memory_space<vmem>>, vector<128x128xf32>
    %dot_general3A = arith.constant dense<0.000000e+00> : vector<3125x128xf32>
    %dot_general3A_12 = tpu.matmul %add3A, %get3A_11, %dot_general3A {dimension_numbers = #tpu.dot_dimension_numbers<[1], [0], [0], [1], [0, 0, 1, 1], [], []>, transpose_lhs_hint = false} : vector<3125x128xf32>, vector<128x128xf32>, vector<3125x128xf32> -> vector<3125x128xf32>
    %get3A_13 = arith.constant 0 : index
    %get3A_14 = arith.constant 0 : index
    %get3A_15 = vector.load %arg2[%get3A_13, %get3A_14] : memref<1x128xf32, #tpu.memory_space<vmem>>, vector<1x128xf32>
    %add3A_16 = vector.broadcast %get3A_15 : vector<1x128xf32> to vector<3125x128xf32>
    %add3A_17 = arith.addf %dot_general3A_12, %add3A_16 : vector<3125x128xf32>
    %ge3A = arith.constant 0.000000e+00 : f32
    %ge3A_18 = vector.broadcast %ge3A : f32 to vector<3125x128xf32>
    %ge3A_19 = arith.cmpf oge, %add3A_17, %ge3A_18 : vector<3125x128xf32>
    %mul3A = arith.constant 0.00999999977 : f32
    %mul3A_20 = vector.broadcast %mul3A : f32 to vector<3125x128xf32>
    %mul3A_21 = arith.mulf %add3A_17, %mul3A_20 : vector<3125x128xf32>
    %select_n3A = arith.select %ge3A_19, %add3A_17, %mul3A_21 : vector<3125x128xi1>, vector<3125x128xf32>
    %get3A_22 = arith.constant 0 : index
    %get3A_23 = arith.constant 0 : index
    %get3A_24 = vector.load %arg3[%get3A_22, %get3A_23] : memref<128x128xf32, #tpu.memory_space<vmem>>, vector<128x128xf32>
    %dot_general3A_25 = arith.constant dense<0.000000e+00> : vector<3125x128xf32>
    %dot_general3A_26 = tpu.matmul %select_n3A, %get3A_24, %dot_general3A_25 {dimension_numbers = #tpu.dot_dimension_numbers<[1], [0], [0], [1], [0, 0, 1, 1], [], []>, transpose_lhs_hint = false} : vector<3125x128xf32>, vector<128x128xf32>, vector<3125x128xf32> -> vector<3125x128xf32>
    %get3A_27 = arith.constant 0 : index
    %get3A_28 = arith.constant 0 : index
    %get3A_29 = vector.load %arg4[%get3A_27, %get3A_28] : memref<1x128xf32, #tpu.memory_space<vmem>>, vector<1x128xf32>
    %add3A_30 = vector.broadcast %get3A_29 : vector<1x128xf32> to vector<3125x128xf32>
    %add3A_31 = arith.addf %dot_general3A_26, %add3A_30 : vector<3125x128xf32>
    %ge3A_32 = arith.constant 0.000000e+00 : f32
    %ge3A_33 = vector.broadcast %ge3A_32 : f32 to vector<3125x128xf32>
    %ge3A_34 = arith.cmpf oge, %add3A_31, %ge3A_33 : vector<3125x128xf32>
    %mul3A_35 = arith.constant 0.00999999977 : f32
    %mul3A_36 = vector.broadcast %mul3A_35 : f32 to vector<3125x128xf32>
    %mul3A_37 = arith.mulf %add3A_31, %mul3A_36 : vector<3125x128xf32>
    %select_n3A_38 = arith.select %ge3A_34, %add3A_31, %mul3A_37 : vector<3125x128xi1>, vector<3125x128xf32>
    %swap3A = arith.constant 0 : index
    %swap3A_39 = arith.constant 0 : index
    %swap3A_40 = vector.load %arg5[%swap3A, %swap3A_39] : memref<3125x128xf32, #tpu.memory_space<vmem>>, vector<3125x128xf32>
    tpu.vector_store %arg5[%swap3A, %swap3A_39], %select_n3A_38 {strides = array<i32>} : memref<3125x128xf32, #tpu.memory_space<vmem>>, vector<3125x128xf32>,
    return
  }
}

module attributes {stable_mosaic.version = 14 : i64} {
  func.func @body(%arg0: memref<2x3125x128xf32, #tpu.memory_space<vmem>>, %arg1: memref<128x128xf32, #tpu.memory_space<vmem>>, %arg2: memref<1x128xf32, #tpu.memory_space<vmem>>, %arg3: memref<128x128xf32, #tpu.memory_space<vmem>>, %arg4: memref<1x128xf32, #tpu.memory_space<vmem>>, %arg5: memref<128x16xf32, #tpu.memory_space<vmem>>, %arg6: memref<1x1xf32, #tpu.memory_space<vmem>>, %arg7: memref<2x2x3125x16xf32, #tpu.memory_space<vmem>>, %arg8: memref<1x2xf32, #tpu.memory_space<vmem>>, %arg9: memref<2x2xf32, #tpu.memory_space<vmem>>) attributes {dimension_semantics = [], scalar_prefetch = 0 : i64, scratch_operands = 0 : i64, tpu.core_type = #tpu.core_type<tc>} {
    %get3A = arith.constant 0 : index
    %get3A_0 = arith.constant 0 : index
    %get3A_1 = arith.constant 0 : index
    %get3A_2 = vector.load %arg0[%get3A, %get3A_0, %get3A_1] : memref<2x3125x128xf32, #tpu.memory_space<vmem>>, vector<1x3125x128xf32>
    %get3A_3 = vector.shape_cast %get3A_2 : vector<1x3125x128xf32> to vector<3125x128xf32>
    %get3A_4 = arith.constant 1 : index
    %get3A_5 = arith.constant 0 : index
    %get3A_6 = arith.constant 0 : index
    %get3A_7 = vector.load %arg0[%get3A_4, %get3A_5, %get3A_6] : memref<2x3125x128xf32, #tpu.memory_space<vmem>>, vector<1x3125x128xf32>
    %get3A_8 = vector.shape_cast %get3A_7 : vector<1x3125x128xf32> to vector<3125x128xf32>
    %add3A = arith.addf %get3A_3, %get3A_8 : vector<3125x128xf32>
    %get3A_9 = arith.constant 0 : index
    %get3A_10 = arith.constant 0 : index
    %get3A_11 = vector.load %arg1[%get3A_9, %get3A_10] : memref<128x128xf32, #tpu.memory_space<vmem>>, vector<128x128xf32>
    %dot_general3A = arith.constant dense<0.000000e+00> : vector<3125x128xf32>
    %dot_general3A_12 = tpu.matmul %add3A, %get3A_11, %dot_general3A {dimension_numbers = #tpu.dot_dimension_numbers<[1], [0], [0], [1], [0, 0, 1, 1], [], []>, transpose_lhs_hint = false} : vector<3125x128xf32>, vector<128x128xf32>, vector<3125x128xf32> -> vector<3125x128xf32>
    %get3A_13 = arith.constant 0 : index
    %get3A_14 = arith.constant 0 : index
    %get3A_15 = vector.load %arg2[%get3A_13, %get3A_14] : memref<1x128xf32, #tpu.memory_space<vmem>>, vector<1x128xf32>
    %add3A_16 = vector.broadcast %get3A_15 : vector<1x128xf32> to vector<3125x128xf32>
    %add3A_17 = arith.addf %dot_general3A_12, %add3A_16 : vector<3125x128xf32>
    %ge3A = arith.constant 0.000000e+00 : f32
    %ge3A_18 = vector.broadcast %ge3A : f32 to vector<3125x128xf32>
    %ge3A_19 = arith.cmpf oge, %add3A_17, %ge3A_18 : vector<3125x128xf32>
    %mul3A = arith.constant 0.00999999977 : f32
    %mul3A_20 = vector.broadcast %mul3A : f32 to vector<3125x128xf32>
    %mul3A_21 = arith.mulf %add3A_17, %mul3A_20 : vector<3125x128xf32>
    %select_n3A = arith.select %ge3A_19, %add3A_17, %mul3A_21 : vector<3125x128xi1>, vector<3125x128xf32>
    %get3A_22 = arith.constant 0 : index
    %get3A_23 = arith.constant 0 : index
    %get3A_24 = vector.load %arg3[%get3A_22, %get3A_23] : memref<128x128xf32, #tpu.memory_space<vmem>>, vector<128x128xf32>
    %dot_general3A_25 = arith.constant dense<0.000000e+00> : vector<3125x128xf32>
    %dot_general3A_26 = tpu.matmul %select_n3A, %get3A_24, %dot_general3A_25 {dimension_numbers = #tpu.dot_dimension_numbers<[1], [0], [0], [1], [0, 0, 1, 1], [], []>, transpose_lhs_hint = false} : vector<3125x128xf32>, vector<128x128xf32>, vector<3125x128xf32> -> vector<3125x128xf32>
    %get3A_27 = arith.constant 0 : index
    %get3A_28 = arith.constant 0 : index
    %get3A_29 = vector.load %arg4[%get3A_27, %get3A_28] : memref<1x128xf32, #tpu.memory_space<vmem>>, vector<1x128xf32>
    %add3A_30 = vector.broadcast %get3A_29 : vector<1x128xf32> to vector<3125x128xf32>
    %add3A_31 = arith.addf %dot_general3A_26, %add3A_30 : vector<3125x128xf32>
    %ge3A_32 = arith.constant 0.000000e+00 : f32
    %ge3A_33 = vector.broadcast %ge3A_32 : f32 to vector<3125x128xf32>
    %ge3A_34 = arith.cmpf oge, %add3A_31, %ge3A_33 : vector<3125x128xf32>
    %mul3A_35 = arith.constant 0.00999999977 : f32
    %mul3A_36 = vector.broadcast %mul3A_35 : f32 to vector<3125x128xf32>
    %mul3A_37 = arith.mulf %add3A_31, %mul3A_36 : vector<3125x128xf32>
    %select_n3A_38 = arith.select %ge3A_34, %add3A_31, %mul3A_37 : vector<3125x128xi1>, vector<3125x128xf32>
    %get3A_39 = arith.constant 0 : index
    %get3A_40 = arith.constant 0 : index
    %get3A_41 = vector.load %arg5[%get3A_39, %get3A_40] : memref<128x16xf32, #tpu.memory_space<vmem>>, vector<128x16xf32>
    %dot_general3A_42 = arith.constant dense<0.000000e+00> : vector<3125x16xf32>
    %dot_general3A_43 = tpu.matmul %select_n3A_38, %get3A_41, %dot_general3A_42 {dimension_numbers = #tpu.dot_dimension_numbers<[1], [0], [0], [1], [0, 0, 1, 1], [], []>, transpose_lhs_hint = false} : vector<3125x128xf32>, vector<128x16xf32>, vector<3125x16xf32> -> vector<3125x16xf32>
    %get3A_44 = arith.constant 0 : index
    %get3A_45 = arith.constant 0 : index
    %get3A_46 = vector.load %arg6[%get3A_44, %get3A_45] : memref<1x1xf32, #tpu.memory_space<vmem>>, vector<1x1xf32>
    %add3A_47 = vector.broadcast %get3A_46 : vector<1x1xf32> to vector<3125x16xf32>
    %add3A_48 = arith.addf %dot_general3A_43, %add3A_47 : vector<3125x16xf32>
    %ge3A_49 = arith.constant 0.000000e+00 : f32
    %ge3A_50 = vector.broadcast %ge3A_49 : f32 to vector<3125x16xf32>
    %ge3A_51 = arith.cmpf oge, %add3A_48, %ge3A_50 : vector<3125x16xf32>
    %mul3A_52 = arith.constant 0.00999999977 : f32
    %mul3A_53 = vector.broadcast %mul3A_52 : f32 to vector<3125x16xf32>
    %mul3A_54 = arith.mulf %add3A_48, %mul3A_53 : vector<3125x16xf32>
    %select_n3A_55 = arith.select %ge3A_51, %add3A_48, %mul3A_54 : vector<3125x16xi1>, vector<3125x16xf32>
    %convert_element_type3A = arith.truncf %select_n3A_55 : vector<3125x16xf32> to vector<3125x16xbf16>
    %convert_element_type3A_56 = arith.extf %convert_element_type3A : vector<3125x16xbf16> to vector<3125x16xf32>
    %broadcast_in_dim3A = vector.shape_cast %convert_element_type3A_56 : vector<3125x16xf32> to vector<1x1x3125x16xf32>
    %get3A_57 = arith.constant 0 : index
    %get3A_58 = arith.constant 0 : index
    %get3A_59 = arith.constant 0 : index
    %get3A_60 = arith.constant 0 : index
    %get3A_61 = vector.load %arg7[%get3A_57, %get3A_58, %get3A_59, %get3A_60] : memref<2x2x3125x16xf32, #tpu.memory_space<vmem>>, vector<2x2x3125x16xf32>
    %mul3A_62 = vector.broadcast %broadcast_in_dim3A : vector<1x1x3125x16xf32> to vector<2x2x3125x16xf32>
    %mul3A_63 = arith.mulf %mul3A_62, %get3A_61 : vector<2x2x3125x16xf32>
    %reduce_sum3A = arith.constant dense<0.000000e+00> : vector<2x2x3125xf32>
    %reduce_sum3A_64 = vector.multi_reduction <add>, %mul3A_63, %reduce_sum3A [3] : vector<2x2x3125x16xf32> to vector<2x2x3125xf32>
    %reduce_sum3A_65 = arith.constant dense<0.000000e+00> : vector<2x2xf32>
    %reduce_sum3A_66 = vector.multi_reduction <add>, %reduce_sum3A_64, %reduce_sum3A_65 [2] : vector<2x2x3125xf32> to vector<2x2xf32>
    %get3A_67 = arith.constant 0 : index
    %get3A_68 = arith.constant 0 : index
    %get3A_69 = vector.load %arg8[%get3A_67, %get3A_68] : memref<1x2xf32, #tpu.memory_space<vmem>>, vector<1x2xf32>
    %add3A_70 = vector.broadcast %get3A_69 : vector<1x2xf32> to vector<2x2xf32>
    %add3A_71 = arith.addf %reduce_sum3A_66, %add3A_70 : vector<2x2xf32>
    %reduce_max3A = arith.constant dense<0xFF800000> : vector<2xf32>
    %reduce_max3A_72 = vector.multi_reduction <maximumf>, %add3A_71, %reduce_max3A [1] : vector<2x2xf32> to vector<2xf32>
    %broadcast_in_dim3A_73 = vector.shape_cast %reduce_max3A_72 : vector<2xf32> to vector<2x1xf32>
    %sub3A = vector.broadcast %broadcast_in_dim3A_73 : vector<2x1xf32> to vector<2x2xf32>
    %sub3A_74 = arith.subf %add3A_71, %sub3A : vector<2x2xf32>
    %exp3A = math.exp %sub3A_74 : vector<2x2xf32>
    %reduce_sum3A_75 = arith.constant dense<0.000000e+00> : vector<2xf32>
    %reduce_sum3A_76 = vector.multi_reduction <add>, %exp3A, %reduce_sum3A_75 [1] : vector<2x2xf32> to vector<2xf32>
    %broadcast_in_dim3A_77 = vector.shape_cast %reduce_sum3A_76 : vector<2xf32> to vector<2x1xf32>
    %log3A = math.log %broadcast_in_dim3A_77 : vector<2x1xf32>
    %sub3A_78 = vector.broadcast %log3A : vector<2x1xf32> to vector<2x2xf32>
    %sub3A_79 = arith.subf %sub3A_74, %sub3A_78 : vector<2x2xf32>
    %swap3A = arith.constant 0 : index
    %swap3A_80 = arith.constant 0 : index
    %swap3A_81 = vector.load %arg9[%swap3A, %swap3A_80] : memref<2x2xf32, #tpu.memory_space<vmem>>, vector<2x2xf32>
    tpu.vector_store %arg9[%swap3A, %swap3A_80], %sub3A_79 {strides = array<i32>} : memref<2x2xf32, #tpu.memory_space<vmem>>, vector<2x2xf32>,
    return
  }
}

</mosaic_0001>

<sc_bundles>
// kernel: kernel.11.cloned.1.call-start
scs
__scs_entry_jumppad:
0x0: {  	(pc) =	sbr.rel $0x88, $3  }
0x1: {  	(tag) =	ssettag $0x0;
	lr =	simm.s32 $0x1  }
0x2: {  	[smem:$0x3F8B] =	sst lr;
	_ =	strace $0xD0000000  }
0x3: {  	_ = 	snop  }
0x4: {  	_ = 	snop  }
0x5: {  	_ = 	snop  }
0x6: {  	_ = 	snop  }
0x7: {  	_ = 	snop  }
__scs_overlays_trampoline_lowered:
0x8: {  	[smem:$0x3F9A] =	sst s0  }
0x9: {  	[smem:$0x3F9B] =	sst s1  }
0xa: {  	[smem:$0x3F9C] =	sst s2  }
0xb: {  	[smem:$0x3F9D] =	sst s3  }
0xc: {  	[smem:$0x3F9E] =	sst s4  }
0xd: {  	[smem:$0x3F9F] =	sst s5  }
0xe: {  	[smem:$0x3FA0] =	sst s6  }
0xf: {  	[smem:$0x3FA1] =	sst s7  }
0x10: {  	[smem:$0x3FA2] =	sst s8  }
0x11: {  	[smem:$0x3FA3] =	sst s9;
	s0 =	simm.s32 @!p0 $0x0  }
0x12: {  	s1 =	sld [smem:$0x3F89];
	s0 =	simm.s32 @p0 $0x1  }
0x13: {  	[smem:$0x3FA4] =	sst s0;
	s0 =	simm.s32 @!p1 $0x0  }
0x14: {  	s2 =	sld [smem:$0x3F88];
	s0 =	simm.s32 @p1 $0x1  }
0x15: {  	[smem:$0x3FA5] =	sst s0;
	s0 =	simm.s32 @!p2 $0x0  }
0x16: {  	s3 =	sld [smem:$0x3FDB];
	s0 =	simm.s32 @p2 $0x1  }
0x17: {  	s4 =	simm.s32 $0x1BF5;
	[smem:$0x3FA7] =	sst s0  }
0x18: {  	s0 =	sld [smem:$0x3F8A];
	_ =	swait.ge [sflag:s4], $0x0  }
0x19: {  	s7 =	sld [smem:$0x3F8B]  }
0x1a: {  	s8 =	sadd.s32 $0xFFFFE003, lr  }
0x1b: {  	s9 =	sadd.s32 $0xFFFFFEF7, lr;
	s5 =	simm.s32 $0xFFFFFFFF;
	p2 =	slt.u32 s8, $0xFFFFF086  }
0x1c: {  	p1 =	slt.u32 s9, $0xF7A;
	s5 =	simm.s32 @!p2 $0x0  }
0x1d: {  	s5 =	simm.s32 @p1 $0x1;
	p0 =	seq.s32 s7, s2  }
0x1e: {  	s7 =	smul.u32 @!p0 $0xF7A, s2;
	p2 =	seq.s32 @!p0 s5, $0x0  }
0x1f: {  	s9 =	smul.u32 $0xF7A, s1;
	s8 =	simm.s32 @!p0 $0x1BF5;
	p2 =	por !p2, p0  }
0x20: {  	[sflag:s8] =	ssyncset.s32 @!p0 $0xFFFFF086;
	s6 =	sadd.s32 @!p0 s3, s7;
	s7 =	simm.s32 @!p0 $0x108  }
0x21: {  	s3 =	sadd.s32 s3, s9;
	s6 =	sadd.s32 @!p0 $0x88, s6;
	s7 =	simm.s32 @p2 $0x1082  }
0x22: {  	[simem:s7], [sflag:s8] =	dma.local @!p0 [hbm:s6], $0xF7A  }
0x23: {  	s9 =	sor.u32 $0xD0000000, s2;
	s6 =	simm.s32 $0x108;
	_ =	swait.ge @!p0 [sflag:s8], $0x0  }
0x24: {  	s3 =	sadd.s32 $0x88, s3;
	s6 =	simm.s32 @!p1 $0x1082;
	[sflag:s4] =	ssyncset.s32 $0xFFFFF086  }
0x25: {  	[simem:s6], [sflag:s4] =	dma.local [hbm:s3], $0xF7A  }
0x26: {  	[smem:$0x3F8B] =	sst s1;
	(tag) =	ssettag s2;
	_ =	strace s9  }
0x27: {  	s1 =	sld [smem:$0x3F9B]  }
0x28: {  	s2 =	sld [smem:$0x3F9C]  }
0x29: {  	s4 =	sld [smem:$0x3F9E]  }
0x2a: {  	p0 =	seq.s32 s5, $0x0;
	s5 =	sld [smem:$0x3F9F]  }
0x2b: {  	s6 =	sld [smem:$0x3FA0]  }
0x2c: {  	s7 =	sld [smem:$0x3FA1]  }
0x2d: {  	s3 =	simm.s32 $0x108;
	s8 =	sld [smem:$0x3FA2]  }
0x2e: {  	s3 =	simm.s32 @!p0 $0x1082;
	s9 =	sld [smem:$0x3FA3]  }
0x2f: {  	lr =	sadd.s32 s0, s3;
	s0 =	sld [smem:$0x3F9A]  }
0x30: {  	s3 =	sld [smem:$0x3F9D]  }
0x31: {  	[smem:$0x3FA6] =	sst s10  }
0x32: {  	s10 =	sld [smem:$0x3FA4];
	_ =	sdelay $0x3  }
0x33: {  	p0 =	seq.s32 s10, $0x1;
	s10 =	sld [smem:$0x3FA6];
	_ =	sdelay $0x3  }
0x34: {  	[smem:$0x3FA6] =	sst s10  }
0x35: {  	s10 =	sld [smem:$0x3FA5];
	_ =	sdelay $0x3  }
0x36: {  	p1 =	seq.s32 s10, $0x1;
	s10 =	sld [smem:$0x3FA6];
	_ =	sdelay $0x3  }
0x37: {  	[smem:$0x3FA6] =	sst s10  }
0x38: {  	s10 =	sld [smem:$0x3FA7]  }
0x39: {  	_ = 	snop;
	(pc) =	sbr.ind lr, $3  }
0x3a: {  	_ = 	snop  }
0x3b: {  	_ = 	snop  }
0x3c: {  	p2 =	seq.s32 s10, $0x1;
	s10 =	sld [smem:$0x3FA6]  }
0x3d: {  	_ =	shalt  }
0x3e: {  	_ =	shalt  }
0x3f: {  	_ =	shalt  }
0x40: {  	_ =	shalt  }
0x41: {  	_ =	shalt  }
0x42: {  	_ =	shalt  }
0x43: {  	_ =	shalt  }
0x44: {  	_ =	shalt  }
0x45: {  	_ =	shalt  }
0x46: {  	_ =	shalt  }
0x47: {  	_ =	shalt  }
0x48: {  	_ =	shalt  }
0x49: {  	_ =	shalt  }
0x4a: {  	_ =	shalt  }
0x4b: {  	_ =	shalt  }
0x4c: {  	_ =	shalt  }
0x4d: {  	_ =	shalt  }
0x4e: {  	_ =	shalt  }
0x4f: {  	_ =	shalt  }
0x50: {  	_ =	shalt  }
0x51: {  	_ =	shalt  }
0x52: {  	_ =	shalt  }
0x53: {  	_ =	shalt  }
0x54: {  	_ =	shalt  }
0x55: {  	_ =	shalt  }
0x56: {  	_ =	shalt  }
0x57: {  	_ =	shalt  }
0x58: {  	_ =	shalt  }
0x59: {  	_ =	shalt  }
0x5a: {  	_ =	shalt  }
0x5b: {  	_ =	shalt  }
0x5c: {  	_ =	shalt  }
0x5d: {  	_ =	shalt  }
0x5e: {  	_ =	shalt  }
0x5f: {  	_ =	shalt  }
0x60: {  	_ =	shalt  }
0x61: {  	_ =	shalt  }
0x62: {  	_ =	shalt  }
0x63: {  	_ =	shalt  }
0x64: {  	_ =	shalt  }
0x65: {  	_ =	shalt  }
0x66: {  	_ =	shalt  }
0x67: {  	_ =	shalt  }
0x68: {  	_ =	shalt  }
0x69: {  	_ =	shalt  }
0x6a: {  	_ =	shalt  }
0x6b: {  	_ =	shalt  }
0x6c: {  	_ =	shalt  }
0x6d: {  	_ =	shalt  }
0x6e: {  	_ =	shalt  }
0x6f: {  	_ =	shalt  }
0x70: {  	_ =	shalt  }
0x71: {  	_ =	shalt  }
0x72: {  	_ =	shalt  }
0x73: {  	_ =	shalt  }
0x74: {  	_ =	shalt  }
0x75: {  	_ =	shalt  }
0x76: {  	_ =	shalt  }
0x77: {  	_ =	shalt  }
0x78: {  	_ =	shalt  }
0x79: {  	_ =	shalt  }
0x7a: {  	_ =	shalt  }
0x7b: {  	_ =	shalt  }
0x7c: {  	_ =	shalt  }
0x7d: {  	_ =	shalt  }
0x7e: {  	_ =	shalt  }
0x7f: {  	_ =	shalt  }
0x80: {  	_ =	shalt  }
0x81: {  	_ =	shalt  }
0x82: {  	_ =	shalt  }
0x83: {  	_ =	shalt  }
0x84: {  	_ =	shalt  }
0x85: {  	_ =	shalt  }
0x86: {  	_ =	shalt  }
0x87: {  	_ =	shalt  }
.Lfunc_end0:
.L_simem_size_0:
called_computation_lowered:
.L_overlay_start_0:
0x88: {  	s2 =	sld [smem:$0x3FD9]  }
0x89: {  	s3 =	sld [smem:$0x3FFE];
	_ =	sdelay $0x1  }
0x8a: {  	s1 =	srdreg.scid  }
0x8b: {  	s0 =	sand.u32 $0x1, s1  }
0x8c: {  	s16 =	sshll.u32 s0, $0xA;
	s2 =	sadd.s32 s3, s2  }
0x8d: {  	s2 =	sadd.s32 s2, s16  }
0x8e: {  	[smem:$0x3FB2] =	sst s2  }
0x8f: {  	_ = 	snop  }
0x90: {  	(tm) =	ssettm $0x1  }
0x91: {  	s17 =	sld [smem:$0x3FFB];
	_ =	sdelay $0x3  }
0x92: {  	_ =	strace s17  }
0x93: {  	s2 =	sld [smem:$0x3FFC];
	_ =	sdelay $0x3  }
0x94: {  	_ =	strace s2  }
0x95: {  	s2 =	sld [smem:$0x3FFD];
	_ =	sdelay $0x3  }
0x96: {  	_ =	strace s2  }
0x97: {  	_ =	strace $0x8FFFFFFF  }
0x98: {  	s18 =	sld [smem:$0x3FDB];
	_ =	sdelay $0x1  }
0x99: {  	s19 =	simm.s32 $_scs_section_size  }
0x9a: {  	s4 =	simm.s32 $_size__tile_overlayer_lowered;
	s5 =	simm.s32 $_tile_overlayer_lowered  }
0x9b: {  	s22 =	simm.s32 $0x1BFF;
	s21 =	sshll.u32 s5, $0x1;
	s2 =	sadd.s32 s19, s18  }
0x9c: {  	s6 =	simm.s32 $0x0;
	s20 =	sshll.u32 s4, $0x1;
	s4 =	sadd.s32 s21, s2  }
0x9d: {  	[timem:s6], [sflag:s22] =	dma.local [hbm:s4], s20  }
0x9e: {  	_ =	swait.ge [sflag:s22], s20  }
0x9f: {  	s3 =	ssub.s32 $0x0, s20;
	[sflag:s22] =	ssyncset.done $0x0  }
0xa0: {  	[sflag:s22] =	ssyncadd.s32 s3;
	_ =	sdelay $0x1  }
0xa1: {  	s23 =	simm.s32 $0x1B8B  }
0xa2: {  	_ =	swait.ge [sflag:s23], $0x1  }
0xa3: {  	[sflag:s23] =	ssyncset.done $0x0  }
0xa4: {  	s25 =	simm.s32 $0x1B8E;
	s24 =	sld [smem:$0x3FFE];
	[sflag:s23] =	ssyncadd.s32 $0xFFFFFFFF  }
0xa5: {  	s26 =	simm.s32 $execute0_lowered;
	[smem:$0x3FD2] =	sst s25  }
0xa6: {  	s4 =	sshll.u32 s26, $0x1;
	_ =	strace $0x80000046;
	[dreg:$0x1] =	wrdreg $0xFFFFFFFF  }
0xa7: {  	s28 =	simm.s32 $_size_execute0_lowered;
	s2 =	sadd.s32 s2, s4;
	[dreg:$0x0] =	wrdreg $0x0  }
0xa8: {  	s4 =	sshll.u32 s28, $0x1;
	[dreg:$0x2] =	wrdreg s2  }
0xa9: {  	[dreg:$0x3] =	wrdreg s4  }
0xaa: {  	[dreg:$0x4] =	wrdreg $0xC0  }
0xab: {  	_ =	task [dreg:s6], $0x5FFFF  }
0xac: {  	[dreg:$0x1] =	wrdreg $0xFFFFFFFF  }
0xad: {  	[dreg:$0x0] =	wrdreg $0x60  }
0xae: {  	[dreg:$0x2] =	wrdreg s24  }
0xaf: {  	[dreg:$0x3] =	wrdreg $0xE0000  }
0xb0: {  	[dreg:$0x4] =	wrdreg $0x9  }
0xb1: {  	_ =	task.clear_ibuf [dreg:s6], $0x5FFFF;
	_ =	strace $0x90000046  }
0xb2: {  	s29 =	simm.s32 $0x9;
	_ =	strace $0x80000048  }
0xb3: {  	_ =	swait.ge [sflag:s29], $0x1  }
0xb4: {  	[sflag:s29] =	ssyncadd.s32 $0xFFFFFFFF  }
0xb5: {  	_ =	strace $0x90000048  }
0xb6: {  	_ =	sfence  }
0xb7: {  	s30 =	sld [smem:$0x0];
	_ =	sdelay $0x2  }
0xb8: {  	s31 =	sshll.u32 s1, $0xD;
	s1 =	sshrl.u32 s1, $0x2  }
0xb9: {  	s3 =	sand.u32 $0x4000, s31;
	s1 =	sadd.s32 s1, s30  }
0xba: {  	s0 =	sor.u32 s3, s0;
	s1 =	sshll.u32 s1, $0x11  }
0xbb: {  	s0 =	sor.u32 s1, s0  }
0xbc: {  	s0 =	sadd.s32 $0x8F2B, s0  }
0xbd: {  	[sflag:s0] =	ssyncadd.remote.s32 $0x1  }
0xbe: {  	_ =	sfence.sel $0xFFFF  }
0xbf: {  	[dreg:$0x0] =	wrdreg $0xFFFFFFFF;
	(pc) =	sbr.abs _section_cstart, $3  }
0xc0: {  	[dreg:$0x1] =	wrdreg $0xFFFFFFFF  }
0xc1: {  	_ =	task.clear_ibuf [dreg:s6], $0x2FFFF;
	_ =	strace $0x9FFFFFFF  }
0xc2: {  	(tm) =	ssettm $0x7FFFFFFF  }
0xc3: {  	_ =	shalt  }
tec
execute0_lowered:
.L_overlay_start_1:
0x0: {  	(tag) =	ssettag $0x1  }
0x1: {  	s0 =	srdreg.scid;
	s1 =	rddreg [dreg:$0x0]  }
0x2: {  	s11 =	stileid.u32;
	s2 =	rddreg [dreg:$0x1]  }
0x3: {  	s4 =	simm.s32 $0x0;
	s30 =	simm.s32 $0xCC00;
	s28 =	simm.s32 $0xD400  }
0x4: {  	s16 =	simm.s32 $0x3;
	s29 =	simm.s32 $0x5;
	s31 =	simm.s32 $0x7  }
0x5: {  	s12 =	simm.s32 $0xE;
	s13 =	simm.s32 $0x0;
	s0 =	sand.u32 $0x1, s0  }
0x6: {  	s3 =	sshll.u32 s11, $0x1;
	[smem:$0x7FF] =	sst s4;
	s5 =	smul.u32 $0x61C0, s11  }
0x7: {  	s4 =	sadd.s32 $0x4200, s1;
	s10 =	sadd.s32 $0x4DA00, s1;
	s23 =	sadd.s32 $0x4CD48, s1  }
0x8: {  	p0 =	seq.s32 s11, $0xF;
	s3 =	sor.u32 s0, s3;
	_ =	strace $0x80000047  }
0x9: {  	s6 =	ssub.s32 $0x2, s0;
	s22 =	smul.u32 $0x61A80, s0;
	[dreg:$0x9] =	wrdreg s23  }
0xa: {  	p2 =	sne.s32 @p0 s0, $0x0;
	s3 =	smul.u32 $0xC40, s3;
	s7 =	sshrl.u32 s5, $0x3  }
0xb: {  	s8 =	sshrl.u32 s6, $0x1;
	s9 =	sadd.s32 s7, s1;
	s7 =	sadd.s32 s4, s7  }
0xc: {  	s6 =	ssub.s32 s6, s8;
	s8 =	sadd.s32 s5, s2;
	[dreg:$0x7] =	wrdreg s7  }
0xd: {  	p4 =	sne.s32 @!p0 s0, $0x0;
	s9 =	sadd.s32 $0x41600, s9;
	[dreg:$0x5] =	wrdreg s8  }
0xe: {  	s3 =	sadd.s32 s3, s1;
	s1 =	sadd.s32 $0xF948, s1;
	[dreg:$0x6] =	wrdreg s9  }
0xf: {  	p1 =	por !p2, !p0;
	s26 =	smax.u32 s6, $0x1;
	[dreg:$0xa] =	wrdreg s1  }
0x10: {  	p2 =	por p2, !p0;
	s7 =	sadd.s32 $0x5BA40, s2;
	[dreg:$0xd] =	wrdreg s26  }
0x11: {  	p3 =	por !p4, p0;
	s21 =	sadd.s32 $0x10600, s3;
	[dreg:$0x8] =	wrdreg s7  }
0x12: {  	p4 =	por p4, p0;
	s3 =	sadd.s32 $0x28E00, s3;
	[dreg:$0x3] =	wrdreg s21  }
0x13: {  	s5 =	sadd.s32 s5, s22;
	s0 =	sshrl.u32 @!p1 s7, $0x3;
	[dreg:$0x4] =	wrdreg s3  }
0x14: {  	s24 =	sshrl.u32 s5, $0x3;
	[dreg:$0xe] =	wrdreg s0;
	s0 =	sshrl.u32 @!p2 s7, $0x3  }
0x15: {  	s1 =	sadd.s32 s10, s24;
	[dreg:$0xf] =	wrdreg s0;
	s0 =	sshll.u32 @!p3 s11, $0x6  }
0x16: {  	s3 =	sshrl.u32 s22, $0x3;
	[dreg:$0xb] =	wrdreg s1;
	s0 =	sor.u32 @!p3 $0x1C0F, s0  }
0x17: {  	s25 =	sadd.s32 s10, s3;
	[dreg:$0x10] =	wrdreg s0;
	s0 =	sshrl.u32 @!p3 s8, $0x3  }
0x18: {  	s1 =	sadd.s32 $0xB748, s25;
	[dreg:$0x11] =	wrdreg s0;
	s0 =	sshll.u32 @!p4 s11, $0x6  }
0x19: {  	s23 =	simm.s32 $0x1;
	[dreg:$0xc] =	wrdreg s1;
	s0 =	sor.u32 @!p4 $0x1C0F, s0  }
0x1a: {  	s26 =	simm.s32 $0xC400;
	[dreg:$0x12] =	wrdreg s0;
	s0 =	sshrl.u32 @!p4 s8, $0x3  }
0x1b: {  	s25 =	simm.s32 $0x80;
	s1 =	simm.s32 $0xDC00;
	[dreg:$0x13] =	wrdreg s0  }
.LBB2_1:
0x1c: {  	s3 =	rddreg [dreg:$0x3]  }
0x1d: {  	s0 =	simm.s32 $0x0;
	s9 =	rddreg [dreg:$0x4]  }
0x1e: {  	[tilespmem:s0], [sflag:$0x1] =	stream.linear.gather [hbm4b:s3+s0], $0x6200, $0x38;
	[tilespmem:$0x145A8] =	vst v63  }
0x1f: {  	s5 =	simm.s32 $0x6200;
	s6 =	rddreg [dreg:$0xe]  }
0x20: {  	[tilespmem:s5], [sflag:$0x2] =	stream.linear.gather [hbm4b:s9+s0], $0x6200, $0x38;
	[tilespmem:$0x145A8] =	vst v63  }
0x21: {  	s3 =	simm.s32 @!p1 $0x1FCF;
	s5 =	rddreg [dreg:$0x9]  }
0x22: {  	[spmem:s6], [sflag:s3] =	dma.local @!p1 [hbm:s5], $0xC08  }
0x23: {  	s3 =	simm.s32 @!p1 $0xF  }
0x24: {  	_ =	swait.ge @!p1 [sflag:s3], $0xC08  }
0x25: {  	[sflag:s3] =	ssyncset.done @!p1 $0x0;
	s5 =	rddreg [dreg:$0xa]  }
0x26: {  	s6 =	rddreg [dreg:$0xf];
	[sflag:s3] =	ssyncadd.s32 @!p1 $0xFFFFF3F8;
	s3 =	simm.s32 @!p2 $0x1FCF  }
0x27: {  	[spmem:s6], [sflag:s3] =	dma.local @!p2 [hbm:s5], $0xC08  }
0x28: {  	s3 =	simm.s32 @!p2 $0xF  }
0x29: {  	_ =	swait.ge @!p2 [sflag:s3], $0xC08  }
0x2a: {  	s5 =	rddreg [dreg:$0x10]  }
0x2b: {  	[sflag:s3] =	ssyncset.done @!p2 $0x0;
	s6 =	rddreg [dreg:$0x11]  }
0x2c: {  	[sflag:s3] =	ssyncadd.s32 @!p2 $0xFFFFF3F8;
	s3 =	rddreg [dreg:$0x6]  }
0x2d: {  	[spmem:s6], [sflag:s5] =	dma.local @!p3 [hbm:s3], $0xC38  }
0x2e: {  	s3 =	simm.s32 @!p3 $0xF  }
0x2f: {  	_ =	swait.ge @!p3 [sflag:s3], $0xC38  }
0x30: {  	s5 =	rddreg [dreg:$0x12]  }
0x31: {  	[sflag:s3] =	ssyncset.done @!p3 $0x0;
	s6 =	rddreg [dreg:$0x13]  }
0x32: {  	[sflag:s3] =	ssyncadd.s32 @!p3 $0xFFFFF3C8;
	s3 =	rddreg [dreg:$0x7]  }
0x33: {  	[spmem:s6], [sflag:s5] =	dma.local @!p4 [hbm:s3], $0xC38  }
0x34: {  	s3 =	simm.s32 @!p4 $0xF  }
0x35: {  	_ =	swait.ge @!p4 [sflag:s3], $0xC38  }
0x36: {  	[sflag:s3] =	ssyncset.done @!p4 $0x0  }
0x37: {  	[sflag:s3] =	ssyncadd.s32 @!p4 $0xFFFFF3C8  }
0x38: {  	_ =	swait.ge [sflag:s23], $0x6200  }
0x39: {  	[sflag:s23] =	ssyncset.done $0x0  }
0x3a: {  	s10 =	simm.s32 $0x2;
	[sflag:s23] =	ssyncadd.s32 $0xFFFF9E00  }
0x3b: {  	_ =	swait.ge [sflag:s10], $0x6200  }
0x3c: {  	[sflag:s10] =	ssyncset.done $0x0  }
0x3d: {  	[sflag:s10] =	ssyncadd.s32 $0xFFFF9E00  }
0x3e: {  	[bflag:$0x0] =	sbarrier.arrive $0xFFFF  }
0x3f: {  	[tilespmem:s26], [sflag:$0x1] =	stream.indirect.gather [hbm4b:s4+s25], $0x8, s0, s25, $0xb8;
	[tilespmem:$0x145A8] =	vst v63  }
0x40: {  	s11 =	simm.s32 $0xC800  }
0x41: {  	[tilespmem:s11], [sflag:$0x2] =	stream.indirect.gather [hbm4b:s4+s25], $0x8, s25, s25, $0xb8;
	[tilespmem:$0x145A8] =	vst v63  }
0x42: {  	s14 =	simm.s32 $0x100  }
0x43: {  	[tilespmem:s30], [sflag:$0x3] =	stream.indirect.gather [hbm4b:s4+s25], $0x8, s14, s25, $0xb8;
	[tilespmem:$0x145A8] =	vst v63  }
0x44: {  	s15 =	simm.s32 $0x180;
	s17 =	simm.s32 $0xD000  }
0x45: {  	[tilespmem:s17], [sflag:$0x4] =	stream.indirect.gather [hbm4b:s4+s25], $0x8, s15, s25, $0xb8;
	[tilespmem:$0x145A8] =	vst v63  }
0x46: {  	s18 =	simm.s32 $0x200;
	p5 =	por $0x1, $0x1  }
0x47: {  	[tilespmem:s28], [sflag:$0x5] =	stream.indirect.gather [hbm4b:s4+s25], $0x8, s18, s25, $0xb8;
	[tilespmem:$0x145A8] =	vst v63  }
0x48: {  	s19 =	simm.s32 $0x280;
	s20 =	simm.s32 $0xD800;
	s3 =	simm.s32 @!p5 $0xE  }
0x49: {  	[tilespmem:s20], [sflag:$0x6] =	stream.indirect.gather [hbm4b:s4+s25], $0x8, s19, s25, $0xb8;
	[tilespmem:$0x145A8] =	vst v63  }
0x4a: {  	_ =	swait.ge @!p5 [sflag:s3], $0x400  }
0x4b: {  	[sflag:s3] =	ssyncset.done @!p5 $0x0  }
0x4c: {  	s7 =	simm.s32 $0x300;
	[sflag:s3] =	ssyncadd.s32 @!p5 $0xFFFFFC00  }
0x4d: {  	[tilespmem:s1], [sflag:$0x7] =	stream.indirect.gather [hbm4b:s4+s25], $0x8, s7, s25, $0xb8;
	[tilespmem:$0x145A8] =	vst v63  }
0x4e: {  	_ =	swait.ge [sflag:s23], $0x400  }
0x4f: {  	p5 =	por $0x0, $0x0;
	[sflag:s23] =	ssyncset.done $0x0  }
0x50: {  	s21 =	simm.s32 $0x6200;
	s7 =	simm.s32 @p5 $0x2;
	[sflag:s23] =	ssyncadd.s32 $0xFFFFFC00  }
0x51: {  	[spmem:s2] =	stream.indirect.scatter.add.f32 [tilespmem:s26], [sflag:$0x8], $0x8, s21, s25, $0xb8;
	[tilespmem:$0x145A8] =	vst v63  }
0x52: {  	_ =	swait.ge @p5 [sflag:s7], $0x400  }
0x53: {  	s10 =	simm.s32 @p5 $0x6280;
	s3 =	simm.s32 @p5 $0x80;
	[sflag:s7] =	ssyncset.done @p5 $0x0  }
0x54: {  	s14 =	simm.s32 @p5 $0xC800;
	s15 =	simm.s32 @!p5 $0x8;
	[sflag:s7] =	ssyncadd.s32 @p5 $0xFFFFFC00  }
0x55: {  	[spmem:s2] =	stream.indirect.scatter.add.f32 @p5 [tilespmem:s14], [sflag:$0x9], $0x8, s10, s3, $0xb8;
	[tilespmem:$0x145A8] =	vst v63  }
0x56: {  	_ =	swait.ge @!p5 [sflag:s15], $0x400  }
0x57: {  	s7 =	simm.s32 @!p5 $0x80;
	[sflag:s15] =	ssyncset.done @!p5 $0x0  }
0x58: {  	s10 =	simm.s32 @!p5 $0x380;
	s14 =	simm.s32 @!p5 $0xC400;
	[sflag:s15] =	ssyncadd.s32 @!p5 $0xFFFFFC00  }
0x59: {  	[tilespmem:s14], [sflag:$0x1] =	stream.indirect.gather @!p5 [hbm4b:s4+s7], $0x8, s10, s7, $0xb8;
	[tilespmem:$0x145A8] =	vst v63  }
0x5a: {  	s10 =	simm.s32 @!p5 $0x2  }
0x5b: {  	_ =	swait.ge @!p5 [sflag:s10], $0x400  }
0x5c: {  	[sflag:s10] =	ssyncset.done @!p5 $0x0  }
0x5d: {  	s14 =	simm.s32 @!p5 $0x6280;
	[sflag:s10] =	ssyncadd.s32 @!p5 $0xFFFFFC00;
	s10 =	simm.s32 @!p5 $0xC800  }
0x5e: {  	[spmem:s2] =	stream.indirect.scatter.add.f32 @!p5 [tilespmem:s10], [sflag:$0x9], $0x8, s14, s7, $0xb8;
	[tilespmem:$0x145A8] =	vst v63  }
0x5f: {  	s14 =	simm.s32 @!p5 $0x9  }
0x60: {  	_ =	swait.ge @!p5 [sflag:s14], $0x400  }
0x61: {  	[sflag:s14] =	ssyncset.done @!p5 $0x0  }
0x62: {  	[sflag:s14] =	ssyncadd.s32 @!p5 $0xFFFFFC00;
	s14 =	simm.s32 @!p5 $0x400  }
0x63: {  	[tilespmem:s10], [sflag:$0x2] =	stream.indirect.gather @!p5 [hbm4b:s4+s7], $0x8, s14, s7, $0xb8;
	[tilespmem:$0x145A8] =	vst v63  }
0x64: {  	_ =	swait.ge [sflag:s16], $0x400  }
0x65: {  	[sflag:s16] =	ssyncset.done $0x0  }
0x66: {  	s22 =	simm.s32 $0x6300;
	s14 =	simm.s32 @p5 $0x4;
	[sflag:s16] =	ssyncadd.s32 $0xFFFFFC00  }
0x67: {  	[spmem:s2] =	stream.indirect.scatter.add.f32 [tilespmem:s30], [sflag:$0xA], $0x8, s22, s25, $0xb8;
	[tilespmem:$0x145A8] =	vst v63  }
0x68: {  	_ =	swait.ge @p5 [sflag:s14], $0x400  }
0x69: {  	[sflag:s14] =	ssyncset.done @p5 $0x0  }
0x6a: {  	s10 =	simm.s32 @p5 $0x6380;
	[sflag:s14] =	ssyncadd.s32 @p5 $0xFFFFFC00;
	s14 =	simm.s32 @p5 $0xD000  }
0x6b: {  	[spmem:s2] =	stream.indirect.scatter.add.f32 @p5 [tilespmem:s14], [sflag:$0xB], $0x8, s10, s3, $0xb8;
	[tilespmem:$0x145A8] =	vst v63  }
0x6c: {  	s10 =	simm.s32 @!p5 $0xA  }
0x6d: {  	_ =	swait.ge @!p5 [sflag:s10], $0x400  }
0x6e: {  	[sflag:s10] =	ssyncset.done @!p5 $0x0  }
0x6f: {  	s14 =	simm.s32 @!p5 $0x480;
	[sflag:s10] =	ssyncadd.s32 @!p5 $0xFFFFFC00;
	s10 =	simm.s32 @!p5 $0xCC00  }
0x70: {  	[tilespmem:s10], [sflag:$0x3] =	stream.indirect.gather @!p5 [hbm4b:s4+s7], $0x8, s14, s7, $0xb8;
	[tilespmem:$0x145A8] =	vst v63  }
0x71: {  	s10 =	simm.s32 @!p5 $0x4  }
0x72: {  	_ =	swait.ge @!p5 [sflag:s10], $0x400  }
0x73: {  	[sflag:s10] =	ssyncset.done @!p5 $0x0  }
0x74: {  	s14 =	simm.s32 @!p5 $0x6380;
	[sflag:s10] =	ssyncadd.s32 @!p5 $0xFFFFFC00;
	s10 =	simm.s32 @!p5 $0xD000  }
0x75: {  	[spmem:s2] =	stream.indirect.scatter.add.f32 @!p5 [tilespmem:s10], [sflag:$0xB], $0x8, s14, s7, $0xb8;
	[tilespmem:$0x145A8] =	vst v63  }
0x76: {  	s14 =	simm.s32 @!p5 $0xB  }
0x77: {  	_ =	swait.ge @!p5 [sflag:s14], $0x400  }
0x78: {  	[sflag:s14] =	ssyncset.done @!p5 $0x0  }
0x79: {  	[sflag:s14] =	ssyncadd.s32 @!p5 $0xFFFFFC00;
	s14 =	simm.s32 @!p5 $0x500  }
0x7a: {  	[tilespmem:s10], [sflag:$0x4] =	stream.indirect.gather @!p5 [hbm4b:s4+s7], $0x8, s14, s7, $0xb8;
	[tilespmem:$0x145A8] =	vst v63  }
0x7b: {  	_ =	swait.ge [sflag:s29], $0x400  }
0x7c: {  	[sflag:s29] =	ssyncset.done $0x0  }
0x7d: {  	s24 =	simm.s32 $0x6400;
	s14 =	simm.s32 @p5 $0x6;
	[sflag:s29] =	ssyncadd.s32 $0xFFFFFC00  }
0x7e: {  	[spmem:s2] =	stream.indirect.scatter.add.f32 [tilespmem:s28], [sflag:$0xC], $0x8, s24, s25, $0xb8;
	[tilespmem:$0x145A8] =	vst v63  }
0x7f: {  	_ =	swait.ge @p5 [sflag:s14], $0x400  }
0x80: {  	[sflag:s14] =	ssyncset.done @p5 $0x0  }
0x81: {  	s10 =	simm.s32 @p5 $0x6480;
	[sflag:s14] =	ssyncadd.s32 @p5 $0xFFFFFC00;
	s14 =	simm.s32 @p5 $0xD800  }
0x82: {  	[spmem:s2] =	stream.indirect.scatter.add.f32 @p5 [tilespmem:s14], [sflag:$0xD], $0x8, s10, s3, $0xb8;
	[tilespmem:$0x145A8] =	vst v63  }
0x83: {  	s3 =	simm.s32 @!p5 $0xC  }
0x84: {  	_ =	swait.ge @!p5 [sflag:s3], $0x400  }
0x85: {  	[sflag:s3] =	ssyncset.done @!p5 $0x0  }
0x86: {  	s10 =	simm.s32 @!p5 $0x580;
	[sflag:s3] =	ssyncadd.s32 @!p5 $0xFFFFFC00;
	s3 =	simm.s32 @!p5 $0xD400  }
0x87: {  	[tilespmem:s3], [sflag:$0x5] =	stream.indirect.gather @!p5 [hbm4b:s4+s7], $0x8, s10, s7, $0xb8;
	[tilespmem:$0x145A8] =	vst v63  }
0x88: {  	s3 =	simm.s32 @!p5 $0x6  }
0x89: {  	_ =	swait.ge @!p5 [sflag:s3], $0x400  }
0x8a: {  	[sflag:s3] =	ssyncset.done @!p5 $0x0  }
0x8b: {  	s10 =	simm.s32 @!p5 $0x6480;
	[sflag:s3] =	ssyncadd.s32 @!p5 $0xFFFFFC00;
	s3 =	simm.s32 @!p5 $0xD800  }
0x8c: {  	[spmem:s2] =	stream.indirect.scatter.add.f32 @!p5 [tilespmem:s3], [sflag:$0xD], $0x8, s10, s7, $0xb8;
	[tilespmem:$0x145A8] =	vst v63  }
0x8d: {  	s10 =	simm.s32 @!p5 $0xD  }
0x8e: {  	_ =	swait.ge @!p5 [sflag:s10], $0x400  }
0x8f: {  	p6 =	por $0x0, $0x0;
	[sflag:s10] =	ssyncset.done @!p5 $0x0  }
0x90: {  	s17 =	simm.s32 $0xE00;
	[sflag:s10] =	ssyncadd.s32 @!p5 $0xFFFFFC00;
	s10 =	simm.s32 @!p5 $0x600  }
0x91: {  	[tilespmem:s3], [sflag:$0x6] =	stream.indirect.gather @!p5 [hbm4b:s4+s7], $0x8, s10, s7, $0xb8;
	[tilespmem:$0x145A8] =	vst v63  }
0x92: {  	s15 =	simm.s32 $0x6500;
	s14 =	simm.s32 $0x1C00;
	_ =	swait.ge [sflag:s31], $0x400  }
.LBB2_2:
0x93: {  	s7 =	simm.s32 @!p6 $0xE  }
0x94: {  	[sflag:s31] =	ssyncset.done $0x0;
	s3 =	smov.u32 s14;
	s14 =	sadd.s32 $0xE00, s14  }
0x95: {  	p5 =	sne.s32 s14, $0x18800;
	[sflag:s31] =	ssyncadd.s32 $0xFFFFFC00  }
0x96: {  	[spmem:s2] =	stream.indirect.scatter.add.f32 [tilespmem:s1], [sflag:$0xE], $0x8, s15, s25, $0xb8;
	[tilespmem:$0x145A8] =	vst v63  }
0x97: {  	s19 =	sshra.s32 s17, $0x2;
	_ =	swait.ge @!p6 [sflag:s7], $0x400  }
0x98: {  	s10 =	sadd.s32 $0x300, s19;
	s15 =	sadd.s32 $0x6500, s19;
	[sflag:s7] =	ssyncset.done @!p6 $0x0  }
0x99: {  	[sflag:s7] =	ssyncadd.s32 @!p6 $0xFFFFFC00  }
0x9a: {  	[tilespmem:s1], [sflag:$0x7] =	stream.indirect.gather [hbm4b:s4+s25], $0x8, s10, s25, $0xb8;
	[tilespmem:$0x145A8] =	vst v63  }
0x9b: {  	_ =	swait.ge [sflag:s23], $0x400  }
0x9c: {  	s7 =	sadd.s32 $0x6200, s19;
	p6 =	seq.s32 s17, $0x17A00;
	[sflag:s23] =	ssyncset.done $0x0  }
0x9d: {  	s10 =	simm.s32 @p6 $0x2;
	s21 =	sshra.s32 @p6 s17, $0x2;
	[sflag:s23] =	ssyncadd.s32 $0xFFFFFC00  }
0x9e: {  	[spmem:s2] =	stream.indirect.scatter.add.f32 [tilespmem:s26], [sflag:$0x8], $0x8, s7, s25, $0xb8;
	[tilespmem:$0x145A8] =	vst v63  }
0x9f: {  	s17 =	sshra.s32 @!p6 s17, $0x2;
	s7 =	sadd.s32 @p6 $0x6280, s21;
	_ =	swait.ge @p6 [sflag:s10], $0x400  }
0xa0: {  	s20 =	simm.s32 @p6 $0x80;
	s18 =	simm.s32 @p6 $0xC800;
	[sflag:s10] =	ssyncset.done @p6 $0x0  }
0xa1: {  	s22 =	sadd.s32 @!p6 $0x380, s17;
	[sflag:s10] =	ssyncadd.s32 @p6 $0xFFFFFC00;
	s10 =	simm.s32 @!p6 $0x8  }
0xa2: {  	[spmem:s2] =	stream.indirect.scatter.add.f32 @p6 [tilespmem:s18], [sflag:$0x9], $0x8, s7, s20, $0xb8;
	[tilespmem:$0x145A8] =	vst v63  }
0xa3: {  	s0 =	sadd.s32 @!p6 $0x400, s17;
	s7 =	sadd.s32 @!p6 $0x6280, s17;
	_ =	swait.ge @!p6 [sflag:s10], $0x400  }
0xa4: {  	s24 =	simm.s32 @!p6 $0xC400;
	s18 =	simm.s32 @!p6 $0x80;
	[sflag:s10] =	ssyncset.done @!p6 $0x0  }
0xa5: {  	s5 =	sadd.s32 @p6 $0x6380, s21;
	[sflag:s10] =	ssyncadd.s32 @!p6 $0xFFFFFC00;
	s10 =	simm.s32 @!p6 $0x2  }
0xa6: {  	[tilespmem:s24], [sflag:$0x1] =	stream.indirect.gather @!p6 [hbm4b:s4+s18], $0x8, s22, s18, $0xb8;
	[tilespmem:$0x145A8] =	vst v63  }
0xa7: {  	s6 =	sadd.s32 @!p6 $0x480, s17;
	s8 =	sadd.s32 @!p6 $0x6380, s17;
	_ =	swait.ge @!p6 [sflag:s10], $0x400  }
0xa8: {  	s9 =	simm.s32 @!p6 $0xC800;
	s24 =	sadd.s32 @!p6 $0x500, s17;
	[sflag:s10] =	ssyncset.done @!p6 $0x0  }
0xa9: {  	s11 =	simm.s32 @!p6 $0x9;
	[sflag:s10] =	ssyncadd.s32 @!p6 $0xFFFFFC00;
	s10 =	sadd.s32 @p6 $0x6480, s21  }
0xaa: {  	[spmem:s2] =	stream.indirect.scatter.add.f32 @!p6 [tilespmem:s9], [sflag:$0x9], $0x8, s7, s18, $0xb8;
	[tilespmem:$0x145A8] =	vst v63  }
0xab: {  	s22 =	sadd.s32 @!p6 $0x6480, s17;
	s7 =	sadd.s32 @!p6 $0x580, s17;
	_ =	swait.ge @!p6 [sflag:s11], $0x400  }
0xac: {  	s21 =	sadd.s32 @!p6 $0x600, s17;
	s17 =	smov.u32 s3;
	[sflag:s11] =	ssyncset.done @!p6 $0x0  }
0xad: {  	[sflag:s11] =	ssyncadd.s32 @!p6 $0xFFFFFC00  }
0xae: {  	[tilespmem:s9], [sflag:$0x2] =	stream.indirect.gather @!p6 [hbm4b:s4+s18], $0x8, s0, s18, $0xb8;
	[tilespmem:$0x145A8] =	vst v63  }
0xaf: {  	_ =	swait.ge [sflag:s16], $0x400  }
0xb0: {  	s0 =	sadd.s32 $0x6300, s19;
	[sflag:s16] =	ssyncset.done $0x0  }
0xb1: {  	s3 =	simm.s32 @p6 $0x4;
	[sflag:s16] =	ssyncadd.s32 $0xFFFFFC00  }
0xb2: {  	[spmem:s2] =	stream.indirect.scatter.add.f32 [tilespmem:s30], [sflag:$0xA], $0x8, s0, s25, $0xb8;
	[tilespmem:$0x145A8] =	vst v63  }
0xb3: {  	_ =	swait.ge @p6 [sflag:s3], $0x400  }
0xb4: {  	s0 =	simm.s32 @p6 $0xD000;
	[sflag:s3] =	ssyncset.done @p6 $0x0  }
0xb5: {  	[sflag:s3] =	ssyncadd.s32 @p6 $0xFFFFFC00;
	s3 =	simm.s32 @!p6 $0xA  }
0xb6: {  	[spmem:s2] =	stream.indirect.scatter.add.f32 @p6 [tilespmem:s0], [sflag:$0xB], $0x8, s5, s20, $0xb8;
	[tilespmem:$0x145A8] =	vst v63  }
0xb7: {  	_ =	swait.ge @!p6 [sflag:s3], $0x400  }
0xb8: {  	s0 =	simm.s32 @!p6 $0xCC00;
	[sflag:s3] =	ssyncset.done @!p6 $0x0  }
0xb9: {  	[sflag:s3] =	ssyncadd.s32 @!p6 $0xFFFFFC00;
	s3 =	simm.s32 @!p6 $0x4  }
0xba: {  	[tilespmem:s0], [sflag:$0x3] =	stream.indirect.gather @!p6 [hbm4b:s4+s18], $0x8, s6, s18, $0xb8;
	[tilespmem:$0x145A8] =	vst v63  }
0xbb: {  	_ =	swait.ge @!p6 [sflag:s3], $0x400  }
0xbc: {  	s0 =	simm.s32 @!p6 $0xD000;
	[sflag:s3] =	ssyncset.done @!p6 $0x0  }
0xbd: {  	[sflag:s3] =	ssyncadd.s32 @!p6 $0xFFFFFC00;
	s3 =	simm.s32 @!p6 $0xB  }
0xbe: {  	[spmem:s2] =	stream.indirect.scatter.add.f32 @!p6 [tilespmem:s0], [sflag:$0xB], $0x8, s8, s18, $0xb8;
	[tilespmem:$0x145A8] =	vst v63  }
0xbf: {  	_ =	swait.ge @!p6 [sflag:s3], $0x400  }
0xc0: {  	[sflag:s3] =	ssyncset.done @!p6 $0x0  }
0xc1: {  	[sflag:s3] =	ssyncadd.s32 @!p6 $0xFFFFFC00  }
0xc2: {  	[tilespmem:s0], [sflag:$0x4] =	stream.indirect.gather @!p6 [hbm4b:s4+s18], $0x8, s24, s18, $0xb8;
	[tilespmem:$0x145A8] =	vst v63  }
0xc3: {  	_ =	swait.ge [sflag:s29], $0x400  }
0xc4: {  	s0 =	sadd.s32 $0x6400, s19;
	[sflag:s29] =	ssyncset.done $0x0  }
0xc5: {  	s3 =	simm.s32 @p6 $0x6;
	[sflag:s29] =	ssyncadd.s32 $0xFFFFFC00  }
0xc6: {  	[spmem:s2] =	stream.indirect.scatter.add.f32 [tilespmem:s28], [sflag:$0xC], $0x8, s0, s25, $0xb8;
	[tilespmem:$0x145A8] =	vst v63  }
0xc7: {  	_ =	swait.ge @p6 [sflag:s3], $0x400  }
0xc8: {  	s0 =	simm.s32 @p6 $0xD800;
	[sflag:s3] =	ssyncset.done @p6 $0x0  }
0xc9: {  	[sflag:s3] =	ssyncadd.s32 @p6 $0xFFFFFC00;
	s3 =	simm.s32 @!p6 $0xC  }
0xca: {  	[spmem:s2] =	stream.indirect.scatter.add.f32 @p6 [tilespmem:s0], [sflag:$0xD], $0x8, s10, s20, $0xb8;
	[tilespmem:$0x145A8] =	vst v63  }
0xcb: {  	_ =	swait.ge @!p6 [sflag:s3], $0x400  }
0xcc: {  	s0 =	simm.s32 @!p6 $0xD400;
	[sflag:s3] =	ssyncset.done @!p6 $0x0  }
0xcd: {  	[sflag:s3] =	ssyncadd.s32 @!p6 $0xFFFFFC00;
	s3 =	simm.s32 @!p6 $0x6  }
0xce: {  	[tilespmem:s0], [sflag:$0x5] =	stream.indirect.gather @!p6 [hbm4b:s4+s18], $0x8, s7, s18, $0xb8;
	[tilespmem:$0x145A8] =	vst v63  }
0xcf: {  	_ =	swait.ge @!p6 [sflag:s3], $0x400  }
0xd0: {  	s0 =	simm.s32 @!p6 $0xD800;
	[sflag:s3] =	ssyncset.done @!p6 $0x0  }
0xd1: {  	[sflag:s3] =	ssyncadd.s32 @!p6 $0xFFFFFC00;
	s3 =	simm.s32 @!p6 $0xD  }
0xd2: {  	[spmem:s2] =	stream.indirect.scatter.add.f32 @!p6 [tilespmem:s0], [sflag:$0xD], $0x8, s22, s18, $0xb8;
	[tilespmem:$0x145A8] =	vst v63  }
.Ltmp0:
0xd3: {  	_ =	swait.ge @!p6 [sflag:s3], $0x400;
	(pc) =	sbr.rel @p5 .LBB2_2-.Ltmp0, $4  }
0xd4: {  	[sflag:s3] =	ssyncset.done @!p6 $0x0  }
0xd5: {  	[sflag:s3] =	ssyncadd.s32 @!p6 $0xFFFFFC00  }
0xd6: {  	[tilespmem:s0], [sflag:$0x6] =	stream.indirect.gather @!p6 [hbm4b:s4+s18], $0x8, s21, s18, $0xb8;
	[tilespmem:$0x145A8] =	vst v63  }
0xd7: {  	p6 =	seq.s32 s17, $0x0;
	_ =	swait.ge [sflag:s31], $0x400  }
0xd8: {  	[sflag:s31] =	ssyncset.done $0x0  }
0xd9: {  	s0 =	simm.s32 @!p6 $0xE;
	[sflag:s31] =	ssyncadd.s32 $0xFFFFFC00  }
0xda: {  	[spmem:s2] =	stream.indirect.scatter.add.f32 [tilespmem:s1], [sflag:$0xE], $0x8, s15, s25, $0xb8;
	[tilespmem:$0x145A8] =	vst v63  }
0xdb: {  	_ =	swait.ge @!p6 [sflag:s0], $0x400  }
0xdc: {  	s14 =	sshra.s32 s17, $0x2;
	[sflag:s0] =	ssyncset.done @!p6 $0x0  }
0xdd: {  	s3 =	sadd.s32 $0x300, s14;
	[sflag:s0] =	ssyncadd.s32 @!p6 $0xFFFFFC00  }
0xde: {  	[tilespmem:s1], [sflag:$0x7] =	stream.indirect.gather [hbm4b:s4+s25], $0x8, s3, s25, $0xb8;
	[tilespmem:$0x145A8] =	vst v63  }
0xdf: {  	_ =	swait.ge [sflag:s23], $0x400  }
0xe0: {  	p5 =	seq.s32 s17, $0x17A00;
	[sflag:s23] =	ssyncset.done $0x0  }
0xe1: {  	s8 =	sadd.s32 $0x6200, s14;
	s5 =	simm.s32 @p5 $0x2;
	[sflag:s23] =	ssyncadd.s32 $0xFFFFFC00  }
0xe2: {  	[spmem:s2] =	stream.indirect.scatter.add.f32 [tilespmem:s26], [sflag:$0x8], $0x8, s8, s25, $0xb8;
	[tilespmem:$0x145A8] =	vst v63  }
0xe3: {  	s6 =	simm.s32 @p5 $0xC800;
	_ =	swait.ge @p5 [sflag:s5], $0x400  }
0xe4: {  	s15 =	simm.s32 @p5 $0x80;
	s3 =	sshra.s32 @p5 s17, $0x2;
	[sflag:s5] =	ssyncset.done @p5 $0x0  }
0xe5: {  	s0 =	sadd.s32 @p5 $0x6280, s3;
	[sflag:s5] =	ssyncadd.s32 @p5 $0xFFFFFC00;
	s5 =	simm.s32 @!p5 $0x8  }
0xe6: {  	[spmem:s2] =	stream.indirect.scatter.add.f32 @p5 [tilespmem:s6], [sflag:$0x9], $0x8, s0, s15, $0xb8;
	[tilespmem:$0x145A8] =	vst v63  }
0xe7: {  	_ =	swait.ge @!p5 [sflag:s5], $0x400  }
0xe8: {  	s7 =	sshra.s32 @!p5 s17, $0x2;
	s10 =	simm.s32 @!p5 $0x80;
	[sflag:s5] =	ssyncset.done @!p5 $0x0  }
0xe9: {  	s0 =	sadd.s32 @!p5 $0x380, s7;
	[sflag:s5] =	ssyncadd.s32 @!p5 $0xFFFFFC00;
	s5 =	simm.s32 @!p5 $0xC400  }
0xea: {  	[tilespmem:s5], [sflag:$0x1] =	stream.indirect.gather @!p5 [hbm4b:s4+s10], $0x8, s0, s10, $0xb8;
	[tilespmem:$0x145A8] =	vst v63  }
0xeb: {  	s0 =	simm.s32 @!p5 $0x2  }
0xec: {  	_ =	swait.ge @!p5 [sflag:s0], $0x400  }
0xed: {  	[sflag:s0] =	ssyncset.done @!p5 $0x0  }
0xee: {  	s5 =	sadd.s32 @!p5 $0x6280, s7;
	[sflag:s0] =	ssyncadd.s32 @!p5 $0xFFFFFC00;
	s0 =	simm.s32 @!p5 $0xC800  }
0xef: {  	[spmem:s2] =	stream.indirect.scatter.add.f32 @!p5 [tilespmem:s0], [sflag:$0x9], $0x8, s5, s10, $0xb8;
	[tilespmem:$0x145A8] =	vst v63  }
0xf0: {  	s5 =	simm.s32 @!p5 $0x9  }
0xf1: {  	_ =	swait.ge @!p5 [sflag:s5], $0x400  }
0xf2: {  	[sflag:s5] =	ssyncset.done @!p5 $0x0  }
0xf3: {  	[sflag:s5] =	ssyncadd.s32 @!p5 $0xFFFFFC00;
	s5 =	sadd.s32 @!p5 $0x400, s7  }
0xf4: {  	[tilespmem:s0], [sflag:$0x2] =	stream.indirect.gather @!p5 [hbm4b:s4+s10], $0x8, s5, s10, $0xb8;
	[tilespmem:$0x145A8] =	vst v63  }
0xf5: {  	_ =	swait.ge [sflag:s16], $0x400  }
0xf6: {  	[sflag:s16] =	ssyncset.done $0x0  }
0xf7: {  	s9 =	sadd.s32 $0x6300, s14;
	s5 =	simm.s32 @p5 $0x4;
	[sflag:s16] =	ssyncadd.s32 $0xFFFFFC00  }
0xf8: {  	[spmem:s2] =	stream.indirect.scatter.add.f32 [tilespmem:s30], [sflag:$0xA], $0x8, s9, s25, $0xb8;
	[tilespmem:$0x145A8] =	vst v63  }
0xf9: {  	_ =	swait.ge @p5 [sflag:s5], $0x400  }
0xfa: {  	[sflag:s5] =	ssyncset.done @p5 $0x0  }
0xfb: {  	s0 =	sadd.s32 @p5 $0x6380, s3;
	[sflag:s5] =	ssyncadd.s32 @p5 $0xFFFFFC00;
	s5 =	simm.s32 @p5 $0xD000  }
0xfc: {  	[spmem:s2] =	stream.indirect.scatter.add.f32 @p5 [tilespmem:s5], [sflag:$0xB], $0x8, s0, s15, $0xb8;
	[tilespmem:$0x145A8] =	vst v63  }
0xfd: {  	s0 =	simm.s32 @!p5 $0xA  }
0xfe: {  	_ =	swait.ge @!p5 [sflag:s0], $0x400  }
0xff: {  	[sflag:s0] =	ssyncset.done @!p5 $0x0  }
0x100: {  	s5 =	sadd.s32 @!p5 $0x480, s7;
	[sflag:s0] =	ssyncadd.s32 @!p5 $0xFFFFFC00;
	s0 =	simm.s32 @!p5 $0xCC00  }
0x101: {  	[tilespmem:s0], [sflag:$0x3] =	stream.indirect.gather @!p5 [hbm4b:s4+s10], $0x8, s5, s10, $0xb8;
	[tilespmem:$0x145A8] =	vst v63  }
0x102: {  	s0 =	simm.s32 @!p5 $0x4  }
0x103: {  	_ =	swait.ge @!p5 [sflag:s0], $0x400  }
0x104: {  	[sflag:s0] =	ssyncset.done @!p5 $0x0  }
0x105: {  	s5 =	sadd.s32 @!p5 $0x6380, s7;
	[sflag:s0] =	ssyncadd.s32 @!p5 $0xFFFFFC00;
	s0 =	simm.s32 @!p5 $0xD000  }
0x106: {  	[spmem:s2] =	stream.indirect.scatter.add.f32 @!p5 [tilespmem:s0], [sflag:$0xB], $0x8, s5, s10, $0xb8;
	[tilespmem:$0x145A8] =	vst v63  }
0x107: {  	s5 =	simm.s32 @!p5 $0xB  }
0x108: {  	_ =	swait.ge @!p5 [sflag:s5], $0x400  }
0x109: {  	[sflag:s5] =	ssyncset.done @!p5 $0x0  }
0x10a: {  	[sflag:s5] =	ssyncadd.s32 @!p5 $0xFFFFFC00;
	s5 =	sadd.s32 @!p5 $0x500, s7  }
0x10b: {  	[tilespmem:s0], [sflag:$0x4] =	stream.indirect.gather @!p5 [hbm4b:s4+s10], $0x8, s5, s10, $0xb8;
	[tilespmem:$0x145A8] =	vst v63  }
0x10c: {  	_ =	swait.ge [sflag:s29], $0x400  }
0x10d: {  	[sflag:s29] =	ssyncset.done $0x0  }
0x10e: {  	s11 =	sadd.s32 $0x6400, s14;
	s0 =	simm.s32 @p5 $0x6;
	[sflag:s29] =	ssyncadd.s32 $0xFFFFFC00  }
0x10f: {  	[spmem:s2] =	stream.indirect.scatter.add.f32 [tilespmem:s28], [sflag:$0xC], $0x8, s11, s25, $0xb8;
	[tilespmem:$0x145A8] =	vst v63  }
0x110: {  	_ =	swait.ge @p5 [sflag:s0], $0x400  }
0x111: {  	[sflag:s0] =	ssyncset.done @p5 $0x0  }
0x112: {  	s3 =	sadd.s32 @p5 $0x6480, s3;
	[sflag:s0] =	ssyncadd.s32 @p5 $0xFFFFFC00;
	s0 =	simm.s32 @p5 $0xD800  }
0x113: {  	[spmem:s2] =	stream.indirect.scatter.add.f32 @p5 [tilespmem:s0], [sflag:$0xD], $0x8, s3, s15, $0xb8;
	[tilespmem:$0x145A8] =	vst v63  }
0x114: {  	s0 =	simm.s32 @!p5 $0xC  }
0x115: {  	_ =	swait.ge @!p5 [sflag:s0], $0x400  }
0x116: {  	[sflag:s0] =	ssyncset.done @!p5 $0x0  }
0x117: {  	s3 =	sadd.s32 @!p5 $0x580, s7;
	[sflag:s0] =	ssyncadd.s32 @!p5 $0xFFFFFC00;
	s0 =	simm.s32 @!p5 $0xD400  }
0x118: {  	[tilespmem:s0], [sflag:$0x5] =	stream.indirect.gather @!p5 [hbm4b:s4+s10], $0x8, s3, s10, $0xb8;
	[tilespmem:$0x145A8] =	vst v63  }
0x119: {  	s0 =	simm.s32 @!p5 $0x6  }
0x11a: {  	_ =	swait.ge @!p5 [sflag:s0], $0x400  }
0x11b: {  	[sflag:s0] =	ssyncset.done @!p5 $0x0  }
0x11c: {  	s3 =	sadd.s32 @!p5 $0x6480, s7;
	[sflag:s0] =	ssyncadd.s32 @!p5 $0xFFFFFC00;
	s0 =	simm.s32 @!p5 $0xD800  }
0x11d: {  	[spmem:s2] =	stream.indirect.scatter.add.f32 @!p5 [tilespmem:s0], [sflag:$0xD], $0x8, s3, s10, $0xb8;
	[tilespmem:$0x145A8] =	vst v63  }
0x11e: {  	s3 =	simm.s32 @!p5 $0xD  }
0x11f: {  	_ =	swait.ge @!p5 [sflag:s3], $0x400  }
0x120: {  	[sflag:s3] =	ssyncset.done @!p5 $0x0  }
0x121: {  	[sflag:s3] =	ssyncadd.s32 @!p5 $0xFFFFFC00;
	s3 =	sadd.s32 @!p5 $0x600, s7  }
0x122: {  	[tilespmem:s0], [sflag:$0x6] =	stream.indirect.gather @!p5 [hbm4b:s4+s10], $0x8, s3, s10, $0xb8;
	[tilespmem:$0x145A8] =	vst v63  }
0x123: {  	_ =	swait.ge [sflag:s31], $0x400  }
0x124: {  	[sflag:s31] =	ssyncset.done $0x0  }
0x125: {  	s17 =	simm.s32 $0x8;
	s15 =	sadd.s32 $0x6500, s14;
	[sflag:s31] =	ssyncadd.s32 $0xFFFFFC00  }
0x126: {  	[spmem:s2] =	stream.indirect.scatter.add.f32 [tilespmem:s1], [sflag:$0xE], $0x8, s15, s25, $0xb8;
	[tilespmem:$0x145A8] =	vst v63  }
0x127: {  	_ =	swait.ge [sflag:s17], $0x400  }
0x128: {  	[sflag:s17] =	ssyncset.done $0x0  }
0x129: {  	s18 =	simm.s32 $0x9;
	[sflag:s17] =	ssyncadd.s32 $0xFFFFFC00  }
0x12a: {  	_ =	swait.ge [sflag:s18], $0x400  }
0x12b: {  	[sflag:s18] =	ssyncset.done $0x0  }
0x12c: {  	s19 =	simm.s32 $0xA;
	[sflag:s18] =	ssyncadd.s32 $0xFFFFFC00  }
0x12d: {  	_ =	swait.ge [sflag:s19], $0x400  }
0x12e: {  	[sflag:s19] =	ssyncset.done $0x0  }
0x12f: {  	s20 =	simm.s32 $0xB;
	[sflag:s19] =	ssyncadd.s32 $0xFFFFFC00  }
0x130: {  	_ =	swait.ge [sflag:s20], $0x400  }
0x131: {  	[sflag:s20] =	ssyncset.done $0x0  }
0x132: {  	s21 =	simm.s32 $0xC;
	[sflag:s20] =	ssyncadd.s32 $0xFFFFFC00  }
0x133: {  	_ =	swait.ge [sflag:s21], $0x400  }
0x134: {  	[sflag:s21] =	ssyncset.done $0x0  }
0x135: {  	s22 =	simm.s32 $0xD;
	[sflag:s21] =	ssyncadd.s32 $0xFFFFFC00  }
0x136: {  	_ =	swait.ge [sflag:s22], $0x400  }
0x137: {  	[sflag:s22] =	ssyncset.done $0x0  }
0x138: {  	[sflag:s22] =	ssyncadd.s32 $0xFFFFFC00  }
0x139: {  	_ =	swait.ge [sflag:s12], $0x400  }
0x13a: {  	[sflag:s12] =	ssyncset.done $0x0  }
0x13b: {  	[sflag:s12] =	ssyncadd.s32 $0xFFFFFC00  }
0x13c: {  	[bflag:$0x0] =	sbarrier.arrive $0xFFFF  }
0x13d: {  	s0 =	rddreg [dreg:$0x8]  }
0x13e: {  	s3 =	simm.s32 @p0 $0x1FCF;
	s5 =	rddreg [dreg:$0xc];
	s0 =	sshrl.u32 @p0 s0, $0x3  }
0x13f: {  	[hbm:s5], [sflag:s3] =	dma.local @p0 [spmem:s0], $0xC08  }
0x140: {  	s0 =	simm.s32 @p0 $0xF  }
0x141: {  	s3 =	stileid.u32;
	_ =	swait.ge @p0 [sflag:s0], $0xC08  }
0x142: {  	s3 =	sshll.u32 @!p0 s3, $0x6;
	[sflag:s0] =	ssyncset.done @p0 $0x0  }
0x143: {  	[sflag:s0] =	ssyncadd.s32 @p0 $0xFFFFF3F8;
	s0 =	sor.u32 @!p0 $0x1C0F, s3;
	s3 =	rddreg [dreg:$0x5]  }
0x144: {  	s5 =	rddreg [dreg:$0xb];
	s3 =	sshrl.u32 @!p0 s3, $0x3  }
0x145: {  	[hbm:s5], [sflag:s0] =	dma.local @!p0 [spmem:s3], $0xC38  }
0x146: {  	s0 =	simm.s32 @!p0 $0xF  }
0x147: {  	_ =	swait.ge @!p0 [sflag:s0], $0xC38  }
0x148: {  	s13 =	sadd.s32 $0x1, s13;
	s24 =	rddreg [dreg:$0xd]  }
0x149: {  	p5 =	sne.s32 s13, s24  }
.Ltmp1:
0x14a: {  	_ = 	snop;
	(pc) =	sbr.rel @p5 .LBB2_1-.Ltmp1, $3  }
0x14b: {  	_ =	sdelay $0x1  }
0x14c: {  	[sflag:s0] =	ssyncset.done @!p0 $0x0  }
0x14d: {  	[sflag:s0] =	ssyncadd.s32 @!p0 $0xFFFFF3C8  }
0x14e: {  	_ =	sfence.sel $0x180000  }
0x14f: {  	[bflag:$0x0] =	sbarrier.arrive $0xFFFF  }
0x150: {  	_ =	strace $0x90000047  }
0x151: {  	s0 =	stileid.u32;
	[bflag:$0x2] =	sbarrier.arrive $0xFFFF  }
0x152: {  	p0 =	sne.s32 s0, $0x0;
	s0 =	rddreg [dreg:$0x2]  }
0x153: {  	s0 =	sadd.s32 @!p0 $0x100000, s0  }
0x154: {  	[sflag:s0] =	ssyncadd.tile.s32 @!p0 $0x1;
	_ =	shalt  }
.Lfunc_end2:
_tile_overlayer_lowered:
.L_overlay_start_2:
0x155: {  	(tag) =	ssettag $0x2  }
0x156: {  	s0 =	rddreg [dreg:$0x0];
	s2 =	stileid.u32  }
0x157: {  	s1 =	rddreg [dreg:$0x1];
	p0 =	sne.s32 s2, $0x0  }
0x158: {  	s3 =	rddreg [dreg:$0x2];
	[bflag:$0x3] =	sbarrier.arrive $0xFFFF;
	s2 =	simm.s32 @!p0 $0x1C0F  }
0x159: {  	[timem:s3], [sflag:s2] =	dma.local @!p0 [hbm:s0], s1  }
0x15a: {  	s0 =	simm.s32 @!p0 $0xF  }
0x15b: {  	_ =	swait.ge @!p0 [sflag:s0], s1  }
0x15c: {  	s1 =	ssub.s32 @!p0 $0x0, s1;
	[sflag:s0] =	ssyncset.done @!p0 $0x0  }
0x15d: {  	[sflag:s0] =	ssyncadd.s32 @!p0 s1  }
0x15e: {  	[bflag:$0x3] =	sbarrier.arrive $0xFFFF  }
0x15f: {  	_ =	shalt  }

// kernel: kernel.14.cloned.1.call-start
scs
__scs_entry_jumppad:
0x0: {  	(pc) =	sbr.rel $0x88, $3  }
0x1: {  	(tag) =	ssettag $0x0;
	lr =	simm.s32 $0x1  }
0x2: {  	[smem:$0x3F8B] =	sst lr;
	_ =	strace $0xD0000000  }
0x3: {  	_ = 	snop  }
0x4: {  	_ = 	snop  }
0x5: {  	_ = 	snop  }
0x6: {  	_ = 	snop  }
0x7: {  	_ = 	snop  }
__scs_overlays_trampoline_lowered:
0x8: {  	[smem:$0x3F9A] =	sst s0  }
0x9: {  	[smem:$0x3F9B] =	sst s1  }
0xa: {  	[smem:$0x3F9C] =	sst s2  }
0xb: {  	[smem:$0x3F9D] =	sst s3  }
0xc: {  	[smem:$0x3F9E] =	sst s4  }
0xd: {  	[smem:$0x3F9F] =	sst s5  }
0xe: {  	[smem:$0x3FA0] =	sst s6  }
0xf: {  	[smem:$0x3FA1] =	sst s7  }
0x10: {  	[smem:$0x3FA2] =	sst s8  }
0x11: {  	[smem:$0x3FA3] =	sst s9;
	s0 =	simm.s32 @!p0 $0x0  }
0x12: {  	s1 =	sld [smem:$0x3F89];
	s0 =	simm.s32 @p0 $0x1  }
0x13: {  	[smem:$0x3FA4] =	sst s0;
	s0 =	simm.s32 @!p1 $0x0  }
0x14: {  	s2 =	sld [smem:$0x3F88];
	s0 =	simm.s32 @p1 $0x1  }
0x15: {  	[smem:$0x3FA5] =	sst s0;
	s0 =	simm.s32 @!p2 $0x0  }
0x16: {  	s3 =	sld [smem:$0x3FDB];
	s0 =	simm.s32 @p2 $0x1  }
0x17: {  	s4 =	simm.s32 $0x1BF5;
	[smem:$0x3FA7] =	sst s0  }
0x18: {  	s0 =	sld [smem:$0x3F8A];
	_ =	swait.ge [sflag:s4], $0x0  }
0x19: {  	s7 =	sld [smem:$0x3F8B]  }
0x1a: {  	s8 =	sadd.s32 $0xFFFFE003, lr  }
0x1b: {  	s9 =	sadd.s32 $0xFFFFFEF7, lr;
	s5 =	simm.s32 $0xFFFFFFFF;
	p2 =	slt.u32 s8, $0xFFFFF086  }
0x1c: {  	p1 =	slt.u32 s9, $0xF7A;
	s5 =	simm.s32 @!p2 $0x0  }
0x1d: {  	s5 =	simm.s32 @p1 $0x1;
	p0 =	seq.s32 s7, s2  }
0x1e: {  	s7 =	smul.u32 @!p0 $0xF7A, s2;
	p2 =	seq.s32 @!p0 s5, $0x0  }
0x1f: {  	s9 =	smul.u32 $0xF7A, s1;
	s8 =	simm.s32 @!p0 $0x1BF5;
	p2 =	por !p2, p0  }
0x20: {  	[sflag:s8] =	ssyncset.s32 @!p0 $0xFFFFF086;
	s6 =	sadd.s32 @!p0 s3, s7;
	s7 =	simm.s32 @!p0 $0x108  }
0x21: {  	s3 =	sadd.s32 s3, s9;
	s6 =	sadd.s32 @!p0 $0x88, s6;
	s7 =	simm.s32 @p2 $0x1082  }
0x22: {  	[simem:s7], [sflag:s8] =	dma.local @!p0 [hbm:s6], $0xF7A  }
0x23: {  	s9 =	sor.u32 $0xD0000000, s2;
	s6 =	simm.s32 $0x108;
	_ =	swait.ge @!p0 [sflag:s8], $0x0  }
0x24: {  	s3 =	sadd.s32 $0x88, s3;
	s6 =	simm.s32 @!p1 $0x1082;
	[sflag:s4] =	ssyncset.s32 $0xFFFFF086  }
0x25: {  	[simem:s6], [sflag:s4] =	dma.local [hbm:s3], $0xF7A  }
0x26: {  	[smem:$0x3F8B] =	sst s1;
	(tag) =	ssettag s2;
	_ =	strace s9  }
0x27: {  	s1 =	sld [smem:$0x3F9B]  }
0x28: {  	s2 =	sld [smem:$0x3F9C]  }
0x29: {  	s4 =	sld [smem:$0x3F9E]  }
0x2a: {  	p0 =	seq.s32 s5, $0x0;
	s5 =	sld [smem:$0x3F9F]  }
0x2b: {  	s6 =	sld [smem:$0x3FA0]  }
0x2c: {  	s7 =	sld [smem:$0x3FA1]  }
0x2d: {  	s3 =	simm.s32 $0x108;
	s8 =	sld [smem:$0x3FA2]  }
0x2e: {  	s3 =	simm.s32 @!p0 $0x1082;
	s9 =	sld [smem:$0x3FA3]  }
0x2f: {  	lr =	sadd.s32 s0, s3;
	s0 =	sld [smem:$0x3F9A]  }
0x30: {  	s3 =	sld [smem:$0x3F9D]  }
0x31: {  	[smem:$0x3FA6] =	sst s10  }
0x32: {  	s10 =	sld [smem:$0x3FA4];
	_ =	sdelay $0x3  }
0x33: {  	p0 =	seq.s32 s10, $0x1;
	s10 =	sld [smem:$0x3FA6];
	_ =	sdelay $0x3  }
0x34: {  	[smem:$0x3FA6] =	sst s10  }
0x35: {  	s10 =	sld [smem:$0x3FA5];
	_ =	sdelay $0x3  }
0x36: {  	p1 =	seq.s32 s10, $0x1;
	s10 =	sld [smem:$0x3FA6];
	_ =	sdelay $0x3  }
0x37: {  	[smem:$0x3FA6] =	sst s10  }
0x38: {  	s10 =	sld [smem:$0x3FA7]  }
0x39: {  	_ = 	snop;
	(pc) =	sbr.ind lr, $3  }
0x3a: {  	_ = 	snop  }
0x3b: {  	_ = 	snop  }
0x3c: {  	p2 =	seq.s32 s10, $0x1;
	s10 =	sld [smem:$0x3FA6]  }
0x3d: {  	_ =	shalt  }
0x3e: {  	_ =	shalt  }
0x3f: {  	_ =	shalt  }
0x40: {  	_ =	shalt  }
0x41: {  	_ =	shalt  }
0x42: {  	_ =	shalt  }
0x43: {  	_ =	shalt  }
0x44: {  	_ =	shalt  }
0x45: {  	_ =	shalt  }
0x46: {  	_ =	shalt  }
0x47: {  	_ =	shalt  }
0x48: {  	_ =	shalt  }
0x49: {  	_ =	shalt  }
0x4a: {  	_ =	shalt  }
0x4b: {  	_ =	shalt  }
0x4c: {  	_ =	shalt  }
0x4d: {  	_ =	shalt  }
0x4e: {  	_ =	shalt  }
0x4f: {  	_ =	shalt  }
0x50: {  	_ =	shalt  }
0x51: {  	_ =	shalt  }
0x52: {  	_ =	shalt  }
0x53: {  	_ =	shalt  }
0x54: {  	_ =	shalt  }
0x55: {  	_ =	shalt  }
0x56: {  	_ =	shalt  }
0x57: {  	_ =	shalt  }
0x58: {  	_ =	shalt  }
0x59: {  	_ =	shalt  }
0x5a: {  	_ =	shalt  }
0x5b: {  	_ =	shalt  }
0x5c: {  	_ =	shalt  }
0x5d: {  	_ =	shalt  }
0x5e: {  	_ =	shalt  }
0x5f: {  	_ =	shalt  }
0x60: {  	_ =	shalt  }
0x61: {  	_ =	shalt  }
0x62: {  	_ =	shalt  }
0x63: {  	_ =	shalt  }
0x64: {  	_ =	shalt  }
0x65: {  	_ =	shalt  }
0x66: {  	_ =	shalt  }
0x67: {  	_ =	shalt  }
0x68: {  	_ =	shalt  }
0x69: {  	_ =	shalt  }
0x6a: {  	_ =	shalt  }
0x6b: {  	_ =	shalt  }
0x6c: {  	_ =	shalt  }
0x6d: {  	_ =	shalt  }
0x6e: {  	_ =	shalt  }
0x6f: {  	_ =	shalt  }
0x70: {  	_ =	shalt  }
0x71: {  	_ =	shalt  }
0x72: {  	_ =	shalt  }
0x73: {  	_ =	shalt  }
0x74: {  	_ =	shalt  }
0x75: {  	_ =	shalt  }
0x76: {  	_ =	shalt  }
0x77: {  	_ =	shalt  }
0x78: {  	_ =	shalt  }
0x79: {  	_ =	shalt  }
0x7a: {  	_ =	shalt  }
0x7b: {  	_ =	shalt  }
0x7c: {  	_ =	shalt  }
0x7d: {  	_ =	shalt  }
0x7e: {  	_ =	shalt  }
0x7f: {  	_ =	shalt  }
0x80: {  	_ =	shalt  }
0x81: {  	_ =	shalt  }
0x82: {  	_ =	shalt  }
0x83: {  	_ =	shalt  }
0x84: {  	_ =	shalt  }
0x85: {  	_ =	shalt  }
0x86: {  	_ =	shalt  }
0x87: {  	_ =	shalt  }
.Lfunc_end0:
.L_simem_size_0:
called_computation.1_lowered:
.L_overlay_start_0:
0x88: {  	s2 =	sld [smem:$0x3FD9]  }
0x89: {  	s3 =	sld [smem:$0x3FFE];
	_ =	sdelay $0x1  }
0x8a: {  	s1 =	srdreg.scid  }
0x8b: {  	s0 =	sand.u32 $0x1, s1  }
0x8c: {  	s16 =	sshll.u32 s0, $0xA;
	s2 =	sadd.s32 s3, s2  }
0x8d: {  	s2 =	sadd.s32 s2, s16  }
0x8e: {  	[smem:$0x3FB2] =	sst s2  }
0x8f: {  	_ = 	snop  }
0x90: {  	(tm) =	ssettm $0x1  }
0x91: {  	s17 =	sld [smem:$0x3FFB];
	_ =	sdelay $0x3  }
0x92: {  	_ =	strace s17  }
0x93: {  	s2 =	sld [smem:$0x3FFC];
	_ =	sdelay $0x3  }
0x94: {  	_ =	strace s2  }
0x95: {  	s2 =	sld [smem:$0x3FFD];
	_ =	sdelay $0x3  }
0x96: {  	_ =	strace s2  }
0x97: {  	_ =	strace $0x8FFFFFFF  }
0x98: {  	s18 =	sld [smem:$0x3FDB];
	_ =	sdelay $0x1  }
0x99: {  	s19 =	simm.s32 $_scs_section_size  }
0x9a: {  	s4 =	simm.s32 $_size__tile_overlayer_lowered;
	s5 =	simm.s32 $_tile_overlayer_lowered  }
0x9b: {  	s22 =	simm.s32 $0x1BFF;
	s21 =	sshll.u32 s5, $0x1;
	s2 =	sadd.s32 s19, s18  }
0x9c: {  	s6 =	simm.s32 $0x0;
	s20 =	sshll.u32 s4, $0x1;
	s4 =	sadd.s32 s21, s2  }
0x9d: {  	[timem:s6], [sflag:s22] =	dma.local [hbm:s4], s20  }
0x9e: {  	_ =	swait.ge [sflag:s22], s20  }
0x9f: {  	s3 =	ssub.s32 $0x0, s20;
	[sflag:s22] =	ssyncset.done $0x0  }
0xa0: {  	[sflag:s22] =	ssyncadd.s32 s3;
	_ =	sdelay $0x1  }
0xa1: {  	s23 =	simm.s32 $0x1B8B  }
0xa2: {  	_ =	swait.ge [sflag:s23], $0x1  }
0xa3: {  	[sflag:s23] =	ssyncset.done $0x0  }
0xa4: {  	s25 =	simm.s32 $0x1B8E;
	s24 =	sld [smem:$0x3FFE];
	[sflag:s23] =	ssyncadd.s32 $0xFFFFFFFF  }
0xa5: {  	s26 =	simm.s32 $execute0_lowered;
	[smem:$0x3FD2] =	sst s25  }
0xa6: {  	s4 =	sshll.u32 s26, $0x1;
	_ =	strace $0x80000049;
	[dreg:$0x1] =	wrdreg $0xFFFFFFFF  }
0xa7: {  	s28 =	simm.s32 $_size_execute0_lowered;
	s2 =	sadd.s32 s2, s4;
	[dreg:$0x0] =	wrdreg $0x0  }
0xa8: {  	s4 =	sshll.u32 s28, $0x1;
	[dreg:$0x2] =	wrdreg s2  }
0xa9: {  	[dreg:$0x3] =	wrdreg s4  }
0xaa: {  	[dreg:$0x4] =	wrdreg $0xC0  }
0xab: {  	_ =	task [dreg:s6], $0x5FFFF  }
0xac: {  	[dreg:$0x1] =	wrdreg $0xFFFFFFFF  }
0xad: {  	[dreg:$0x0] =	wrdreg $0x60  }
0xae: {  	[dreg:$0x2] =	wrdreg s24  }
0xaf: {  	[dreg:$0x3] =	wrdreg $0xE0000  }
0xb0: {  	[dreg:$0x4] =	wrdreg $0x9  }
0xb1: {  	_ =	task.clear_ibuf [dreg:s6], $0x5FFFF;
	_ =	strace $0x90000049  }
0xb2: {  	s29 =	simm.s32 $0x9;
	_ =	strace $0x8000004B  }
0xb3: {  	_ =	swait.ge [sflag:s29], $0x1  }
0xb4: {  	[sflag:s29] =	ssyncadd.s32 $0xFFFFFFFF  }
0xb5: {  	_ =	strace $0x9000004B  }
0xb6: {  	_ =	sfence  }
0xb7: {  	s30 =	sld [smem:$0x0];
	_ =	sdelay $0x2  }
0xb8: {  	s31 =	sshll.u32 s1, $0xD;
	s1 =	sshrl.u32 s1, $0x2  }
0xb9: {  	s3 =	sand.u32 $0x4000, s31;
	s1 =	sadd.s32 s1, s30  }
0xba: {  	s0 =	sor.u32 s3, s0;
	s1 =	sshll.u32 s1, $0x11  }
0xbb: {  	s0 =	sor.u32 s1, s0  }
0xbc: {  	s0 =	sadd.s32 $0x8F2B, s0  }
0xbd: {  	[sflag:s0] =	ssyncadd.remote.s32 $0x1  }
0xbe: {  	_ =	sfence.sel $0xFFFF  }
0xbf: {  	[dreg:$0x0] =	wrdreg $0xFFFFFFFF;
	(pc) =	sbr.abs _section_cstart, $3  }
0xc0: {  	[dreg:$0x1] =	wrdreg $0xFFFFFFFF  }
0xc1: {  	_ =	task.clear_ibuf [dreg:s6], $0x2FFFF;
	_ =	strace $0x9FFFFFFF  }
0xc2: {  	(tm) =	ssettm $0x7FFFFFFF  }
0xc3: {  	_ =	shalt  }
tec
execute0_lowered:
.L_overlay_start_1:
0x0: {  	(tag) =	ssettag $0x1  }
0x1: {  	s0 =	srdreg.scid;
	s1 =	rddreg [dreg:$0x0]  }
0x2: {  	s11 =	stileid.u32;
	s2 =	rddreg [dreg:$0x1]  }
0x3: {  	s4 =	simm.s32 $0x0;
	s30 =	simm.s32 $0xCC00;
	s28 =	simm.s32 $0xD400  }
0x4: {  	s16 =	simm.s32 $0x3;
	s29 =	simm.s32 $0x5;
	s31 =	simm.s32 $0x7  }
0x5: {  	s12 =	simm.s32 $0xE;
	s13 =	simm.s32 $0x0;
	s0 =	sand.u32 $0x1, s0  }
0x6: {  	s3 =	sshll.u32 s11, $0x1;
	[smem:$0x7FF] =	sst s4;
	s5 =	smul.u32 $0x61C0, s11  }
0x7: {  	s4 =	sadd.s32 $0x4200, s1;
	s10 =	sadd.s32 $0x4DA00, s1;
	s23 =	sadd.s32 $0x4CD48, s1  }
0x8: {  	p0 =	seq.s32 s11, $0xF;
	s3 =	sor.u32 s0, s3;
	_ =	strace $0x8000004A  }
0x9: {  	s6 =	ssub.s32 $0x2, s0;
	s22 =	smul.u32 $0x61A80, s0;
	[dreg:$0x9] =	wrdreg s23  }
0xa: {  	p2 =	sne.s32 @p0 s0, $0x0;
	s3 =	smul.u32 $0xC40, s3;
	s7 =	sshrl.u32 s5, $0x3  }
0xb: {  	s8 =	sshrl.u32 s6, $0x1;
	s9 =	sadd.s32 s7, s1;
	s7 =	sadd.s32 s4, s7  }
0xc: {  	s6 =	ssub.s32 s6, s8;
	s8 =	sadd.s32 s5, s2;
	[dreg:$0x7] =	wrdreg s7  }
0xd: {  	p4 =	sne.s32 @!p0 s0, $0x0;
	s9 =	sadd.s32 $0x41600, s9;
	[dreg:$0x5] =	wrdreg s8  }
0xe: {  	s3 =	sadd.s32 s3, s1;
	s1 =	sadd.s32 $0xF948, s1;
	[dreg:$0x6] =	wrdreg s9  }
0xf: {  	p1 =	por !p2, !p0;
	s26 =	smax.u32 s6, $0x1;
	[dreg:$0xa] =	wrdreg s1  }
0x10: {  	p2 =	por p2, !p0;
	s7 =	sadd.s32 $0x5BA40, s2;
	[dreg:$0xd] =	wrdreg s26  }
0x11: {  	p3 =	por !p4, p0;
	s21 =	sadd.s32 $0x10600, s3;
	[dreg:$0x8] =	wrdreg s7  }
0x12: {  	p4 =	por p4, p0;
	s3 =	sadd.s32 $0x28E00, s3;
	[dreg:$0x3] =	wrdreg s21  }
0x13: {  	s5 =	sadd.s32 s5, s22;
	s0 =	sshrl.u32 @!p1 s7, $0x3;
	[dreg:$0x4] =	wrdreg s3  }
0x14: {  	s24 =	sshrl.u32 s5, $0x3;
	[dreg:$0xe] =	wrdreg s0;
	s0 =	sshrl.u32 @!p2 s7, $0x3  }
0x15: {  	s1 =	sadd.s32 s10, s24;
	[dreg:$0xf] =	wrdreg s0;
	s0 =	sshll.u32 @!p3 s11, $0x6  }
0x16: {  	s3 =	sshrl.u32 s22, $0x3;
	[dreg:$0xb] =	wrdreg s1;
	s0 =	sor.u32 @!p3 $0x1C0F, s0  }
0x17: {  	s25 =	sadd.s32 s10, s3;
	[dreg:$0x10] =	wrdreg s0;
	s0 =	sshrl.u32 @!p3 s8, $0x3  }
0x18: {  	s1 =	sadd.s32 $0xB748, s25;
	[dreg:$0x11] =	wrdreg s0;
	s0 =	sshll.u32 @!p4 s11, $0x6  }
0x19: {  	s23 =	simm.s32 $0x1;
	[dreg:$0xc] =	wrdreg s1;
	s0 =	sor.u32 @!p4 $0x1C0F, s0  }
0x1a: {  	s26 =	simm.s32 $0xC400;
	[dreg:$0x12] =	wrdreg s0;
	s0 =	sshrl.u32 @!p4 s8, $0x3  }
0x1b: {  	s25 =	simm.s32 $0x80;
	s1 =	simm.s32 $0xDC00;
	[dreg:$0x13] =	wrdreg s0  }
.LBB2_1:
0x1c: {  	s3 =	rddreg [dreg:$0x3]  }
0x1d: {  	s0 =	simm.s32 $0x0;
	s9 =	rddreg [dreg:$0x4]  }
0x1e: {  	[tilespmem:s0], [sflag:$0x1] =	stream.linear.gather [hbm4b:s3+s0], $0x6200, $0x38;
	[tilespmem:$0x145A8] =	vst v63  }
0x1f: {  	s5 =	simm.s32 $0x6200;
	s6 =	rddreg [dreg:$0xe]  }
0x20: {  	[tilespmem:s5], [sflag:$0x2] =	stream.linear.gather [hbm4b:s9+s0], $0x6200, $0x38;
	[tilespmem:$0x145A8] =	vst v63  }
0x21: {  	s3 =	simm.s32 @!p1 $0x1FCF;
	s5 =	rddreg [dreg:$0x9]  }
0x22: {  	[spmem:s6], [sflag:s3] =	dma.local @!p1 [hbm:s5], $0xC08  }
0x23: {  	s3 =	simm.s32 @!p1 $0xF  }
0x24: {  	_ =	swait.ge @!p1 [sflag:s3], $0xC08  }
0x25: {  	[sflag:s3] =	ssyncset.done @!p1 $0x0;
	s5 =	rddreg [dreg:$0xa]  }
0x26: {  	s6 =	rddreg [dreg:$0xf];
	[sflag:s3] =	ssyncadd.s32 @!p1 $0xFFFFF3F8;
	s3 =	simm.s32 @!p2 $0x1FCF  }
0x27: {  	[spmem:s6], [sflag:s3] =	dma.local @!p2 [hbm:s5], $0xC08  }
0x28: {  	s3 =	simm.s32 @!p2 $0xF  }
0x29: {  	_ =	swait.ge @!p2 [sflag:s3], $0xC08  }
0x2a: {  	s5 =	rddreg [dreg:$0x10]  }
0x2b: {  	[sflag:s3] =	ssyncset.done @!p2 $0x0;
	s6 =	rddreg [dreg:$0x11]  }
0x2c: {  	[sflag:s3] =	ssyncadd.s32 @!p2 $0xFFFFF3F8;
	s3 =	rddreg [dreg:$0x6]  }
0x2d: {  	[spmem:s6], [sflag:s5] =	dma.local @!p3 [hbm:s3], $0xC38  }
0x2e: {  	s3 =	simm.s32 @!p3 $0xF  }
0x2f: {  	_ =	swait.ge @!p3 [sflag:s3], $0xC38  }
0x30: {  	s5 =	rddreg [dreg:$0x12]  }
0x31: {  	[sflag:s3] =	ssyncset.done @!p3 $0x0;
	s6 =	rddreg [dreg:$0x13]  }
0x32: {  	[sflag:s3] =	ssyncadd.s32 @!p3 $0xFFFFF3C8;
	s3 =	rddreg [dreg:$0x7]  }
0x33: {  	[spmem:s6], [sflag:s5] =	dma.local @!p4 [hbm:s3], $0xC38  }
0x34: {  	s3 =	simm.s32 @!p4 $0xF  }
0x35: {  	_ =	swait.ge @!p4 [sflag:s3], $0xC38  }
0x36: {  	[sflag:s3] =	ssyncset.done @!p4 $0x0  }
0x37: {  	[sflag:s3] =	ssyncadd.s32 @!p4 $0xFFFFF3C8  }
0x38: {  	_ =	swait.ge [sflag:s23], $0x6200  }
0x39: {  	[sflag:s23] =	ssyncset.done $0x0  }
0x3a: {  	s10 =	simm.s32 $0x2;
	[sflag:s23] =	ssyncadd.s32 $0xFFFF9E00  }
0x3b: {  	_ =	swait.ge [sflag:s10], $0x6200  }
0x3c: {  	[sflag:s10] =	ssyncset.done $0x0  }
0x3d: {  	[sflag:s10] =	ssyncadd.s32 $0xFFFF9E00  }
0x3e: {  	[bflag:$0x0] =	sbarrier.arrive $0xFFFF  }
0x3f: {  	[tilespmem:s26], [sflag:$0x1] =	stream.indirect.gather [hbm4b:s4+s25], $0x8, s0, s25, $0xb8;
	[tilespmem:$0x145A8] =	vst v63  }
0x40: {  	s11 =	simm.s32 $0xC800  }
0x41: {  	[tilespmem:s11], [sflag:$0x2] =	stream.indirect.gather [hbm4b:s4+s25], $0x8, s25, s25, $0xb8;
	[tilespmem:$0x145A8] =	vst v63  }
0x42: {  	s14 =	simm.s32 $0x100  }
0x43: {  	[tilespmem:s30], [sflag:$0x3] =	stream.indirect.gather [hbm4b:s4+s25], $0x8, s14, s25, $0xb8;
	[tilespmem:$0x145A8] =	vst v63  }
0x44: {  	s15 =	simm.s32 $0x180;
	s17 =	simm.s32 $0xD000  }
0x45: {  	[tilespmem:s17], [sflag:$0x4] =	stream.indirect.gather [hbm4b:s4+s25], $0x8, s15, s25, $0xb8;
	[tilespmem:$0x145A8] =	vst v63  }
0x46: {  	s18 =	simm.s32 $0x200;
	p5 =	por $0x1, $0x1  }
0x47: {  	[tilespmem:s28], [sflag:$0x5] =	stream.indirect.gather [hbm4b:s4+s25], $0x8, s18, s25, $0xb8;
	[tilespmem:$0x145A8] =	vst v63  }
0x48: {  	s19 =	simm.s32 $0x280;
	s20 =	simm.s32 $0xD800;
	s3 =	simm.s32 @!p5 $0xE  }
0x49: {  	[tilespmem:s20], [sflag:$0x6] =	stream.indirect.gather [hbm4b:s4+s25], $0x8, s19, s25, $0xb8;
	[tilespmem:$0x145A8] =	vst v63  }
0x4a: {  	_ =	swait.ge @!p5 [sflag:s3], $0x400  }
0x4b: {  	[sflag:s3] =	ssyncset.done @!p5 $0x0  }
0x4c: {  	s7 =	simm.s32 $0x300;
	[sflag:s3] =	ssyncadd.s32 @!p5 $0xFFFFFC00  }
0x4d: {  	[tilespmem:s1], [sflag:$0x7] =	stream.indirect.gather [hbm4b:s4+s25], $0x8, s7, s25, $0xb8;
	[tilespmem:$0x145A8] =	vst v63  }
0x4e: {  	_ =	swait.ge [sflag:s23], $0x400  }
0x4f: {  	p5 =	por $0x0, $0x0;
	[sflag:s23] =	ssyncset.done $0x0  }
0x50: {  	s21 =	simm.s32 $0x6200;
	s7 =	simm.s32 @p5 $0x2;
	[sflag:s23] =	ssyncadd.s32 $0xFFFFFC00  }
0x51: {  	[spmem:s2] =	stream.indirect.scatter.add.f32 [tilespmem:s26], [sflag:$0x8], $0x8, s21, s25, $0xb8;
	[tilespmem:$0x145A8] =	vst v63  }
0x52: {  	_ =	swait.ge @p5 [sflag:s7], $0x400  }
0x53: {  	s10 =	simm.s32 @p5 $0x6280;
	s3 =	simm.s32 @p5 $0x80;
	[sflag:s7] =	ssyncset.done @p5 $0x0  }
0x54: {  	s14 =	simm.s32 @p5 $0xC800;
	s15 =	simm.s32 @!p5 $0x8;
	[sflag:s7] =	ssyncadd.s32 @p5 $0xFFFFFC00  }
0x55: {  	[spmem:s2] =	stream.indirect.scatter.add.f32 @p5 [tilespmem:s14], [sflag:$0x9], $0x8, s10, s3, $0xb8;
	[tilespmem:$0x145A8] =	vst v63  }
0x56: {  	_ =	swait.ge @!p5 [sflag:s15], $0x400  }
0x57: {  	s7 =	simm.s32 @!p5 $0x80;
	[sflag:s15] =	ssyncset.done @!p5 $0x0  }
0x58: {  	s10 =	simm.s32 @!p5 $0x380;
	s14 =	simm.s32 @!p5 $0xC400;
	[sflag:s15] =	ssyncadd.s32 @!p5 $0xFFFFFC00  }
0x59: {  	[tilespmem:s14], [sflag:$0x1] =	stream.indirect.gather @!p5 [hbm4b:s4+s7], $0x8, s10, s7, $0xb8;
	[tilespmem:$0x145A8] =	vst v63  }
0x5a: {  	s10 =	simm.s32 @!p5 $0x2  }
0x5b: {  	_ =	swait.ge @!p5 [sflag:s10], $0x400  }
0x5c: {  	[sflag:s10] =	ssyncset.done @!p5 $0x0  }
0x5d: {  	s14 =	simm.s32 @!p5 $0x6280;
	[sflag:s10] =	ssyncadd.s32 @!p5 $0xFFFFFC00;
	s10 =	simm.s32 @!p5 $0xC800  }
0x5e: {  	[spmem:s2] =	stream.indirect.scatter.add.f32 @!p5 [tilespmem:s10], [sflag:$0x9], $0x8, s14, s7, $0xb8;
	[tilespmem:$0x145A8] =	vst v63  }
0x5f: {  	s14 =	simm.s32 @!p5 $0x9  }
0x60: {  	_ =	swait.ge @!p5 [sflag:s14], $0x400  }
0x61: {  	[sflag:s14] =	ssyncset.done @!p5 $0x0  }
0x62: {  	[sflag:s14] =	ssyncadd.s32 @!p5 $0xFFFFFC00;
	s14 =	simm.s32 @!p5 $0x400  }
0x63: {  	[tilespmem:s10], [sflag:$0x2] =	stream.indirect.gather @!p5 [hbm4b:s4+s7], $0x8, s14, s7, $0xb8;
	[tilespmem:$0x145A8] =	vst v63  }
0x64: {  	_ =	swait.ge [sflag:s16], $0x400  }
0x65: {  	[sflag:s16] =	ssyncset.done $0x0  }
0x66: {  	s22 =	simm.s32 $0x6300;
	s14 =	simm.s32 @p5 $0x4;
	[sflag:s16] =	ssyncadd.s32 $0xFFFFFC00  }
0x67: {  	[spmem:s2] =	stream.indirect.scatter.add.f32 [tilespmem:s30], [sflag:$0xA], $0x8, s22, s25, $0xb8;
	[tilespmem:$0x145A8] =	vst v63  }
0x68: {  	_ =	swait.ge @p5 [sflag:s14], $0x400  }
0x69: {  	[sflag:s14] =	ssyncset.done @p5 $0x0  }
0x6a: {  	s10 =	simm.s32 @p5 $0x6380;
	[sflag:s14] =	ssyncadd.s32 @p5 $0xFFFFFC00;
	s14 =	simm.s32 @p5 $0xD000  }
0x6b: {  	[spmem:s2] =	stream.indirect.scatter.add.f32 @p5 [tilespmem:s14], [sflag:$0xB], $0x8, s10, s3, $0xb8;
	[tilespmem:$0x145A8] =	vst v63  }
0x6c: {  	s10 =	simm.s32 @!p5 $0xA  }
0x6d: {  	_ =	swait.ge @!p5 [sflag:s10], $0x400  }
0x6e: {  	[sflag:s10] =	ssyncset.done @!p5 $0x0  }
0x6f: {  	s14 =	simm.s32 @!p5 $0x480;
	[sflag:s10] =	ssyncadd.s32 @!p5 $0xFFFFFC00;
	s10 =	simm.s32 @!p5 $0xCC00  }
0x70: {  	[tilespmem:s10], [sflag:$0x3] =	stream.indirect.gather @!p5 [hbm4b:s4+s7], $0x8, s14, s7, $0xb8;
	[tilespmem:$0x145A8] =	vst v63  }
0x71: {  	s10 =	simm.s32 @!p5 $0x4  }
0x72: {  	_ =	swait.ge @!p5 [sflag:s10], $0x400  }
0x73: {  	[sflag:s10] =	ssyncset.done @!p5 $0x0  }
0x74: {  	s14 =	simm.s32 @!p5 $0x6380;
	[sflag:s10] =	ssyncadd.s32 @!p5 $0xFFFFFC00;
	s10 =	simm.s32 @!p5 $0xD000  }
0x75: {  	[spmem:s2] =	stream.indirect.scatter.add.f32 @!p5 [tilespmem:s10], [sflag:$0xB], $0x8, s14, s7, $0xb8;
	[tilespmem:$0x145A8] =	vst v63  }
0x76: {  	s14 =	simm.s32 @!p5 $0xB  }
0x77: {  	_ =	swait.ge @!p5 [sflag:s14], $0x400  }
0x78: {  	[sflag:s14] =	ssyncset.done @!p5 $0x0  }
0x79: {  	[sflag:s14] =	ssyncadd.s32 @!p5 $0xFFFFFC00;
	s14 =	simm.s32 @!p5 $0x500  }
0x7a: {  	[tilespmem:s10], [sflag:$0x4] =	stream.indirect.gather @!p5 [hbm4b:s4+s7], $0x8, s14, s7, $0xb8;
	[tilespmem:$0x145A8] =	vst v63  }
0x7b: {  	_ =	swait.ge [sflag:s29], $0x400  }
0x7c: {  	[sflag:s29] =	ssyncset.done $0x0  }
0x7d: {  	s24 =	simm.s32 $0x6400;
	s14 =	simm.s32 @p5 $0x6;
	[sflag:s29] =	ssyncadd.s32 $0xFFFFFC00  }
0x7e: {  	[spmem:s2] =	stream.indirect.scatter.add.f32 [tilespmem:s28], [sflag:$0xC], $0x8, s24, s25, $0xb8;
	[tilespmem:$0x145A8] =	vst v63  }
0x7f: {  	_ =	swait.ge @p5 [sflag:s14], $0x400  }
0x80: {  	[sflag:s14] =	ssyncset.done @p5 $0x0  }
0x81: {  	s10 =	simm.s32 @p5 $0x6480;
	[sflag:s14] =	ssyncadd.s32 @p5 $0xFFFFFC00;
	s14 =	simm.s32 @p5 $0xD800  }
0x82: {  	[spmem:s2] =	stream.indirect.scatter.add.f32 @p5 [tilespmem:s14], [sflag:$0xD], $0x8, s10, s3, $0xb8;
	[tilespmem:$0x145A8] =	vst v63  }
0x83: {  	s3 =	simm.s32 @!p5 $0xC  }
0x84: {  	_ =	swait.ge @!p5 [sflag:s3], $0x400  }
0x85: {  	[sflag:s3] =	ssyncset.done @!p5 $0x0  }
0x86: {  	s10 =	simm.s32 @!p5 $0x580;
	[sflag:s3] =	ssyncadd.s32 @!p5 $0xFFFFFC00;
	s3 =	simm.s32 @!p5 $0xD400  }
0x87: {  	[tilespmem:s3], [sflag:$0x5] =	stream.indirect.gather @!p5 [hbm4b:s4+s7], $0x8, s10, s7, $0xb8;
	[tilespmem:$0x145A8] =	vst v63  }
0x88: {  	s3 =	simm.s32 @!p5 $0x6  }
0x89: {  	_ =	swait.ge @!p5 [sflag:s3], $0x400  }
0x8a: {  	[sflag:s3] =	ssyncset.done @!p5 $0x0  }
0x8b: {  	s10 =	simm.s32 @!p5 $0x6480;
	[sflag:s3] =	ssyncadd.s32 @!p5 $0xFFFFFC00;
	s3 =	simm.s32 @!p5 $0xD800  }
0x8c: {  	[spmem:s2] =	stream.indirect.scatter.add.f32 @!p5 [tilespmem:s3], [sflag:$0xD], $0x8, s10, s7, $0xb8;
	[tilespmem:$0x145A8] =	vst v63  }
0x8d: {  	s10 =	simm.s32 @!p5 $0xD  }
0x8e: {  	_ =	swait.ge @!p5 [sflag:s10], $0x400  }
0x8f: {  	p6 =	por $0x0, $0x0;
	[sflag:s10] =	ssyncset.done @!p5 $0x0  }
0x90: {  	s17 =	simm.s32 $0xE00;
	[sflag:s10] =	ssyncadd.s32 @!p5 $0xFFFFFC00;
	s10 =	simm.s32 @!p5 $0x600  }
0x91: {  	[tilespmem:s3], [sflag:$0x6] =	stream.indirect.gather @!p5 [hbm4b:s4+s7], $0x8, s10, s7, $0xb8;
	[tilespmem:$0x145A8] =	vst v63  }
0x92: {  	s15 =	simm.s32 $0x6500;
	s14 =	simm.s32 $0x1C00;
	_ =	swait.ge [sflag:s31], $0x400  }
.LBB2_2:
0x93: {  	s7 =	simm.s32 @!p6 $0xE  }
0x94: {  	[sflag:s31] =	ssyncset.done $0x0;
	s3 =	smov.u32 s14;
	s14 =	sadd.s32 $0xE00, s14  }
0x95: {  	p5 =	sne.s32 s14, $0x18800;
	[sflag:s31] =	ssyncadd.s32 $0xFFFFFC00  }
0x96: {  	[spmem:s2] =	stream.indirect.scatter.add.f32 [tilespmem:s1], [sflag:$0xE], $0x8, s15, s25, $0xb8;
	[tilespmem:$0x145A8] =	vst v63  }
0x97: {  	s19 =	sshra.s32 s17, $0x2;
	_ =	swait.ge @!p6 [sflag:s7], $0x400  }
0x98: {  	s10 =	sadd.s32 $0x300, s19;
	s15 =	sadd.s32 $0x6500, s19;
	[sflag:s7] =	ssyncset.done @!p6 $0x0  }
0x99: {  	[sflag:s7] =	ssyncadd.s32 @!p6 $0xFFFFFC00  }
0x9a: {  	[tilespmem:s1], [sflag:$0x7] =	stream.indirect.gather [hbm4b:s4+s25], $0x8, s10, s25, $0xb8;
	[tilespmem:$0x145A8] =	vst v63  }
0x9b: {  	_ =	swait.ge [sflag:s23], $0x400  }
0x9c: {  	s7 =	sadd.s32 $0x6200, s19;
	p6 =	seq.s32 s17, $0x17A00;
	[sflag:s23] =	ssyncset.done $0x0  }
0x9d: {  	s10 =	simm.s32 @p6 $0x2;
	s21 =	sshra.s32 @p6 s17, $0x2;
	[sflag:s23] =	ssyncadd.s32 $0xFFFFFC00  }
0x9e: {  	[spmem:s2] =	stream.indirect.scatter.add.f32 [tilespmem:s26], [sflag:$0x8], $0x8, s7, s25, $0xb8;
	[tilespmem:$0x145A8] =	vst v63  }
0x9f: {  	s17 =	sshra.s32 @!p6 s17, $0x2;
	s7 =	sadd.s32 @p6 $0x6280, s21;
	_ =	swait.ge @p6 [sflag:s10], $0x400  }
0xa0: {  	s20 =	simm.s32 @p6 $0x80;
	s18 =	simm.s32 @p6 $0xC800;
	[sflag:s10] =	ssyncset.done @p6 $0x0  }
0xa1: {  	s22 =	sadd.s32 @!p6 $0x380, s17;
	[sflag:s10] =	ssyncadd.s32 @p6 $0xFFFFFC00;
	s10 =	simm.s32 @!p6 $0x8  }
0xa2: {  	[spmem:s2] =	stream.indirect.scatter.add.f32 @p6 [tilespmem:s18], [sflag:$0x9], $0x8, s7, s20, $0xb8;
	[tilespmem:$0x145A8] =	vst v63  }
0xa3: {  	s0 =	sadd.s32 @!p6 $0x400, s17;
	s7 =	sadd.s32 @!p6 $0x6280, s17;
	_ =	swait.ge @!p6 [sflag:s10], $0x400  }
0xa4: {  	s24 =	simm.s32 @!p6 $0xC400;
	s18 =	simm.s32 @!p6 $0x80;
	[sflag:s10] =	ssyncset.done @!p6 $0x0  }
0xa5: {  	s5 =	sadd.s32 @p6 $0x6380, s21;
	[sflag:s10] =	ssyncadd.s32 @!p6 $0xFFFFFC00;
	s10 =	simm.s32 @!p6 $0x2  }
0xa6: {  	[tilespmem:s24], [sflag:$0x1] =	stream.indirect.gather @!p6 [hbm4b:s4+s18], $0x8, s22, s18, $0xb8;
	[tilespmem:$0x145A8] =	vst v63  }
0xa7: {  	s6 =	sadd.s32 @!p6 $0x480, s17;
	s8 =	sadd.s32 @!p6 $0x6380, s17;
	_ =	swait.ge @!p6 [sflag:s10], $0x400  }
0xa8: {  	s9 =	simm.s32 @!p6 $0xC800;
	s24 =	sadd.s32 @!p6 $0x500, s17;
	[sflag:s10] =	ssyncset.done @!p6 $0x0  }
0xa9: {  	s11 =	simm.s32 @!p6 $0x9;
	[sflag:s10] =	ssyncadd.s32 @!p6 $0xFFFFFC00;
	s10 =	sadd.s32 @p6 $0x6480, s21  }
0xaa: {  	[spmem:s2] =	stream.indirect.scatter.add.f32 @!p6 [tilespmem:s9], [sflag:$0x9], $0x8, s7, s18, $0xb8;
	[tilespmem:$0x145A8] =	vst v63  }
0xab: {  	s22 =	sadd.s32 @!p6 $0x6480, s17;
	s7 =	sadd.s32 @!p6 $0x580, s17;
	_ =	swait.ge @!p6 [sflag:s11], $0x400  }
0xac: {  	s21 =	sadd.s32 @!p6 $0x600, s17;
	s17 =	smov.u32 s3;
	[sflag:s11] =	ssyncset.done @!p6 $0x0  }
0xad: {  	[sflag:s11] =	ssyncadd.s32 @!p6 $0xFFFFFC00  }
0xae: {  	[tilespmem:s9], [sflag:$0x2] =	stream.indirect.gather @!p6 [hbm4b:s4+s18], $0x8, s0, s18, $0xb8;
	[tilespmem:$0x145A8] =	vst v63  }
0xaf: {  	_ =	swait.ge [sflag:s16], $0x400  }
0xb0: {  	s0 =	sadd.s32 $0x6300, s19;
	[sflag:s16] =	ssyncset.done $0x0  }
0xb1: {  	s3 =	simm.s32 @p6 $0x4;
	[sflag:s16] =	ssyncadd.s32 $0xFFFFFC00  }
0xb2: {  	[spmem:s2] =	stream.indirect.scatter.add.f32 [tilespmem:s30], [sflag:$0xA], $0x8, s0, s25, $0xb8;
	[tilespmem:$0x145A8] =	vst v63  }
0xb3: {  	_ =	swait.ge @p6 [sflag:s3], $0x400  }
0xb4: {  	s0 =	simm.s32 @p6 $0xD000;
	[sflag:s3] =	ssyncset.done @p6 $0x0  }
0xb5: {  	[sflag:s3] =	ssyncadd.s32 @p6 $0xFFFFFC00;
	s3 =	simm.s32 @!p6 $0xA  }
0xb6: {  	[spmem:s2] =	stream.indirect.scatter.add.f32 @p6 [tilespmem:s0], [sflag:$0xB], $0x8, s5, s20, $0xb8;
	[tilespmem:$0x145A8] =	vst v63  }
0xb7: {  	_ =	swait.ge @!p6 [sflag:s3], $0x400  }
0xb8: {  	s0 =	simm.s32 @!p6 $0xCC00;
	[sflag:s3] =	ssyncset.done @!p6 $0x0  }
0xb9: {  	[sflag:s3] =	ssyncadd.s32 @!p6 $0xFFFFFC00;
	s3 =	simm.s32 @!p6 $0x4  }
0xba: {  	[tilespmem:s0], [sflag:$0x3] =	stream.indirect.gather @!p6 [hbm4b:s4+s18], $0x8, s6, s18, $0xb8;
	[tilespmem:$0x145A8] =	vst v63  }
0xbb: {  	_ =	swait.ge @!p6 [sflag:s3], $0x400  }
0xbc: {  	s0 =	simm.s32 @!p6 $0xD000;
	[sflag:s3] =	ssyncset.done @!p6 $0x0  }
0xbd: {  	[sflag:s3] =	ssyncadd.s32 @!p6 $0xFFFFFC00;
	s3 =	simm.s32 @!p6 $0xB  }
0xbe: {  	[spmem:s2] =	stream.indirect.scatter.add.f32 @!p6 [tilespmem:s0], [sflag:$0xB], $0x8, s8, s18, $0xb8;
	[tilespmem:$0x145A8] =	vst v63  }
0xbf: {  	_ =	swait.ge @!p6 [sflag:s3], $0x400  }
0xc0: {  	[sflag:s3] =	ssyncset.done @!p6 $0x0  }
0xc1: {  	[sflag:s3] =	ssyncadd.s32 @!p6 $0xFFFFFC00  }
0xc2: {  	[tilespmem:s0], [sflag:$0x4] =	stream.indirect.gather @!p6 [hbm4b:s4+s18], $0x8, s24, s18, $0xb8;
	[tilespmem:$0x145A8] =	vst v63  }
0xc3: {  	_ =	swait.ge [sflag:s29], $0x400  }
0xc4: {  	s0 =	sadd.s32 $0x6400, s19;
	[sflag:s29] =	ssyncset.done $0x0  }
0xc5: {  	s3 =	simm.s32 @p6 $0x6;
	[sflag:s29] =	ssyncadd.s32 $0xFFFFFC00  }
0xc6: {  	[spmem:s2] =	stream.indirect.scatter.add.f32 [tilespmem:s28], [sflag:$0xC], $0x8, s0, s25, $0xb8;
	[tilespmem:$0x145A8] =	vst v63  }
0xc7: {  	_ =	swait.ge @p6 [sflag:s3], $0x400  }
0xc8: {  	s0 =	simm.s32 @p6 $0xD800;
	[sflag:s3] =	ssyncset.done @p6 $0x0  }
0xc9: {  	[sflag:s3] =	ssyncadd.s32 @p6 $0xFFFFFC00;
	s3 =	simm.s32 @!p6 $0xC  }
0xca: {  	[spmem:s2] =	stream.indirect.scatter.add.f32 @p6 [tilespmem:s0], [sflag:$0xD], $0x8, s10, s20, $0xb8;
	[tilespmem:$0x145A8] =	vst v63  }
0xcb: {  	_ =	swait.ge @!p6 [sflag:s3], $0x400  }
0xcc: {  	s0 =	simm.s32 @!p6 $0xD400;
	[sflag:s3] =	ssyncset.done @!p6 $0x0  }
0xcd: {  	[sflag:s3] =	ssyncadd.s32 @!p6 $0xFFFFFC00;
	s3 =	simm.s32 @!p6 $0x6  }
0xce: {  	[tilespmem:s0], [sflag:$0x5] =	stream.indirect.gather @!p6 [hbm4b:s4+s18], $0x8, s7, s18, $0xb8;
	[tilespmem:$0x145A8] =	vst v63  }
0xcf: {  	_ =	swait.ge @!p6 [sflag:s3], $0x400  }
0xd0: {  	s0 =	simm.s32 @!p6 $0xD800;
	[sflag:s3] =	ssyncset.done @!p6 $0x0  }
0xd1: {  	[sflag:s3] =	ssyncadd.s32 @!p6 $0xFFFFFC00;
	s3 =	simm.s32 @!p6 $0xD  }
0xd2: {  	[spmem:s2] =	stream.indirect.scatter.add.f32 @!p6 [tilespmem:s0], [sflag:$0xD], $0x8, s22, s18, $0xb8;
	[tilespmem:$0x145A8] =	vst v63  }
.Ltmp0:
0xd3: {  	_ =	swait.ge @!p6 [sflag:s3], $0x400;
	(pc) =	sbr.rel @p5 .LBB2_2-.Ltmp0, $4  }
0xd4: {  	[sflag:s3] =	ssyncset.done @!p6 $0x0  }
0xd5: {  	[sflag:s3] =	ssyncadd.s32 @!p6 $0xFFFFFC00  }
0xd6: {  	[tilespmem:s0], [sflag:$0x6] =	stream.indirect.gather @!p6 [hbm4b:s4+s18], $0x8, s21, s18, $0xb8;
	[tilespmem:$0x145A8] =	vst v63  }
0xd7: {  	p6 =	seq.s32 s17, $0x0;
	_ =	swait.ge [sflag:s31], $0x400  }
0xd8: {  	[sflag:s31] =	ssyncset.done $0x0  }
0xd9: {  	s0 =	simm.s32 @!p6 $0xE;
	[sflag:s31] =	ssyncadd.s32 $0xFFFFFC00  }
0xda: {  	[spmem:s2] =	stream.indirect.scatter.add.f32 [tilespmem:s1], [sflag:$0xE], $0x8, s15, s25, $0xb8;
	[tilespmem:$0x145A8] =	vst v63  }
0xdb: {  	_ =	swait.ge @!p6 [sflag:s0], $0x400  }
0xdc: {  	s14 =	sshra.s32 s17, $0x2;
	[sflag:s0] =	ssyncset.done @!p6 $0x0  }
0xdd: {  	s3 =	sadd.s32 $0x300, s14;
	[sflag:s0] =	ssyncadd.s32 @!p6 $0xFFFFFC00  }
0xde: {  	[tilespmem:s1], [sflag:$0x7] =	stream.indirect.gather [hbm4b:s4+s25], $0x8, s3, s25, $0xb8;
	[tilespmem:$0x145A8] =	vst v63  }
0xdf: {  	_ =	swait.ge [sflag:s23], $0x400  }
0xe0: {  	p5 =	seq.s32 s17, $0x17A00;
	[sflag:s23] =	ssyncset.done $0x0  }
0xe1: {  	s8 =	sadd.s32 $0x6200, s14;
	s5 =	simm.s32 @p5 $0x2;
	[sflag:s23] =	ssyncadd.s32 $0xFFFFFC00  }
0xe2: {  	[spmem:s2] =	stream.indirect.scatter.add.f32 [tilespmem:s26], [sflag:$0x8], $0x8, s8, s25, $0xb8;
	[tilespmem:$0x145A8] =	vst v63  }
0xe3: {  	s6 =	simm.s32 @p5 $0xC800;
	_ =	swait.ge @p5 [sflag:s5], $0x400  }
0xe4: {  	s15 =	simm.s32 @p5 $0x80;
	s3 =	sshra.s32 @p5 s17, $0x2;
	[sflag:s5] =	ssyncset.done @p5 $0x0  }
0xe5: {  	s0 =	sadd.s32 @p5 $0x6280, s3;
	[sflag:s5] =	ssyncadd.s32 @p5 $0xFFFFFC00;
	s5 =	simm.s32 @!p5 $0x8  }
0xe6: {  	[spmem:s2] =	stream.indirect.scatter.add.f32 @p5 [tilespmem:s6], [sflag:$0x9], $0x8, s0, s15, $0xb8;
	[tilespmem:$0x145A8] =	vst v63  }
0xe7: {  	_ =	swait.ge @!p5 [sflag:s5], $0x400  }
0xe8: {  	s7 =	sshra.s32 @!p5 s17, $0x2;
	s10 =	simm.s32 @!p5 $0x80;
	[sflag:s5] =	ssyncset.done @!p5 $0x0  }
0xe9: {  	s0 =	sadd.s32 @!p5 $0x380, s7;
	[sflag:s5] =	ssyncadd.s32 @!p5 $0xFFFFFC00;
	s5 =	simm.s32 @!p5 $0xC400  }
0xea: {  	[tilespmem:s5], [sflag:$0x1] =	stream.indirect.gather @!p5 [hbm4b:s4+s10], $0x8, s0, s10, $0xb8;
	[tilespmem:$0x145A8] =	vst v63  }
0xeb: {  	s0 =	simm.s32 @!p5 $0x2  }
0xec: {  	_ =	swait.ge @!p5 [sflag:s0], $0x400  }
0xed: {  	[sflag:s0] =	ssyncset.done @!p5 $0x0  }
0xee: {  	s5 =	sadd.s32 @!p5 $0x6280, s7;
	[sflag:s0] =	ssyncadd.s32 @!p5 $0xFFFFFC00;
	s0 =	simm.s32 @!p5 $0xC800  }
0xef: {  	[spmem:s2] =	stream.indirect.scatter.add.f32 @!p5 [tilespmem:s0], [sflag:$0x9], $0x8, s5, s10, $0xb8;
	[tilespmem:$0x145A8] =	vst v63  }
0xf0: {  	s5 =	simm.s32 @!p5 $0x9  }
0xf1: {  	_ =	swait.ge @!p5 [sflag:s5], $0x400  }
0xf2: {  	[sflag:s5] =	ssyncset.done @!p5 $0x0  }
0xf3: {  	[sflag:s5] =	ssyncadd.s32 @!p5 $0xFFFFFC00;
	s5 =	sadd.s32 @!p5 $0x400, s7  }
0xf4: {  	[tilespmem:s0], [sflag:$0x2] =	stream.indirect.gather @!p5 [hbm4b:s4+s10], $0x8, s5, s10, $0xb8;
	[tilespmem:$0x145A8] =	vst v63  }
0xf5: {  	_ =	swait.ge [sflag:s16], $0x400  }
0xf6: {  	[sflag:s16] =	ssyncset.done $0x0  }
0xf7: {  	s9 =	sadd.s32 $0x6300, s14;
	s5 =	simm.s32 @p5 $0x4;
	[sflag:s16] =	ssyncadd.s32 $0xFFFFFC00  }
0xf8: {  	[spmem:s2] =	stream.indirect.scatter.add.f32 [tilespmem:s30], [sflag:$0xA], $0x8, s9, s25, $0xb8;
	[tilespmem:$0x145A8] =	vst v63  }
0xf9: {  	_ =	swait.ge @p5 [sflag:s5], $0x400  }
0xfa: {  	[sflag:s5] =	ssyncset.done @p5 $0x0  }
0xfb: {  	s0 =	sadd.s32 @p5 $0x6380, s3;
	[sflag:s5] =	ssyncadd.s32 @p5 $0xFFFFFC00;
	s5 =	simm.s32 @p5 $0xD000  }
0xfc: {  	[spmem:s2] =	stream.indirect.scatter.add.f32 @p5 [tilespmem:s5], [sflag:$0xB], $0x8, s0, s15, $0xb8;
	[tilespmem:$0x145A8] =	vst v63  }
0xfd: {  	s0 =	simm.s32 @!p5 $0xA  }
0xfe: {  	_ =	swait.ge @!p5 [sflag:s0], $0x400  }
0xff: {  	[sflag:s0] =	ssyncset.done @!p5 $0x0  }
0x100: {  	s5 =	sadd.s32 @!p5 $0x480, s7;
	[sflag:s0] =	ssyncadd.s32 @!p5 $0xFFFFFC00;
	s0 =	simm.s32 @!p5 $0xCC00  }
0x101: {  	[tilespmem:s0], [sflag:$0x3] =	stream.indirect.gather @!p5 [hbm4b:s4+s10], $0x8, s5, s10, $0xb8;
	[tilespmem:$0x145A8] =	vst v63  }
0x102: {  	s0 =	simm.s32 @!p5 $0x4  }
0x103: {  	_ =	swait.ge @!p5 [sflag:s0], $0x400  }
0x104: {  	[sflag:s0] =	ssyncset.done @!p5 $0x0  }
0x105: {  	s5 =	sadd.s32 @!p5 $0x6380, s7;
	[sflag:s0] =	ssyncadd.s32 @!p5 $0xFFFFFC00;
	s0 =	simm.s32 @!p5 $0xD000  }
0x106: {  	[spmem:s2] =	stream.indirect.scatter.add.f32 @!p5 [tilespmem:s0], [sflag:$0xB], $0x8, s5, s10, $0xb8;
	[tilespmem:$0x145A8] =	vst v63  }
0x107: {  	s5 =	simm.s32 @!p5 $0xB  }
0x108: {  	_ =	swait.ge @!p5 [sflag:s5], $0x400  }
0x109: {  	[sflag:s5] =	ssyncset.done @!p5 $0x0  }
0x10a: {  	[sflag:s5] =	ssyncadd.s32 @!p5 $0xFFFFFC00;
	s5 =	sadd.s32 @!p5 $0x500, s7  }
0x10b: {  	[tilespmem:s0], [sflag:$0x4] =	stream.indirect.gather @!p5 [hbm4b:s4+s10], $0x8, s5, s10, $0xb8;
	[tilespmem:$0x145A8] =	vst v63  }
0x10c: {  	_ =	swait.ge [sflag:s29], $0x400  }
0x10d: {  	[sflag:s29] =	ssyncset.done $0x0  }
0x10e: {  	s11 =	sadd.s32 $0x6400, s14;
	s0 =	simm.s32 @p5 $0x6;
	[sflag:s29] =	ssyncadd.s32 $0xFFFFFC00  }
0x10f: {  	[spmem:s2] =	stream.indirect.scatter.add.f32 [tilespmem:s28], [sflag:$0xC], $0x8, s11, s25, $0xb8;
	[tilespmem:$0x145A8] =	vst v63  }
0x110: {  	_ =	swait.ge @p5 [sflag:s0], $0x400  }
0x111: {  	[sflag:s0] =	ssyncset.done @p5 $0x0  }
0x112: {  	s3 =	sadd.s32 @p5 $0x6480, s3;
	[sflag:s0] =	ssyncadd.s32 @p5 $0xFFFFFC00;
	s0 =	simm.s32 @p5 $0xD800  }
0x113: {  	[spmem:s2] =	stream.indirect.scatter.add.f32 @p5 [tilespmem:s0], [sflag:$0xD], $0x8, s3, s15, $0xb8;
	[tilespmem:$0x145A8] =	vst v63  }
0x114: {  	s0 =	simm.s32 @!p5 $0xC  }
0x115: {  	_ =	swait.ge @!p5 [sflag:s0], $0x400  }
0x116: {  	[sflag:s0] =	ssyncset.done @!p5 $0x0  }
0x117: {  	s3 =	sadd.s32 @!p5 $0x580, s7;
	[sflag:s0] =	ssyncadd.s32 @!p5 $0xFFFFFC00;
	s0 =	simm.s32 @!p5 $0xD400  }
0x118: {  	[tilespmem:s0], [sflag:$0x5] =	stream.indirect.gather @!p5 [hbm4b:s4+s10], $0x8, s3, s10, $0xb8;
	[tilespmem:$0x145A8] =	vst v63  }
0x119: {  	s0 =	simm.s32 @!p5 $0x6  }
0x11a: {  	_ =	swait.ge @!p5 [sflag:s0], $0x400  }
0x11b: {  	[sflag:s0] =	ssyncset.done @!p5 $0x0  }
0x11c: {  	s3 =	sadd.s32 @!p5 $0x6480, s7;
	[sflag:s0] =	ssyncadd.s32 @!p5 $0xFFFFFC00;
	s0 =	simm.s32 @!p5 $0xD800  }
0x11d: {  	[spmem:s2] =	stream.indirect.scatter.add.f32 @!p5 [tilespmem:s0], [sflag:$0xD], $0x8, s3, s10, $0xb8;
	[tilespmem:$0x145A8] =	vst v63  }
0x11e: {  	s3 =	simm.s32 @!p5 $0xD  }
0x11f: {  	_ =	swait.ge @!p5 [sflag:s3], $0x400  }
0x120: {  	[sflag:s3] =	ssyncset.done @!p5 $0x0  }
0x121: {  	[sflag:s3] =	ssyncadd.s32 @!p5 $0xFFFFFC00;
	s3 =	sadd.s32 @!p5 $0x600, s7  }
0x122: {  	[tilespmem:s0], [sflag:$0x6] =	stream.indirect.gather @!p5 [hbm4b:s4+s10], $0x8, s3, s10, $0xb8;
	[tilespmem:$0x145A8] =	vst v63  }
0x123: {  	_ =	swait.ge [sflag:s31], $0x400  }
0x124: {  	[sflag:s31] =	ssyncset.done $0x0  }
0x125: {  	s17 =	simm.s32 $0x8;
	s15 =	sadd.s32 $0x6500, s14;
	[sflag:s31] =	ssyncadd.s32 $0xFFFFFC00  }
0x126: {  	[spmem:s2] =	stream.indirect.scatter.add.f32 [tilespmem:s1], [sflag:$0xE], $0x8, s15, s25, $0xb8;
	[tilespmem:$0x145A8] =	vst v63  }
0x127: {  	_ =	swait.ge [sflag:s17], $0x400  }
0x128: {  	[sflag:s17] =	ssyncset.done $0x0  }
0x129: {  	s18 =	simm.s32 $0x9;
	[sflag:s17] =	ssyncadd.s32 $0xFFFFFC00  }
0x12a: {  	_ =	swait.ge [sflag:s18], $0x400  }
0x12b: {  	[sflag:s18] =	ssyncset.done $0x0  }
0x12c: {  	s19 =	simm.s32 $0xA;
	[sflag:s18] =	ssyncadd.s32 $0xFFFFFC00  }
0x12d: {  	_ =	swait.ge [sflag:s19], $0x400  }
0x12e: {  	[sflag:s19] =	ssyncset.done $0x0  }
0x12f: {  	s20 =	simm.s32 $0xB;
	[sflag:s19] =	ssyncadd.s32 $0xFFFFFC00  }
0x130: {  	_ =	swait.ge [sflag:s20], $0x400  }
0x131: {  	[sflag:s20] =	ssyncset.done $0x0  }
0x132: {  	s21 =	simm.s32 $0xC;
	[sflag:s20] =	ssyncadd.s32 $0xFFFFFC00  }
0x133: {  	_ =	swait.ge [sflag:s21], $0x400  }
0x134: {  	[sflag:s21] =	ssyncset.done $0x0  }
0x135: {  	s22 =	simm.s32 $0xD;
	[sflag:s21] =	ssyncadd.s32 $0xFFFFFC00  }
0x136: {  	_ =	swait.ge [sflag:s22], $0x400  }
0x137: {  	[sflag:s22] =	ssyncset.done $0x0  }
0x138: {  	[sflag:s22] =	ssyncadd.s32 $0xFFFFFC00  }
0x139: {  	_ =	swait.ge [sflag:s12], $0x400  }
0x13a: {  	[sflag:s12] =	ssyncset.done $0x0  }
0x13b: {  	[sflag:s12] =	ssyncadd.s32 $0xFFFFFC00  }
0x13c: {  	[bflag:$0x0] =	sbarrier.arrive $0xFFFF  }
0x13d: {  	s0 =	rddreg [dreg:$0x8]  }
0x13e: {  	s3 =	simm.s32 @p0 $0x1FCF;
	s5 =	rddreg [dreg:$0xc];
	s0 =	sshrl.u32 @p0 s0, $0x3  }
0x13f: {  	[hbm:s5], [sflag:s3] =	dma.local @p0 [spmem:s0], $0xC08  }
0x140: {  	s0 =	simm.s32 @p0 $0xF  }
0x141: {  	s3 =	stileid.u32;
	_ =	swait.ge @p0 [sflag:s0], $0xC08  }
0x142: {  	s3 =	sshll.u32 @!p0 s3, $0x6;
	[sflag:s0] =	ssyncset.done @p0 $0x0  }
0x143: {  	[sflag:s0] =	ssyncadd.s32 @p0 $0xFFFFF3F8;
	s0 =	sor.u32 @!p0 $0x1C0F, s3;
	s3 =	rddreg [dreg:$0x5]  }
0x144: {  	s5 =	rddreg [dreg:$0xb];
	s3 =	sshrl.u32 @!p0 s3, $0x3  }
0x145: {  	[hbm:s5], [sflag:s0] =	dma.local @!p0 [spmem:s3], $0xC38  }
0x146: {  	s0 =	simm.s32 @!p0 $0xF  }
0x147: {  	_ =	swait.ge @!p0 [sflag:s0], $0xC38  }
0x148: {  	s13 =	sadd.s32 $0x1, s13;
	s24 =	rddreg [dreg:$0xd]  }
0x149: {  	p5 =	sne.s32 s13, s24  }
.Ltmp1:
0x14a: {  	_ = 	snop;
	(pc) =	sbr.rel @p5 .LBB2_1-.Ltmp1, $3  }
0x14b: {  	_ =	sdelay $0x1  }
0x14c: {  	[sflag:s0] =	ssyncset.done @!p0 $0x0  }
0x14d: {  	[sflag:s0] =	ssyncadd.s32 @!p0 $0xFFFFF3C8  }
0x14e: {  	_ =	sfence.sel $0x180000  }
0x14f: {  	[bflag:$0x0] =	sbarrier.arrive $0xFFFF  }
0x150: {  	_ =	strace $0x9000004A  }
0x151: {  	s0 =	stileid.u32;
	[bflag:$0x2] =	sbarrier.arrive $0xFFFF  }
0x152: {  	p0 =	sne.s32 s0, $0x0;
	s0 =	rddreg [dreg:$0x2]  }
0x153: {  	s0 =	sadd.s32 @!p0 $0x100000, s0  }
0x154: {  	[sflag:s0] =	ssyncadd.tile.s32 @!p0 $0x1;
	_ =	shalt  }
.Lfunc_end2:
_tile_overlayer_lowered:
.L_overlay_start_2:
0x155: {  	(tag) =	ssettag $0x2  }
0x156: {  	s0 =	rddreg [dreg:$0x0];
	s2 =	stileid.u32  }
0x157: {  	s1 =	rddreg [dreg:$0x1];
	p0 =	sne.s32 s2, $0x0  }
0x158: {  	s3 =	rddreg [dreg:$0x2];
	[bflag:$0x3] =	sbarrier.arrive $0xFFFF;
	s2 =	simm.s32 @!p0 $0x1C0F  }
0x159: {  	[timem:s3], [sflag:s2] =	dma.local @!p0 [hbm:s0], s1  }
0x15a: {  	s0 =	simm.s32 @!p0 $0xF  }
0x15b: {  	_ =	swait.ge @!p0 [sflag:s0], s1  }
0x15c: {  	s1 =	ssub.s32 @!p0 $0x0, s1;
	[sflag:s0] =	ssyncset.done @!p0 $0x0  }
0x15d: {  	[sflag:s0] =	ssyncadd.s32 @!p0 s1  }
0x15e: {  	[bflag:$0x3] =	sbarrier.arrive $0xFFFF  }
0x15f: {  	_ =	shalt  }

// kernel: kernel.17.cloned.1.call-start
scs
__scs_entry_jumppad:
0x0: {  	(pc) =	sbr.rel $0x88, $3  }
0x1: {  	(tag) =	ssettag $0x0;
	lr =	simm.s32 $0x1  }
0x2: {  	[smem:$0x3F8B] =	sst lr;
	_ =	strace $0xD0000000  }
0x3: {  	_ = 	snop  }
0x4: {  	_ = 	snop  }
0x5: {  	_ = 	snop  }
0x6: {  	_ = 	snop  }
0x7: {  	_ = 	snop  }
__scs_overlays_trampoline_lowered:
0x8: {  	[smem:$0x3F9A] =	sst s0  }
0x9: {  	[smem:$0x3F9B] =	sst s1  }
0xa: {  	[smem:$0x3F9C] =	sst s2  }
0xb: {  	[smem:$0x3F9D] =	sst s3  }
0xc: {  	[smem:$0x3F9E] =	sst s4  }
0xd: {  	[smem:$0x3F9F] =	sst s5  }
0xe: {  	[smem:$0x3FA0] =	sst s6  }
0xf: {  	[smem:$0x3FA1] =	sst s7  }
0x10: {  	[smem:$0x3FA2] =	sst s8  }
0x11: {  	[smem:$0x3FA3] =	sst s9;
	s0 =	simm.s32 @!p0 $0x0  }
0x12: {  	s1 =	sld [smem:$0x3F89];
	s0 =	simm.s32 @p0 $0x1  }
0x13: {  	[smem:$0x3FA4] =	sst s0;
	s0 =	simm.s32 @!p1 $0x0  }
0x14: {  	s2 =	sld [smem:$0x3F88];
	s0 =	simm.s32 @p1 $0x1  }
0x15: {  	[smem:$0x3FA5] =	sst s0;
	s0 =	simm.s32 @!p2 $0x0  }
0x16: {  	s3 =	sld [smem:$0x3FDB];
	s0 =	simm.s32 @p2 $0x1  }
0x17: {  	s4 =	simm.s32 $0x1BF5;
	[smem:$0x3FA7] =	sst s0  }
0x18: {  	s0 =	sld [smem:$0x3F8A];
	_ =	swait.ge [sflag:s4], $0x0  }
0x19: {  	s7 =	sld [smem:$0x3F8B]  }
0x1a: {  	s8 =	sadd.s32 $0xFFFFE003, lr  }
0x1b: {  	s9 =	sadd.s32 $0xFFFFFEF7, lr;
	s5 =	simm.s32 $0xFFFFFFFF;
	p2 =	slt.u32 s8, $0xFFFFF086  }
0x1c: {  	p1 =	slt.u32 s9, $0xF7A;
	s5 =	simm.s32 @!p2 $0x0  }
0x1d: {  	s5 =	simm.s32 @p1 $0x1;
	p0 =	seq.s32 s7, s2  }
0x1e: {  	s7 =	smul.u32 @!p0 $0xF7A, s2;
	p2 =	seq.s32 @!p0 s5, $0x0  }
0x1f: {  	s9 =	smul.u32 $0xF7A, s1;
	s8 =	simm.s32 @!p0 $0x1BF5;
	p2 =	por !p2, p0  }
0x20: {  	[sflag:s8] =	ssyncset.s32 @!p0 $0xFFFFF086;
	s6 =	sadd.s32 @!p0 s3, s7;
	s7 =	simm.s32 @!p0 $0x108  }
0x21: {  	s3 =	sadd.s32 s3, s9;
	s6 =	sadd.s32 @!p0 $0x88, s6;
	s7 =	simm.s32 @p2 $0x1082  }
0x22: {  	[simem:s7], [sflag:s8] =	dma.local @!p0 [hbm:s6], $0xF7A  }
0x23: {  	s9 =	sor.u32 $0xD0000000, s2;
	s6 =	simm.s32 $0x108;
	_ =	swait.ge @!p0 [sflag:s8], $0x0  }
0x24: {  	s3 =	sadd.s32 $0x88, s3;
	s6 =	simm.s32 @!p1 $0x1082;
	[sflag:s4] =	ssyncset.s32 $0xFFFFF086  }
0x25: {  	[simem:s6], [sflag:s4] =	dma.local [hbm:s3], $0xF7A  }
0x26: {  	[smem:$0x3F8B] =	sst s1;
	(tag) =	ssettag s2;
	_ =	strace s9  }
0x27: {  	s1 =	sld [smem:$0x3F9B]  }
0x28: {  	s2 =	sld [smem:$0x3F9C]  }
0x29: {  	s4 =	sld [smem:$0x3F9E]  }
0x2a: {  	p0 =	seq.s32 s5, $0x0;
	s5 =	sld [smem:$0x3F9F]  }
0x2b: {  	s6 =	sld [smem:$0x3FA0]  }
0x2c: {  	s7 =	sld [smem:$0x3FA1]  }
0x2d: {  	s3 =	simm.s32 $0x108;
	s8 =	sld [smem:$0x3FA2]  }
0x2e: {  	s3 =	simm.s32 @!p0 $0x1082;
	s9 =	sld [smem:$0x3FA3]  }
0x2f: {  	lr =	sadd.s32 s0, s3;
	s0 =	sld [smem:$0x3F9A]  }
0x30: {  	s3 =	sld [smem:$0x3F9D]  }
0x31: {  	[smem:$0x3FA6] =	sst s10  }
0x32: {  	s10 =	sld [smem:$0x3FA4];
	_ =	sdelay $0x3  }
0x33: {  	p0 =	seq.s32 s10, $0x1;
	s10 =	sld [smem:$0x3FA6];
	_ =	sdelay $0x3  }
0x34: {  	[smem:$0x3FA6] =	sst s10  }
0x35: {  	s10 =	sld [smem:$0x3FA5];
	_ =	sdelay $0x3  }
0x36: {  	p1 =	seq.s32 s10, $0x1;
	s10 =	sld [smem:$0x3FA6];
	_ =	sdelay $0x3  }
0x37: {  	[smem:$0x3FA6] =	sst s10  }
0x38: {  	s10 =	sld [smem:$0x3FA7]  }
0x39: {  	_ = 	snop;
	(pc) =	sbr.ind lr, $3  }
0x3a: {  	_ = 	snop  }
0x3b: {  	_ = 	snop  }
0x3c: {  	p2 =	seq.s32 s10, $0x1;
	s10 =	sld [smem:$0x3FA6]  }
0x3d: {  	_ =	shalt  }
0x3e: {  	_ =	shalt  }
0x3f: {  	_ =	shalt  }
0x40: {  	_ =	shalt  }
0x41: {  	_ =	shalt  }
0x42: {  	_ =	shalt  }
0x43: {  	_ =	shalt  }
0x44: {  	_ =	shalt  }
0x45: {  	_ =	shalt  }
0x46: {  	_ =	shalt  }
0x47: {  	_ =	shalt  }
0x48: {  	_ =	shalt  }
0x49: {  	_ =	shalt  }
0x4a: {  	_ =	shalt  }
0x4b: {  	_ =	shalt  }
0x4c: {  	_ =	shalt  }
0x4d: {  	_ =	shalt  }
0x4e: {  	_ =	shalt  }
0x4f: {  	_ =	shalt  }
0x50: {  	_ =	shalt  }
0x51: {  	_ =	shalt  }
0x52: {  	_ =	shalt  }
0x53: {  	_ =	shalt  }
0x54: {  	_ =	shalt  }
0x55: {  	_ =	shalt  }
0x56: {  	_ =	shalt  }
0x57: {  	_ =	shalt  }
0x58: {  	_ =	shalt  }
0x59: {  	_ =	shalt  }
0x5a: {  	_ =	shalt  }
0x5b: {  	_ =	shalt  }
0x5c: {  	_ =	shalt  }
0x5d: {  	_ =	shalt  }
0x5e: {  	_ =	shalt  }
0x5f: {  	_ =	shalt  }
0x60: {  	_ =	shalt  }
0x61: {  	_ =	shalt  }
0x62: {  	_ =	shalt  }
0x63: {  	_ =	shalt  }
0x64: {  	_ =	shalt  }
0x65: {  	_ =	shalt  }
0x66: {  	_ =	shalt  }
0x67: {  	_ =	shalt  }
0x68: {  	_ =	shalt  }
0x69: {  	_ =	shalt  }
0x6a: {  	_ =	shalt  }
0x6b: {  	_ =	shalt  }
0x6c: {  	_ =	shalt  }
0x6d: {  	_ =	shalt  }
0x6e: {  	_ =	shalt  }
0x6f: {  	_ =	shalt  }
0x70: {  	_ =	shalt  }
0x71: {  	_ =	shalt  }
0x72: {  	_ =	shalt  }
0x73: {  	_ =	shalt  }
0x74: {  	_ =	shalt  }
0x75: {  	_ =	shalt  }
0x76: {  	_ =	shalt  }
0x77: {  	_ =	shalt  }
0x78: {  	_ =	shalt  }
0x79: {  	_ =	shalt  }
0x7a: {  	_ =	shalt  }
0x7b: {  	_ =	shalt  }
0x7c: {  	_ =	shalt  }
0x7d: {  	_ =	shalt  }
0x7e: {  	_ =	shalt  }
0x7f: {  	_ =	shalt  }
0x80: {  	_ =	shalt  }
0x81: {  	_ =	shalt  }
0x82: {  	_ =	shalt  }
0x83: {  	_ =	shalt  }
0x84: {  	_ =	shalt  }
0x85: {  	_ =	shalt  }
0x86: {  	_ =	shalt  }
0x87: {  	_ =	shalt  }
.Lfunc_end0:
.L_simem_size_0:
called_computation.2_lowered:
.L_overlay_start_0:
0x88: {  	s2 =	sld [smem:$0x3FD9]  }
0x89: {  	s3 =	sld [smem:$0x3FFE];
	_ =	sdelay $0x1  }
0x8a: {  	s1 =	srdreg.scid  }
0x8b: {  	s0 =	sand.u32 $0x1, s1  }
0x8c: {  	s16 =	sshll.u32 s0, $0xA;
	s2 =	sadd.s32 s3, s2  }
0x8d: {  	s2 =	sadd.s32 s2, s16  }
0x8e: {  	[smem:$0x3FB2] =	sst s2  }
0x8f: {  	_ = 	snop  }
0x90: {  	(tm) =	ssettm $0x1  }
0x91: {  	s17 =	sld [smem:$0x3FFB];
	_ =	sdelay $0x3  }
0x92: {  	_ =	strace s17  }
0x93: {  	s2 =	sld [smem:$0x3FFC];
	_ =	sdelay $0x3  }
0x94: {  	_ =	strace s2  }
0x95: {  	s2 =	sld [smem:$0x3FFD];
	_ =	sdelay $0x3  }
0x96: {  	_ =	strace s2  }
0x97: {  	_ =	strace $0x8FFFFFFF  }
0x98: {  	s18 =	sld [smem:$0x3FDB];
	_ =	sdelay $0x1  }
0x99: {  	s19 =	simm.s32 $_scs_section_size  }
0x9a: {  	s4 =	simm.s32 $_size__tile_overlayer_lowered;
	s5 =	simm.s32 $_tile_overlayer_lowered  }
0x9b: {  	s22 =	simm.s32 $0x1BFF;
	s21 =	sshll.u32 s5, $0x1;
	s2 =	sadd.s32 s19, s18  }
0x9c: {  	s6 =	simm.s32 $0x0;
	s20 =	sshll.u32 s4, $0x1;
	s4 =	sadd.s32 s21, s2  }
0x9d: {  	[timem:s6], [sflag:s22] =	dma.local [hbm:s4], s20  }
0x9e: {  	_ =	swait.ge [sflag:s22], s20  }
0x9f: {  	s3 =	ssub.s32 $0x0, s20;
	[sflag:s22] =	ssyncset.done $0x0  }
0xa0: {  	[sflag:s22] =	ssyncadd.s32 s3;
	_ =	sdelay $0x1  }
0xa1: {  	s23 =	simm.s32 $0x1B8B  }
0xa2: {  	_ =	swait.ge [sflag:s23], $0x1  }
0xa3: {  	[sflag:s23] =	ssyncset.done $0x0  }
0xa4: {  	s25 =	simm.s32 $0x1B8E;
	s24 =	sld [smem:$0x3FFE];
	[sflag:s23] =	ssyncadd.s32 $0xFFFFFFFF  }
0xa5: {  	s26 =	simm.s32 $execute0_lowered;
	[smem:$0x3FD2] =	sst s25  }
0xa6: {  	s4 =	sshll.u32 s26, $0x1;
	_ =	strace $0x8000004C;
	[dreg:$0x1] =	wrdreg $0xFFFFFFFF  }
0xa7: {  	s28 =	simm.s32 $_size_execute0_lowered;
	s2 =	sadd.s32 s2, s4;
	[dreg:$0x0] =	wrdreg $0x0  }
0xa8: {  	s4 =	sshll.u32 s28, $0x1;
	[dreg:$0x2] =	wrdreg s2  }
0xa9: {  	[dreg:$0x3] =	wrdreg s4  }
0xaa: {  	[dreg:$0x4] =	wrdreg $0xC0  }
0xab: {  	_ =	task [dreg:s6], $0x5FFFF  }
0xac: {  	[dreg:$0x1] =	wrdreg $0xFFFFFFFF  }
0xad: {  	[dreg:$0x0] =	wrdreg $0x60  }
0xae: {  	[dreg:$0x2] =	wrdreg s24  }
0xaf: {  	[dreg:$0x3] =	wrdreg $0xE0000  }
0xb0: {  	[dreg:$0x4] =	wrdreg $0x9  }
0xb1: {  	_ =	task.clear_ibuf [dreg:s6], $0x5FFFF;
	_ =	strace $0x9000004C  }
0xb2: {  	s29 =	simm.s32 $0x9;
	_ =	strace $0x8000004E  }
0xb3: {  	_ =	swait.ge [sflag:s29], $0x1  }
0xb4: {  	[sflag:s29] =	ssyncadd.s32 $0xFFFFFFFF  }
0xb5: {  	_ =	strace $0x9000004E  }
0xb6: {  	_ =	sfence  }
0xb7: {  	s30 =	sld [smem:$0x0];
	_ =	sdelay $0x2  }
0xb8: {  	s31 =	sshll.u32 s1, $0xD;
	s1 =	sshrl.u32 s1, $0x2  }
0xb9: {  	s3 =	sand.u32 $0x4000, s31;
	s1 =	sadd.s32 s1, s30  }
0xba: {  	s0 =	sor.u32 s3, s0;
	s1 =	sshll.u32 s1, $0x11  }
0xbb: {  	s0 =	sor.u32 s1, s0  }
0xbc: {  	s0 =	sadd.s32 $0x8F2B, s0  }
0xbd: {  	[sflag:s0] =	ssyncadd.remote.s32 $0x1  }
0xbe: {  	_ =	sfence.sel $0xFFFF  }
0xbf: {  	[dreg:$0x0] =	wrdreg $0xFFFFFFFF;
	(pc) =	sbr.abs _section_cstart, $3  }
0xc0: {  	[dreg:$0x1] =	wrdreg $0xFFFFFFFF  }
0xc1: {  	_ =	task.clear_ibuf [dreg:s6], $0x2FFFF;
	_ =	strace $0x9FFFFFFF  }
0xc2: {  	(tm) =	ssettm $0x7FFFFFFF  }
0xc3: {  	_ =	shalt  }
tec
execute0_lowered:
.L_overlay_start_1:
0x0: {  	(tag) =	ssettag $0x1  }
0x1: {  	s0 =	srdreg.scid;
	s1 =	rddreg [dreg:$0x0]  }
0x2: {  	s11 =	stileid.u32;
	s2 =	rddreg [dreg:$0x1]  }
0x3: {  	s4 =	simm.s32 $0x0;
	s30 =	simm.s32 $0xCC00;
	s28 =	simm.s32 $0xD400  }
0x4: {  	s16 =	simm.s32 $0x3;
	s29 =	simm.s32 $0x5;
	s31 =	simm.s32 $0x7  }
0x5: {  	s12 =	simm.s32 $0xE;
	s13 =	simm.s32 $0x0;
	s0 =	sand.u32 $0x1, s0  }
0x6: {  	s3 =	sshll.u32 s11, $0x1;
	[smem:$0x7FF] =	sst s4;
	s5 =	smul.u32 $0x61C0, s11  }
0x7: {  	s4 =	sadd.s32 $0x4200, s1;
	s10 =	sadd.s32 $0x4DA00, s1;
	s23 =	sadd.s32 $0x4CD48, s1  }
0x8: {  	p0 =	seq.s32 s11, $0xF;
	s3 =	sor.u32 s0, s3;
	_ =	strace $0x8000004D  }
0x9: {  	s6 =	ssub.s32 $0x2, s0;
	s22 =	smul.u32 $0x61A80, s0;
	[dreg:$0x9] =	wrdreg s23  }
0xa: {  	p2 =	sne.s32 @p0 s0, $0x0;
	s3 =	smul.u32 $0xC40, s3;
	s7 =	sshrl.u32 s5, $0x3  }
0xb: {  	s8 =	sshrl.u32 s6, $0x1;
	s9 =	sadd.s32 s7, s1;
	s7 =	sadd.s32 s4, s7  }
0xc: {  	s6 =	ssub.s32 s6, s8;
	s8 =	sadd.s32 s5, s2;
	[dreg:$0x7] =	wrdreg s7  }
0xd: {  	p4 =	sne.s32 @!p0 s0, $0x0;
	s9 =	sadd.s32 $0x41600, s9;
	[dreg:$0x5] =	wrdreg s8  }
0xe: {  	s3 =	sadd.s32 s3, s1;
	s1 =	sadd.s32 $0xF948, s1;
	[dreg:$0x6] =	wrdreg s9  }
0xf: {  	p1 =	por !p2, !p0;
	s26 =	smax.u32 s6, $0x1;
	[dreg:$0xa] =	wrdreg s1  }
0x10: {  	p2 =	por p2, !p0;
	s7 =	sadd.s32 $0x5BA40, s2;
	[dreg:$0xd] =	wrdreg s26  }
0x11: {  	p3 =	por !p4, p0;
	s21 =	sadd.s32 $0x10600, s3;
	[dreg:$0x8] =	wrdreg s7  }
0x12: {  	p4 =	por p4, p0;
	s3 =	sadd.s32 $0x28E00, s3;
	[dreg:$0x3] =	wrdreg s21  }
0x13: {  	s5 =	sadd.s32 s5, s22;
	s0 =	sshrl.u32 @!p1 s7, $0x3;
	[dreg:$0x4] =	wrdreg s3  }
0x14: {  	s24 =	sshrl.u32 s5, $0x3;
	[dreg:$0xe] =	wrdreg s0;
	s0 =	sshrl.u32 @!p2 s7, $0x3  }
0x15: {  	s1 =	sadd.s32 s10, s24;
	[dreg:$0xf] =	wrdreg s0;
	s0 =	sshll.u32 @!p3 s11, $0x6  }
0x16: {  	s3 =	sshrl.u32 s22, $0x3;
	[dreg:$0xb] =	wrdreg s1;
	s0 =	sor.u32 @!p3 $0x1C0F, s0  }
0x17: {  	s25 =	sadd.s32 s10, s3;
	[dreg:$0x10] =	wrdreg s0;
	s0 =	sshrl.u32 @!p3 s8, $0x3  }
0x18: {  	s1 =	sadd.s32 $0xB748, s25;
	[dreg:$0x11] =	wrdreg s0;
	s0 =	sshll.u32 @!p4 s11, $0x6  }
0x19: {  	s23 =	simm.s32 $0x1;
	[dreg:$0xc] =	wrdreg s1;
	s0 =	sor.u32 @!p4 $0x1C0F, s0  }
0x1a: {  	s26 =	simm.s32 $0xC400;
	[dreg:$0x12] =	wrdreg s0;
	s0 =	sshrl.u32 @!p4 s8, $0x3  }
0x1b: {  	s25 =	simm.s32 $0x80;
	s1 =	simm.s32 $0xDC00;
	[dreg:$0x13] =	wrdreg s0  }
.LBB2_1:
0x1c: {  	s3 =	rddreg [dreg:$0x3]  }
0x1d: {  	s0 =	simm.s32 $0x0;
	s9 =	rddreg [dreg:$0x4]  }
0x1e: {  	[tilespmem:s0], [sflag:$0x1] =	stream.linear.gather [hbm4b:s3+s0], $0x6200, $0x38;
	[tilespmem:$0x145A8] =	vst v63  }
0x1f: {  	s5 =	simm.s32 $0x6200;
	s6 =	rddreg [dreg:$0xe]  }
0x20: {  	[tilespmem:s5], [sflag:$0x2] =	stream.linear.gather [hbm4b:s9+s0], $0x6200, $0x38;
	[tilespmem:$0x145A8] =	vst v63  }
0x21: {  	s3 =	simm.s32 @!p1 $0x1FCF;
	s5 =	rddreg [dreg:$0x9]  }
0x22: {  	[spmem:s6], [sflag:s3] =	dma.local @!p1 [hbm:s5], $0xC08  }
0x23: {  	s3 =	simm.s32 @!p1 $0xF  }
0x24: {  	_ =	swait.ge @!p1 [sflag:s3], $0xC08  }
0x25: {  	[sflag:s3] =	ssyncset.done @!p1 $0x0;
	s5 =	rddreg [dreg:$0xa]  }
0x26: {  	s6 =	rddreg [dreg:$0xf];
	[sflag:s3] =	ssyncadd.s32 @!p1 $0xFFFFF3F8;
	s3 =	simm.s32 @!p2 $0x1FCF  }
0x27: {  	[spmem:s6], [sflag:s3] =	dma.local @!p2 [hbm:s5], $0xC08  }
0x28: {  	s3 =	simm.s32 @!p2 $0xF  }
0x29: {  	_ =	swait.ge @!p2 [sflag:s3], $0xC08  }
0x2a: {  	s5 =	rddreg [dreg:$0x10]  }
0x2b: {  	[sflag:s3] =	ssyncset.done @!p2 $0x0;
	s6 =	rddreg [dreg:$0x11]  }
0x2c: {  	[sflag:s3] =	ssyncadd.s32 @!p2 $0xFFFFF3F8;
	s3 =	rddreg [dreg:$0x6]  }
0x2d: {  	[spmem:s6], [sflag:s5] =	dma.local @!p3 [hbm:s3], $0xC38  }
0x2e: {  	s3 =	simm.s32 @!p3 $0xF  }
0x2f: {  	_ =	swait.ge @!p3 [sflag:s3], $0xC38  }
0x30: {  	s5 =	rddreg [dreg:$0x12]  }
0x31: {  	[sflag:s3] =	ssyncset.done @!p3 $0x0;
	s6 =	rddreg [dreg:$0x13]  }
0x32: {  	[sflag:s3] =	ssyncadd.s32 @!p3 $0xFFFFF3C8;
	s3 =	rddreg [dreg:$0x7]  }
0x33: {  	[spmem:s6], [sflag:s5] =	dma.local @!p4 [hbm:s3], $0xC38  }
0x34: {  	s3 =	simm.s32 @!p4 $0xF  }
0x35: {  	_ =	swait.ge @!p4 [sflag:s3], $0xC38  }
0x36: {  	[sflag:s3] =	ssyncset.done @!p4 $0x0  }
0x37: {  	[sflag:s3] =	ssyncadd.s32 @!p4 $0xFFFFF3C8  }
0x38: {  	_ =	swait.ge [sflag:s23], $0x6200  }
0x39: {  	[sflag:s23] =	ssyncset.done $0x0  }
0x3a: {  	s10 =	simm.s32 $0x2;
	[sflag:s23] =	ssyncadd.s32 $0xFFFF9E00  }
0x3b: {  	_ =	swait.ge [sflag:s10], $0x6200  }
0x3c: {  	[sflag:s10] =	ssyncset.done $0x0  }
0x3d: {  	[sflag:s10] =	ssyncadd.s32 $0xFFFF9E00  }
0x3e: {  	[bflag:$0x0] =	sbarrier.arrive $0xFFFF  }
0x3f: {  	[tilespmem:s26], [sflag:$0x1] =	stream.indirect.gather [hbm4b:s4+s25], $0x8, s0, s25, $0xb8;
	[tilespmem:$0x145A8] =	vst v63  }
0x40: {  	s11 =	simm.s32 $0xC800  }
0x41: {  	[tilespmem:s11], [sflag:$0x2] =	stream.indirect.gather [hbm4b:s4+s25], $0x8, s25, s25, $0xb8;
	[tilespmem:$0x145A8] =	vst v63  }
0x42: {  	s14 =	simm.s32 $0x100  }
0x43: {  	[tilespmem:s30], [sflag:$0x3] =	stream.indirect.gather [hbm4b:s4+s25], $0x8, s14, s25, $0xb8;
	[tilespmem:$0x145A8] =	vst v63  }
0x44: {  	s15 =	simm.s32 $0x180;
	s17 =	simm.s32 $0xD000  }
0x45: {  	[tilespmem:s17], [sflag:$0x4] =	stream.indirect.gather [hbm4b:s4+s25], $0x8, s15, s25, $0xb8;
	[tilespmem:$0x145A8] =	vst v63  }
0x46: {  	s18 =	simm.s32 $0x200;
	p5 =	por $0x1, $0x1  }
0x47: {  	[tilespmem:s28], [sflag:$0x5] =	stream.indirect.gather [hbm4b:s4+s25], $0x8, s18, s25, $0xb8;
	[tilespmem:$0x145A8] =	vst v63  }
0x48: {  	s19 =	simm.s32 $0x280;
	s20 =	simm.s32 $0xD800;
	s3 =	simm.s32 @!p5 $0xE  }
0x49: {  	[tilespmem:s20], [sflag:$0x6] =	stream.indirect.gather [hbm4b:s4+s25], $0x8, s19, s25, $0xb8;
	[tilespmem:$0x145A8] =	vst v63  }
0x4a: {  	_ =	swait.ge @!p5 [sflag:s3], $0x400  }
0x4b: {  	[sflag:s3] =	ssyncset.done @!p5 $0x0  }
0x4c: {  	s7 =	simm.s32 $0x300;
	[sflag:s3] =	ssyncadd.s32 @!p5 $0xFFFFFC00  }
0x4d: {  	[tilespmem:s1], [sflag:$0x7] =	stream.indirect.gather [hbm4b:s4+s25], $0x8, s7, s25, $0xb8;
	[tilespmem:$0x145A8] =	vst v63  }
0x4e: {  	_ =	swait.ge [sflag:s23], $0x400  }
0x4f: {  	p5 =	por $0x0, $0x0;
	[sflag:s23] =	ssyncset.done $0x0  }
0x50: {  	s21 =	simm.s32 $0x6200;
	s7 =	simm.s32 @p5 $0x2;
	[sflag:s23] =	ssyncadd.s32 $0xFFFFFC00  }
0x51: {  	[spmem:s2] =	stream.indirect.scatter.add.f32 [tilespmem:s26], [sflag:$0x8], $0x8, s21, s25, $0xb8;
	[tilespmem:$0x145A8] =	vst v63  }
0x52: {  	_ =	swait.ge @p5 [sflag:s7], $0x400  }
0x53: {  	s10 =	simm.s32 @p5 $0x6280;
	s3 =	simm.s32 @p5 $0x80;
	[sflag:s7] =	ssyncset.done @p5 $0x0  }
0x54: {  	s14 =	simm.s32 @p5 $0xC800;
	s15 =	simm.s32 @!p5 $0x8;
	[sflag:s7] =	ssyncadd.s32 @p5 $0xFFFFFC00  }
0x55: {  	[spmem:s2] =	stream.indirect.scatter.add.f32 @p5 [tilespmem:s14], [sflag:$0x9], $0x8, s10, s3, $0xb8;
	[tilespmem:$0x145A8] =	vst v63  }
0x56: {  	_ =	swait.ge @!p5 [sflag:s15], $0x400  }
0x57: {  	s7 =	simm.s32 @!p5 $0x80;
	[sflag:s15] =	ssyncset.done @!p5 $0x0  }
0x58: {  	s10 =	simm.s32 @!p5 $0x380;
	s14 =	simm.s32 @!p5 $0xC400;
	[sflag:s15] =	ssyncadd.s32 @!p5 $0xFFFFFC00  }
0x59: {  	[tilespmem:s14], [sflag:$0x1] =	stream.indirect.gather @!p5 [hbm4b:s4+s7], $0x8, s10, s7, $0xb8;
	[tilespmem:$0x145A8] =	vst v63  }
0x5a: {  	s10 =	simm.s32 @!p5 $0x2  }
0x5b: {  	_ =	swait.ge @!p5 [sflag:s10], $0x400  }
0x5c: {  	[sflag:s10] =	ssyncset.done @!p5 $0x0  }
0x5d: {  	s14 =	simm.s32 @!p5 $0x6280;
	[sflag:s10] =	ssyncadd.s32 @!p5 $0xFFFFFC00;
	s10 =	simm.s32 @!p5 $0xC800  }
0x5e: {  	[spmem:s2] =	stream.indirect.scatter.add.f32 @!p5 [tilespmem:s10], [sflag:$0x9], $0x8, s14, s7, $0xb8;
	[tilespmem:$0x145A8] =	vst v63  }
0x5f: {  	s14 =	simm.s32 @!p5 $0x9  }
0x60: {  	_ =	swait.ge @!p5 [sflag:s14], $0x400  }
0x61: {  	[sflag:s14] =	ssyncset.done @!p5 $0x0  }
0x62: {  	[sflag:s14] =	ssyncadd.s32 @!p5 $0xFFFFFC00;
	s14 =	simm.s32 @!p5 $0x400  }
0x63: {  	[tilespmem:s10], [sflag:$0x2] =	stream.indirect.gather @!p5 [hbm4b:s4+s7], $0x8, s14, s7, $0xb8;
	[tilespmem:$0x145A8] =	vst v63  }
0x64: {  	_ =	swait.ge [sflag:s16], $0x400  }
0x65: {  	[sflag:s16] =	ssyncset.done $0x0  }
0x66: {  	s22 =	simm.s32 $0x6300;
	s14 =	simm.s32 @p5 $0x4;
	[sflag:s16] =	ssyncadd.s32 $0xFFFFFC00  }
0x67: {  	[spmem:s2] =	stream.indirect.scatter.add.f32 [tilespmem:s30], [sflag:$0xA], $0x8, s22, s25, $0xb8;
	[tilespmem:$0x145A8] =	vst v63  }
0x68: {  	_ =	swait.ge @p5 [sflag:s14], $0x400  }
0x69: {  	[sflag:s14] =	ssyncset.done @p5 $0x0  }
0x6a: {  	s10 =	simm.s32 @p5 $0x6380;
	[sflag:s14] =	ssyncadd.s32 @p5 $0xFFFFFC00;
	s14 =	simm.s32 @p5 $0xD000  }
0x6b: {  	[spmem:s2] =	stream.indirect.scatter.add.f32 @p5 [tilespmem:s14], [sflag:$0xB], $0x8, s10, s3, $0xb8;
	[tilespmem:$0x145A8] =	vst v63  }
0x6c: {  	s10 =	simm.s32 @!p5 $0xA  }
0x6d: {  	_ =	swait.ge @!p5 [sflag:s10], $0x400  }
0x6e: {  	[sflag:s10] =	ssyncset.done @!p5 $0x0  }
0x6f: {  	s14 =	simm.s32 @!p5 $0x480;
	[sflag:s10] =	ssyncadd.s32 @!p5 $0xFFFFFC00;
	s10 =	simm.s32 @!p5 $0xCC00  }
0x70: {  	[tilespmem:s10], [sflag:$0x3] =	stream.indirect.gather @!p5 [hbm4b:s4+s7], $0x8, s14, s7, $0xb8;
	[tilespmem:$0x145A8] =	vst v63  }
0x71: {  	s10 =	simm.s32 @!p5 $0x4  }
0x72: {  	_ =	swait.ge @!p5 [sflag:s10], $0x400  }
0x73: {  	[sflag:s10] =	ssyncset.done @!p5 $0x0  }
0x74: {  	s14 =	simm.s32 @!p5 $0x6380;
	[sflag:s10] =	ssyncadd.s32 @!p5 $0xFFFFFC00;
	s10 =	simm.s32 @!p5 $0xD000  }
0x75: {  	[spmem:s2] =	stream.indirect.scatter.add.f32 @!p5 [tilespmem:s10], [sflag:$0xB], $0x8, s14, s7, $0xb8;
	[tilespmem:$0x145A8] =	vst v63  }
0x76: {  	s14 =	simm.s32 @!p5 $0xB  }
0x77: {  	_ =	swait.ge @!p5 [sflag:s14], $0x400  }
0x78: {  	[sflag:s14] =	ssyncset.done @!p5 $0x0  }
0x79: {  	[sflag:s14] =	ssyncadd.s32 @!p5 $0xFFFFFC00;
	s14 =	simm.s32 @!p5 $0x500  }
0x7a: {  	[tilespmem:s10], [sflag:$0x4] =	stream.indirect.gather @!p5 [hbm4b:s4+s7], $0x8, s14, s7, $0xb8;
	[tilespmem:$0x145A8] =	vst v63  }
0x7b: {  	_ =	swait.ge [sflag:s29], $0x400  }
0x7c: {  	[sflag:s29] =	ssyncset.done $0x0  }
0x7d: {  	s24 =	simm.s32 $0x6400;
	s14 =	simm.s32 @p5 $0x6;
	[sflag:s29] =	ssyncadd.s32 $0xFFFFFC00  }
0x7e: {  	[spmem:s2] =	stream.indirect.scatter.add.f32 [tilespmem:s28], [sflag:$0xC], $0x8, s24, s25, $0xb8;
	[tilespmem:$0x145A8] =	vst v63  }
0x7f: {  	_ =	swait.ge @p5 [sflag:s14], $0x400  }
0x80: {  	[sflag:s14] =	ssyncset.done @p5 $0x0  }
0x81: {  	s10 =	simm.s32 @p5 $0x6480;
	[sflag:s14] =	ssyncadd.s32 @p5 $0xFFFFFC00;
	s14 =	simm.s32 @p5 $0xD800  }
0x82: {  	[spmem:s2] =	stream.indirect.scatter.add.f32 @p5 [tilespmem:s14], [sflag:$0xD], $0x8, s10, s3, $0xb8;
	[tilespmem:$0x145A8] =	vst v63  }
0x83: {  	s3 =	simm.s32 @!p5 $0xC  }
0x84: {  	_ =	swait.ge @!p5 [sflag:s3], $0x400  }
0x85: {  	[sflag:s3] =	ssyncset.done @!p5 $0x0  }
0x86: {  	s10 =	simm.s32 @!p5 $0x580;
	[sflag:s3] =	ssyncadd.s32 @!p5 $0xFFFFFC00;
	s3 =	simm.s32 @!p5 $0xD400  }
0x87: {  	[tilespmem:s3], [sflag:$0x5] =	stream.indirect.gather @!p5 [hbm4b:s4+s7], $0x8, s10, s7, $0xb8;
	[tilespmem:$0x145A8] =	vst v63  }
0x88: {  	s3 =	simm.s32 @!p5 $0x6  }
0x89: {  	_ =	swait.ge @!p5 [sflag:s3], $0x400  }
0x8a: {  	[sflag:s3] =	ssyncset.done @!p5 $0x0  }
0x8b: {  	s10 =	simm.s32 @!p5 $0x6480;
	[sflag:s3] =	ssyncadd.s32 @!p5 $0xFFFFFC00;
	s3 =	simm.s32 @!p5 $0xD800  }
0x8c: {  	[spmem:s2] =	stream.indirect.scatter.add.f32 @!p5 [tilespmem:s3], [sflag:$0xD], $0x8, s10, s7, $0xb8;
	[tilespmem:$0x145A8] =	vst v63  }
0x8d: {  	s10 =	simm.s32 @!p5 $0xD  }
0x8e: {  	_ =	swait.ge @!p5 [sflag:s10], $0x400  }
0x8f: {  	p6 =	por $0x0, $0x0;
	[sflag:s10] =	ssyncset.done @!p5 $0x0  }
0x90: {  	s17 =	simm.s32 $0xE00;
	[sflag:s10] =	ssyncadd.s32 @!p5 $0xFFFFFC00;
	s10 =	simm.s32 @!p5 $0x600  }
0x91: {  	[tilespmem:s3], [sflag:$0x6] =	stream.indirect.gather @!p5 [hbm4b:s4+s7], $0x8, s10, s7, $0xb8;
	[tilespmem:$0x145A8] =	vst v63  }
0x92: {  	s15 =	simm.s32 $0x6500;
	s14 =	simm.s32 $0x1C00;
	_ =	swait.ge [sflag:s31], $0x400  }
.LBB2_2:
0x93: {  	s7 =	simm.s32 @!p6 $0xE  }
0x94: {  	[sflag:s31] =	ssyncset.done $0x0;
	s3 =	smov.u32 s14;
	s14 =	sadd.s32 $0xE00, s14  }
0x95: {  	p5 =	sne.s32 s14, $0x18800;
	[sflag:s31] =	ssyncadd.s32 $0xFFFFFC00  }
0x96: {  	[spmem:s2] =	stream.indirect.scatter.add.f32 [tilespmem:s1], [sflag:$0xE], $0x8, s15, s25, $0xb8;
	[tilespmem:$0x145A8] =	vst v63  }
0x97: {  	s19 =	sshra.s32 s17, $0x2;
	_ =	swait.ge @!p6 [sflag:s7], $0x400  }
0x98: {  	s10 =	sadd.s32 $0x300, s19;
	s15 =	sadd.s32 $0x6500, s19;
	[sflag:s7] =	ssyncset.done @!p6 $0x0  }
0x99: {  	[sflag:s7] =	ssyncadd.s32 @!p6 $0xFFFFFC00  }
0x9a: {  	[tilespmem:s1], [sflag:$0x7] =	stream.indirect.gather [hbm4b:s4+s25], $0x8, s10, s25, $0xb8;
	[tilespmem:$0x145A8] =	vst v63  }
0x9b: {  	_ =	swait.ge [sflag:s23], $0x400  }
0x9c: {  	s7 =	sadd.s32 $0x6200, s19;
	p6 =	seq.s32 s17, $0x17A00;
	[sflag:s23] =	ssyncset.done $0x0  }
0x9d: {  	s10 =	simm.s32 @p6 $0x2;
	s21 =	sshra.s32 @p6 s17, $0x2;
	[sflag:s23] =	ssyncadd.s32 $0xFFFFFC00  }
0x9e: {  	[spmem:s2] =	stream.indirect.scatter.add.f32 [tilespmem:s26], [sflag:$0x8], $0x8, s7, s25, $0xb8;
	[tilespmem:$0x145A8] =	vst v63  }
0x9f: {  	s17 =	sshra.s32 @!p6 s17, $0x2;
	s7 =	sadd.s32 @p6 $0x6280, s21;
	_ =	swait.ge @p6 [sflag:s10], $0x400  }
0xa0: {  	s20 =	simm.s32 @p6 $0x80;
	s18 =	simm.s32 @p6 $0xC800;
	[sflag:s10] =	ssyncset.done @p6 $0x0  }
0xa1: {  	s22 =	sadd.s32 @!p6 $0x380, s17;
	[sflag:s10] =	ssyncadd.s32 @p6 $0xFFFFFC00;
	s10 =	simm.s32 @!p6 $0x8  }
0xa2: {  	[spmem:s2] =	stream.indirect.scatter.add.f32 @p6 [tilespmem:s18], [sflag:$0x9], $0x8, s7, s20, $0xb8;
	[tilespmem:$0x145A8] =	vst v63  }
0xa3: {  	s0 =	sadd.s32 @!p6 $0x400, s17;
	s7 =	sadd.s32 @!p6 $0x6280, s17;
	_ =	swait.ge @!p6 [sflag:s10], $0x400  }
0xa4: {  	s24 =	simm.s32 @!p6 $0xC400;
	s18 =	simm.s32 @!p6 $0x80;
	[sflag:s10] =	ssyncset.done @!p6 $0x0  }
0xa5: {  	s5 =	sadd.s32 @p6 $0x6380, s21;
	[sflag:s10] =	ssyncadd.s32 @!p6 $0xFFFFFC00;
	s10 =	simm.s32 @!p6 $0x2  }
0xa6: {  	[tilespmem:s24], [sflag:$0x1] =	stream.indirect.gather @!p6 [hbm4b:s4+s18], $0x8, s22, s18, $0xb8;
	[tilespmem:$0x145A8] =	vst v63  }
0xa7: {  	s6 =	sadd.s32 @!p6 $0x480, s17;
	s8 =	sadd.s32 @!p6 $0x6380, s17;
	_ =	swait.ge @!p6 [sflag:s10], $0x400  }
0xa8: {  	s9 =	simm.s32 @!p6 $0xC800;
	s24 =	sadd.s32 @!p6 $0x500, s17;
	[sflag:s10] =	ssyncset.done @!p6 $0x0  }
0xa9: {  	s11 =	simm.s32 @!p6 $0x9;
	[sflag:s10] =	ssyncadd.s32 @!p6 $0xFFFFFC00;
	s10 =	sadd.s32 @p6 $0x6480, s21  }
0xaa: {  	[spmem:s2] =	stream.indirect.scatter.add.f32 @!p6 [tilespmem:s9], [sflag:$0x9], $0x8, s7, s18, $0xb8;
	[tilespmem:$0x145A8] =	vst v63  }
0xab: {  	s22 =	sadd.s32 @!p6 $0x6480, s17;
	s7 =	sadd.s32 @!p6 $0x580, s17;
	_ =	swait.ge @!p6 [sflag:s11], $0x400  }
0xac: {  	s21 =	sadd.s32 @!p6 $0x600, s17;
	s17 =	smov.u32 s3;
	[sflag:s11] =	ssyncset.done @!p6 $0x0  }
0xad: {  	[sflag:s11] =	ssyncadd.s32 @!p6 $0xFFFFFC00  }
0xae: {  	[tilespmem:s9], [sflag:$0x2] =	stream.indirect.gather @!p6 [hbm4b:s4+s18], $0x8, s0, s18, $0xb8;
	[tilespmem:$0x145A8] =	vst v63  }
0xaf: {  	_ =	swait.ge [sflag:s16], $0x400  }
0xb0: {  	s0 =	sadd.s32 $0x6300, s19;
	[sflag:s16] =	ssyncset.done $0x0  }
0xb1: {  	s3 =	simm.s32 @p6 $0x4;
	[sflag:s16] =	ssyncadd.s32 $0xFFFFFC00  }
0xb2: {  	[spmem:s2] =	stream.indirect.scatter.add.f32 [tilespmem:s30], [sflag:$0xA], $0x8, s0, s25, $0xb8;
	[tilespmem:$0x145A8] =	vst v63  }
0xb3: {  	_ =	swait.ge @p6 [sflag:s3], $0x400  }
0xb4: {  	s0 =	simm.s32 @p6 $0xD000;
	[sflag:s3] =	ssyncset.done @p6 $0x0  }
0xb5: {  	[sflag:s3] =	ssyncadd.s32 @p6 $0xFFFFFC00;
	s3 =	simm.s32 @!p6 $0xA  }
0xb6: {  	[spmem:s2] =	stream.indirect.scatter.add.f32 @p6 [tilespmem:s0], [sflag:$0xB], $0x8, s5, s20, $0xb8;
	[tilespmem:$0x145A8] =	vst v63  }
0xb7: {  	_ =	swait.ge @!p6 [sflag:s3], $0x400  }
0xb8: {  	s0 =	simm.s32 @!p6 $0xCC00;
	[sflag:s3] =	ssyncset.done @!p6 $0x0  }
0xb9: {  	[sflag:s3] =	ssyncadd.s32 @!p6 $0xFFFFFC00;
	s3 =	simm.s32 @!p6 $0x4  }
0xba: {  	[tilespmem:s0], [sflag:$0x3] =	stream.indirect.gather @!p6 [hbm4b:s4+s18], $0x8, s6, s18, $0xb8;
	[tilespmem:$0x145A8] =	vst v63  }
0xbb: {  	_ =	swait.ge @!p6 [sflag:s3], $0x400  }
0xbc: {  	s0 =	simm.s32 @!p6 $0xD000;
	[sflag:s3] =	ssyncset.done @!p6 $0x0  }
0xbd: {  	[sflag:s3] =	ssyncadd.s32 @!p6 $0xFFFFFC00;
	s3 =	simm.s32 @!p6 $0xB  }
0xbe: {  	[spmem:s2] =	stream.indirect.scatter.add.f32 @!p6 [tilespmem:s0], [sflag:$0xB], $0x8, s8, s18, $0xb8;
	[tilespmem:$0x145A8] =	vst v63  }
0xbf: {  	_ =	swait.ge @!p6 [sflag:s3], $0x400  }
0xc0: {  	[sflag:s3] =	ssyncset.done @!p6 $0x0  }
0xc1: {  	[sflag:s3] =	ssyncadd.s32 @!p6 $0xFFFFFC00  }
0xc2: {  	[tilespmem:s0], [sflag:$0x4] =	stream.indirect.gather @!p6 [hbm4b:s4+s18], $0x8, s24, s18, $0xb8;
	[tilespmem:$0x145A8] =	vst v63  }
0xc3: {  	_ =	swait.ge [sflag:s29], $0x400  }
0xc4: {  	s0 =	sadd.s32 $0x6400, s19;
	[sflag:s29] =	ssyncset.done $0x0  }
0xc5: {  	s3 =	simm.s32 @p6 $0x6;
	[sflag:s29] =	ssyncadd.s32 $0xFFFFFC00  }
0xc6: {  	[spmem:s2] =	stream.indirect.scatter.add.f32 [tilespmem:s28], [sflag:$0xC], $0x8, s0, s25, $0xb8;
	[tilespmem:$0x145A8] =	vst v63  }
0xc7: {  	_ =	swait.ge @p6 [sflag:s3], $0x400  }
0xc8: {  	s0 =	simm.s32 @p6 $0xD800;
	[sflag:s3] =	ssyncset.done @p6 $0x0  }
0xc9: {  	[sflag:s3] =	ssyncadd.s32 @p6 $0xFFFFFC00;
	s3 =	simm.s32 @!p6 $0xC  }
0xca: {  	[spmem:s2] =	stream.indirect.scatter.add.f32 @p6 [tilespmem:s0], [sflag:$0xD], $0x8, s10, s20, $0xb8;
	[tilespmem:$0x145A8] =	vst v63  }
0xcb: {  	_ =	swait.ge @!p6 [sflag:s3], $0x400  }
0xcc: {  	s0 =	simm.s32 @!p6 $0xD400;
	[sflag:s3] =	ssyncset.done @!p6 $0x0  }
0xcd: {  	[sflag:s3] =	ssyncadd.s32 @!p6 $0xFFFFFC00;
	s3 =	simm.s32 @!p6 $0x6  }
0xce: {  	[tilespmem:s0], [sflag:$0x5] =	stream.indirect.gather @!p6 [hbm4b:s4+s18], $0x8, s7, s18, $0xb8;
	[tilespmem:$0x145A8] =	vst v63  }
0xcf: {  	_ =	swait.ge @!p6 [sflag:s3], $0x400  }
0xd0: {  	s0 =	simm.s32 @!p6 $0xD800;
	[sflag:s3] =	ssyncset.done @!p6 $0x0  }
0xd1: {  	[sflag:s3] =	ssyncadd.s32 @!p6 $0xFFFFFC00;
	s3 =	simm.s32 @!p6 $0xD  }
0xd2: {  	[spmem:s2] =	stream.indirect.scatter.add.f32 @!p6 [tilespmem:s0], [sflag:$0xD], $0x8, s22, s18, $0xb8;
	[tilespmem:$0x145A8] =	vst v63  }
.Ltmp0:
0xd3: {  	_ =	swait.ge @!p6 [sflag:s3], $0x400;
	(pc) =	sbr.rel @p5 .LBB2_2-.Ltmp0, $4  }
0xd4: {  	[sflag:s3] =	ssyncset.done @!p6 $0x0  }
0xd5: {  	[sflag:s3] =	ssyncadd.s32 @!p6 $0xFFFFFC00  }
0xd6: {  	[tilespmem:s0], [sflag:$0x6] =	stream.indirect.gather @!p6 [hbm4b:s4+s18], $0x8, s21, s18, $0xb8;
	[tilespmem:$0x145A8] =	vst v63  }
0xd7: {  	p6 =	seq.s32 s17, $0x0;
	_ =	swait.ge [sflag:s31], $0x400  }
0xd8: {  	[sflag:s31] =	ssyncset.done $0x0  }
0xd9: {  	s0 =	simm.s32 @!p6 $0xE;
	[sflag:s31] =	ssyncadd.s32 $0xFFFFFC00  }
0xda: {  	[spmem:s2] =	stream.indirect.scatter.add.f32 [tilespmem:s1], [sflag:$0xE], $0x8, s15, s25, $0xb8;
	[tilespmem:$0x145A8] =	vst v63  }
0xdb: {  	_ =	swait.ge @!p6 [sflag:s0], $0x400  }
0xdc: {  	s14 =	sshra.s32 s17, $0x2;
	[sflag:s0] =	ssyncset.done @!p6 $0x0  }
0xdd: {  	s3 =	sadd.s32 $0x300, s14;
	[sflag:s0] =	ssyncadd.s32 @!p6 $0xFFFFFC00  }
0xde: {  	[tilespmem:s1], [sflag:$0x7] =	stream.indirect.gather [hbm4b:s4+s25], $0x8, s3, s25, $0xb8;
	[tilespmem:$0x145A8] =	vst v63  }
0xdf: {  	_ =	swait.ge [sflag:s23], $0x400  }
0xe0: {  	p5 =	seq.s32 s17, $0x17A00;
	[sflag:s23] =	ssyncset.done $0x0  }
0xe1: {  	s8 =	sadd.s32 $0x6200, s14;
	s5 =	simm.s32 @p5 $0x2;
	[sflag:s23] =	ssyncadd.s32 $0xFFFFFC00  }
0xe2: {  	[spmem:s2] =	stream.indirect.scatter.add.f32 [tilespmem:s26], [sflag:$0x8], $0x8, s8, s25, $0xb8;
	[tilespmem:$0x145A8] =	vst v63  }
0xe3: {  	s6 =	simm.s32 @p5 $0xC800;
	_ =	swait.ge @p5 [sflag:s5], $0x400  }
0xe4: {  	s15 =	simm.s32 @p5 $0x80;
	s3 =	sshra.s32 @p5 s17, $0x2;
	[sflag:s5] =	ssyncset.done @p5 $0x0  }
0xe5: {  	s0 =	sadd.s32 @p5 $0x6280, s3;
	[sflag:s5] =	ssyncadd.s32 @p5 $0xFFFFFC00;
	s5 =	simm.s32 @!p5 $0x8  }
0xe6: {  	[spmem:s2] =	stream.indirect.scatter.add.f32 @p5 [tilespmem:s6], [sflag:$0x9], $0x8, s0, s15, $0xb8;
	[tilespmem:$0x145A8] =	vst v63  }
0xe7: {  	_ =	swait.ge @!p5 [sflag:s5], $0x400  }
0xe8: {  	s7 =	sshra.s32 @!p5 s17, $0x2;
	s10 =	simm.s32 @!p5 $0x80;
	[sflag:s5] =	ssyncset.done @!p5 $0x0  }
0xe9: {  	s0 =	sadd.s32 @!p5 $0x380, s7;
	[sflag:s5] =	ssyncadd.s32 @!p5 $0xFFFFFC00;
	s5 =	simm.s32 @!p5 $0xC400  }
0xea: {  	[tilespmem:s5], [sflag:$0x1] =	stream.indirect.gather @!p5 [hbm4b:s4+s10], $0x8, s0, s10, $0xb8;
	[tilespmem:$0x145A8] =	vst v63  }
0xeb: {  	s0 =	simm.s32 @!p5 $0x2  }
0xec: {  	_ =	swait.ge @!p5 [sflag:s0], $0x400  }
0xed: {  	[sflag:s0] =	ssyncset.done @!p5 $0x0  }
0xee: {  	s5 =	sadd.s32 @!p5 $0x6280, s7;
	[sflag:s0] =	ssyncadd.s32 @!p5 $0xFFFFFC00;
	s0 =	simm.s32 @!p5 $0xC800  }
0xef: {  	[spmem:s2] =	stream.indirect.scatter.add.f32 @!p5 [tilespmem:s0], [sflag:$0x9], $0x8, s5, s10, $0xb8;
	[tilespmem:$0x145A8] =	vst v63  }
0xf0: {  	s5 =	simm.s32 @!p5 $0x9  }
0xf1: {  	_ =	swait.ge @!p5 [sflag:s5], $0x400  }
0xf2: {  	[sflag:s5] =	ssyncset.done @!p5 $0x0  }
0xf3: {  	[sflag:s5] =	ssyncadd.s32 @!p5 $0xFFFFFC00;
	s5 =	sadd.s32 @!p5 $0x400, s7  }
0xf4: {  	[tilespmem:s0], [sflag:$0x2] =	stream.indirect.gather @!p5 [hbm4b:s4+s10], $0x8, s5, s10, $0xb8;
	[tilespmem:$0x145A8] =	vst v63  }
0xf5: {  	_ =	swait.ge [sflag:s16], $0x400  }
0xf6: {  	[sflag:s16] =	ssyncset.done $0x0  }
0xf7: {  	s9 =	sadd.s32 $0x6300, s14;
	s5 =	simm.s32 @p5 $0x4;
	[sflag:s16] =	ssyncadd.s32 $0xFFFFFC00  }
0xf8: {  	[spmem:s2] =	stream.indirect.scatter.add.f32 [tilespmem:s30], [sflag:$0xA], $0x8, s9, s25, $0xb8;
	[tilespmem:$0x145A8] =	vst v63  }
0xf9: {  	_ =	swait.ge @p5 [sflag:s5], $0x400  }
0xfa: {  	[sflag:s5] =	ssyncset.done @p5 $0x0  }
0xfb: {  	s0 =	sadd.s32 @p5 $0x6380, s3;
	[sflag:s5] =	ssyncadd.s32 @p5 $0xFFFFFC00;
	s5 =	simm.s32 @p5 $0xD000  }
0xfc: {  	[spmem:s2] =	stream.indirect.scatter.add.f32 @p5 [tilespmem:s5], [sflag:$0xB], $0x8, s0, s15, $0xb8;
	[tilespmem:$0x145A8] =	vst v63  }
0xfd: {  	s0 =	simm.s32 @!p5 $0xA  }
0xfe: {  	_ =	swait.ge @!p5 [sflag:s0], $0x400  }
0xff: {  	[sflag:s0] =	ssyncset.done @!p5 $0x0  }
0x100: {  	s5 =	sadd.s32 @!p5 $0x480, s7;
	[sflag:s0] =	ssyncadd.s32 @!p5 $0xFFFFFC00;
	s0 =	simm.s32 @!p5 $0xCC00  }
0x101: {  	[tilespmem:s0], [sflag:$0x3] =	stream.indirect.gather @!p5 [hbm4b:s4+s10], $0x8, s5, s10, $0xb8;
	[tilespmem:$0x145A8] =	vst v63  }
0x102: {  	s0 =	simm.s32 @!p5 $0x4  }
0x103: {  	_ =	swait.ge @!p5 [sflag:s0], $0x400  }
0x104: {  	[sflag:s0] =	ssyncset.done @!p5 $0x0  }
0x105: {  	s5 =	sadd.s32 @!p5 $0x6380, s7;
	[sflag:s0] =	ssyncadd.s32 @!p5 $0xFFFFFC00;
	s0 =	simm.s32 @!p5 $0xD000  }
0x106: {  	[spmem:s2] =	stream.indirect.scatter.add.f32 @!p5 [tilespmem:s0], [sflag:$0xB], $0x8, s5, s10, $0xb8;
	[tilespmem:$0x145A8] =	vst v63  }
0x107: {  	s5 =	simm.s32 @!p5 $0xB  }
0x108: {  	_ =	swait.ge @!p5 [sflag:s5], $0x400  }
0x109: {  	[sflag:s5] =	ssyncset.done @!p5 $0x0  }
0x10a: {  	[sflag:s5] =	ssyncadd.s32 @!p5 $0xFFFFFC00;
	s5 =	sadd.s32 @!p5 $0x500, s7  }
0x10b: {  	[tilespmem:s0], [sflag:$0x4] =	stream.indirect.gather @!p5 [hbm4b:s4+s10], $0x8, s5, s10, $0xb8;
	[tilespmem:$0x145A8] =	vst v63  }
0x10c: {  	_ =	swait.ge [sflag:s29], $0x400  }
0x10d: {  	[sflag:s29] =	ssyncset.done $0x0  }
0x10e: {  	s11 =	sadd.s32 $0x6400, s14;
	s0 =	simm.s32 @p5 $0x6;
	[sflag:s29] =	ssyncadd.s32 $0xFFFFFC00  }
0x10f: {  	[spmem:s2] =	stream.indirect.scatter.add.f32 [tilespmem:s28], [sflag:$0xC], $0x8, s11, s25, $0xb8;
	[tilespmem:$0x145A8] =	vst v63  }
0x110: {  	_ =	swait.ge @p5 [sflag:s0], $0x400  }
0x111: {  	[sflag:s0] =	ssyncset.done @p5 $0x0  }
0x112: {  	s3 =	sadd.s32 @p5 $0x6480, s3;
	[sflag:s0] =	ssyncadd.s32 @p5 $0xFFFFFC00;
	s0 =	simm.s32 @p5 $0xD800  }
0x113: {  	[spmem:s2] =	stream.indirect.scatter.add.f32 @p5 [tilespmem:s0], [sflag:$0xD], $0x8, s3, s15, $0xb8;
	[tilespmem:$0x145A8] =	vst v63  }
0x114: {  	s0 =	simm.s32 @!p5 $0xC  }
0x115: {  	_ =	swait.ge @!p5 [sflag:s0], $0x400  }
0x116: {  	[sflag:s0] =	ssyncset.done @!p5 $0x0  }
0x117: {  	s3 =	sadd.s32 @!p5 $0x580, s7;
	[sflag:s0] =	ssyncadd.s32 @!p5 $0xFFFFFC00;
	s0 =	simm.s32 @!p5 $0xD400  }
0x118: {  	[tilespmem:s0], [sflag:$0x5] =	stream.indirect.gather @!p5 [hbm4b:s4+s10], $0x8, s3, s10, $0xb8;
	[tilespmem:$0x145A8] =	vst v63  }
0x119: {  	s0 =	simm.s32 @!p5 $0x6  }
0x11a: {  	_ =	swait.ge @!p5 [sflag:s0], $0x400  }
0x11b: {  	[sflag:s0] =	ssyncset.done @!p5 $0x0  }
0x11c: {  	s3 =	sadd.s32 @!p5 $0x6480, s7;
	[sflag:s0] =	ssyncadd.s32 @!p5 $0xFFFFFC00;
	s0 =	simm.s32 @!p5 $0xD800  }
0x11d: {  	[spmem:s2] =	stream.indirect.scatter.add.f32 @!p5 [tilespmem:s0], [sflag:$0xD], $0x8, s3, s10, $0xb8;
	[tilespmem:$0x145A8] =	vst v63  }
0x11e: {  	s3 =	simm.s32 @!p5 $0xD  }
0x11f: {  	_ =	swait.ge @!p5 [sflag:s3], $0x400  }
0x120: {  	[sflag:s3] =	ssyncset.done @!p5 $0x0  }
0x121: {  	[sflag:s3] =	ssyncadd.s32 @!p5 $0xFFFFFC00;
	s3 =	sadd.s32 @!p5 $0x600, s7  }
0x122: {  	[tilespmem:s0], [sflag:$0x6] =	stream.indirect.gather @!p5 [hbm4b:s4+s10], $0x8, s3, s10, $0xb8;
	[tilespmem:$0x145A8] =	vst v63  }
0x123: {  	_ =	swait.ge [sflag:s31], $0x400  }
0x124: {  	[sflag:s31] =	ssyncset.done $0x0  }
0x125: {  	s17 =	simm.s32 $0x8;
	s15 =	sadd.s32 $0x6500, s14;
	[sflag:s31] =	ssyncadd.s32 $0xFFFFFC00  }
0x126: {  	[spmem:s2] =	stream.indirect.scatter.add.f32 [tilespmem:s1], [sflag:$0xE], $0x8, s15, s25, $0xb8;
	[tilespmem:$0x145A8] =	vst v63  }
0x127: {  	_ =	swait.ge [sflag:s17], $0x400  }
0x128: {  	[sflag:s17] =	ssyncset.done $0x0  }
0x129: {  	s18 =	simm.s32 $0x9;
	[sflag:s17] =	ssyncadd.s32 $0xFFFFFC00  }
0x12a: {  	_ =	swait.ge [sflag:s18], $0x400  }
0x12b: {  	[sflag:s18] =	ssyncset.done $0x0  }
0x12c: {  	s19 =	simm.s32 $0xA;
	[sflag:s18] =	ssyncadd.s32 $0xFFFFFC00  }
0x12d: {  	_ =	swait.ge [sflag:s19], $0x400  }
0x12e: {  	[sflag:s19] =	ssyncset.done $0x0  }
0x12f: {  	s20 =	simm.s32 $0xB;
	[sflag:s19] =	ssyncadd.s32 $0xFFFFFC00  }
0x130: {  	_ =	swait.ge [sflag:s20], $0x400  }
0x131: {  	[sflag:s20] =	ssyncset.done $0x0  }
0x132: {  	s21 =	simm.s32 $0xC;
	[sflag:s20] =	ssyncadd.s32 $0xFFFFFC00  }
0x133: {  	_ =	swait.ge [sflag:s21], $0x400  }
0x134: {  	[sflag:s21] =	ssyncset.done $0x0  }
0x135: {  	s22 =	simm.s32 $0xD;
	[sflag:s21] =	ssyncadd.s32 $0xFFFFFC00  }
0x136: {  	_ =	swait.ge [sflag:s22], $0x400  }
0x137: {  	[sflag:s22] =	ssyncset.done $0x0  }
0x138: {  	[sflag:s22] =	ssyncadd.s32 $0xFFFFFC00  }
0x139: {  	_ =	swait.ge [sflag:s12], $0x400  }
0x13a: {  	[sflag:s12] =	ssyncset.done $0x0  }
0x13b: {  	[sflag:s12] =	ssyncadd.s32 $0xFFFFFC00  }
0x13c: {  	[bflag:$0x0] =	sbarrier.arrive $0xFFFF  }
0x13d: {  	s0 =	rddreg [dreg:$0x8]  }
0x13e: {  	s3 =	simm.s32 @p0 $0x1FCF;
	s5 =	rddreg [dreg:$0xc];
	s0 =	sshrl.u32 @p0 s0, $0x3  }
0x13f: {  	[hbm:s5], [sflag:s3] =	dma.local @p0 [spmem:s0], $0xC08  }
0x140: {  	s0 =	simm.s32 @p0 $0xF  }
0x141: {  	s3 =	stileid.u32;
	_ =	swait.ge @p0 [sflag:s0], $0xC08  }
0x142: {  	s3 =	sshll.u32 @!p0 s3, $0x6;
	[sflag:s0] =	ssyncset.done @p0 $0x0  }
0x143: {  	[sflag:s0] =	ssyncadd.s32 @p0 $0xFFFFF3F8;
	s0 =	sor.u32 @!p0 $0x1C0F, s3;
	s3 =	rddreg [dreg:$0x5]  }
0x144: {  	s5 =	rddreg [dreg:$0xb];
	s3 =	sshrl.u32 @!p0 s3, $0x3  }
0x145: {  	[hbm:s5], [sflag:s0] =	dma.local @!p0 [spmem:s3], $0xC38  }
0x146: {  	s0 =	simm.s32 @!p0 $0xF  }
0x147: {  	_ =	swait.ge @!p0 [sflag:s0], $0xC38  }
0x148: {  	s13 =	sadd.s32 $0x1, s13;
	s24 =	rddreg [dreg:$0xd]  }
0x149: {  	p5 =	sne.s32 s13, s24  }
.Ltmp1:
0x14a: {  	_ = 	snop;
	(pc) =	sbr.rel @p5 .LBB2_1-.Ltmp1, $3  }
0x14b: {  	_ =	sdelay $0x1  }
0x14c: {  	[sflag:s0] =	ssyncset.done @!p0 $0x0  }
0x14d: {  	[sflag:s0] =	ssyncadd.s32 @!p0 $0xFFFFF3C8  }
0x14e: {  	_ =	sfence.sel $0x180000  }
0x14f: {  	[bflag:$0x0] =	sbarrier.arrive $0xFFFF  }
0x150: {  	_ =	strace $0x9000004D  }
0x151: {  	s0 =	stileid.u32;
	[bflag:$0x2] =	sbarrier.arrive $0xFFFF  }
0x152: {  	p0 =	sne.s32 s0, $0x0;
	s0 =	rddreg [dreg:$0x2]  }
0x153: {  	s0 =	sadd.s32 @!p0 $0x100000, s0  }
0x154: {  	[sflag:s0] =	ssyncadd.tile.s32 @!p0 $0x1;
	_ =	shalt  }
.Lfunc_end2:
_tile_overlayer_lowered:
.L_overlay_start_2:
0x155: {  	(tag) =	ssettag $0x2  }
0x156: {  	s0 =	rddreg [dreg:$0x0];
	s2 =	stileid.u32  }
0x157: {  	s1 =	rddreg [dreg:$0x1];
	p0 =	sne.s32 s2, $0x0  }
0x158: {  	s3 =	rddreg [dreg:$0x2];
	[bflag:$0x3] =	sbarrier.arrive $0xFFFF;
	s2 =	simm.s32 @!p0 $0x1C0F  }
0x159: {  	[timem:s3], [sflag:s2] =	dma.local @!p0 [hbm:s0], s1  }
0x15a: {  	s0 =	simm.s32 @!p0 $0xF  }
0x15b: {  	_ =	swait.ge @!p0 [sflag:s0], s1  }
0x15c: {  	s1 =	ssub.s32 @!p0 $0x0, s1;
	[sflag:s0] =	ssyncset.done @!p0 $0x0  }
0x15d: {  	[sflag:s0] =	ssyncadd.s32 @!p0 s1  }
0x15e: {  	[bflag:$0x3] =	sbarrier.arrive $0xFFFF  }
0x15f: {  	_ =	shalt  }

// kernel: kernel.20.cloned.1.call-start
scs
__scs_entry_jumppad:
0x0: {  	(pc) =	sbr.rel $0x88, $3  }
0x1: {  	(tag) =	ssettag $0x0;
	lr =	simm.s32 $0x1  }
0x2: {  	[smem:$0x3F8B] =	sst lr;
	_ =	strace $0xD0000000  }
0x3: {  	_ = 	snop  }
0x4: {  	_ = 	snop  }
0x5: {  	_ = 	snop  }
0x6: {  	_ = 	snop  }
0x7: {  	_ = 	snop  }
__scs_overlays_trampoline_lowered:
0x8: {  	[smem:$0x3F9A] =	sst s0  }
0x9: {  	[smem:$0x3F9B] =	sst s1  }
0xa: {  	[smem:$0x3F9C] =	sst s2  }
0xb: {  	[smem:$0x3F9D] =	sst s3  }
0xc: {  	[smem:$0x3F9E] =	sst s4  }
0xd: {  	[smem:$0x3F9F] =	sst s5  }
0xe: {  	[smem:$0x3FA0] =	sst s6  }
0xf: {  	[smem:$0x3FA1] =	sst s7  }
0x10: {  	[smem:$0x3FA2] =	sst s8  }
0x11: {  	[smem:$0x3FA3] =	sst s9;
	s0 =	simm.s32 @!p0 $0x0  }
0x12: {  	s1 =	sld [smem:$0x3F89];
	s0 =	simm.s32 @p0 $0x1  }
0x13: {  	[smem:$0x3FA4] =	sst s0;
	s0 =	simm.s32 @!p1 $0x0  }
0x14: {  	s2 =	sld [smem:$0x3F88];
	s0 =	simm.s32 @p1 $0x1  }
0x15: {  	[smem:$0x3FA5] =	sst s0;
	s0 =	simm.s32 @!p2 $0x0  }
0x16: {  	s3 =	sld [smem:$0x3FDB];
	s0 =	simm.s32 @p2 $0x1  }
0x17: {  	s4 =	simm.s32 $0x1BF5;
	[smem:$0x3FA7] =	sst s0  }
0x18: {  	s0 =	sld [smem:$0x3F8A];
	_ =	swait.ge [sflag:s4], $0x0  }
0x19: {  	s7 =	sld [smem:$0x3F8B]  }
0x1a: {  	s8 =	sadd.s32 $0xFFFFE003, lr  }
0x1b: {  	s9 =	sadd.s32 $0xFFFFFEF7, lr;
	s5 =	simm.s32 $0xFFFFFFFF;
	p2 =	slt.u32 s8, $0xFFFFF086  }
0x1c: {  	p1 =	slt.u32 s9, $0xF7A;
	s5 =	simm.s32 @!p2 $0x0  }
0x1d: {  	s5 =	simm.s32 @p1 $0x1;
	p0 =	seq.s32 s7, s2  }
0x1e: {  	s7 =	smul.u32 @!p0 $0xF7A, s2;
	p2 =	seq.s32 @!p0 s5, $0x0  }
0x1f: {  	s9 =	smul.u32 $0xF7A, s1;
	s8 =	simm.s32 @!p0 $0x1BF5;
	p2 =	por !p2, p0  }
0x20: {  	[sflag:s8] =	ssyncset.s32 @!p0 $0xFFFFF086;
	s6 =	sadd.s32 @!p0 s3, s7;
	s7 =	simm.s32 @!p0 $0x108  }
0x21: {  	s3 =	sadd.s32 s3, s9;
	s6 =	sadd.s32 @!p0 $0x88, s6;
	s7 =	simm.s32 @p2 $0x1082  }
0x22: {  	[simem:s7], [sflag:s8] =	dma.local @!p0 [hbm:s6], $0xF7A  }
0x23: {  	s9 =	sor.u32 $0xD0000000, s2;
	s6 =	simm.s32 $0x108;
	_ =	swait.ge @!p0 [sflag:s8], $0x0  }
0x24: {  	s3 =	sadd.s32 $0x88, s3;
	s6 =	simm.s32 @!p1 $0x1082;
	[sflag:s4] =	ssyncset.s32 $0xFFFFF086  }
0x25: {  	[simem:s6], [sflag:s4] =	dma.local [hbm:s3], $0xF7A  }
0x26: {  	[smem:$0x3F8B] =	sst s1;
	(tag) =	ssettag s2;
	_ =	strace s9  }
0x27: {  	s1 =	sld [smem:$0x3F9B]  }
0x28: {  	s2 =	sld [smem:$0x3F9C]  }
0x29: {  	s4 =	sld [smem:$0x3F9E]  }
0x2a: {  	p0 =	seq.s32 s5, $0x0;
	s5 =	sld [smem:$0x3F9F]  }
0x2b: {  	s6 =	sld [smem:$0x3FA0]  }
0x2c: {  	s7 =	sld [smem:$0x3FA1]  }
0x2d: {  	s3 =	simm.s32 $0x108;
	s8 =	sld [smem:$0x3FA2]  }
0x2e: {  	s3 =	simm.s32 @!p0 $0x1082;
	s9 =	sld [smem:$0x3FA3]  }
0x2f: {  	lr =	sadd.s32 s0, s3;
	s0 =	sld [smem:$0x3F9A]  }
0x30: {  	s3 =	sld [smem:$0x3F9D]  }
0x31: {  	[smem:$0x3FA6] =	sst s10  }
0x32: {  	s10 =	sld [smem:$0x3FA4];
	_ =	sdelay $0x3  }
0x33: {  	p0 =	seq.s32 s10, $0x1;
	s10 =	sld [smem:$0x3FA6];
	_ =	sdelay $0x3  }
0x34: {  	[smem:$0x3FA6] =	sst s10  }
0x35: {  	s10 =	sld [smem:$0x3FA5];
	_ =	sdelay $0x3  }
0x36: {  	p1 =	seq.s32 s10, $0x1;
	s10 =	sld [smem:$0x3FA6];
	_ =	sdelay $0x3  }
0x37: {  	[smem:$0x3FA6] =	sst s10  }
0x38: {  	s10 =	sld [smem:$0x3FA7]  }
0x39: {  	_ = 	snop;
	(pc) =	sbr.ind lr, $3  }
0x3a: {  	_ = 	snop  }
0x3b: {  	_ = 	snop  }
0x3c: {  	p2 =	seq.s32 s10, $0x1;
	s10 =	sld [smem:$0x3FA6]  }
0x3d: {  	_ =	shalt  }
0x3e: {  	_ =	shalt  }
0x3f: {  	_ =	shalt  }
0x40: {  	_ =	shalt  }
0x41: {  	_ =	shalt  }
0x42: {  	_ =	shalt  }
0x43: {  	_ =	shalt  }
0x44: {  	_ =	shalt  }
0x45: {  	_ =	shalt  }
0x46: {  	_ =	shalt  }
0x47: {  	_ =	shalt  }
0x48: {  	_ =	shalt  }
0x49: {  	_ =	shalt  }
0x4a: {  	_ =	shalt  }
0x4b: {  	_ =	shalt  }
0x4c: {  	_ =	shalt  }
0x4d: {  	_ =	shalt  }
0x4e: {  	_ =	shalt  }
0x4f: {  	_ =	shalt  }
0x50: {  	_ =	shalt  }
0x51: {  	_ =	shalt  }
0x52: {  	_ =	shalt  }
0x53: {  	_ =	shalt  }
0x54: {  	_ =	shalt  }
0x55: {  	_ =	shalt  }
0x56: {  	_ =	shalt  }
0x57: {  	_ =	shalt  }
0x58: {  	_ =	shalt  }
0x59: {  	_ =	shalt  }
0x5a: {  	_ =	shalt  }
0x5b: {  	_ =	shalt  }
0x5c: {  	_ =	shalt  }
0x5d: {  	_ =	shalt  }
0x5e: {  	_ =	shalt  }
0x5f: {  	_ =	shalt  }
0x60: {  	_ =	shalt  }
0x61: {  	_ =	shalt  }
0x62: {  	_ =	shalt  }
0x63: {  	_ =	shalt  }
0x64: {  	_ =	shalt  }
0x65: {  	_ =	shalt  }
0x66: {  	_ =	shalt  }
0x67: {  	_ =	shalt  }
0x68: {  	_ =	shalt  }
0x69: {  	_ =	shalt  }
0x6a: {  	_ =	shalt  }
0x6b: {  	_ =	shalt  }
0x6c: {  	_ =	shalt  }
0x6d: {  	_ =	shalt  }
0x6e: {  	_ =	shalt  }
0x6f: {  	_ =	shalt  }
0x70: {  	_ =	shalt  }
0x71: {  	_ =	shalt  }
0x72: {  	_ =	shalt  }
0x73: {  	_ =	shalt  }
0x74: {  	_ =	shalt  }
0x75: {  	_ =	shalt  }
0x76: {  	_ =	shalt  }
0x77: {  	_ =	shalt  }
0x78: {  	_ =	shalt  }
0x79: {  	_ =	shalt  }
0x7a: {  	_ =	shalt  }
0x7b: {  	_ =	shalt  }
0x7c: {  	_ =	shalt  }
0x7d: {  	_ =	shalt  }
0x7e: {  	_ =	shalt  }
0x7f: {  	_ =	shalt  }
0x80: {  	_ =	shalt  }
0x81: {  	_ =	shalt  }
0x82: {  	_ =	shalt  }
0x83: {  	_ =	shalt  }
0x84: {  	_ =	shalt  }
0x85: {  	_ =	shalt  }
0x86: {  	_ =	shalt  }
0x87: {  	_ =	shalt  }
.Lfunc_end0:
.L_simem_size_0:
called_computation.3_lowered:
.L_overlay_start_0:
0x88: {  	s2 =	sld [smem:$0x3FD9]  }
0x89: {  	s3 =	sld [smem:$0x3FFE];
	_ =	sdelay $0x1  }
0x8a: {  	s1 =	srdreg.scid  }
0x8b: {  	s0 =	sand.u32 $0x1, s1  }
0x8c: {  	s16 =	sshll.u32 s0, $0xA;
	s2 =	sadd.s32 s3, s2  }
0x8d: {  	s2 =	sadd.s32 s2, s16  }
0x8e: {  	[smem:$0x3FB2] =	sst s2  }
0x8f: {  	_ = 	snop  }
0x90: {  	(tm) =	ssettm $0x1  }
0x91: {  	s17 =	sld [smem:$0x3FFB];
	_ =	sdelay $0x3  }
0x92: {  	_ =	strace s17  }
0x93: {  	s2 =	sld [smem:$0x3FFC];
	_ =	sdelay $0x3  }
0x94: {  	_ =	strace s2  }
0x95: {  	s2 =	sld [smem:$0x3FFD];
	_ =	sdelay $0x3  }
0x96: {  	_ =	strace s2  }
0x97: {  	_ =	strace $0x8FFFFFFF  }
0x98: {  	s18 =	sld [smem:$0x3FDB];
	_ =	sdelay $0x1  }
0x99: {  	s19 =	simm.s32 $_scs_section_size  }
0x9a: {  	s4 =	simm.s32 $_size__tile_overlayer_lowered;
	s5 =	simm.s32 $_tile_overlayer_lowered  }
0x9b: {  	s22 =	simm.s32 $0x1BFF;
	s21 =	sshll.u32 s5, $0x1;
	s2 =	sadd.s32 s19, s18  }
0x9c: {  	s6 =	simm.s32 $0x0;
	s20 =	sshll.u32 s4, $0x1;
	s4 =	sadd.s32 s21, s2  }
0x9d: {  	[timem:s6], [sflag:s22] =	dma.local [hbm:s4], s20  }
0x9e: {  	_ =	swait.ge [sflag:s22], s20  }
0x9f: {  	s3 =	ssub.s32 $0x0, s20;
	[sflag:s22] =	ssyncset.done $0x0  }
0xa0: {  	[sflag:s22] =	ssyncadd.s32 s3;
	_ =	sdelay $0x1  }
0xa1: {  	s23 =	simm.s32 $0x1B8B  }
0xa2: {  	_ =	swait.ge [sflag:s23], $0x1  }
0xa3: {  	[sflag:s23] =	ssyncset.done $0x0  }
0xa4: {  	s25 =	simm.s32 $0x1B8E;
	s24 =	sld [smem:$0x3FFE];
	[sflag:s23] =	ssyncadd.s32 $0xFFFFFFFF  }
0xa5: {  	s26 =	simm.s32 $execute0_lowered;
	[smem:$0x3FD2] =	sst s25  }
0xa6: {  	s4 =	sshll.u32 s26, $0x1;
	_ =	strace $0x8000004F;
	[dreg:$0x1] =	wrdreg $0xFFFFFFFF  }
0xa7: {  	s28 =	simm.s32 $_size_execute0_lowered;
	s2 =	sadd.s32 s2, s4;
	[dreg:$0x0] =	wrdreg $0x0  }
0xa8: {  	s4 =	sshll.u32 s28, $0x1;
	[dreg:$0x2] =	wrdreg s2  }
0xa9: {  	[dreg:$0x3] =	wrdreg s4  }
0xaa: {  	[dreg:$0x4] =	wrdreg $0xC0  }
0xab: {  	_ =	task [dreg:s6], $0x5FFFF  }
0xac: {  	[dreg:$0x1] =	wrdreg $0xFFFFFFFF  }
0xad: {  	[dreg:$0x0] =	wrdreg $0x60  }
0xae: {  	[dreg:$0x2] =	wrdreg s24  }
0xaf: {  	[dreg:$0x3] =	wrdreg $0xE0000  }
0xb0: {  	[dreg:$0x4] =	wrdreg $0x9  }
0xb1: {  	_ =	task.clear_ibuf [dreg:s6], $0x5FFFF;
	_ =	strace $0x9000004F  }
0xb2: {  	s29 =	simm.s32 $0x9;
	_ =	strace $0x80000051  }
0xb3: {  	_ =	swait.ge [sflag:s29], $0x1  }
0xb4: {  	[sflag:s29] =	ssyncadd.s32 $0xFFFFFFFF  }
0xb5: {  	_ =	strace $0x90000051  }
0xb6: {  	_ =	sfence  }
0xb7: {  	s30 =	sld [smem:$0x0];
	_ =	sdelay $0x2  }
0xb8: {  	s31 =	sshll.u32 s1, $0xD;
	s1 =	sshrl.u32 s1, $0x2  }
0xb9: {  	s3 =	sand.u32 $0x4000, s31;
	s1 =	sadd.s32 s1, s30  }
0xba: {  	s0 =	sor.u32 s3, s0;
	s1 =	sshll.u32 s1, $0x11  }
0xbb: {  	s0 =	sor.u32 s1, s0  }
0xbc: {  	s0 =	sadd.s32 $0x8F2B, s0  }
0xbd: {  	[sflag:s0] =	ssyncadd.remote.s32 $0x1  }
0xbe: {  	_ =	sfence.sel $0xFFFF  }
0xbf: {  	[dreg:$0x0] =	wrdreg $0xFFFFFFFF;
	(pc) =	sbr.abs _section_cstart, $3  }
0xc0: {  	[dreg:$0x1] =	wrdreg $0xFFFFFFFF  }
0xc1: {  	_ =	task.clear_ibuf [dreg:s6], $0x2FFFF;
	_ =	strace $0x9FFFFFFF  }
0xc2: {  	(tm) =	ssettm $0x7FFFFFFF  }
0xc3: {  	_ =	shalt  }
tec
execute0_lowered:
.L_overlay_start_1:
0x0: {  	(tag) =	ssettag $0x1  }
0x1: {  	s0 =	srdreg.scid;
	s1 =	rddreg [dreg:$0x0]  }
0x2: {  	s11 =	stileid.u32;
	s2 =	rddreg [dreg:$0x1]  }
0x3: {  	s4 =	simm.s32 $0x0;
	s30 =	simm.s32 $0xCC00;
	s28 =	simm.s32 $0xD400  }
0x4: {  	s16 =	simm.s32 $0x3;
	s29 =	simm.s32 $0x5;
	s31 =	simm.s32 $0x7  }
0x5: {  	s12 =	simm.s32 $0xE;
	s13 =	simm.s32 $0x0;
	s0 =	sand.u32 $0x1, s0  }
0x6: {  	s3 =	sshll.u32 s11, $0x1;
	[smem:$0x7FF] =	sst s4;
	s5 =	smul.u32 $0x61C0, s11  }
0x7: {  	s4 =	sadd.s32 $0x4200, s1;
	s10 =	sadd.s32 $0x4DA00, s1;
	s23 =	sadd.s32 $0x4CD48, s1  }
0x8: {  	p0 =	seq.s32 s11, $0xF;
	s3 =	sor.u32 s0, s3;
	_ =	strace $0x80000050  }
0x9: {  	s6 =	ssub.s32 $0x2, s0;
	s22 =	smul.u32 $0x61A80, s0;
	[dreg:$0x9] =	wrdreg s23  }
0xa: {  	p2 =	sne.s32 @p0 s0, $0x0;
	s3 =	smul.u32 $0xC40, s3;
	s7 =	sshrl.u32 s5, $0x3  }
0xb: {  	s8 =	sshrl.u32 s6, $0x1;
	s9 =	sadd.s32 s7, s1;
	s7 =	sadd.s32 s4, s7  }
0xc: {  	s6 =	ssub.s32 s6, s8;
	s8 =	sadd.s32 s5, s2;
	[dreg:$0x7] =	wrdreg s7  }
0xd: {  	p4 =	sne.s32 @!p0 s0, $0x0;
	s9 =	sadd.s32 $0x41600, s9;
	[dreg:$0x5] =	wrdreg s8  }
0xe: {  	s3 =	sadd.s32 s3, s1;
	s1 =	sadd.s32 $0xF948, s1;
	[dreg:$0x6] =	wrdreg s9  }
0xf: {  	p1 =	por !p2, !p0;
	s26 =	smax.u32 s6, $0x1;
	[dreg:$0xa] =	wrdreg s1  }
0x10: {  	p2 =	por p2, !p0;
	s7 =	sadd.s32 $0x5BA40, s2;
	[dreg:$0xd] =	wrdreg s26  }
0x11: {  	p3 =	por !p4, p0;
	s21 =	sadd.s32 $0x10600, s3;
	[dreg:$0x8] =	wrdreg s7  }
0x12: {  	p4 =	por p4, p0;
	s3 =	sadd.s32 $0x28E00, s3;
	[dreg:$0x3] =	wrdreg s21  }
0x13: {  	s5 =	sadd.s32 s5, s22;
	s0 =	sshrl.u32 @!p1 s7, $0x3;
	[dreg:$0x4] =	wrdreg s3  }
0x14: {  	s24 =	sshrl.u32 s5, $0x3;
	[dreg:$0xe] =	wrdreg s0;
	s0 =	sshrl.u32 @!p2 s7, $0x3  }
0x15: {  	s1 =	sadd.s32 s10, s24;
	[dreg:$0xf] =	wrdreg s0;
	s0 =	sshll.u32 @!p3 s11, $0x6  }
0x16: {  	s3 =	sshrl.u32 s22, $0x3;
	[dreg:$0xb] =	wrdreg s1;
	s0 =	sor.u32 @!p3 $0x1C0F, s0  }
0x17: {  	s25 =	sadd.s32 s10, s3;
	[dreg:$0x10] =	wrdreg s0;
	s0 =	sshrl.u32 @!p3 s8, $0x3  }
0x18: {  	s1 =	sadd.s32 $0xB748, s25;
	[dreg:$0x11] =	wrdreg s0;
	s0 =	sshll.u32 @!p4 s11, $0x6  }
0x19: {  	s23 =	simm.s32 $0x1;
	[dreg:$0xc] =	wrdreg s1;
	s0 =	sor.u32 @!p4 $0x1C0F, s0  }
0x1a: {  	s26 =	simm.s32 $0xC400;
	[dreg:$0x12] =	wrdreg s0;
	s0 =	sshrl.u32 @!p4 s8, $0x3  }
0x1b: {  	s25 =	simm.s32 $0x80;
	s1 =	simm.s32 $0xDC00;
	[dreg:$0x13] =	wrdreg s0  }
.LBB2_1:
0x1c: {  	s3 =	rddreg [dreg:$0x3]  }
0x1d: {  	s0 =	simm.s32 $0x0;
	s9 =	rddreg [dreg:$0x4]  }
0x1e: {  	[tilespmem:s0], [sflag:$0x1] =	stream.linear.gather [hbm4b:s3+s0], $0x6200, $0x38;
	[tilespmem:$0x145A8] =	vst v63  }
0x1f: {  	s5 =	simm.s32 $0x6200;
	s6 =	rddreg [dreg:$0xe]  }
0x20: {  	[tilespmem:s5], [sflag:$0x2] =	stream.linear.gather [hbm4b:s9+s0], $0x6200, $0x38;
	[tilespmem:$0x145A8] =	vst v63  }
0x21: {  	s3 =	simm.s32 @!p1 $0x1FCF;
	s5 =	rddreg [dreg:$0x9]  }
0x22: {  	[spmem:s6], [sflag:s3] =	dma.local @!p1 [hbm:s5], $0xC08  }
0x23: {  	s3 =	simm.s32 @!p1 $0xF  }
0x24: {  	_ =	swait.ge @!p1 [sflag:s3], $0xC08  }
0x25: {  	[sflag:s3] =	ssyncset.done @!p1 $0x0;
	s5 =	rddreg [dreg:$0xa]  }
0x26: {  	s6 =	rddreg [dreg:$0xf];
	[sflag:s3] =	ssyncadd.s32 @!p1 $0xFFFFF3F8;
	s3 =	simm.s32 @!p2 $0x1FCF  }
0x27: {  	[spmem:s6], [sflag:s3] =	dma.local @!p2 [hbm:s5], $0xC08  }
0x28: {  	s3 =	simm.s32 @!p2 $0xF  }
0x29: {  	_ =	swait.ge @!p2 [sflag:s3], $0xC08  }
0x2a: {  	s5 =	rddreg [dreg:$0x10]  }
0x2b: {  	[sflag:s3] =	ssyncset.done @!p2 $0x0;
	s6 =	rddreg [dreg:$0x11]  }
0x2c: {  	[sflag:s3] =	ssyncadd.s32 @!p2 $0xFFFFF3F8;
	s3 =	rddreg [dreg:$0x6]  }
0x2d: {  	[spmem:s6], [sflag:s5] =	dma.local @!p3 [hbm:s3], $0xC38  }
0x2e: {  	s3 =	simm.s32 @!p3 $0xF  }
0x2f: {  	_ =	swait.ge @!p3 [sflag:s3], $0xC38  }
0x30: {  	s5 =	rddreg [dreg:$0x12]  }
0x31: {  	[sflag:s3] =	ssyncset.done @!p3 $0x0;
	s6 =	rddreg [dreg:$0x13]  }
0x32: {  	[sflag:s3] =	ssyncadd.s32 @!p3 $0xFFFFF3C8;
	s3 =	rddreg [dreg:$0x7]  }
0x33: {  	[spmem:s6], [sflag:s5] =	dma.local @!p4 [hbm:s3], $0xC38  }
0x34: {  	s3 =	simm.s32 @!p4 $0xF  }
0x35: {  	_ =	swait.ge @!p4 [sflag:s3], $0xC38  }
0x36: {  	[sflag:s3] =	ssyncset.done @!p4 $0x0  }
0x37: {  	[sflag:s3] =	ssyncadd.s32 @!p4 $0xFFFFF3C8  }
0x38: {  	_ =	swait.ge [sflag:s23], $0x6200  }
0x39: {  	[sflag:s23] =	ssyncset.done $0x0  }
0x3a: {  	s10 =	simm.s32 $0x2;
	[sflag:s23] =	ssyncadd.s32 $0xFFFF9E00  }
0x3b: {  	_ =	swait.ge [sflag:s10], $0x6200  }
0x3c: {  	[sflag:s10] =	ssyncset.done $0x0  }
0x3d: {  	[sflag:s10] =	ssyncadd.s32 $0xFFFF9E00  }
0x3e: {  	[bflag:$0x0] =	sbarrier.arrive $0xFFFF  }
0x3f: {  	[tilespmem:s26], [sflag:$0x1] =	stream.indirect.gather [hbm4b:s4+s25], $0x8, s0, s25, $0xb8;
	[tilespmem:$0x145A8] =	vst v63  }
0x40: {  	s11 =	simm.s32 $0xC800  }
0x41: {  	[tilespmem:s11], [sflag:$0x2] =	stream.indirect.gather [hbm4b:s4+s25], $0x8, s25, s25, $0xb8;
	[tilespmem:$0x145A8] =	vst v63  }
0x42: {  	s14 =	simm.s32 $0x100  }
0x43: {  	[tilespmem:s30], [sflag:$0x3] =	stream.indirect.gather [hbm4b:s4+s25], $0x8, s14, s25, $0xb8;
	[tilespmem:$0x145A8] =	vst v63  }
0x44: {  	s15 =	simm.s32 $0x180;
	s17 =	simm.s32 $0xD000  }
0x45: {  	[tilespmem:s17], [sflag:$0x4] =	stream.indirect.gather [hbm4b:s4+s25], $0x8, s15, s25, $0xb8;
	[tilespmem:$0x145A8] =	vst v63  }
0x46: {  	s18 =	simm.s32 $0x200;
	p5 =	por $0x1, $0x1  }
0x47: {  	[tilespmem:s28], [sflag:$0x5] =	stream.indirect.gather [hbm4b:s4+s25], $0x8, s18, s25, $0xb8;
	[tilespmem:$0x145A8] =	vst v63  }
0x48: {  	s19 =	simm.s32 $0x280;
	s20 =	simm.s32 $0xD800;
	s3 =	simm.s32 @!p5 $0xE  }
0x49: {  	[tilespmem:s20], [sflag:$0x6] =	stream.indirect.gather [hbm4b:s4+s25], $0x8, s19, s25, $0xb8;
	[tilespmem:$0x145A8] =	vst v63  }
0x4a: {  	_ =	swait.ge @!p5 [sflag:s3], $0x400  }
0x4b: {  	[sflag:s3] =	ssyncset.done @!p5 $0x0  }
0x4c: {  	s7 =	simm.s32 $0x300;
	[sflag:s3] =	ssyncadd.s32 @!p5 $0xFFFFFC00  }
0x4d: {  	[tilespmem:s1], [sflag:$0x7] =	stream.indirect.gather [hbm4b:s4+s25], $0x8, s7, s25, $0xb8;
	[tilespmem:$0x145A8] =	vst v63  }
0x4e: {  	_ =	swait.ge [sflag:s23], $0x400  }
0x4f: {  	p5 =	por $0x0, $0x0;
	[sflag:s23] =	ssyncset.done $0x0  }
0x50: {  	s21 =	simm.s32 $0x6200;
	s7 =	simm.s32 @p5 $0x2;
	[sflag:s23] =	ssyncadd.s32 $0xFFFFFC00  }
0x51: {  	[spmem:s2] =	stream.indirect.scatter.add.f32 [tilespmem:s26], [sflag:$0x8], $0x8, s21, s25, $0xb8;
	[tilespmem:$0x145A8] =	vst v63  }
0x52: {  	_ =	swait.ge @p5 [sflag:s7], $0x400  }
0x53: {  	s10 =	simm.s32 @p5 $0x6280;
	s3 =	simm.s32 @p5 $0x80;
	[sflag:s7] =	ssyncset.done @p5 $0x0  }
0x54: {  	s14 =	simm.s32 @p5 $0xC800;
	s15 =	simm.s32 @!p5 $0x8;
	[sflag:s7] =	ssyncadd.s32 @p5 $0xFFFFFC00  }
0x55: {  	[spmem:s2] =	stream.indirect.scatter.add.f32 @p5 [tilespmem:s14], [sflag:$0x9], $0x8, s10, s3, $0xb8;
	[tilespmem:$0x145A8] =	vst v63  }
0x56: {  	_ =	swait.ge @!p5 [sflag:s15], $0x400  }
0x57: {  	s7 =	simm.s32 @!p5 $0x80;
	[sflag:s15] =	ssyncset.done @!p5 $0x0  }
0x58: {  	s10 =	simm.s32 @!p5 $0x380;
	s14 =	simm.s32 @!p5 $0xC400;
	[sflag:s15] =	ssyncadd.s32 @!p5 $0xFFFFFC00  }
0x59: {  	[tilespmem:s14], [sflag:$0x1] =	stream.indirect.gather @!p5 [hbm4b:s4+s7], $0x8, s10, s7, $0xb8;
	[tilespmem:$0x145A8] =	vst v63  }
0x5a: {  	s10 =	simm.s32 @!p5 $0x2  }
0x5b: {  	_ =	swait.ge @!p5 [sflag:s10], $0x400  }
0x5c: {  	[sflag:s10] =	ssyncset.done @!p5 $0x0  }
0x5d: {  	s14 =	simm.s32 @!p5 $0x6280;
	[sflag:s10] =	ssyncadd.s32 @!p5 $0xFFFFFC00;
	s10 =	simm.s32 @!p5 $0xC800  }
0x5e: {  	[spmem:s2] =	stream.indirect.scatter.add.f32 @!p5 [tilespmem:s10], [sflag:$0x9], $0x8, s14, s7, $0xb8;
	[tilespmem:$0x145A8] =	vst v63  }
0x5f: {  	s14 =	simm.s32 @!p5 $0x9  }
0x60: {  	_ =	swait.ge @!p5 [sflag:s14], $0x400  }
0x61: {  	[sflag:s14] =	ssyncset.done @!p5 $0x0  }
0x62: {  	[sflag:s14] =	ssyncadd.s32 @!p5 $0xFFFFFC00;
	s14 =	simm.s32 @!p5 $0x400  }
0x63: {  	[tilespmem:s10], [sflag:$0x2] =	stream.indirect.gather @!p5 [hbm4b:s4+s7], $0x8, s14, s7, $0xb8;
	[tilespmem:$0x145A8] =	vst v63  }
0x64: {  	_ =	swait.ge [sflag:s16], $0x400  }
0x65: {  	[sflag:s16] =	ssyncset.done $0x0  }
0x66: {  	s22 =	simm.s32 $0x6300;
	s14 =	simm.s32 @p5 $0x4;
	[sflag:s16] =	ssyncadd.s32 $0xFFFFFC00  }
0x67: {  	[spmem:s2] =	stream.indirect.scatter.add.f32 [tilespmem:s30], [sflag:$0xA], $0x8, s22, s25, $0xb8;
	[tilespmem:$0x145A8] =	vst v63  }
0x68: {  	_ =	swait.ge @p5 [sflag:s14], $0x400  }
0x69: {  	[sflag:s14] =	ssyncset.done @p5 $0x0  }
0x6a: {  	s10 =	simm.s32 @p5 $0x6380;
	[sflag:s14] =	ssyncadd.s32 @p5 $0xFFFFFC00;
	s14 =	simm.s32 @p5 $0xD000  }
0x6b: {  	[spmem:s2] =	stream.indirect.scatter.add.f32 @p5 [tilespmem:s14], [sflag:$0xB], $0x8, s10, s3, $0xb8;
	[tilespmem:$0x145A8] =	vst v63  }
0x6c: {  	s10 =	simm.s32 @!p5 $0xA  }
0x6d: {  	_ =	swait.ge @!p5 [sflag:s10], $0x400  }
0x6e: {  	[sflag:s10] =	ssyncset.done @!p5 $0x0  }
0x6f: {  	s14 =	simm.s32 @!p5 $0x480;
	[sflag:s10] =	ssyncadd.s32 @!p5 $0xFFFFFC00;
	s10 =	simm.s32 @!p5 $0xCC00  }
0x70: {  	[tilespmem:s10], [sflag:$0x3] =	stream.indirect.gather @!p5 [hbm4b:s4+s7], $0x8, s14, s7, $0xb8;
	[tilespmem:$0x145A8] =	vst v63  }
0x71: {  	s10 =	simm.s32 @!p5 $0x4  }
0x72: {  	_ =	swait.ge @!p5 [sflag:s10], $0x400  }
0x73: {  	[sflag:s10] =	ssyncset.done @!p5 $0x0  }
0x74: {  	s14 =	simm.s32 @!p5 $0x6380;
	[sflag:s10] =	ssyncadd.s32 @!p5 $0xFFFFFC00;
	s10 =	simm.s32 @!p5 $0xD000  }
0x75: {  	[spmem:s2] =	stream.indirect.scatter.add.f32 @!p5 [tilespmem:s10], [sflag:$0xB], $0x8, s14, s7, $0xb8;
	[tilespmem:$0x145A8] =	vst v63  }
0x76: {  	s14 =	simm.s32 @!p5 $0xB  }
0x77: {  	_ =	swait.ge @!p5 [sflag:s14], $0x400  }
0x78: {  	[sflag:s14] =	ssyncset.done @!p5 $0x0  }
0x79: {  	[sflag:s14] =	ssyncadd.s32 @!p5 $0xFFFFFC00;
	s14 =	simm.s32 @!p5 $0x500  }
0x7a: {  	[tilespmem:s10], [sflag:$0x4] =	stream.indirect.gather @!p5 [hbm4b:s4+s7], $0x8, s14, s7, $0xb8;
	[tilespmem:$0x145A8] =	vst v63  }
0x7b: {  	_ =	swait.ge [sflag:s29], $0x400  }
0x7c: {  	[sflag:s29] =	ssyncset.done $0x0  }
0x7d: {  	s24 =	simm.s32 $0x6400;
	s14 =	simm.s32 @p5 $0x6;
	[sflag:s29] =	ssyncadd.s32 $0xFFFFFC00  }
0x7e: {  	[spmem:s2] =	stream.indirect.scatter.add.f32 [tilespmem:s28], [sflag:$0xC], $0x8, s24, s25, $0xb8;
	[tilespmem:$0x145A8] =	vst v63  }
0x7f: {  	_ =	swait.ge @p5 [sflag:s14], $0x400  }
0x80: {  	[sflag:s14] =	ssyncset.done @p5 $0x0  }
0x81: {  	s10 =	simm.s32 @p5 $0x6480;
	[sflag:s14] =	ssyncadd.s32 @p5 $0xFFFFFC00;
	s14 =	simm.s32 @p5 $0xD800  }
0x82: {  	[spmem:s2] =	stream.indirect.scatter.add.f32 @p5 [tilespmem:s14], [sflag:$0xD], $0x8, s10, s3, $0xb8;
	[tilespmem:$0x145A8] =	vst v63  }
0x83: {  	s3 =	simm.s32 @!p5 $0xC  }
0x84: {  	_ =	swait.ge @!p5 [sflag:s3], $0x400  }
0x85: {  	[sflag:s3] =	ssyncset.done @!p5 $0x0  }
0x86: {  	s10 =	simm.s32 @!p5 $0x580;
	[sflag:s3] =	ssyncadd.s32 @!p5 $0xFFFFFC00;
	s3 =	simm.s32 @!p5 $0xD400  }
0x87: {  	[tilespmem:s3], [sflag:$0x5] =	stream.indirect.gather @!p5 [hbm4b:s4+s7], $0x8, s10, s7, $0xb8;
	[tilespmem:$0x145A8] =	vst v63  }
0x88: {  	s3 =	simm.s32 @!p5 $0x6  }
0x89: {  	_ =	swait.ge @!p5 [sflag:s3], $0x400  }
0x8a: {  	[sflag:s3] =	ssyncset.done @!p5 $0x0  }
0x8b: {  	s10 =	simm.s32 @!p5 $0x6480;
	[sflag:s3] =	ssyncadd.s32 @!p5 $0xFFFFFC00;
	s3 =	simm.s32 @!p5 $0xD800  }
0x8c: {  	[spmem:s2] =	stream.indirect.scatter.add.f32 @!p5 [tilespmem:s3], [sflag:$0xD], $0x8, s10, s7, $0xb8;
	[tilespmem:$0x145A8] =	vst v63  }
0x8d: {  	s10 =	simm.s32 @!p5 $0xD  }
0x8e: {  	_ =	swait.ge @!p5 [sflag:s10], $0x400  }
0x8f: {  	p6 =	por $0x0, $0x0;
	[sflag:s10] =	ssyncset.done @!p5 $0x0  }
0x90: {  	s17 =	simm.s32 $0xE00;
	[sflag:s10] =	ssyncadd.s32 @!p5 $0xFFFFFC00;
	s10 =	simm.s32 @!p5 $0x600  }
0x91: {  	[tilespmem:s3], [sflag:$0x6] =	stream.indirect.gather @!p5 [hbm4b:s4+s7], $0x8, s10, s7, $0xb8;
	[tilespmem:$0x145A8] =	vst v63  }
0x92: {  	s15 =	simm.s32 $0x6500;
	s14 =	simm.s32 $0x1C00;
	_ =	swait.ge [sflag:s31], $0x400  }
.LBB2_2:
0x93: {  	s7 =	simm.s32 @!p6 $0xE  }
0x94: {  	[sflag:s31] =	ssyncset.done $0x0;
	s3 =	smov.u32 s14;
	s14 =	sadd.s32 $0xE00, s14  }
0x95: {  	p5 =	sne.s32 s14, $0x18800;
	[sflag:s31] =	ssyncadd.s32 $0xFFFFFC00  }
0x96: {  	[spmem:s2] =	stream.indirect.scatter.add.f32 [tilespmem:s1], [sflag:$0xE], $0x8, s15, s25, $0xb8;
	[tilespmem:$0x145A8] =	vst v63  }
0x97: {  	s19 =	sshra.s32 s17, $0x2;
	_ =	swait.ge @!p6 [sflag:s7], $0x400  }
0x98: {  	s10 =	sadd.s32 $0x300, s19;
	s15 =	sadd.s32 $0x6500, s19;
	[sflag:s7] =	ssyncset.done @!p6 $0x0  }
0x99: {  	[sflag:s7] =	ssyncadd.s32 @!p6 $0xFFFFFC00  }
0x9a: {  	[tilespmem:s1], [sflag:$0x7] =	stream.indirect.gather [hbm4b:s4+s25], $0x8, s10, s25, $0xb8;
	[tilespmem:$0x145A8] =	vst v63  }
0x9b: {  	_ =	swait.ge [sflag:s23], $0x400  }
0x9c: {  	s7 =	sadd.s32 $0x6200, s19;
	p6 =	seq.s32 s17, $0x17A00;
	[sflag:s23] =	ssyncset.done $0x0  }
0x9d: {  	s10 =	simm.s32 @p6 $0x2;
	s21 =	sshra.s32 @p6 s17, $0x2;
	[sflag:s23] =	ssyncadd.s32 $0xFFFFFC00  }
0x9e: {  	[spmem:s2] =	stream.indirect.scatter.add.f32 [tilespmem:s26], [sflag:$0x8], $0x8, s7, s25, $0xb8;
	[tilespmem:$0x145A8] =	vst v63  }
0x9f: {  	s17 =	sshra.s32 @!p6 s17, $0x2;
	s7 =	sadd.s32 @p6 $0x6280, s21;
	_ =	swait.ge @p6 [sflag:s10], $0x400  }
0xa0: {  	s20 =	simm.s32 @p6 $0x80;
	s18 =	simm.s32 @p6 $0xC800;
	[sflag:s10] =	ssyncset.done @p6 $0x0  }
0xa1: {  	s22 =	sadd.s32 @!p6 $0x380, s17;
	[sflag:s10] =	ssyncadd.s32 @p6 $0xFFFFFC00;
	s10 =	simm.s32 @!p6 $0x8  }
0xa2: {  	[spmem:s2] =	stream.indirect.scatter.add.f32 @p6 [tilespmem:s18], [sflag:$0x9], $0x8, s7, s20, $0xb8;
	[tilespmem:$0x145A8] =	vst v63  }
0xa3: {  	s0 =	sadd.s32 @!p6 $0x400, s17;
	s7 =	sadd.s32 @!p6 $0x6280, s17;
	_ =	swait.ge @!p6 [sflag:s10], $0x400  }
0xa4: {  	s24 =	simm.s32 @!p6 $0xC400;
	s18 =	simm.s32 @!p6 $0x80;
	[sflag:s10] =	ssyncset.done @!p6 $0x0  }
0xa5: {  	s5 =	sadd.s32 @p6 $0x6380, s21;
	[sflag:s10] =	ssyncadd.s32 @!p6 $0xFFFFFC00;
	s10 =	simm.s32 @!p6 $0x2  }
0xa6: {  	[tilespmem:s24], [sflag:$0x1] =	stream.indirect.gather @!p6 [hbm4b:s4+s18], $0x8, s22, s18, $0xb8;
	[tilespmem:$0x145A8] =	vst v63  }
0xa7: {  	s6 =	sadd.s32 @!p6 $0x480, s17;
	s8 =	sadd.s32 @!p6 $0x6380, s17;
	_ =	swait.ge @!p6 [sflag:s10], $0x400  }
0xa8: {  	s9 =	simm.s32 @!p6 $0xC800;
	s24 =	sadd.s32 @!p6 $0x500, s17;
	[sflag:s10] =	ssyncset.done @!p6 $0x0  }
0xa9: {  	s11 =	simm.s32 @!p6 $0x9;
	[sflag:s10] =	ssyncadd.s32 @!p6 $0xFFFFFC00;
	s10 =	sadd.s32 @p6 $0x6480, s21  }
0xaa: {  	[spmem:s2] =	stream.indirect.scatter.add.f32 @!p6 [tilespmem:s9], [sflag:$0x9], $0x8, s7, s18, $0xb8;
	[tilespmem:$0x145A8] =	vst v63  }
0xab: {  	s22 =	sadd.s32 @!p6 $0x6480, s17;
	s7 =	sadd.s32 @!p6 $0x580, s17;
	_ =	swait.ge @!p6 [sflag:s11], $0x400  }
0xac: {  	s21 =	sadd.s32 @!p6 $0x600, s17;
	s17 =	smov.u32 s3;
	[sflag:s11] =	ssyncset.done @!p6 $0x0  }
0xad: {  	[sflag:s11] =	ssyncadd.s32 @!p6 $0xFFFFFC00  }
0xae: {  	[tilespmem:s9], [sflag:$0x2] =	stream.indirect.gather @!p6 [hbm4b:s4+s18], $0x8, s0, s18, $0xb8;
	[tilespmem:$0x145A8] =	vst v63  }
0xaf: {  	_ =	swait.ge [sflag:s16], $0x400  }
0xb0: {  	s0 =	sadd.s32 $0x6300, s19;
	[sflag:s16] =	ssyncset.done $0x0  }
0xb1: {  	s3 =	simm.s32 @p6 $0x4;
	[sflag:s16] =	ssyncadd.s32 $0xFFFFFC00  }
0xb2: {  	[spmem:s2] =	stream.indirect.scatter.add.f32 [tilespmem:s30], [sflag:$0xA], $0x8, s0, s25, $0xb8;
	[tilespmem:$0x145A8] =	vst v63  }
0xb3: {  	_ =	swait.ge @p6 [sflag:s3], $0x400  }
0xb4: {  	s0 =	simm.s32 @p6 $0xD000;
	[sflag:s3] =	ssyncset.done @p6 $0x0  }
0xb5: {  	[sflag:s3] =	ssyncadd.s32 @p6 $0xFFFFFC00;
	s3 =	simm.s32 @!p6 $0xA  }
0xb6: {  	[spmem:s2] =	stream.indirect.scatter.add.f32 @p6 [tilespmem:s0], [sflag:$0xB], $0x8, s5, s20, $0xb8;
	[tilespmem:$0x145A8] =	vst v63  }
0xb7: {  	_ =	swait.ge @!p6 [sflag:s3], $0x400  }
0xb8: {  	s0 =	simm.s32 @!p6 $0xCC00;
	[sflag:s3] =	ssyncset.done @!p6 $0x0  }
0xb9: {  	[sflag:s3] =	ssyncadd.s32 @!p6 $0xFFFFFC00;
	s3 =	simm.s32 @!p6 $0x4  }
0xba: {  	[tilespmem:s0], [sflag:$0x3] =	stream.indirect.gather @!p6 [hbm4b:s4+s18], $0x8, s6, s18, $0xb8;
	[tilespmem:$0x145A8] =	vst v63  }
0xbb: {  	_ =	swait.ge @!p6 [sflag:s3], $0x400  }
0xbc: {  	s0 =	simm.s32 @!p6 $0xD000;
	[sflag:s3] =	ssyncset.done @!p6 $0x0  }
0xbd: {  	[sflag:s3] =	ssyncadd.s32 @!p6 $0xFFFFFC00;
	s3 =	simm.s32 @!p6 $0xB  }
0xbe: {  	[spmem:s2] =	stream.indirect.scatter.add.f32 @!p6 [tilespmem:s0], [sflag:$0xB], $0x8, s8, s18, $0xb8;
	[tilespmem:$0x145A8] =	vst v63  }
0xbf: {  	_ =	swait.ge @!p6 [sflag:s3], $0x400  }
0xc0: {  	[sflag:s3] =	ssyncset.done @!p6 $0x0  }
0xc1: {  	[sflag:s3] =	ssyncadd.s32 @!p6 $0xFFFFFC00  }
0xc2: {  	[tilespmem:s0], [sflag:$0x4] =	stream.indirect.gather @!p6 [hbm4b:s4+s18], $0x8, s24, s18, $0xb8;
	[tilespmem:$0x145A8] =	vst v63  }
0xc3: {  	_ =	swait.ge [sflag:s29], $0x400  }
0xc4: {  	s0 =	sadd.s32 $0x6400, s19;
	[sflag:s29] =	ssyncset.done $0x0  }
0xc5: {  	s3 =	simm.s32 @p6 $0x6;
	[sflag:s29] =	ssyncadd.s32 $0xFFFFFC00  }
0xc6: {  	[spmem:s2] =	stream.indirect.scatter.add.f32 [tilespmem:s28], [sflag:$0xC], $0x8, s0, s25, $0xb8;
	[tilespmem:$0x145A8] =	vst v63  }
0xc7: {  	_ =	swait.ge @p6 [sflag:s3], $0x400  }
0xc8: {  	s0 =	simm.s32 @p6 $0xD800;
	[sflag:s3] =	ssyncset.done @p6 $0x0  }
0xc9: {  	[sflag:s3] =	ssyncadd.s32 @p6 $0xFFFFFC00;
	s3 =	simm.s32 @!p6 $0xC  }
0xca: {  	[spmem:s2] =	stream.indirect.scatter.add.f32 @p6 [tilespmem:s0], [sflag:$0xD], $0x8, s10, s20, $0xb8;
	[tilespmem:$0x145A8] =	vst v63  }
0xcb: {  	_ =	swait.ge @!p6 [sflag:s3], $0x400  }
0xcc: {  	s0 =	simm.s32 @!p6 $0xD400;
	[sflag:s3] =	ssyncset.done @!p6 $0x0  }
0xcd: {  	[sflag:s3] =	ssyncadd.s32 @!p6 $0xFFFFFC00;
	s3 =	simm.s32 @!p6 $0x6  }
0xce: {  	[tilespmem:s0], [sflag:$0x5] =	stream.indirect.gather @!p6 [hbm4b:s4+s18], $0x8, s7, s18, $0xb8;
	[tilespmem:$0x145A8] =	vst v63  }
0xcf: {  	_ =	swait.ge @!p6 [sflag:s3], $0x400  }
0xd0: {  	s0 =	simm.s32 @!p6 $0xD800;
	[sflag:s3] =	ssyncset.done @!p6 $0x0  }
0xd1: {  	[sflag:s3] =	ssyncadd.s32 @!p6 $0xFFFFFC00;
	s3 =	simm.s32 @!p6 $0xD  }
0xd2: {  	[spmem:s2] =	stream.indirect.scatter.add.f32 @!p6 [tilespmem:s0], [sflag:$0xD], $0x8, s22, s18, $0xb8;
	[tilespmem:$0x145A8] =	vst v63  }
.Ltmp0:
0xd3: {  	_ =	swait.ge @!p6 [sflag:s3], $0x400;
	(pc) =	sbr.rel @p5 .LBB2_2-.Ltmp0, $4  }
0xd4: {  	[sflag:s3] =	ssyncset.done @!p6 $0x0  }
0xd5: {  	[sflag:s3] =	ssyncadd.s32 @!p6 $0xFFFFFC00  }
0xd6: {  	[tilespmem:s0], [sflag:$0x6] =	stream.indirect.gather @!p6 [hbm4b:s4+s18], $0x8, s21, s18, $0xb8;
	[tilespmem:$0x145A8] =	vst v63  }
0xd7: {  	p6 =	seq.s32 s17, $0x0;
	_ =	swait.ge [sflag:s31], $0x400  }
0xd8: {  	[sflag:s31] =	ssyncset.done $0x0  }
0xd9: {  	s0 =	simm.s32 @!p6 $0xE;
	[sflag:s31] =	ssyncadd.s32 $0xFFFFFC00  }
0xda: {  	[spmem:s2] =	stream.indirect.scatter.add.f32 [tilespmem:s1], [sflag:$0xE], $0x8, s15, s25, $0xb8;
	[tilespmem:$0x145A8] =	vst v63  }
0xdb: {  	_ =	swait.ge @!p6 [sflag:s0], $0x400  }
0xdc: {  	s14 =	sshra.s32 s17, $0x2;
	[sflag:s0] =	ssyncset.done @!p6 $0x0  }
0xdd: {  	s3 =	sadd.s32 $0x300, s14;
	[sflag:s0] =	ssyncadd.s32 @!p6 $0xFFFFFC00  }
0xde: {  	[tilespmem:s1], [sflag:$0x7] =	stream.indirect.gather [hbm4b:s4+s25], $0x8, s3, s25, $0xb8;
	[tilespmem:$0x145A8] =	vst v63  }
0xdf: {  	_ =	swait.ge [sflag:s23], $0x400  }
0xe0: {  	p5 =	seq.s32 s17, $0x17A00;
	[sflag:s23] =	ssyncset.done $0x0  }
0xe1: {  	s8 =	sadd.s32 $0x6200, s14;
	s5 =	simm.s32 @p5 $0x2;
	[sflag:s23] =	ssyncadd.s32 $0xFFFFFC00  }
0xe2: {  	[spmem:s2] =	stream.indirect.scatter.add.f32 [tilespmem:s26], [sflag:$0x8], $0x8, s8, s25, $0xb8;
	[tilespmem:$0x145A8] =	vst v63  }
0xe3: {  	s6 =	simm.s32 @p5 $0xC800;
	_ =	swait.ge @p5 [sflag:s5], $0x400  }
0xe4: {  	s15 =	simm.s32 @p5 $0x80;
	s3 =	sshra.s32 @p5 s17, $0x2;
	[sflag:s5] =	ssyncset.done @p5 $0x0  }
0xe5: {  	s0 =	sadd.s32 @p5 $0x6280, s3;
	[sflag:s5] =	ssyncadd.s32 @p5 $0xFFFFFC00;
	s5 =	simm.s32 @!p5 $0x8  }
0xe6: {  	[spmem:s2] =	stream.indirect.scatter.add.f32 @p5 [tilespmem:s6], [sflag:$0x9], $0x8, s0, s15, $0xb8;
	[tilespmem:$0x145A8] =	vst v63  }
0xe7: {  	_ =	swait.ge @!p5 [sflag:s5], $0x400  }
0xe8: {  	s7 =	sshra.s32 @!p5 s17, $0x2;
	s10 =	simm.s32 @!p5 $0x80;
	[sflag:s5] =	ssyncset.done @!p5 $0x0  }
0xe9: {  	s0 =	sadd.s32 @!p5 $0x380, s7;
	[sflag:s5] =	ssyncadd.s32 @!p5 $0xFFFFFC00;
	s5 =	simm.s32 @!p5 $0xC400  }
0xea: {  	[tilespmem:s5], [sflag:$0x1] =	stream.indirect.gather @!p5 [hbm4b:s4+s10], $0x8, s0, s10, $0xb8;
	[tilespmem:$0x145A8] =	vst v63  }
0xeb: {  	s0 =	simm.s32 @!p5 $0x2  }
0xec: {  	_ =	swait.ge @!p5 [sflag:s0], $0x400  }
0xed: {  	[sflag:s0] =	ssyncset.done @!p5 $0x0  }
0xee: {  	s5 =	sadd.s32 @!p5 $0x6280, s7;
	[sflag:s0] =	ssyncadd.s32 @!p5 $0xFFFFFC00;
	s0 =	simm.s32 @!p5 $0xC800  }
0xef: {  	[spmem:s2] =	stream.indirect.scatter.add.f32 @!p5 [tilespmem:s0], [sflag:$0x9], $0x8, s5, s10, $0xb8;
	[tilespmem:$0x145A8] =	vst v63  }
0xf0: {  	s5 =	simm.s32 @!p5 $0x9  }
0xf1: {  	_ =	swait.ge @!p5 [sflag:s5], $0x400  }
0xf2: {  	[sflag:s5] =	ssyncset.done @!p5 $0x0  }
0xf3: {  	[sflag:s5] =	ssyncadd.s32 @!p5 $0xFFFFFC00;
	s5 =	sadd.s32 @!p5 $0x400, s7  }
0xf4: {  	[tilespmem:s0], [sflag:$0x2] =	stream.indirect.gather @!p5 [hbm4b:s4+s10], $0x8, s5, s10, $0xb8;
	[tilespmem:$0x145A8] =	vst v63  }
0xf5: {  	_ =	swait.ge [sflag:s16], $0x400  }
0xf6: {  	[sflag:s16] =	ssyncset.done $0x0  }
0xf7: {  	s9 =	sadd.s32 $0x6300, s14;
	s5 =	simm.s32 @p5 $0x4;
	[sflag:s16] =	ssyncadd.s32 $0xFFFFFC00  }
0xf8: {  	[spmem:s2] =	stream.indirect.scatter.add.f32 [tilespmem:s30], [sflag:$0xA], $0x8, s9, s25, $0xb8;
	[tilespmem:$0x145A8] =	vst v63  }
0xf9: {  	_ =	swait.ge @p5 [sflag:s5], $0x400  }
0xfa: {  	[sflag:s5] =	ssyncset.done @p5 $0x0  }
0xfb: {  	s0 =	sadd.s32 @p5 $0x6380, s3;
	[sflag:s5] =	ssyncadd.s32 @p5 $0xFFFFFC00;
	s5 =	simm.s32 @p5 $0xD000  }
0xfc: {  	[spmem:s2] =	stream.indirect.scatter.add.f32 @p5 [tilespmem:s5], [sflag:$0xB], $0x8, s0, s15, $0xb8;
	[tilespmem:$0x145A8] =	vst v63  }
0xfd: {  	s0 =	simm.s32 @!p5 $0xA  }
0xfe: {  	_ =	swait.ge @!p5 [sflag:s0], $0x400  }
0xff: {  	[sflag:s0] =	ssyncset.done @!p5 $0x0  }
0x100: {  	s5 =	sadd.s32 @!p5 $0x480, s7;
	[sflag:s0] =	ssyncadd.s32 @!p5 $0xFFFFFC00;
	s0 =	simm.s32 @!p5 $0xCC00  }
0x101: {  	[tilespmem:s0], [sflag:$0x3] =	stream.indirect.gather @!p5 [hbm4b:s4+s10], $0x8, s5, s10, $0xb8;
	[tilespmem:$0x145A8] =	vst v63  }
0x102: {  	s0 =	simm.s32 @!p5 $0x4  }
0x103: {  	_ =	swait.ge @!p5 [sflag:s0], $0x400  }
0x104: {  	[sflag:s0] =	ssyncset.done @!p5 $0x0  }
0x105: {  	s5 =	sadd.s32 @!p5 $0x6380, s7;
	[sflag:s0] =	ssyncadd.s32 @!p5 $0xFFFFFC00;
	s0 =	simm.s32 @!p5 $0xD000  }
0x106: {  	[spmem:s2] =	stream.indirect.scatter.add.f32 @!p5 [tilespmem:s0], [sflag:$0xB], $0x8, s5, s10, $0xb8;
	[tilespmem:$0x145A8] =	vst v63  }
0x107: {  	s5 =	simm.s32 @!p5 $0xB  }
0x108: {  	_ =	swait.ge @!p5 [sflag:s5], $0x400  }
0x109: {  	[sflag:s5] =	ssyncset.done @!p5 $0x0  }
0x10a: {  	[sflag:s5] =	ssyncadd.s32 @!p5 $0xFFFFFC00;
	s5 =	sadd.s32 @!p5 $0x500, s7  }
0x10b: {  	[tilespmem:s0], [sflag:$0x4] =	stream.indirect.gather @!p5 [hbm4b:s4+s10], $0x8, s5, s10, $0xb8;
	[tilespmem:$0x145A8] =	vst v63  }
0x10c: {  	_ =	swait.ge [sflag:s29], $0x400  }
0x10d: {  	[sflag:s29] =	ssyncset.done $0x0  }
0x10e: {  	s11 =	sadd.s32 $0x6400, s14;
	s0 =	simm.s32 @p5 $0x6;
	[sflag:s29] =	ssyncadd.s32 $0xFFFFFC00  }
0x10f: {  	[spmem:s2] =	stream.indirect.scatter.add.f32 [tilespmem:s28], [sflag:$0xC], $0x8, s11, s25, $0xb8;
	[tilespmem:$0x145A8] =	vst v63  }
0x110: {  	_ =	swait.ge @p5 [sflag:s0], $0x400  }
0x111: {  	[sflag:s0] =	ssyncset.done @p5 $0x0  }
0x112: {  	s3 =	sadd.s32 @p5 $0x6480, s3;
	[sflag:s0] =	ssyncadd.s32 @p5 $0xFFFFFC00;
	s0 =	simm.s32 @p5 $0xD800  }
0x113: {  	[spmem:s2] =	stream.indirect.scatter.add.f32 @p5 [tilespmem:s0], [sflag:$0xD], $0x8, s3, s15, $0xb8;
	[tilespmem:$0x145A8] =	vst v63  }
0x114: {  	s0 =	simm.s32 @!p5 $0xC  }
0x115: {  	_ =	swait.ge @!p5 [sflag:s0], $0x400  }
0x116: {  	[sflag:s0] =	ssyncset.done @!p5 $0x0  }
0x117: {  	s3 =	sadd.s32 @!p5 $0x580, s7;
	[sflag:s0] =	ssyncadd.s32 @!p5 $0xFFFFFC00;
	s0 =	simm.s32 @!p5 $0xD400  }
0x118: {  	[tilespmem:s0], [sflag:$0x5] =	stream.indirect.gather @!p5 [hbm4b:s4+s10], $0x8, s3, s10, $0xb8;
	[tilespmem:$0x145A8] =	vst v63  }
0x119: {  	s0 =	simm.s32 @!p5 $0x6  }
0x11a: {  	_ =	swait.ge @!p5 [sflag:s0], $0x400  }
0x11b: {  	[sflag:s0] =	ssyncset.done @!p5 $0x0  }
0x11c: {  	s3 =	sadd.s32 @!p5 $0x6480, s7;
	[sflag:s0] =	ssyncadd.s32 @!p5 $0xFFFFFC00;
	s0 =	simm.s32 @!p5 $0xD800  }
0x11d: {  	[spmem:s2] =	stream.indirect.scatter.add.f32 @!p5 [tilespmem:s0], [sflag:$0xD], $0x8, s3, s10, $0xb8;
	[tilespmem:$0x145A8] =	vst v63  }
0x11e: {  	s3 =	simm.s32 @!p5 $0xD  }
0x11f: {  	_ =	swait.ge @!p5 [sflag:s3], $0x400  }
0x120: {  	[sflag:s3] =	ssyncset.done @!p5 $0x0  }
0x121: {  	[sflag:s3] =	ssyncadd.s32 @!p5 $0xFFFFFC00;
	s3 =	sadd.s32 @!p5 $0x600, s7  }
0x122: {  	[tilespmem:s0], [sflag:$0x6] =	stream.indirect.gather @!p5 [hbm4b:s4+s10], $0x8, s3, s10, $0xb8;
	[tilespmem:$0x145A8] =	vst v63  }
0x123: {  	_ =	swait.ge [sflag:s31], $0x400  }
0x124: {  	[sflag:s31] =	ssyncset.done $0x0  }
0x125: {  	s17 =	simm.s32 $0x8;
	s15 =	sadd.s32 $0x6500, s14;
	[sflag:s31] =	ssyncadd.s32 $0xFFFFFC00  }
0x126: {  	[spmem:s2] =	stream.indirect.scatter.add.f32 [tilespmem:s1], [sflag:$0xE], $0x8, s15, s25, $0xb8;
	[tilespmem:$0x145A8] =	vst v63  }
0x127: {  	_ =	swait.ge [sflag:s17], $0x400  }
0x128: {  	[sflag:s17] =	ssyncset.done $0x0  }
0x129: {  	s18 =	simm.s32 $0x9;
	[sflag:s17] =	ssyncadd.s32 $0xFFFFFC00  }
0x12a: {  	_ =	swait.ge [sflag:s18], $0x400  }
0x12b: {  	[sflag:s18] =	ssyncset.done $0x0  }
0x12c: {  	s19 =	simm.s32 $0xA;
	[sflag:s18] =	ssyncadd.s32 $0xFFFFFC00  }
0x12d: {  	_ =	swait.ge [sflag:s19], $0x400  }
0x12e: {  	[sflag:s19] =	ssyncset.done $0x0  }
0x12f: {  	s20 =	simm.s32 $0xB;
	[sflag:s19] =	ssyncadd.s32 $0xFFFFFC00  }
0x130: {  	_ =	swait.ge [sflag:s20], $0x400  }
0x131: {  	[sflag:s20] =	ssyncset.done $0x0  }
0x132: {  	s21 =	simm.s32 $0xC;
	[sflag:s20] =	ssyncadd.s32 $0xFFFFFC00  }
0x133: {  	_ =	swait.ge [sflag:s21], $0x400  }
0x134: {  	[sflag:s21] =	ssyncset.done $0x0  }
0x135: {  	s22 =	simm.s32 $0xD;
	[sflag:s21] =	ssyncadd.s32 $0xFFFFFC00  }
0x136: {  	_ =	swait.ge [sflag:s22], $0x400  }
0x137: {  	[sflag:s22] =	ssyncset.done $0x0  }
0x138: {  	[sflag:s22] =	ssyncadd.s32 $0xFFFFFC00  }
0x139: {  	_ =	swait.ge [sflag:s12], $0x400  }
0x13a: {  	[sflag:s12] =	ssyncset.done $0x0  }
0x13b: {  	[sflag:s12] =	ssyncadd.s32 $0xFFFFFC00  }
0x13c: {  	[bflag:$0x0] =	sbarrier.arrive $0xFFFF  }
0x13d: {  	s0 =	rddreg [dreg:$0x8]  }
0x13e: {  	s3 =	simm.s32 @p0 $0x1FCF;
	s5 =	rddreg [dreg:$0xc];
	s0 =	sshrl.u32 @p0 s0, $0x3  }
0x13f: {  	[hbm:s5], [sflag:s3] =	dma.local @p0 [spmem:s0], $0xC08  }
0x140: {  	s0 =	simm.s32 @p0 $0xF  }
0x141: {  	s3 =	stileid.u32;
	_ =	swait.ge @p0 [sflag:s0], $0xC08  }
0x142: {  	s3 =	sshll.u32 @!p0 s3, $0x6;
	[sflag:s0] =	ssyncset.done @p0 $0x0  }
0x143: {  	[sflag:s0] =	ssyncadd.s32 @p0 $0xFFFFF3F8;
	s0 =	sor.u32 @!p0 $0x1C0F, s3;
	s3 =	rddreg [dreg:$0x5]  }
0x144: {  	s5 =	rddreg [dreg:$0xb];
	s3 =	sshrl.u32 @!p0 s3, $0x3  }
0x145: {  	[hbm:s5], [sflag:s0] =	dma.local @!p0 [spmem:s3], $0xC38  }
0x146: {  	s0 =	simm.s32 @!p0 $0xF  }
0x147: {  	_ =	swait.ge @!p0 [sflag:s0], $0xC38  }
0x148: {  	s13 =	sadd.s32 $0x1, s13;
	s24 =	rddreg [dreg:$0xd]  }
0x149: {  	p5 =	sne.s32 s13, s24  }
.Ltmp1:
0x14a: {  	_ = 	snop;
	(pc) =	sbr.rel @p5 .LBB2_1-.Ltmp1, $3  }
0x14b: {  	_ =	sdelay $0x1  }
0x14c: {  	[sflag:s0] =	ssyncset.done @!p0 $0x0  }
0x14d: {  	[sflag:s0] =	ssyncadd.s32 @!p0 $0xFFFFF3C8  }
0x14e: {  	_ =	sfence.sel $0x180000  }
0x14f: {  	[bflag:$0x0] =	sbarrier.arrive $0xFFFF  }
0x150: {  	_ =	strace $0x90000050  }
0x151: {  	s0 =	stileid.u32;
	[bflag:$0x2] =	sbarrier.arrive $0xFFFF  }
0x152: {  	p0 =	sne.s32 s0, $0x0;
	s0 =	rddreg [dreg:$0x2]  }
0x153: {  	s0 =	sadd.s32 @!p0 $0x100000, s0  }
0x154: {  	[sflag:s0] =	ssyncadd.tile.s32 @!p0 $0x1;
	_ =	shalt  }
.Lfunc_end2:
_tile_overlayer_lowered:
.L_overlay_start_2:
0x155: {  	(tag) =	ssettag $0x2  }
0x156: {  	s0 =	rddreg [dreg:$0x0];
	s2 =	stileid.u32  }
0x157: {  	s1 =	rddreg [dreg:$0x1];
	p0 =	sne.s32 s2, $0x0  }
0x158: {  	s3 =	rddreg [dreg:$0x2];
	[bflag:$0x3] =	sbarrier.arrive $0xFFFF;
	s2 =	simm.s32 @!p0 $0x1C0F  }
0x159: {  	[timem:s3], [sflag:s2] =	dma.local @!p0 [hbm:s0], s1  }
0x15a: {  	s0 =	simm.s32 @!p0 $0xF  }
0x15b: {  	_ =	swait.ge @!p0 [sflag:s0], s1  }
0x15c: {  	s1 =	ssub.s32 @!p0 $0x0, s1;
	[sflag:s0] =	ssyncset.done @!p0 $0x0  }
0x15d: {  	[sflag:s0] =	ssyncadd.s32 @!p0 s1  }
0x15e: {  	[bflag:$0x3] =	sbarrier.arrive $0xFFFF  }
0x15f: {  	_ =	shalt  }

</sc_bundles>
